<compile_context>
chip_gen: v7x
topology: tpu7x:2x2x1
jax: 0.10.2.dev20260603
libtpu: 0.0.44.dev20260713+nightly
codegen_flags: <defaults>
</compile_context>

<pallas_src>
import functools

import jax
import jax.numpy as jnp
from jax import lax
from jax.experimental import pallas as pl
from jax.experimental.pallas import tpu as pltpu
from jax.experimental.pallas import tpu_sc as plsc

N_ATOMS_C = 10000
N_BONDS_C = 320000
ATOM_DIM_C = 128
BOND_DIM_C = 16
N_MOL_C = 200
FEAT_DIM_C = 200
HIDDEN_C = 128
FFN_HIDDEN_C = 256

NC = 2
NS = 16
NW = NC * NS
RPW = N_BONDS_C // NW
IDXW = 100
SUBC = 2
CHUNK = IDXW * SUBC
NCHUNK = RPW // CHUNK
RPT = N_BONDS_C // NS
NCHUNK_S = RPT // CHUNK
HALF_A = N_ATOMS_C // 2
ACC_N = 5008
DUMP = HALF_A
ACC_COPY = ACC_N // 2

BM = 1280
NB = N_BONDS_C // BM
ROT = NB // 2

def _mesh():
  return plsc.VectorSubcoreMesh(core_axis_name="c", subcore_axis_name="s")



def _sc_gather(table, idx4d):
  D = table.shape[1]

  @functools.partial(
      pl.kernel,
      out_type=jax.ShapeDtypeStruct((N_BONDS_C, D), jnp.float32),
      mesh=_mesh(),
      scratch_types=[
          pltpu.VMEM((SUBC, IDXW), jnp.int32),
          pltpu.VMEM((SUBC, IDXW), jnp.int32),
          pltpu.VMEM((CHUNK, D), jnp.float32),
          pltpu.VMEM((CHUNK, D), jnp.float32),
          pltpu.SemaphoreType.DMA, pltpu.SemaphoreType.DMA,
          pltpu.SemaphoreType.DMA, pltpu.SemaphoreType.DMA,
          pltpu.SemaphoreType.DMA, pltpu.SemaphoreType.DMA,
      ],
  )
  def k(table_hbm, idx_hbm, out_hbm, idx0, idx1, buf0, buf1,
        si0, si1, sg0, sg1, so0, so1):
    wid = lax.axis_index("s") * NC + lax.axis_index("c")
    row0 = wid * RPW
    idxs, bufs = (idx0, idx1), (buf0, buf1)
    sis, sgs, sos = (si0, si1), (sg0, sg1), (so0, so1)

    def out_slice(cc):
      return out_hbm.at[pl.ds(row0 + cc * CHUNK, CHUNK)]

    def fire_gathers(cc, b):
      for j in range(SUBC):
        pltpu.async_copy(table_hbm.at[idxs[b].at[j]],
                         bufs[b].at[pl.ds(j * IDXW, IDXW)], sgs[b])

    def wait_gathers(b):
      for j in range(SUBC):
        pltpu.make_async_copy(table_hbm.at[idxs[b].at[j]],
                              bufs[b].at[pl.ds(j * IDXW, IDXW)],
                              sgs[b]).wait()

    def phase(cc, b):
      @pl.when(cc >= 2)
      def _():
        pltpu.make_async_copy(bufs[b], out_slice(cc - 2), sos[b]).wait()
      pltpu.make_async_copy(idx_hbm.at[wid, cc], idxs[b], sis[b]).wait()
      fire_gathers(cc, b)
      @pl.when(cc >= 1)
      def _():
        wait_gathers(1 - b)
        pltpu.async_copy(bufs[1 - b], out_slice(cc - 1), sos[1 - b])
      @pl.when(cc + 1 < NCHUNK)
      def _():
        pltpu.async_copy(idx_hbm.at[wid, cc + 1], idxs[1 - b], sis[1 - b])

    pltpu.async_copy(idx_hbm.at[wid, 0], idx0, si0)

    def body(i, carry):
      phase(2 * i, 0)
      phase(2 * i + 1, 1)
      return carry

    lax.fori_loop(0, NCHUNK // 2, body, 0)

    wait_gathers(1)
    pltpu.async_copy(buf1, out_slice(NCHUNK - 1), so1)
    pltpu.make_async_copy(buf0, out_slice(NCHUNK - 2), so0).wait()
    pltpu.make_async_copy(buf1, out_slice(NCHUNK - 1), so1).wait()

  return k(table, idx4d)


def _sc_scatter_add(h, loc5d, zeros_acc):

  @functools.partial(
      pl.kernel,
      out_type=jax.ShapeDtypeStruct((NC, ACC_N, HIDDEN_C), jnp.float32),
      mesh=_mesh(),
      scratch_types=[
          pltpu.VMEM((SUBC, IDXW), jnp.int32),
          pltpu.VMEM((SUBC, IDXW), jnp.int32),
          pltpu.VMEM((CHUNK, HIDDEN_C), jnp.float32),
          pltpu.VMEM((CHUNK, HIDDEN_C), jnp.float32),
          pltpu.VMEM_SHARED((ACC_N, HIDDEN_C), jnp.float32),
          pltpu.SemaphoreType.DMA, pltpu.SemaphoreType.DMA,
          pltpu.SemaphoreType.DMA, pltpu.SemaphoreType.DMA,
      ],
  )
  def k(h_hbm, loc_hbm, z_hbm, out_hbm, loc0, loc1,
        buf0, buf1, accum, sl0, sl1, ss0, ss1):
    cid = lax.axis_index("c")
    sid = lax.axis_index("s")
    row0 = sid * RPT
    locs, bufs = (loc0, loc1), (buf0, buf1)
    sls, sss = (sl0, sl1), (ss0, ss1)

    def h_slice(cc):
      return h_hbm.at[pl.ds(row0 + cc * CHUNK, CHUNK)]

    def fire_loads(cc, b):
      pltpu.async_copy(loc_hbm.at[cid, sid, cc], locs[b], sls[b])
      pltpu.async_copy(h_slice(cc), bufs[b], sls[b])

    def wait_loads(cc, b):
      pltpu.make_async_copy(loc_hbm.at[cid, sid, cc], locs[b], sls[b]).wait()
      pltpu.make_async_copy(h_slice(cc), bufs[b], sls[b]).wait()

    def fire_scatters(b):
      for j in range(SUBC):
        pltpu.async_copy(bufs[b].at[pl.ds(j * IDXW, IDXW)],
                         accum.at[locs[b].at[j]], sss[b], add=True)

    def wait_scatters(b):
      for j in range(SUBC):
        pltpu.make_async_copy(bufs[b].at[pl.ds(j * IDXW, IDXW)],
                              accum.at[locs[b].at[j]], sss[b]).wait()

    @pl.when(sid < 2)
    def _():
      pltpu.sync_copy(z_hbm.at[pl.ds(sid * ACC_COPY, ACC_COPY)],
                      accum.at[pl.ds(sid * ACC_COPY, ACC_COPY)])
    plsc.subcore_barrier()

    def phase(cc, b):
      wait_loads(cc, b)
      fire_scatters(b)
      @pl.when(cc >= 1)
      def _():
        wait_scatters(1 - b)
      @pl.when(cc + 1 < NCHUNK_S)
      def _():
        fire_loads(cc + 1, 1 - b)

    fire_loads(0, 0)

    def body(i, carry):
      phase(2 * i, 0)
      phase(2 * i + 1, 1)
      return carry

    lax.fori_loop(0, NCHUNK_S // 2, body, 0)
    wait_scatters(1)
    plsc.subcore_barrier()

    @pl.when(sid < 2)
    def _():
      pltpu.sync_copy(accum.at[pl.ds(sid * ACC_COPY, ACC_COPY)],
                      out_hbm.at[cid, pl.ds(sid * ACC_COPY, ACC_COPY)])

  return k(h, loc5d, zeros_acc)



def _tc_matmul(x, w):
  def body(x_ref, w_ref, o_ref):
    o_ref[...] = jnp.dot(x_ref[...], w_ref[...],
                         preferred_element_type=jnp.float32)
  return pl.pallas_call(
      body,
      out_shape=jax.ShapeDtypeStruct((x.shape[0], w.shape[1]), jnp.float32),
  )(x, w)


def _tc_fuse0(bond, w, g):
  def body(b_ref, w_ref, g_ref, o_ref):
    mm = jnp.dot(b_ref[...], w_ref[...], preferred_element_type=jnp.float32)
    o_ref[...] = jnp.maximum(mm + g_ref[...], 0.0)
  return pl.pallas_call(
      body,
      grid=(NB,),
      in_specs=[
          pl.BlockSpec((BM, BOND_DIM_C), lambda b: (b, 0)),
          pl.BlockSpec((BOND_DIM_C, HIDDEN_C), lambda b: (0, 0)),
          pl.BlockSpec((BM, HIDDEN_C), lambda b: (b, 0)),
      ],
      out_specs=pl.BlockSpec((BM, HIDDEN_C), lambda b: (b, 0)),
      out_shape=jax.ShapeDtypeStruct((N_BONDS_C, HIDDEN_C), jnp.float32),
  )(bond, w, g)


def _tc_fuse_iter(h, w, h0, g):
  def body(h_ref, w_ref, h0_ref, g_ref, o_ref):
    mm = jnp.dot(h_ref[...], w_ref[...], preferred_element_type=jnp.float32)
    dn = jnp.concatenate([mm[1:], mm[:1]], axis=0)
    up = jnp.concatenate([mm[-1:], mm[:-1]], axis=0)
    row = lax.broadcasted_iota(jnp.int32, (BM, HIDDEN_C), 0)
    sw = jnp.where((row & 1) == 0, dn, up)
    o_ref[...] = jnp.maximum(h0_ref[...] + g_ref[...] - sw, 0.0)
  spec = pl.BlockSpec((BM, HIDDEN_C), lambda b: (b, 0))
  return pl.pallas_call(
      body,
      grid=(NB,),
      in_specs=[
          spec,
          pl.BlockSpec((HIDDEN_C, HIDDEN_C), lambda b: (0, 0)),
          spec,
          spec,
      ],
      out_specs=spec,
      out_shape=jax.ShapeDtypeStruct((N_BONDS_C, HIDDEN_C), jnp.float32),
  )(h, w, h0, g)


def _tc_head(m_atom, atom, wo1, wo2, bo, a2m, molf, w1a, w1b, b1, w2, b2):
  def body(m_ref, a_ref, wo1_ref, wo2_ref, bo_ref, a2m_ref, mf_ref,
           w1a_ref, w1b_ref, b1_ref, w2_ref, b2_ref, o_ref):
    ah = jnp.dot(a_ref[...], wo1_ref[...], preferred_element_type=jnp.float32)
    ah = ah + jnp.dot(m_ref[...], wo2_ref[...],
                      preferred_element_type=jnp.float32)
    a_hidden = jnp.maximum(ah + bo_ref[...], 0.0)
    mols = lax.broadcasted_iota(jnp.int32, (N_MOL_C, N_ATOMS_C), 0)
    mask = (mols == a2m_ref[...]).astype(jnp.float32)
    mol_sum = jnp.dot(mask, a_hidden, preferred_element_type=jnp.float32)
    counts = jnp.sum(mask, axis=1, keepdims=True)
    mol_vec = mol_sum / jnp.maximum(counts, 1.0)
    x = jnp.dot(mol_vec, w1a_ref[...], preferred_element_type=jnp.float32)
    x = x + jnp.dot(mf_ref[...], w1b_ref[...],
                    preferred_element_type=jnp.float32)
    x = jax.nn.sigmoid(x + b1_ref[...])
    out = jnp.sum(x * w2_ref[...], axis=1, keepdims=True) + b2_ref[...]
    o_ref[...] = jax.nn.sigmoid(out)
  return pl.pallas_call(
      body,
      out_shape=jax.ShapeDtypeStruct((N_MOL_C, 1), jnp.float32),
  )(m_atom, atom, wo1, wo2, bo, a2m, molf, w1a, w1b, b1, w2, b2)



def kernel(atom_features, bond_features, bond_index, molecule_features,
           atom_to_molecule, W_i, W_h, W_o, b_o, W1, b1, W2, b2):
  bi = bond_index.astype(jnp.int32)
  src_4d = bi[0].reshape(NW, NCHUNK, SUBC, IDXW)
  dst = bi[1]
  dst_loc = jnp.stack([
      jnp.where((dst & 1) == c, dst >> 1, DUMP) for c in range(NC)
  ]).reshape(NC, NS, NCHUNK_S, SUBC, IDXW)

  wi1 = W_i[:ATOM_DIM_C]
  wi2 = W_i[ATOM_DIM_C:]
  wo1 = W_o[:ATOM_DIM_C]
  wo2 = W_o[ATOM_DIM_C:]
  w1a = W1[:HIDDEN_C]
  w1b = W1[HIDDEN_C:]
  zeros_acc = jnp.zeros((ACC_N, HIDDEN_C), jnp.float32)
  a2m = atom_to_molecule.astype(jnp.int32).reshape(1, N_ATOMS_C)

  def assemble(parts):
    return jnp.stack(
        [parts[0, :HALF_A], parts[1, :HALF_A]], axis=1
    ).reshape(N_ATOMS_C, HIDDEN_C)

  a0 = _tc_matmul(atom_features, wi1)
  g0 = _sc_gather(a0, src_4d)
  h0 = _tc_fuse0(bond_features, wi2, g0)
  h = h0
  for _ in range(2):
    parts = _sc_scatter_add(h, dst_loc, zeros_acc)
    t = _tc_matmul(assemble(parts), W_h)
    g = _sc_gather(t, src_4d)
    h = _tc_fuse_iter(h, W_h, h0, g)
  parts = _sc_scatter_add(h, dst_loc, zeros_acc)
  return _tc_head(assemble(parts), atom_features, wo1, wo2,
                  b_o.reshape(1, HIDDEN_C), a2m, molecule_features,
                  w1a, w1b, b1.reshape(1, FFN_HIDDEN_C),
                  W2.reshape(1, FFN_HIDDEN_C), b2.reshape(1, 1))

# --- scband reference (transcript-rebuilt; emitter-appended) ---
"""Pipeline reference for scband-prediction-model-2473901163247 (READ-ONLY COPY).

The authoritative reference and input builder live on the scoring server;
editing this copy changes nothing except your own understanding.
"""

import jax, jax.numpy as jnp
import numpy as np

N_ATOMS = 10000
N_BONDS = 320000
ATOM_DIM = 128
BOND_DIM = 16
N_MOL = 200
FEAT_DIM = 200
HIDDEN = 128
DEPTH = 3
FFN_HIDDEN = 256


def setup_inputs(seed: int = 0) -> dict:
    key = jax.random.key(seed)
    ks = jax.random.split(key, 12)
    atom_features = jax.random.normal(ks[0], (N_ATOMS, ATOM_DIM), dtype=jnp.float32)
    bond_features = jax.random.normal(ks[1], (N_BONDS, BOND_DIM), dtype=jnp.float32)
    bond_index = jax.random.randint(ks[2], (2, N_BONDS), 0, N_ATOMS, dtype=jnp.int32).astype(jnp.int64)
    molecule_features = jax.random.normal(ks[3], (N_MOL, FEAT_DIM), dtype=jnp.float32)
    atom_to_molecule = jnp.sort(jax.random.randint(ks[4], (N_ATOMS,), 0, N_MOL, dtype=jnp.int32)).astype(jnp.int64)
    # DMPNN encoder weights (bias-free W_i/W_h as in chemprop; xavier-ish init)
    W_i = jax.random.normal(ks[5], (ATOM_DIM + BOND_DIM, HIDDEN), dtype=jnp.float32) * 0.05
    W_h = jax.random.normal(ks[6], (HIDDEN, HIDDEN), dtype=jnp.float32) * 0.05
    W_o = jax.random.normal(ks[7], (ATOM_DIM + HIDDEN, HIDDEN), dtype=jnp.float32) * 0.05
    b_o = jnp.zeros((HIDDEN,), dtype=jnp.float32)
    # FFN: [dropout(p=0), Linear(H+F -> FFN_HIDDEN), sigmoid, dropout, Linear(FFN_HIDDEN -> 1)]
    W1 = jax.random.normal(ks[8], (HIDDEN + FEAT_DIM, FFN_HIDDEN), dtype=jnp.float32) * 0.05
    b1 = jnp.zeros((FFN_HIDDEN,), dtype=jnp.float32)
    W2 = jax.random.normal(ks[9], (FFN_HIDDEN, 1), dtype=jnp.float32) * 0.05
    b2 = jnp.zeros((1,), dtype=jnp.float32)
    return {
        'atom_features': atom_features,
        'bond_features': bond_features,
        'bond_index': bond_index,
        'molecule_features': molecule_features,
        'atom_to_molecule': atom_to_molecule,
        'W_i': W_i, 'W_h': W_h, 'W_o': W_o, 'b_o': b_o,
        'W1': W1, 'b1': b1, 'W2': W2, 'b2': b2,
    }


def reference(atom_features, bond_features, bond_index, molecule_features,
              atom_to_molecule, W_i, W_h, W_o, b_o, W1, b1, W2, b2):
    src = bond_index[0]
    dst = bond_index[1]
    E = bond_features.shape[0]
    # Directed bonds stored in (fwd, rev) pairs -> reverse of bond e is e ^ 1
    rev = jnp.arange(E) ^ 1
    # Initial directed-bond messages
    inp = jnp.concatenate([atom_features[src], bond_features], axis=1)
    h0 = jax.nn.relu(inp @ W_i)
    h = h0
    # Message passing over directed bonds (depth - 1 updates)
    for _ in range(DEPTH - 1):
        a_msg = jax.ops.segment_sum(h, dst, num_segments=N_ATOMS)
        m = a_msg[src] - h[rev]
        h = jax.nn.relu(h0 + m @ W_h)
    # Aggregate bond messages to atoms
    m_atom = jax.ops.segment_sum(h, dst, num_segments=N_ATOMS)
    a_hidden = jax.nn.relu(jnp.concatenate([atom_features, m_atom], axis=1) @ W_o + b_o)
    # Mean readout per molecule
    mol_sum = jax.ops.segment_sum(a_hidden, atom_to_molecule, num_segments=N_MOL)
    counts = jax.ops.segment_sum(jnp.ones((N_ATOMS,), jnp.float32), atom_to_molecule, num_segments=N_MOL)
    mol_vec = mol_sum / jnp.maximum(counts, 1.0)[:, None]
    # FFN head (dropout p=0 -> identity); final sigmoid (eval mode)
    x = jnp.concatenate([mol_vec, molecule_features], axis=1)
    x = jax.nn.sigmoid(x @ W1 + b1)
    out = x @ W2 + b2
    return jax.nn.sigmoid(out)

if __name__ == "__main__":
    import jax
    _d = setup_inputs()
    print(jax.jit(kernel)(*tuple(_d.values())))

</pallas_src>

<mosaic_0001>
#map = affine_map<(d0, d1) -> (0, 0)>
#map1 = affine_map<(d0, d1) -> (0, 0, 0, 0)>
module attributes {stable_mosaic.version = 14 : i64} {
  func.func @k(%arg0: i32, %arg1: i32, %arg2: memref<10000x128xf32, #tpu.memory_space<hbm>>, %arg3: memref<32x50x2x100xi32, #tpu.memory_space<hbm>>, %arg4: memref<320000x128xf32, #tpu.memory_space<hbm>>, %arg5: memref<2x100xi32, #tpu.memory_space<vmem>>, %arg6: memref<2x100xi32, #tpu.memory_space<vmem>>, %arg7: memref<200x128xf32, #tpu.memory_space<vmem>>, %arg8: memref<200x128xf32, #tpu.memory_space<vmem>>, %arg9: memref<!tpu.dma_semaphore, #tpu.memory_space<semaphore_mem>>, %arg10: memref<!tpu.dma_semaphore, #tpu.memory_space<semaphore_mem>>, %arg11: memref<!tpu.dma_semaphore, #tpu.memory_space<semaphore_mem>>, %arg12: memref<!tpu.dma_semaphore, #tpu.memory_space<semaphore_mem>>, %arg13: memref<!tpu.dma_semaphore, #tpu.memory_space<semaphore_mem>>, %arg14: memref<!tpu.dma_semaphore, #tpu.memory_space<semaphore_mem>>) attributes {dimension_semantics = [#tpu.dimension_semantics<core_parallel>, #tpu.dimension_semantics<subcore_parallel>], iteration_bounds = array<i64: 2, 16>, scalar_prefetch = 0 : i64, scratch_operands = 10 : i64, tpu.core_type = #tpu.core_type<sc_vector_subcore>, window_params = [{transform_indices = #map}, {transform_indices = #map1}, {transform_indices = #map}]} {
    %mul3A = arith.constant 2 : i32
    %mul3A_0 = arith.muli %arg1, %mul3A : i32
    %add3A = arith.addi %mul3A_0, %arg0 : i32
    %mul3A_1 = arith.constant 10000 : i32
    %mul3A_2 = arith.muli %add3A, %mul3A_1 : i32
    %dma_start3A = arith.constant 0 : i32
    %dma_start3A_3 = arith.constant 0 : i32
    %dma_start3A_4 = arith.constant 0 : i32
    %dma_start3A_5 = tpu.memref_slice %arg3[%add3A, %dma_start3A, %dma_start3A_3, %dma_start3A_4] : memref<32x50x2x100xi32, #tpu.memory_space<hbm>> -> memref<1x1x2x100xi32, #tpu.memory_space<hbm>>
    %dma_start3A_6 = tpu.memref_squeeze %dma_start3A_5 : memref<1x1x2x100xi32, #tpu.memory_space<hbm>> -> memref<2x100xi32, #tpu.memory_space<hbm>>
    %dma_start3A_7 = arith.constant 0 : i32
    %dma_start3A_8 = arith.constant 0 : i32
    %dma_start3A_9 = tpu.memref_slice %arg3[%add3A, %dma_start3A, %dma_start3A_7, %dma_start3A_8] : memref<32x50x2x100xi32, #tpu.memory_space<hbm>> -> memref<1x1x2x100xi32, #tpu.memory_space<hbm>>
    %dma_start3A_10 = tpu.memref_squeeze %dma_start3A_9 : memref<1x1x2x100xi32, #tpu.memory_space<hbm>> -> memref<2x100xi32, #tpu.memory_space<hbm>>
    tpu.enqueue_dma source(%dma_start3A_10 : memref<2x100xi32, #tpu.memory_space<hbm>>) target(%arg5 : memref<2x100xi32, #tpu.memory_space<vmem>>) target_semaphore(%arg9 : memref<!tpu.dma_semaphore, #tpu.memory_space<semaphore_mem>>)
    %scan3A = arith.constant 0 : i32
    %scan3A_11 = arith.constant 0 : i32
    %scan3A_12 = arith.constant 25 : i32
    %scan3A_13 = arith.addi %scan3A_11, %scan3A_12 : i32
    %scan3A_14 = arith.constant 1 : i32
    scf.for %scan3A_53 = %scan3A_11 to %scan3A_13 step %scan3A_14  : i32 {
      %mul3A_54 = arith.constant 2 : i32
      %mul3A_55 = arith.muli %mul3A_54, %scan3A_53 : i32
      %ge3A = arith.constant 2 : i32
      %ge3A_56 = arith.cmpi sge, %mul3A_55, %ge3A : i32
      %convert_element_type3A = arith.extui %ge3A_56 : i1 to i32
      %cond3A = arith.constant 0 : i32
      %cond3A_57 = arith.cmpi ne, %convert_element_type3A, %cond3A : i32
      scf.if %cond3A_57 {
        %sub3A = arith.constant 2 : i32
        %sub3A_146 = arith.subi %mul3A_55, %sub3A : i32
        %mul3A_147 = arith.constant 200 : i32
        %mul3A_148 = arith.muli %sub3A_146, %mul3A_147 : i32
        %add3A_149 = arith.addi %mul3A_2, %mul3A_148 : i32
        %dma_wait3A_150 = arith.constant 0 : i32
        %dma_wait3A_151 = tpu.memref_slice %arg4[%add3A_149, %dma_wait3A_150] : memref<320000x128xf32, #tpu.memory_space<hbm>> -> memref<200x128xf32, #tpu.memory_space<hbm>>
        %dma_wait3A_152 = arith.constant 0 : i32
        %dma_wait3A_153 = tpu.memref_slice %arg4[%add3A_149, %dma_wait3A_152] : memref<320000x128xf32, #tpu.memory_space<hbm>> -> memref<200x128xf32, #tpu.memory_space<hbm>>
        tpu.wait_dma2 semaphore(%arg13 : memref<!tpu.dma_semaphore, #tpu.memory_space<semaphore_mem>>) src(%arg7 : memref<200x128xf32, #tpu.memory_space<vmem>>) dst(%dma_wait3A_153 : memref<200x128xf32, #tpu.memory_space<hbm>>)
      } else {
      }
      %dma_wait3A_58 = arith.constant 0 : i32
      %dma_wait3A_59 = arith.constant 0 : i32
      %dma_wait3A_60 = tpu.memref_slice %arg3[%add3A, %mul3A_55, %dma_wait3A_58, %dma_wait3A_59] : memref<32x50x2x100xi32, #tpu.memory_space<hbm>> -> memref<1x1x2x100xi32, #tpu.memory_space<hbm>>
      %dma_wait3A_61 = tpu.memref_squeeze %dma_wait3A_60 : memref<1x1x2x100xi32, #tpu.memory_space<hbm>> -> memref<2x100xi32, #tpu.memory_space<hbm>>
      %dma_wait3A_62 = arith.constant 0 : i32
      %dma_wait3A_63 = arith.constant 0 : i32
      %dma_wait3A_64 = tpu.memref_slice %arg3[%add3A, %mul3A_55, %dma_wait3A_62, %dma_wait3A_63] : memref<32x50x2x100xi32, #tpu.memory_space<hbm>> -> memref<1x1x2x100xi32, #tpu.memory_space<hbm>>
      %dma_wait3A_65 = tpu.memref_squeeze %dma_wait3A_64 : memref<1x1x2x100xi32, #tpu.memory_space<hbm>> -> memref<2x100xi32, #tpu.memory_space<hbm>>
      tpu.wait_dma2 semaphore(%arg9 : memref<!tpu.dma_semaphore, #tpu.memory_space<semaphore_mem>>) src(%dma_wait3A_65 : memref<2x100xi32, #tpu.memory_space<hbm>>) dst(%arg5 : memref<2x100xi32, #tpu.memory_space<vmem>>)
      %dma_start3A_66 = arith.constant 0 : i32
      %dma_start3A_67 = arith.constant 0 : i32
      %dma_start3A_68 = arith.constant 0 : i32
      %dma_start3A_69 = tpu.memref_slice %arg7[%dma_start3A_67, %dma_start3A_68] : memref<200x128xf32, #tpu.memory_space<vmem>> -> memref<100x128xf32, #tpu.memory_space<vmem>>
      %dma_start3A_70 = arith.constant 0 : i32
      %dma_start3A_71 = tpu.memref_slice %arg5[%dma_start3A_66, %dma_start3A_70] : memref<2x100xi32, #tpu.memory_space<vmem>> -> memref<1x100xi32, #tpu.memory_space<vmem>>
      %dma_start3A_72 = tpu.memref_squeeze %dma_start3A_71 : memref<1x100xi32, #tpu.memory_space<vmem>> -> memref<100xi32, #tpu.memory_space<vmem>>
      %dma_start3A_73 = arith.constant 0 : i32
      %dma_start3A_74 = arith.constant 0 : i32
      %dma_start3A_75 = tpu.memref_slice %arg2[%dma_start3A_73, %dma_start3A_74] : memref<10000x128xf32, #tpu.memory_space<hbm>> -> memref<10000x128xf32, #tpu.memory_space<hbm>>
      tpu.enqueue_indirect_dma source(%dma_start3A_75 : memref<10000x128xf32, #tpu.memory_space<hbm>>) target(%dma_start3A_69 : memref<100x128xf32, #tpu.memory_space<vmem>>) offsets(%dma_start3A_72 : memref<100xi32, #tpu.memory_space<vmem>>) semaphore(%arg11 : memref<!tpu.dma_semaphore, #tpu.memory_space<semaphore_mem>>)
      %dma_start3A_76 = arith.constant 1 : i32
      %dma_start3A_77 = arith.constant 100 : i32
      %dma_start3A_78 = arith.constant 0 : i32
      %dma_start3A_79 = tpu.memref_slice %arg7[%dma_start3A_77, %dma_start3A_78] : memref<200x128xf32, #tpu.memory_space<vmem>> -> memref<100x128xf32, #tpu.memory_space<vmem>>
      %dma_start3A_80 = arith.constant 0 : i32
      %dma_start3A_81 = tpu.memref_slice %arg5[%dma_start3A_76, %dma_start3A_80] : memref<2x100xi32, #tpu.memory_space<vmem>> -> memref<1x100xi32, #tpu.memory_space<vmem>>
      %dma_start3A_82 = tpu.memref_squeeze %dma_start3A_81 : memref<1x100xi32, #tpu.memory_space<vmem>> -> memref<100xi32, #tpu.memory_space<vmem>>
      %dma_start3A_83 = arith.constant 0 : i32
      %dma_start3A_84 = arith.constant 0 : i32
      %dma_start3A_85 = tpu.memref_slice %arg2[%dma_start3A_83, %dma_start3A_84] : memref<10000x128xf32, #tpu.memory_space<hbm>> -> memref<10000x128xf32, #tpu.memory_space<hbm>>
      tpu.enqueue_indirect_dma source(%dma_start3A_85 : memref<10000x128xf32, #tpu.memory_space<hbm>>) target(%dma_start3A_79 : memref<100x128xf32, #tpu.memory_space<vmem>>) offsets(%dma_start3A_82 : memref<100xi32, #tpu.memory_space<vmem>>) semaphore(%arg11 : memref<!tpu.dma_semaphore, #tpu.memory_space<semaphore_mem>>)
      %ge3A_86 = arith.constant 1 : i32
      %ge3A_87 = arith.cmpi sge, %mul3A_55, %ge3A_86 : i32
      %convert_element_type3A_88 = arith.extui %ge3A_87 : i1 to i32
      %cond3A_89 = arith.constant 0 : i32
      %cond3A_90 = arith.cmpi ne, %convert_element_type3A_88, %cond3A_89 : i32
      scf.if %cond3A_90 {
        %dma_wait3A_146 = arith.constant 0 : i32
        %dma_wait3A_147 = arith.constant 0 : i32
        %dma_wait3A_148 = arith.constant 0 : i32
        %dma_wait3A_149 = tpu.memref_slice %arg8[%dma_wait3A_147, %dma_wait3A_148] : memref<200x128xf32, #tpu.memory_space<vmem>> -> memref<100x128xf32, #tpu.memory_space<vmem>>
        %dma_wait3A_150 = arith.constant 0 : i32
        %dma_wait3A_151 = tpu.memref_slice %arg6[%dma_wait3A_146, %dma_wait3A_150] : memref<2x100xi32, #tpu.memory_space<vmem>> -> memref<1x100xi32, #tpu.memory_space<vmem>>
        %dma_wait3A_152 = tpu.memref_squeeze %dma_wait3A_151 : memref<1x100xi32, #tpu.memory_space<vmem>> -> memref<100xi32, #tpu.memory_space<vmem>>
        %dma_wait3A_153 = arith.constant 0 : i32
        %dma_wait3A_154 = arith.constant 0 : i32
        %dma_wait3A_155 = tpu.memref_slice %arg2[%dma_wait3A_153, %dma_wait3A_154] : memref<10000x128xf32, #tpu.memory_space<hbm>> -> memref<10000x128xf32, #tpu.memory_space<hbm>>
        tpu.wait_indirect_dma semaphore(%arg12 : memref<!tpu.dma_semaphore, #tpu.memory_space<semaphore_mem>>) src(%dma_wait3A_155 : memref<10000x128xf32, #tpu.memory_space<hbm>>) dst(%dma_wait3A_149 : memref<100x128xf32, #tpu.memory_space<vmem>>)
        %dma_wait3A_156 = arith.constant 1 : i32
        %dma_wait3A_157 = arith.constant 100 : i32
        %dma_wait3A_158 = arith.constant 0 : i32
        %dma_wait3A_159 = tpu.memref_slice %arg8[%dma_wait3A_157, %dma_wait3A_158] : memref<200x128xf32, #tpu.memory_space<vmem>> -> memref<100x128xf32, #tpu.memory_space<vmem>>
        %dma_wait3A_160 = arith.constant 0 : i32
        %dma_wait3A_161 = tpu.memref_slice %arg6[%dma_wait3A_156, %dma_wait3A_160] : memref<2x100xi32, #tpu.memory_space<vmem>> -> memref<1x100xi32, #tpu.memory_space<vmem>>
        %dma_wait3A_162 = tpu.memref_squeeze %dma_wait3A_161 : memref<1x100xi32, #tpu.memory_space<vmem>> -> memref<100xi32, #tpu.memory_space<vmem>>
        %dma_wait3A_163 = arith.constant 0 : i32
        %dma_wait3A_164 = arith.constant 0 : i32
        %dma_wait3A_165 = tpu.memref_slice %arg2[%dma_wait3A_163, %dma_wait3A_164] : memref<10000x128xf32, #tpu.memory_space<hbm>> -> memref<10000x128xf32, #tpu.memory_space<hbm>>
        tpu.wait_indirect_dma semaphore(%arg12 : memref<!tpu.dma_semaphore, #tpu.memory_space<semaphore_mem>>) src(%dma_wait3A_165 : memref<10000x128xf32, #tpu.memory_space<hbm>>) dst(%dma_wait3A_159 : memref<100x128xf32, #tpu.memory_space<vmem>>)
        %sub3A = arith.constant 1 : i32
        %sub3A_166 = arith.subi %mul3A_55, %sub3A : i32
        %mul3A_167 = arith.constant 200 : i32
        %mul3A_168 = arith.muli %sub3A_166, %mul3A_167 : i32
        %add3A_169 = arith.addi %mul3A_2, %mul3A_168 : i32
        %dma_start3A_170 = arith.constant 0 : i32
        %dma_start3A_171 = tpu.memref_slice %arg4[%add3A_169, %dma_start3A_170] : memref<320000x128xf32, #tpu.memory_space<hbm>> -> memref<200x128xf32, #tpu.memory_space<hbm>>
        %dma_start3A_172 = arith.constant 0 : i32
        %dma_start3A_173 = tpu.memref_slice %arg4[%add3A_169, %dma_start3A_172] : memref<320000x128xf32, #tpu.memory_space<hbm>> -> memref<200x128xf32, #tpu.memory_space<hbm>>
        tpu.enqueue_dma source(%arg8 : memref<200x128xf32, #tpu.memory_space<vmem>>) target(%dma_start3A_173 : memref<200x128xf32, #tpu.memory_space<hbm>>) target_semaphore(%arg14 : memref<!tpu.dma_semaphore, #tpu.memory_space<semaphore_mem>>)
      } else {
      }
      %add3A_91 = arith.constant 1 : i32
      %add3A_92 = arith.addi %mul3A_55, %add3A_91 : i32
      %lt3A = arith.constant 50 : i32
      %lt3A_93 = arith.cmpi slt, %add3A_92, %lt3A : i32
      %convert_element_type3A_94 = arith.extui %lt3A_93 : i1 to i32
      %cond3A_95 = arith.constant 0 : i32
      %cond3A_96 = arith.cmpi ne, %convert_element_type3A_94, %cond3A_95 : i32
      scf.if %cond3A_96 {
        %add3A_146 = arith.constant 1 : i32
        %add3A_147 = arith.addi %mul3A_55, %add3A_146 : i32
        %dma_start3A_148 = arith.constant 0 : i32
        %dma_start3A_149 = arith.constant 0 : i32
        %dma_start3A_150 = tpu.memref_slice %arg3[%add3A, %add3A_147, %dma_start3A_148, %dma_start3A_149] : memref<32x50x2x100xi32, #tpu.memory_space<hbm>> -> memref<1x1x2x100xi32, #tpu.memory_space<hbm>>
        %dma_start3A_151 = tpu.memref_squeeze %dma_start3A_150 : memref<1x1x2x100xi32, #tpu.memory_space<hbm>> -> memref<2x100xi32, #tpu.memory_space<hbm>>
        %dma_start3A_152 = arith.constant 0 : i32
        %dma_start3A_153 = arith.constant 0 : i32
        %dma_start3A_154 = tpu.memref_slice %arg3[%add3A, %add3A_147, %dma_start3A_152, %dma_start3A_153] : memref<32x50x2x100xi32, #tpu.memory_space<hbm>> -> memref<1x1x2x100xi32, #tpu.memory_space<hbm>>
        %dma_start3A_155 = tpu.memref_squeeze %dma_start3A_154 : memref<1x1x2x100xi32, #tpu.memory_space<hbm>> -> memref<2x100xi32, #tpu.memory_space<hbm>>
        tpu.enqueue_dma source(%dma_start3A_155 : memref<2x100xi32, #tpu.memory_space<hbm>>) target(%arg6 : memref<2x100xi32, #tpu.memory_space<vmem>>) target_semaphore(%arg10 : memref<!tpu.dma_semaphore, #tpu.memory_space<semaphore_mem>>)
      } else {
      }
      %mul3A_97 = arith.constant 2 : i32
      %mul3A_98 = arith.muli %mul3A_97, %scan3A_53 : i32
      %add3A_99 = arith.constant 1 : i32
      %add3A_100 = arith.addi %mul3A_98, %add3A_99 : i32
      %ge3A_101 = arith.constant 2 : i32
      %ge3A_102 = arith.cmpi sge, %add3A_100, %ge3A_101 : i32
      %convert_element_type3A_103 = arith.extui %ge3A_102 : i1 to i32
      %cond3A_104 = arith.constant 0 : i32
      %cond3A_105 = arith.cmpi ne, %convert_element_type3A_103, %cond3A_104 : i32
      scf.if %cond3A_105 {
        %sub3A = arith.constant 2 : i32
        %sub3A_146 = arith.subi %add3A_100, %sub3A : i32
        %mul3A_147 = arith.constant 200 : i32
        %mul3A_148 = arith.muli %sub3A_146, %mul3A_147 : i32
        %add3A_149 = arith.addi %mul3A_2, %mul3A_148 : i32
        %dma_wait3A_150 = arith.constant 0 : i32
        %dma_wait3A_151 = tpu.memref_slice %arg4[%add3A_149, %dma_wait3A_150] : memref<320000x128xf32, #tpu.memory_space<hbm>> -> memref<200x128xf32, #tpu.memory_space<hbm>>
        %dma_wait3A_152 = arith.constant 0 : i32
        %dma_wait3A_153 = tpu.memref_slice %arg4[%add3A_149, %dma_wait3A_152] : memref<320000x128xf32, #tpu.memory_space<hbm>> -> memref<200x128xf32, #tpu.memory_space<hbm>>
        tpu.wait_dma2 semaphore(%arg14 : memref<!tpu.dma_semaphore, #tpu.memory_space<semaphore_mem>>) src(%arg8 : memref<200x128xf32, #tpu.memory_space<vmem>>) dst(%dma_wait3A_153 : memref<200x128xf32, #tpu.memory_space<hbm>>)
      } else {
      }
      %dma_wait3A_106 = arith.constant 0 : i32
      %dma_wait3A_107 = arith.constant 0 : i32
      %dma_wait3A_108 = tpu.memref_slice %arg3[%add3A, %add3A_100, %dma_wait3A_106, %dma_wait3A_107] : memref<32x50x2x100xi32, #tpu.memory_space<hbm>> -> memref<1x1x2x100xi32, #tpu.memory_space<hbm>>
      %dma_wait3A_109 = tpu.memref_squeeze %dma_wait3A_108 : memref<1x1x2x100xi32, #tpu.memory_space<hbm>> -> memref<2x100xi32, #tpu.memory_space<hbm>>
      %dma_wait3A_110 = arith.constant 0 : i32
      %dma_wait3A_111 = arith.constant 0 : i32
      %dma_wait3A_112 = tpu.memref_slice %arg3[%add3A, %add3A_100, %dma_wait3A_110, %dma_wait3A_111] : memref<32x50x2x100xi32, #tpu.memory_space<hbm>> -> memref<1x1x2x100xi32, #tpu.memory_space<hbm>>
      %dma_wait3A_113 = tpu.memref_squeeze %dma_wait3A_112 : memref<1x1x2x100xi32, #tpu.memory_space<hbm>> -> memref<2x100xi32, #tpu.memory_space<hbm>>
      tpu.wait_dma2 semaphore(%arg10 : memref<!tpu.dma_semaphore, #tpu.memory_space<semaphore_mem>>) src(%dma_wait3A_113 : memref<2x100xi32, #tpu.memory_space<hbm>>) dst(%arg6 : memref<2x100xi32, #tpu.memory_space<vmem>>)
      %dma_start3A_114 = arith.constant 0 : i32
      %dma_start3A_115 = arith.constant 0 : i32
      %dma_start3A_116 = arith.constant 0 : i32
      %dma_start3A_117 = tpu.memref_slice %arg8[%dma_start3A_115, %dma_start3A_116] : memref<200x128xf32, #tpu.memory_space<vmem>> -> memref<100x128xf32, #tpu.memory_space<vmem>>
      %dma_start3A_118 = arith.constant 0 : i32
      %dma_start3A_119 = tpu.memref_slice %arg6[%dma_start3A_114, %dma_start3A_118] : memref<2x100xi32, #tpu.memory_space<vmem>> -> memref<1x100xi32, #tpu.memory_space<vmem>>
      %dma_start3A_120 = tpu.memref_squeeze %dma_start3A_119 : memref<1x100xi32, #tpu.memory_space<vmem>> -> memref<100xi32, #tpu.memory_space<vmem>>
      %dma_start3A_121 = arith.constant 0 : i32
      %dma_start3A_122 = arith.constant 0 : i32
      %dma_start3A_123 = tpu.memref_slice %arg2[%dma_start3A_121, %dma_start3A_122] : memref<10000x128xf32, #tpu.memory_space<hbm>> -> memref<10000x128xf32, #tpu.memory_space<hbm>>
      tpu.enqueue_indirect_dma source(%dma_start3A_123 : memref<10000x128xf32, #tpu.memory_space<hbm>>) target(%dma_start3A_117 : memref<100x128xf32, #tpu.memory_space<vmem>>) offsets(%dma_start3A_120 : memref<100xi32, #tpu.memory_space<vmem>>) semaphore(%arg12 : memref<!tpu.dma_semaphore, #tpu.memory_space<semaphore_mem>>)
      %dma_start3A_124 = arith.constant 1 : i32
      %dma_start3A_125 = arith.constant 100 : i32
      %dma_start3A_126 = arith.constant 0 : i32
      %dma_start3A_127 = tpu.memref_slice %arg8[%dma_start3A_125, %dma_start3A_126] : memref<200x128xf32, #tpu.memory_space<vmem>> -> memref<100x128xf32, #tpu.memory_space<vmem>>
      %dma_start3A_128 = arith.constant 0 : i32
      %dma_start3A_129 = tpu.memref_slice %arg6[%dma_start3A_124, %dma_start3A_128] : memref<2x100xi32, #tpu.memory_space<vmem>> -> memref<1x100xi32, #tpu.memory_space<vmem>>
      %dma_start3A_130 = tpu.memref_squeeze %dma_start3A_129 : memref<1x100xi32, #tpu.memory_space<vmem>> -> memref<100xi32, #tpu.memory_space<vmem>>
      %dma_start3A_131 = arith.constant 0 : i32
      %dma_start3A_132 = arith.constant 0 : i32
      %dma_start3A_133 = tpu.memref_slice %arg2[%dma_start3A_131, %dma_start3A_132] : memref<10000x128xf32, #tpu.memory_space<hbm>> -> memref<10000x128xf32, #tpu.memory_space<hbm>>
      tpu.enqueue_indirect_dma source(%dma_start3A_133 : memref<10000x128xf32, #tpu.memory_space<hbm>>) target(%dma_start3A_127 : memref<100x128xf32, #tpu.memory_space<vmem>>) offsets(%dma_start3A_130 : memref<100xi32, #tpu.memory_space<vmem>>) semaphore(%arg12 : memref<!tpu.dma_semaphore, #tpu.memory_space<semaphore_mem>>)
      %ge3A_134 = arith.constant 1 : i32
      %ge3A_135 = arith.cmpi sge, %add3A_100, %ge3A_134 : i32
      %convert_element_type3A_136 = arith.extui %ge3A_135 : i1 to i32
      %cond3A_137 = arith.constant 0 : i32
      %cond3A_138 = arith.cmpi ne, %convert_element_type3A_136, %cond3A_137 : i32
      scf.if %cond3A_138 {
        %dma_wait3A_146 = arith.constant 0 : i32
        %dma_wait3A_147 = arith.constant 0 : i32
        %dma_wait3A_148 = arith.constant 0 : i32
        %dma_wait3A_149 = tpu.memref_slice %arg7[%dma_wait3A_147, %dma_wait3A_148] : memref<200x128xf32, #tpu.memory_space<vmem>> -> memref<100x128xf32, #tpu.memory_space<vmem>>
        %dma_wait3A_150 = arith.constant 0 : i32
        %dma_wait3A_151 = tpu.memref_slice %arg5[%dma_wait3A_146, %dma_wait3A_150] : memref<2x100xi32, #tpu.memory_space<vmem>> -> memref<1x100xi32, #tpu.memory_space<vmem>>
        %dma_wait3A_152 = tpu.memref_squeeze %dma_wait3A_151 : memref<1x100xi32, #tpu.memory_space<vmem>> -> memref<100xi32, #tpu.memory_space<vmem>>
        %dma_wait3A_153 = arith.constant 0 : i32
        %dma_wait3A_154 = arith.constant 0 : i32
        %dma_wait3A_155 = tpu.memref_slice %arg2[%dma_wait3A_153, %dma_wait3A_154] : memref<10000x128xf32, #tpu.memory_space<hbm>> -> memref<10000x128xf32, #tpu.memory_space<hbm>>
        tpu.wait_indirect_dma semaphore(%arg11 : memref<!tpu.dma_semaphore, #tpu.memory_space<semaphore_mem>>) src(%dma_wait3A_155 : memref<10000x128xf32, #tpu.memory_space<hbm>>) dst(%dma_wait3A_149 : memref<100x128xf32, #tpu.memory_space<vmem>>)
        %dma_wait3A_156 = arith.constant 1 : i32
        %dma_wait3A_157 = arith.constant 100 : i32
        %dma_wait3A_158 = arith.constant 0 : i32
        %dma_wait3A_159 = tpu.memref_slice %arg7[%dma_wait3A_157, %dma_wait3A_158] : memref<200x128xf32, #tpu.memory_space<vmem>> -> memref<100x128xf32, #tpu.memory_space<vmem>>
        %dma_wait3A_160 = arith.constant 0 : i32
        %dma_wait3A_161 = tpu.memref_slice %arg5[%dma_wait3A_156, %dma_wait3A_160] : memref<2x100xi32, #tpu.memory_space<vmem>> -> memref<1x100xi32, #tpu.memory_space<vmem>>
        %dma_wait3A_162 = tpu.memref_squeeze %dma_wait3A_161 : memref<1x100xi32, #tpu.memory_space<vmem>> -> memref<100xi32, #tpu.memory_space<vmem>>
        %dma_wait3A_163 = arith.constant 0 : i32
        %dma_wait3A_164 = arith.constant 0 : i32
        %dma_wait3A_165 = tpu.memref_slice %arg2[%dma_wait3A_163, %dma_wait3A_164] : memref<10000x128xf32, #tpu.memory_space<hbm>> -> memref<10000x128xf32, #tpu.memory_space<hbm>>
        tpu.wait_indirect_dma semaphore(%arg11 : memref<!tpu.dma_semaphore, #tpu.memory_space<semaphore_mem>>) src(%dma_wait3A_165 : memref<10000x128xf32, #tpu.memory_space<hbm>>) dst(%dma_wait3A_159 : memref<100x128xf32, #tpu.memory_space<vmem>>)
        %sub3A = arith.constant 1 : i32
        %sub3A_166 = arith.subi %add3A_100, %sub3A : i32
        %mul3A_167 = arith.constant 200 : i32
        %mul3A_168 = arith.muli %sub3A_166, %mul3A_167 : i32
        %add3A_169 = arith.addi %mul3A_2, %mul3A_168 : i32
        %dma_start3A_170 = arith.constant 0 : i32
        %dma_start3A_171 = tpu.memref_slice %arg4[%add3A_169, %dma_start3A_170] : memref<320000x128xf32, #tpu.memory_space<hbm>> -> memref<200x128xf32, #tpu.memory_space<hbm>>
        %dma_start3A_172 = arith.constant 0 : i32
        %dma_start3A_173 = tpu.memref_slice %arg4[%add3A_169, %dma_start3A_172] : memref<320000x128xf32, #tpu.memory_space<hbm>> -> memref<200x128xf32, #tpu.memory_space<hbm>>
        tpu.enqueue_dma source(%arg7 : memref<200x128xf32, #tpu.memory_space<vmem>>) target(%dma_start3A_173 : memref<200x128xf32, #tpu.memory_space<hbm>>) target_semaphore(%arg13 : memref<!tpu.dma_semaphore, #tpu.memory_space<semaphore_mem>>)
      } else {
      }
      %add3A_139 = arith.constant 1 : i32
      %add3A_140 = arith.addi %add3A_100, %add3A_139 : i32
      %lt3A_141 = arith.constant 50 : i32
      %lt3A_142 = arith.cmpi slt, %add3A_140, %lt3A_141 : i32
      %convert_element_type3A_143 = arith.extui %lt3A_142 : i1 to i32
      %cond3A_144 = arith.constant 0 : i32
      %cond3A_145 = arith.cmpi ne, %convert_element_type3A_143, %cond3A_144 : i32
      scf.if %cond3A_145 {
        %add3A_146 = arith.constant 1 : i32
        %add3A_147 = arith.addi %add3A_100, %add3A_146 : i32
        %dma_start3A_148 = arith.constant 0 : i32
        %dma_start3A_149 = arith.constant 0 : i32
        %dma_start3A_150 = tpu.memref_slice %arg3[%add3A, %add3A_147, %dma_start3A_148, %dma_start3A_149] : memref<32x50x2x100xi32, #tpu.memory_space<hbm>> -> memref<1x1x2x100xi32, #tpu.memory_space<hbm>>
        %dma_start3A_151 = tpu.memref_squeeze %dma_start3A_150 : memref<1x1x2x100xi32, #tpu.memory_space<hbm>> -> memref<2x100xi32, #tpu.memory_space<hbm>>
        %dma_start3A_152 = arith.constant 0 : i32
        %dma_start3A_153 = arith.constant 0 : i32
        %dma_start3A_154 = tpu.memref_slice %arg3[%add3A, %add3A_147, %dma_start3A_152, %dma_start3A_153] : memref<32x50x2x100xi32, #tpu.memory_space<hbm>> -> memref<1x1x2x100xi32, #tpu.memory_space<hbm>>
        %dma_start3A_155 = tpu.memref_squeeze %dma_start3A_154 : memref<1x1x2x100xi32, #tpu.memory_space<hbm>> -> memref<2x100xi32, #tpu.memory_space<hbm>>
        tpu.enqueue_dma source(%dma_start3A_155 : memref<2x100xi32, #tpu.memory_space<hbm>>) target(%arg5 : memref<2x100xi32, #tpu.memory_space<vmem>>) target_semaphore(%arg9 : memref<!tpu.dma_semaphore, #tpu.memory_space<semaphore_mem>>)
      } else {
      }
    }
    %scan3A_15 = arith.constant 25 : i32
    %dma_wait3A = arith.constant 0 : i32
    %dma_wait3A_16 = arith.constant 0 : i32
    %dma_wait3A_17 = arith.constant 0 : i32
    %dma_wait3A_18 = tpu.memref_slice %arg8[%dma_wait3A_16, %dma_wait3A_17] : memref<200x128xf32, #tpu.memory_space<vmem>> -> memref<100x128xf32, #tpu.memory_space<vmem>>
    %dma_wait3A_19 = arith.constant 0 : i32
    %dma_wait3A_20 = tpu.memref_slice %arg6[%dma_wait3A, %dma_wait3A_19] : memref<2x100xi32, #tpu.memory_space<vmem>> -> memref<1x100xi32, #tpu.memory_space<vmem>>
    %dma_wait3A_21 = tpu.memref_squeeze %dma_wait3A_20 : memref<1x100xi32, #tpu.memory_space<vmem>> -> memref<100xi32, #tpu.memory_space<vmem>>
    %dma_wait3A_22 = arith.constant 0 : i32
    %dma_wait3A_23 = arith.constant 0 : i32
    %dma_wait3A_24 = tpu.memref_slice %arg2[%dma_wait3A_22, %dma_wait3A_23] : memref<10000x128xf32, #tpu.memory_space<hbm>> -> memref<10000x128xf32, #tpu.memory_space<hbm>>
    tpu.wait_indirect_dma semaphore(%arg12 : memref<!tpu.dma_semaphore, #tpu.memory_space<semaphore_mem>>) src(%dma_wait3A_24 : memref<10000x128xf32, #tpu.memory_space<hbm>>) dst(%dma_wait3A_18 : memref<100x128xf32, #tpu.memory_space<vmem>>)
    %dma_wait3A_25 = arith.constant 1 : i32
    %dma_wait3A_26 = arith.constant 100 : i32
    %dma_wait3A_27 = arith.constant 0 : i32
    %dma_wait3A_28 = tpu.memref_slice %arg8[%dma_wait3A_26, %dma_wait3A_27] : memref<200x128xf32, #tpu.memory_space<vmem>> -> memref<100x128xf32, #tpu.memory_space<vmem>>
    %dma_wait3A_29 = arith.constant 0 : i32
    %dma_wait3A_30 = tpu.memref_slice %arg6[%dma_wait3A_25, %dma_wait3A_29] : memref<2x100xi32, #tpu.memory_space<vmem>> -> memref<1x100xi32, #tpu.memory_space<vmem>>
    %dma_wait3A_31 = tpu.memref_squeeze %dma_wait3A_30 : memref<1x100xi32, #tpu.memory_space<vmem>> -> memref<100xi32, #tpu.memory_space<vmem>>
    %dma_wait3A_32 = arith.constant 0 : i32
    %dma_wait3A_33 = arith.constant 0 : i32
    %dma_wait3A_34 = tpu.memref_slice %arg2[%dma_wait3A_32, %dma_wait3A_33] : memref<10000x128xf32, #tpu.memory_space<hbm>> -> memref<10000x128xf32, #tpu.memory_space<hbm>>
    tpu.wait_indirect_dma semaphore(%arg12 : memref<!tpu.dma_semaphore, #tpu.memory_space<semaphore_mem>>) src(%dma_wait3A_34 : memref<10000x128xf32, #tpu.memory_space<hbm>>) dst(%dma_wait3A_28 : memref<100x128xf32, #tpu.memory_space<vmem>>)
    %add3A_35 = arith.constant 9800 : i32
    %add3A_36 = arith.addi %mul3A_2, %add3A_35 : i32
    %dma_start3A_37 = arith.constant 0 : i32
    %dma_start3A_38 = tpu.memref_slice %arg4[%add3A_36, %dma_start3A_37] : memref<320000x128xf32, #tpu.memory_space<hbm>> -> memref<200x128xf32, #tpu.memory_space<hbm>>
    %dma_start3A_39 = arith.constant 0 : i32
    %dma_start3A_40 = tpu.memref_slice %arg4[%add3A_36, %dma_start3A_39] : memref<320000x128xf32, #tpu.memory_space<hbm>> -> memref<200x128xf32, #tpu.memory_space<hbm>>
    tpu.enqueue_dma source(%arg8 : memref<200x128xf32, #tpu.memory_space<vmem>>) target(%dma_start3A_40 : memref<200x128xf32, #tpu.memory_space<hbm>>) target_semaphore(%arg14 : memref<!tpu.dma_semaphore, #tpu.memory_space<semaphore_mem>>)
    %add3A_41 = arith.constant 9600 : i32
    %add3A_42 = arith.addi %mul3A_2, %add3A_41 : i32
    %dma_wait3A_43 = arith.constant 0 : i32
    %dma_wait3A_44 = tpu.memref_slice %arg4[%add3A_42, %dma_wait3A_43] : memref<320000x128xf32, #tpu.memory_space<hbm>> -> memref<200x128xf32, #tpu.memory_space<hbm>>
    %dma_wait3A_45 = arith.constant 0 : i32
    %dma_wait3A_46 = tpu.memref_slice %arg4[%add3A_42, %dma_wait3A_45] : memref<320000x128xf32, #tpu.memory_space<hbm>> -> memref<200x128xf32, #tpu.memory_space<hbm>>
    tpu.wait_dma2 semaphore(%arg13 : memref<!tpu.dma_semaphore, #tpu.memory_space<semaphore_mem>>) src(%arg7 : memref<200x128xf32, #tpu.memory_space<vmem>>) dst(%dma_wait3A_46 : memref<200x128xf32, #tpu.memory_space<hbm>>)
    %add3A_47 = arith.constant 9800 : i32
    %add3A_48 = arith.addi %mul3A_2, %add3A_47 : i32
    %dma_wait3A_49 = arith.constant 0 : i32
    %dma_wait3A_50 = tpu.memref_slice %arg4[%add3A_48, %dma_wait3A_49] : memref<320000x128xf32, #tpu.memory_space<hbm>> -> memref<200x128xf32, #tpu.memory_space<hbm>>
    %dma_wait3A_51 = arith.constant 0 : i32
    %dma_wait3A_52 = tpu.memref_slice %arg4[%add3A_48, %dma_wait3A_51] : memref<320000x128xf32, #tpu.memory_space<hbm>> -> memref<200x128xf32, #tpu.memory_space<hbm>>
    tpu.wait_dma2 semaphore(%arg14 : memref<!tpu.dma_semaphore, #tpu.memory_space<semaphore_mem>>) src(%arg8 : memref<200x128xf32, #tpu.memory_space<vmem>>) dst(%dma_wait3A_52 : memref<200x128xf32, #tpu.memory_space<hbm>>)
    return
  }
}

#map = affine_map<(d0, d1) -> (0, 0)>
#map1 = affine_map<(d0, d1) -> (0, 0, 0, 0, 0)>
#map2 = affine_map<(d0, d1) -> (0, 0, 0)>
module attributes {stable_mosaic.version = 14 : i64} {
  func.func @k(%arg0: i32, %arg1: i32, %arg2: memref<320000x128xf32, #tpu.memory_space<hbm>>, %arg3: memref<2x16x100x2x100xi32, #tpu.memory_space<hbm>>, %arg4: memref<5008x128xf32, #tpu.memory_space<hbm>>, %arg5: memref<2x5008x128xf32, #tpu.memory_space<hbm>>, %arg6: memref<2x100xi32, #tpu.memory_space<vmem>>, %arg7: memref<2x100xi32, #tpu.memory_space<vmem>>, %arg8: memref<200x128xf32, #tpu.memory_space<vmem>>, %arg9: memref<200x128xf32, #tpu.memory_space<vmem>>, %arg10: memref<5008x128xf32, #tpu.memory_space<vmem_shared>>, %arg11: memref<!tpu.dma_semaphore, #tpu.memory_space<semaphore_mem>>, %arg12: memref<!tpu.dma_semaphore, #tpu.memory_space<semaphore_mem>>, %arg13: memref<!tpu.dma_semaphore, #tpu.memory_space<semaphore_mem>>, %arg14: memref<!tpu.dma_semaphore, #tpu.memory_space<semaphore_mem>>) attributes {dimension_semantics = [#tpu.dimension_semantics<core_parallel>, #tpu.dimension_semantics<subcore_parallel>], iteration_bounds = array<i64: 2, 16>, scalar_prefetch = 0 : i64, scratch_operands = 9 : i64, tpu.core_type = #tpu.core_type<sc_vector_subcore>, window_params = [{transform_indices = #map}, {transform_indices = #map1}, {transform_indices = #map}, {transform_indices = #map2}]} {
    %mul3A = arith.constant 20000 : i32
    %mul3A_0 = arith.muli %arg1, %mul3A : i32
    %lt3A = arith.constant 2 : i32
    %lt3A_1 = arith.cmpi slt, %arg1, %lt3A : i32
    %convert_element_type3A = arith.extui %lt3A_1 : i1 to i32
    %cond3A = arith.constant 0 : i32
    %cond3A_2 = arith.cmpi ne, %convert_element_type3A, %cond3A : i32
    scf.if %cond3A_2 {
      %mul3A_46 = arith.constant 2504 : i32
      %mul3A_47 = arith.muli %arg1, %mul3A_46 : i32
      %mul3A_48 = arith.constant 2504 : i32
      %mul3A_49 = arith.muli %arg1, %mul3A_48 : i32
      "tpu.region"() ({
        %run_scoped3A = tpu.sem_alloc : memref<!tpu.dma_semaphore, #tpu.memory_space<semaphore_mem>>
        %dma_start3A_50 = arith.constant 0 : i32
        %dma_start3A_51 = tpu.memref_slice %arg10[%mul3A_49, %dma_start3A_50] : memref<5008x128xf32, #tpu.memory_space<vmem_shared>> -> memref<2504x128xf32, #tpu.memory_space<vmem_shared>>
        %dma_start3A_52 = arith.constant 0 : i32
        %dma_start3A_53 = tpu.memref_slice %arg4[%mul3A_47, %dma_start3A_52] : memref<5008x128xf32, #tpu.memory_space<hbm>> -> memref<2504x128xf32, #tpu.memory_space<hbm>>
        tpu.enqueue_dma source(%dma_start3A_53 : memref<2504x128xf32, #tpu.memory_space<hbm>>) target(%dma_start3A_51 : memref<2504x128xf32, #tpu.memory_space<vmem_shared>>) target_semaphore(%run_scoped3A : memref<!tpu.dma_semaphore, #tpu.memory_space<semaphore_mem>>)
        %dma_wait3A_54 = arith.constant 0 : i32
        %dma_wait3A_55 = tpu.memref_slice %arg10[%mul3A_49, %dma_wait3A_54] : memref<5008x128xf32, #tpu.memory_space<vmem_shared>> -> memref<2504x128xf32, #tpu.memory_space<vmem_shared>>
        %dma_wait3A_56 = arith.constant 0 : i32
        %dma_wait3A_57 = tpu.memref_slice %arg4[%mul3A_47, %dma_wait3A_56] : memref<5008x128xf32, #tpu.memory_space<hbm>> -> memref<2504x128xf32, #tpu.memory_space<hbm>>
        tpu.wait_dma2 semaphore(%run_scoped3A : memref<!tpu.dma_semaphore, #tpu.memory_space<semaphore_mem>>) src(%dma_wait3A_57 : memref<2504x128xf32, #tpu.memory_space<hbm>>) dst(%dma_wait3A_55 : memref<2504x128xf32, #tpu.memory_space<vmem_shared>>)
        tpu.yield
      }) : () -> ()
    } else {
    }
    %barrier3A = arith.constant 0 : index
    tpu.barrier barrier_id(%barrier3A)
    %dma_start3A = arith.constant 0 : i32
    %dma_start3A_3 = arith.constant 0 : i32
    %dma_start3A_4 = arith.constant 0 : i32
    %dma_start3A_5 = tpu.memref_slice %arg3[%arg0, %arg1, %dma_start3A, %dma_start3A_3, %dma_start3A_4] : memref<2x16x100x2x100xi32, #tpu.memory_space<hbm>> -> memref<1x1x1x2x100xi32, #tpu.memory_space<hbm>>
    %dma_start3A_6 = tpu.memref_squeeze %dma_start3A_5 : memref<1x1x1x2x100xi32, #tpu.memory_space<hbm>> -> memref<2x100xi32, #tpu.memory_space<hbm>>
    %dma_start3A_7 = arith.constant 0 : i32
    %dma_start3A_8 = arith.constant 0 : i32
    %dma_start3A_9 = tpu.memref_slice %arg3[%arg0, %arg1, %dma_start3A, %dma_start3A_7, %dma_start3A_8] : memref<2x16x100x2x100xi32, #tpu.memory_space<hbm>> -> memref<1x1x1x2x100xi32, #tpu.memory_space<hbm>>
    %dma_start3A_10 = tpu.memref_squeeze %dma_start3A_9 : memref<1x1x1x2x100xi32, #tpu.memory_space<hbm>> -> memref<2x100xi32, #tpu.memory_space<hbm>>
    tpu.enqueue_dma source(%dma_start3A_10 : memref<2x100xi32, #tpu.memory_space<hbm>>) target(%arg6 : memref<2x100xi32, #tpu.memory_space<vmem>>) target_semaphore(%arg11 : memref<!tpu.dma_semaphore, #tpu.memory_space<semaphore_mem>>)
    %add3A = arith.constant 0 : i32
    %add3A_11 = arith.addi %mul3A_0, %add3A : i32
    %dma_start3A_12 = arith.constant 0 : i32
    %dma_start3A_13 = tpu.memref_slice %arg2[%add3A_11, %dma_start3A_12] : memref<320000x128xf32, #tpu.memory_space<hbm>> -> memref<200x128xf32, #tpu.memory_space<hbm>>
    %dma_start3A_14 = arith.constant 0 : i32
    %dma_start3A_15 = tpu.memref_slice %arg2[%add3A_11, %dma_start3A_14] : memref<320000x128xf32, #tpu.memory_space<hbm>> -> memref<200x128xf32, #tpu.memory_space<hbm>>
    tpu.enqueue_dma source(%dma_start3A_15 : memref<200x128xf32, #tpu.memory_space<hbm>>) target(%arg8 : memref<200x128xf32, #tpu.memory_space<vmem>>) target_semaphore(%arg11 : memref<!tpu.dma_semaphore, #tpu.memory_space<semaphore_mem>>)
    %scan3A = arith.constant 0 : i32
    %scan3A_16 = arith.constant 0 : i32
    %scan3A_17 = arith.constant 50 : i32
    %scan3A_18 = arith.addi %scan3A_16, %scan3A_17 : i32
    %scan3A_19 = arith.constant 1 : i32
    scf.for %scan3A_46 = %scan3A_16 to %scan3A_18 step %scan3A_19  : i32 {
      %mul3A_47 = arith.constant 2 : i32
      %mul3A_48 = arith.muli %mul3A_47, %scan3A_46 : i32
      %dma_wait3A_49 = arith.constant 0 : i32
      %dma_wait3A_50 = arith.constant 0 : i32
      %dma_wait3A_51 = tpu.memref_slice %arg3[%arg0, %arg1, %mul3A_48, %dma_wait3A_49, %dma_wait3A_50] : memref<2x16x100x2x100xi32, #tpu.memory_space<hbm>> -> memref<1x1x1x2x100xi32, #tpu.memory_space<hbm>>
      %dma_wait3A_52 = tpu.memref_squeeze %dma_wait3A_51 : memref<1x1x1x2x100xi32, #tpu.memory_space<hbm>> -> memref<2x100xi32, #tpu.memory_space<hbm>>
      %dma_wait3A_53 = arith.constant 0 : i32
      %dma_wait3A_54 = arith.constant 0 : i32
      %dma_wait3A_55 = tpu.memref_slice %arg3[%arg0, %arg1, %mul3A_48, %dma_wait3A_53, %dma_wait3A_54] : memref<2x16x100x2x100xi32, #tpu.memory_space<hbm>> -> memref<1x1x1x2x100xi32, #tpu.memory_space<hbm>>
      %dma_wait3A_56 = tpu.memref_squeeze %dma_wait3A_55 : memref<1x1x1x2x100xi32, #tpu.memory_space<hbm>> -> memref<2x100xi32, #tpu.memory_space<hbm>>
      tpu.wait_dma2 semaphore(%arg11 : memref<!tpu.dma_semaphore, #tpu.memory_space<semaphore_mem>>) src(%dma_wait3A_56 : memref<2x100xi32, #tpu.memory_space<hbm>>) dst(%arg6 : memref<2x100xi32, #tpu.memory_space<vmem>>)
      %mul3A_57 = arith.constant 200 : i32
      %mul3A_58 = arith.muli %mul3A_48, %mul3A_57 : i32
      %add3A_59 = arith.addi %mul3A_0, %mul3A_58 : i32
      %dma_wait3A_60 = arith.constant 0 : i32
      %dma_wait3A_61 = tpu.memref_slice %arg2[%add3A_59, %dma_wait3A_60] : memref<320000x128xf32, #tpu.memory_space<hbm>> -> memref<200x128xf32, #tpu.memory_space<hbm>>
      %dma_wait3A_62 = arith.constant 0 : i32
      %dma_wait3A_63 = tpu.memref_slice %arg2[%add3A_59, %dma_wait3A_62] : memref<320000x128xf32, #tpu.memory_space<hbm>> -> memref<200x128xf32, #tpu.memory_space<hbm>>
      tpu.wait_dma2 semaphore(%arg11 : memref<!tpu.dma_semaphore, #tpu.memory_space<semaphore_mem>>) src(%dma_wait3A_63 : memref<200x128xf32, #tpu.memory_space<hbm>>) dst(%arg8 : memref<200x128xf32, #tpu.memory_space<vmem>>)
      %dma_start3A_64 = arith.constant 0 : i32
      %dma_start3A_65 = arith.constant 0 : i32
      %dma_start3A_66 = arith.constant 0 : i32
      %dma_start3A_67 = tpu.memref_slice %arg8[%dma_start3A_65, %dma_start3A_66] : memref<200x128xf32, #tpu.memory_space<vmem>> -> memref<100x128xf32, #tpu.memory_space<vmem>>
      %dma_start3A_68 = arith.constant 0 : i32
      %dma_start3A_69 = tpu.memref_slice %arg6[%dma_start3A_64, %dma_start3A_68] : memref<2x100xi32, #tpu.memory_space<vmem>> -> memref<1x100xi32, #tpu.memory_space<vmem>>
      %dma_start3A_70 = tpu.memref_squeeze %dma_start3A_69 : memref<1x100xi32, #tpu.memory_space<vmem>> -> memref<100xi32, #tpu.memory_space<vmem>>
      %dma_start3A_71 = arith.constant 0 : i32
      %dma_start3A_72 = arith.constant 0 : i32
      %dma_start3A_73 = tpu.memref_slice %arg10[%dma_start3A_71, %dma_start3A_72] : memref<5008x128xf32, #tpu.memory_space<vmem_shared>> -> memref<5008x128xf32, #tpu.memory_space<vmem_shared>>
      tpu.enqueue_indirect_dma source(%dma_start3A_67 : memref<100x128xf32, #tpu.memory_space<vmem>>) target(%dma_start3A_73 : memref<5008x128xf32, #tpu.memory_space<vmem_shared>>) offsets(%dma_start3A_70 : memref<100xi32, #tpu.memory_space<vmem>>) semaphore(%arg13 : memref<!tpu.dma_semaphore, #tpu.memory_space<semaphore_mem>>) {add = true}
      %dma_start3A_74 = arith.constant 1 : i32
      %dma_start3A_75 = arith.constant 100 : i32
      %dma_start3A_76 = arith.constant 0 : i32
      %dma_start3A_77 = tpu.memref_slice %arg8[%dma_start3A_75, %dma_start3A_76] : memref<200x128xf32, #tpu.memory_space<vmem>> -> memref<100x128xf32, #tpu.memory_space<vmem>>
      %dma_start3A_78 = arith.constant 0 : i32
      %dma_start3A_79 = tpu.memref_slice %arg6[%dma_start3A_74, %dma_start3A_78] : memref<2x100xi32, #tpu.memory_space<vmem>> -> memref<1x100xi32, #tpu.memory_space<vmem>>
      %dma_start3A_80 = tpu.memref_squeeze %dma_start3A_79 : memref<1x100xi32, #tpu.memory_space<vmem>> -> memref<100xi32, #tpu.memory_space<vmem>>
      %dma_start3A_81 = arith.constant 0 : i32
      %dma_start3A_82 = arith.constant 0 : i32
      %dma_start3A_83 = tpu.memref_slice %arg10[%dma_start3A_81, %dma_start3A_82] : memref<5008x128xf32, #tpu.memory_space<vmem_shared>> -> memref<5008x128xf32, #tpu.memory_space<vmem_shared>>
      tpu.enqueue_indirect_dma source(%dma_start3A_77 : memref<100x128xf32, #tpu.memory_space<vmem>>) target(%dma_start3A_83 : memref<5008x128xf32, #tpu.memory_space<vmem_shared>>) offsets(%dma_start3A_80 : memref<100xi32, #tpu.memory_space<vmem>>) semaphore(%arg13 : memref<!tpu.dma_semaphore, #tpu.memory_space<semaphore_mem>>) {add = true}
      %ge3A = arith.constant 1 : i32
      %ge3A_84 = arith.cmpi sge, %mul3A_48, %ge3A : i32
      %convert_element_type3A_85 = arith.extui %ge3A_84 : i1 to i32
      %cond3A_86 = arith.constant 0 : i32
      %cond3A_87 = arith.cmpi ne, %convert_element_type3A_85, %cond3A_86 : i32
      scf.if %cond3A_87 {
        %dma_wait3A_146 = arith.constant 0 : i32
        %dma_wait3A_147 = arith.constant 0 : i32
        %dma_wait3A_148 = arith.constant 0 : i32
        %dma_wait3A_149 = tpu.memref_slice %arg9[%dma_wait3A_147, %dma_wait3A_148] : memref<200x128xf32, #tpu.memory_space<vmem>> -> memref<100x128xf32, #tpu.memory_space<vmem>>
        %dma_wait3A_150 = arith.constant 0 : i32
        %dma_wait3A_151 = tpu.memref_slice %arg7[%dma_wait3A_146, %dma_wait3A_150] : memref<2x100xi32, #tpu.memory_space<vmem>> -> memref<1x100xi32, #tpu.memory_space<vmem>>
        %dma_wait3A_152 = tpu.memref_squeeze %dma_wait3A_151 : memref<1x100xi32, #tpu.memory_space<vmem>> -> memref<100xi32, #tpu.memory_space<vmem>>
        %dma_wait3A_153 = arith.constant 0 : i32
        %dma_wait3A_154 = arith.constant 0 : i32
        %dma_wait3A_155 = tpu.memref_slice %arg10[%dma_wait3A_153, %dma_wait3A_154] : memref<5008x128xf32, #tpu.memory_space<vmem_shared>> -> memref<5008x128xf32, #tpu.memory_space<vmem_shared>>
        tpu.wait_indirect_dma semaphore(%arg14 : memref<!tpu.dma_semaphore, #tpu.memory_space<semaphore_mem>>) src(%dma_wait3A_149 : memref<100x128xf32, #tpu.memory_space<vmem>>) dst(%dma_wait3A_155 : memref<5008x128xf32, #tpu.memory_space<vmem_shared>>)
        %dma_wait3A_156 = arith.constant 1 : i32
        %dma_wait3A_157 = arith.constant 100 : i32
        %dma_wait3A_158 = arith.constant 0 : i32
        %dma_wait3A_159 = tpu.memref_slice %arg9[%dma_wait3A_157, %dma_wait3A_158] : memref<200x128xf32, #tpu.memory_space<vmem>> -> memref<100x128xf32, #tpu.memory_space<vmem>>
        %dma_wait3A_160 = arith.constant 0 : i32
        %dma_wait3A_161 = tpu.memref_slice %arg7[%dma_wait3A_156, %dma_wait3A_160] : memref<2x100xi32, #tpu.memory_space<vmem>> -> memref<1x100xi32, #tpu.memory_space<vmem>>
        %dma_wait3A_162 = tpu.memref_squeeze %dma_wait3A_161 : memref<1x100xi32, #tpu.memory_space<vmem>> -> memref<100xi32, #tpu.memory_space<vmem>>
        %dma_wait3A_163 = arith.constant 0 : i32
        %dma_wait3A_164 = arith.constant 0 : i32
        %dma_wait3A_165 = tpu.memref_slice %arg10[%dma_wait3A_163, %dma_wait3A_164] : memref<5008x128xf32, #tpu.memory_space<vmem_shared>> -> memref<5008x128xf32, #tpu.memory_space<vmem_shared>>
        tpu.wait_indirect_dma semaphore(%arg14 : memref<!tpu.dma_semaphore, #tpu.memory_space<semaphore_mem>>) src(%dma_wait3A_159 : memref<100x128xf32, #tpu.memory_space<vmem>>) dst(%dma_wait3A_165 : memref<5008x128xf32, #tpu.memory_space<vmem_shared>>)
      } else {
      }
      %add3A_88 = arith.constant 1 : i32
      %add3A_89 = arith.addi %mul3A_48, %add3A_88 : i32
      %lt3A_90 = arith.constant 100 : i32
      %lt3A_91 = arith.cmpi slt, %add3A_89, %lt3A_90 : i32
      %convert_element_type3A_92 = arith.extui %lt3A_91 : i1 to i32
      %cond3A_93 = arith.constant 0 : i32
      %cond3A_94 = arith.cmpi ne, %convert_element_type3A_92, %cond3A_93 : i32
      scf.if %cond3A_94 {
        %add3A_146 = arith.constant 1 : i32
        %add3A_147 = arith.addi %mul3A_48, %add3A_146 : i32
        %dma_start3A_148 = arith.constant 0 : i32
        %dma_start3A_149 = arith.constant 0 : i32
        %dma_start3A_150 = tpu.memref_slice %arg3[%arg0, %arg1, %add3A_147, %dma_start3A_148, %dma_start3A_149] : memref<2x16x100x2x100xi32, #tpu.memory_space<hbm>> -> memref<1x1x1x2x100xi32, #tpu.memory_space<hbm>>
        %dma_start3A_151 = tpu.memref_squeeze %dma_start3A_150 : memref<1x1x1x2x100xi32, #tpu.memory_space<hbm>> -> memref<2x100xi32, #tpu.memory_space<hbm>>
        %dma_start3A_152 = arith.constant 0 : i32
        %dma_start3A_153 = arith.constant 0 : i32
        %dma_start3A_154 = tpu.memref_slice %arg3[%arg0, %arg1, %add3A_147, %dma_start3A_152, %dma_start3A_153] : memref<2x16x100x2x100xi32, #tpu.memory_space<hbm>> -> memref<1x1x1x2x100xi32, #tpu.memory_space<hbm>>
        %dma_start3A_155 = tpu.memref_squeeze %dma_start3A_154 : memref<1x1x1x2x100xi32, #tpu.memory_space<hbm>> -> memref<2x100xi32, #tpu.memory_space<hbm>>
        tpu.enqueue_dma source(%dma_start3A_155 : memref<2x100xi32, #tpu.memory_space<hbm>>) target(%arg7 : memref<2x100xi32, #tpu.memory_space<vmem>>) target_semaphore(%arg12 : memref<!tpu.dma_semaphore, #tpu.memory_space<semaphore_mem>>)
        %mul3A_156 = arith.constant 200 : i32
        %mul3A_157 = arith.muli %add3A_147, %mul3A_156 : i32
        %add3A_158 = arith.addi %mul3A_0, %mul3A_157 : i32
        %dma_start3A_159 = arith.constant 0 : i32
        %dma_start3A_160 = tpu.memref_slice %arg2[%add3A_158, %dma_start3A_159] : memref<320000x128xf32, #tpu.memory_space<hbm>> -> memref<200x128xf32, #tpu.memory_space<hbm>>
        %dma_start3A_161 = arith.constant 0 : i32
        %dma_start3A_162 = tpu.memref_slice %arg2[%add3A_158, %dma_start3A_161] : memref<320000x128xf32, #tpu.memory_space<hbm>> -> memref<200x128xf32, #tpu.memory_space<hbm>>
        tpu.enqueue_dma source(%dma_start3A_162 : memref<200x128xf32, #tpu.memory_space<hbm>>) target(%arg9 : memref<200x128xf32, #tpu.memory_space<vmem>>) target_semaphore(%arg12 : memref<!tpu.dma_semaphore, #tpu.memory_space<semaphore_mem>>)
      } else {
      }
      %mul3A_95 = arith.constant 2 : i32
      %mul3A_96 = arith.muli %mul3A_95, %scan3A_46 : i32
      %add3A_97 = arith.constant 1 : i32
      %add3A_98 = arith.addi %mul3A_96, %add3A_97 : i32
      %dma_wait3A_99 = arith.constant 0 : i32
      %dma_wait3A_100 = arith.constant 0 : i32
      %dma_wait3A_101 = tpu.memref_slice %arg3[%arg0, %arg1, %add3A_98, %dma_wait3A_99, %dma_wait3A_100] : memref<2x16x100x2x100xi32, #tpu.memory_space<hbm>> -> memref<1x1x1x2x100xi32, #tpu.memory_space<hbm>>
      %dma_wait3A_102 = tpu.memref_squeeze %dma_wait3A_101 : memref<1x1x1x2x100xi32, #tpu.memory_space<hbm>> -> memref<2x100xi32, #tpu.memory_space<hbm>>
      %dma_wait3A_103 = arith.constant 0 : i32
      %dma_wait3A_104 = arith.constant 0 : i32
      %dma_wait3A_105 = tpu.memref_slice %arg3[%arg0, %arg1, %add3A_98, %dma_wait3A_103, %dma_wait3A_104] : memref<2x16x100x2x100xi32, #tpu.memory_space<hbm>> -> memref<1x1x1x2x100xi32, #tpu.memory_space<hbm>>
      %dma_wait3A_106 = tpu.memref_squeeze %dma_wait3A_105 : memref<1x1x1x2x100xi32, #tpu.memory_space<hbm>> -> memref<2x100xi32, #tpu.memory_space<hbm>>
      tpu.wait_dma2 semaphore(%arg12 : memref<!tpu.dma_semaphore, #tpu.memory_space<semaphore_mem>>) src(%dma_wait3A_106 : memref<2x100xi32, #tpu.memory_space<hbm>>) dst(%arg7 : memref<2x100xi32, #tpu.memory_space<vmem>>)
      %mul3A_107 = arith.constant 200 : i32
      %mul3A_108 = arith.muli %add3A_98, %mul3A_107 : i32
      %add3A_109 = arith.addi %mul3A_0, %mul3A_108 : i32
      %dma_wait3A_110 = arith.constant 0 : i32
      %dma_wait3A_111 = tpu.memref_slice %arg2[%add3A_109, %dma_wait3A_110] : memref<320000x128xf32, #tpu.memory_space<hbm>> -> memref<200x128xf32, #tpu.memory_space<hbm>>
      %dma_wait3A_112 = arith.constant 0 : i32
      %dma_wait3A_113 = tpu.memref_slice %arg2[%add3A_109, %dma_wait3A_112] : memref<320000x128xf32, #tpu.memory_space<hbm>> -> memref<200x128xf32, #tpu.memory_space<hbm>>
      tpu.wait_dma2 semaphore(%arg12 : memref<!tpu.dma_semaphore, #tpu.memory_space<semaphore_mem>>) src(%dma_wait3A_113 : memref<200x128xf32, #tpu.memory_space<hbm>>) dst(%arg9 : memref<200x128xf32, #tpu.memory_space<vmem>>)
      %dma_start3A_114 = arith.constant 0 : i32
      %dma_start3A_115 = arith.constant 0 : i32
      %dma_start3A_116 = arith.constant 0 : i32
      %dma_start3A_117 = tpu.memref_slice %arg9[%dma_start3A_115, %dma_start3A_116] : memref<200x128xf32, #tpu.memory_space<vmem>> -> memref<100x128xf32, #tpu.memory_space<vmem>>
      %dma_start3A_118 = arith.constant 0 : i32
      %dma_start3A_119 = tpu.memref_slice %arg7[%dma_start3A_114, %dma_start3A_118] : memref<2x100xi32, #tpu.memory_space<vmem>> -> memref<1x100xi32, #tpu.memory_space<vmem>>
      %dma_start3A_120 = tpu.memref_squeeze %dma_start3A_119 : memref<1x100xi32, #tpu.memory_space<vmem>> -> memref<100xi32, #tpu.memory_space<vmem>>
      %dma_start3A_121 = arith.constant 0 : i32
      %dma_start3A_122 = arith.constant 0 : i32
      %dma_start3A_123 = tpu.memref_slice %arg10[%dma_start3A_121, %dma_start3A_122] : memref<5008x128xf32, #tpu.memory_space<vmem_shared>> -> memref<5008x128xf32, #tpu.memory_space<vmem_shared>>
      tpu.enqueue_indirect_dma source(%dma_start3A_117 : memref<100x128xf32, #tpu.memory_space<vmem>>) target(%dma_start3A_123 : memref<5008x128xf32, #tpu.memory_space<vmem_shared>>) offsets(%dma_start3A_120 : memref<100xi32, #tpu.memory_space<vmem>>) semaphore(%arg14 : memref<!tpu.dma_semaphore, #tpu.memory_space<semaphore_mem>>) {add = true}
      %dma_start3A_124 = arith.constant 1 : i32
      %dma_start3A_125 = arith.constant 100 : i32
      %dma_start3A_126 = arith.constant 0 : i32
      %dma_start3A_127 = tpu.memref_slice %arg9[%dma_start3A_125, %dma_start3A_126] : memref<200x128xf32, #tpu.memory_space<vmem>> -> memref<100x128xf32, #tpu.memory_space<vmem>>
      %dma_start3A_128 = arith.constant 0 : i32
      %dma_start3A_129 = tpu.memref_slice %arg7[%dma_start3A_124, %dma_start3A_128] : memref<2x100xi32, #tpu.memory_space<vmem>> -> memref<1x100xi32, #tpu.memory_space<vmem>>
      %dma_start3A_130 = tpu.memref_squeeze %dma_start3A_129 : memref<1x100xi32, #tpu.memory_space<vmem>> -> memref<100xi32, #tpu.memory_space<vmem>>
      %dma_start3A_131 = arith.constant 0 : i32
      %dma_start3A_132 = arith.constant 0 : i32
      %dma_start3A_133 = tpu.memref_slice %arg10[%dma_start3A_131, %dma_start3A_132] : memref<5008x128xf32, #tpu.memory_space<vmem_shared>> -> memref<5008x128xf32, #tpu.memory_space<vmem_shared>>
      tpu.enqueue_indirect_dma source(%dma_start3A_127 : memref<100x128xf32, #tpu.memory_space<vmem>>) target(%dma_start3A_133 : memref<5008x128xf32, #tpu.memory_space<vmem_shared>>) offsets(%dma_start3A_130 : memref<100xi32, #tpu.memory_space<vmem>>) semaphore(%arg14 : memref<!tpu.dma_semaphore, #tpu.memory_space<semaphore_mem>>) {add = true}
      %ge3A_134 = arith.constant 1 : i32
      %ge3A_135 = arith.cmpi sge, %add3A_98, %ge3A_134 : i32
      %convert_element_type3A_136 = arith.extui %ge3A_135 : i1 to i32
      %cond3A_137 = arith.constant 0 : i32
      %cond3A_138 = arith.cmpi ne, %convert_element_type3A_136, %cond3A_137 : i32
      scf.if %cond3A_138 {
        %dma_wait3A_146 = arith.constant 0 : i32
        %dma_wait3A_147 = arith.constant 0 : i32
        %dma_wait3A_148 = arith.constant 0 : i32
        %dma_wait3A_149 = tpu.memref_slice %arg8[%dma_wait3A_147, %dma_wait3A_148] : memref<200x128xf32, #tpu.memory_space<vmem>> -> memref<100x128xf32, #tpu.memory_space<vmem>>
        %dma_wait3A_150 = arith.constant 0 : i32
        %dma_wait3A_151 = tpu.memref_slice %arg6[%dma_wait3A_146, %dma_wait3A_150] : memref<2x100xi32, #tpu.memory_space<vmem>> -> memref<1x100xi32, #tpu.memory_space<vmem>>
        %dma_wait3A_152 = tpu.memref_squeeze %dma_wait3A_151 : memref<1x100xi32, #tpu.memory_space<vmem>> -> memref<100xi32, #tpu.memory_space<vmem>>
        %dma_wait3A_153 = arith.constant 0 : i32
        %dma_wait3A_154 = arith.constant 0 : i32
        %dma_wait3A_155 = tpu.memref_slice %arg10[%dma_wait3A_153, %dma_wait3A_154] : memref<5008x128xf32, #tpu.memory_space<vmem_shared>> -> memref<5008x128xf32, #tpu.memory_space<vmem_shared>>
        tpu.wait_indirect_dma semaphore(%arg13 : memref<!tpu.dma_semaphore, #tpu.memory_space<semaphore_mem>>) src(%dma_wait3A_149 : memref<100x128xf32, #tpu.memory_space<vmem>>) dst(%dma_wait3A_155 : memref<5008x128xf32, #tpu.memory_space<vmem_shared>>)
        %dma_wait3A_156 = arith.constant 1 : i32
        %dma_wait3A_157 = arith.constant 100 : i32
        %dma_wait3A_158 = arith.constant 0 : i32
        %dma_wait3A_159 = tpu.memref_slice %arg8[%dma_wait3A_157, %dma_wait3A_158] : memref<200x128xf32, #tpu.memory_space<vmem>> -> memref<100x128xf32, #tpu.memory_space<vmem>>
        %dma_wait3A_160 = arith.constant 0 : i32
        %dma_wait3A_161 = tpu.memref_slice %arg6[%dma_wait3A_156, %dma_wait3A_160] : memref<2x100xi32, #tpu.memory_space<vmem>> -> memref<1x100xi32, #tpu.memory_space<vmem>>
        %dma_wait3A_162 = tpu.memref_squeeze %dma_wait3A_161 : memref<1x100xi32, #tpu.memory_space<vmem>> -> memref<100xi32, #tpu.memory_space<vmem>>
        %dma_wait3A_163 = arith.constant 0 : i32
        %dma_wait3A_164 = arith.constant 0 : i32
        %dma_wait3A_165 = tpu.memref_slice %arg10[%dma_wait3A_163, %dma_wait3A_164] : memref<5008x128xf32, #tpu.memory_space<vmem_shared>> -> memref<5008x128xf32, #tpu.memory_space<vmem_shared>>
        tpu.wait_indirect_dma semaphore(%arg13 : memref<!tpu.dma_semaphore, #tpu.memory_space<semaphore_mem>>) src(%dma_wait3A_159 : memref<100x128xf32, #tpu.memory_space<vmem>>) dst(%dma_wait3A_165 : memref<5008x128xf32, #tpu.memory_space<vmem_shared>>)
      } else {
      }
      %add3A_139 = arith.constant 1 : i32
      %add3A_140 = arith.addi %add3A_98, %add3A_139 : i32
      %lt3A_141 = arith.constant 100 : i32
      %lt3A_142 = arith.cmpi slt, %add3A_140, %lt3A_141 : i32
      %convert_element_type3A_143 = arith.extui %lt3A_142 : i1 to i32
      %cond3A_144 = arith.constant 0 : i32
      %cond3A_145 = arith.cmpi ne, %convert_element_type3A_143, %cond3A_144 : i32
      scf.if %cond3A_145 {
        %add3A_146 = arith.constant 1 : i32
        %add3A_147 = arith.addi %add3A_98, %add3A_146 : i32
        %dma_start3A_148 = arith.constant 0 : i32
        %dma_start3A_149 = arith.constant 0 : i32
        %dma_start3A_150 = tpu.memref_slice %arg3[%arg0, %arg1, %add3A_147, %dma_start3A_148, %dma_start3A_149] : memref<2x16x100x2x100xi32, #tpu.memory_space<hbm>> -> memref<1x1x1x2x100xi32, #tpu.memory_space<hbm>>
        %dma_start3A_151 = tpu.memref_squeeze %dma_start3A_150 : memref<1x1x1x2x100xi32, #tpu.memory_space<hbm>> -> memref<2x100xi32, #tpu.memory_space<hbm>>
        %dma_start3A_152 = arith.constant 0 : i32
        %dma_start3A_153 = arith.constant 0 : i32
        %dma_start3A_154 = tpu.memref_slice %arg3[%arg0, %arg1, %add3A_147, %dma_start3A_152, %dma_start3A_153] : memref<2x16x100x2x100xi32, #tpu.memory_space<hbm>> -> memref<1x1x1x2x100xi32, #tpu.memory_space<hbm>>
        %dma_start3A_155 = tpu.memref_squeeze %dma_start3A_154 : memref<1x1x1x2x100xi32, #tpu.memory_space<hbm>> -> memref<2x100xi32, #tpu.memory_space<hbm>>
        tpu.enqueue_dma source(%dma_start3A_155 : memref<2x100xi32, #tpu.memory_space<hbm>>) target(%arg6 : memref<2x100xi32, #tpu.memory_space<vmem>>) target_semaphore(%arg11 : memref<!tpu.dma_semaphore, #tpu.memory_space<semaphore_mem>>)
        %mul3A_156 = arith.constant 200 : i32
        %mul3A_157 = arith.muli %add3A_147, %mul3A_156 : i32
        %add3A_158 = arith.addi %mul3A_0, %mul3A_157 : i32
        %dma_start3A_159 = arith.constant 0 : i32
        %dma_start3A_160 = tpu.memref_slice %arg2[%add3A_158, %dma_start3A_159] : memref<320000x128xf32, #tpu.memory_space<hbm>> -> memref<200x128xf32, #tpu.memory_space<hbm>>
        %dma_start3A_161 = arith.constant 0 : i32
        %dma_start3A_162 = tpu.memref_slice %arg2[%add3A_158, %dma_start3A_161] : memref<320000x128xf32, #tpu.memory_space<hbm>> -> memref<200x128xf32, #tpu.memory_space<hbm>>
        tpu.enqueue_dma source(%dma_start3A_162 : memref<200x128xf32, #tpu.memory_space<hbm>>) target(%arg8 : memref<200x128xf32, #tpu.memory_space<vmem>>) target_semaphore(%arg11 : memref<!tpu.dma_semaphore, #tpu.memory_space<semaphore_mem>>)
      } else {
      }
    }
    %scan3A_20 = arith.constant 50 : i32
    %dma_wait3A = arith.constant 0 : i32
    %dma_wait3A_21 = arith.constant 0 : i32
    %dma_wait3A_22 = arith.constant 0 : i32
    %dma_wait3A_23 = tpu.memref_slice %arg9[%dma_wait3A_21, %dma_wait3A_22] : memref<200x128xf32, #tpu.memory_space<vmem>> -> memref<100x128xf32, #tpu.memory_space<vmem>>
    %dma_wait3A_24 = arith.constant 0 : i32
    %dma_wait3A_25 = tpu.memref_slice %arg7[%dma_wait3A, %dma_wait3A_24] : memref<2x100xi32, #tpu.memory_space<vmem>> -> memref<1x100xi32, #tpu.memory_space<vmem>>
    %dma_wait3A_26 = tpu.memref_squeeze %dma_wait3A_25 : memref<1x100xi32, #tpu.memory_space<vmem>> -> memref<100xi32, #tpu.memory_space<vmem>>
    %dma_wait3A_27 = arith.constant 0 : i32
    %dma_wait3A_28 = arith.constant 0 : i32
    %dma_wait3A_29 = tpu.memref_slice %arg10[%dma_wait3A_27, %dma_wait3A_28] : memref<5008x128xf32, #tpu.memory_space<vmem_shared>> -> memref<5008x128xf32, #tpu.memory_space<vmem_shared>>
    tpu.wait_indirect_dma semaphore(%arg14 : memref<!tpu.dma_semaphore, #tpu.memory_space<semaphore_mem>>) src(%dma_wait3A_23 : memref<100x128xf32, #tpu.memory_space<vmem>>) dst(%dma_wait3A_29 : memref<5008x128xf32, #tpu.memory_space<vmem_shared>>)
    %dma_wait3A_30 = arith.constant 1 : i32
    %dma_wait3A_31 = arith.constant 100 : i32
    %dma_wait3A_32 = arith.constant 0 : i32
    %dma_wait3A_33 = tpu.memref_slice %arg9[%dma_wait3A_31, %dma_wait3A_32] : memref<200x128xf32, #tpu.memory_space<vmem>> -> memref<100x128xf32, #tpu.memory_space<vmem>>
    %dma_wait3A_34 = arith.constant 0 : i32
    %dma_wait3A_35 = tpu.memref_slice %arg7[%dma_wait3A_30, %dma_wait3A_34] : memref<2x100xi32, #tpu.memory_space<vmem>> -> memref<1x100xi32, #tpu.memory_space<vmem>>
    %dma_wait3A_36 = tpu.memref_squeeze %dma_wait3A_35 : memref<1x100xi32, #tpu.memory_space<vmem>> -> memref<100xi32, #tpu.memory_space<vmem>>
    %dma_wait3A_37 = arith.constant 0 : i32
    %dma_wait3A_38 = arith.constant 0 : i32
    %dma_wait3A_39 = tpu.memref_slice %arg10[%dma_wait3A_37, %dma_wait3A_38] : memref<5008x128xf32, #tpu.memory_space<vmem_shared>> -> memref<5008x128xf32, #tpu.memory_space<vmem_shared>>
    tpu.wait_indirect_dma semaphore(%arg14 : memref<!tpu.dma_semaphore, #tpu.memory_space<semaphore_mem>>) src(%dma_wait3A_33 : memref<100x128xf32, #tpu.memory_space<vmem>>) dst(%dma_wait3A_39 : memref<5008x128xf32, #tpu.memory_space<vmem_shared>>)
    %barrier3A_40 = arith.constant 0 : index
    tpu.barrier barrier_id(%barrier3A_40)
    %lt3A_41 = arith.constant 2 : i32
    %lt3A_42 = arith.cmpi slt, %arg1, %lt3A_41 : i32
    %convert_element_type3A_43 = arith.extui %lt3A_42 : i1 to i32
    %cond3A_44 = arith.constant 0 : i32
    %cond3A_45 = arith.cmpi ne, %convert_element_type3A_43, %cond3A_44 : i32
    scf.if %cond3A_45 {
      %mul3A_46 = arith.constant 2504 : i32
      %mul3A_47 = arith.muli %arg1, %mul3A_46 : i32
      %mul3A_48 = arith.constant 2504 : i32
      %mul3A_49 = arith.muli %arg1, %mul3A_48 : i32
      "tpu.region"() ({
        %run_scoped3A = tpu.sem_alloc : memref<!tpu.dma_semaphore, #tpu.memory_space<semaphore_mem>>
        %dma_start3A_50 = arith.constant 0 : i32
        %dma_start3A_51 = tpu.memref_slice %arg5[%arg0, %mul3A_49, %dma_start3A_50] : memref<2x5008x128xf32, #tpu.memory_space<hbm>> -> memref<1x2504x128xf32, #tpu.memory_space<hbm>>
        %dma_start3A_52 = tpu.memref_squeeze %dma_start3A_51 : memref<1x2504x128xf32, #tpu.memory_space<hbm>> -> memref<2504x128xf32, #tpu.memory_space<hbm>>
        %dma_start3A_53 = arith.constant 0 : i32
        %dma_start3A_54 = tpu.memref_slice %arg10[%mul3A_47, %dma_start3A_53] : memref<5008x128xf32, #tpu.memory_space<vmem_shared>> -> memref<2504x128xf32, #tpu.memory_space<vmem_shared>>
        tpu.enqueue_dma source(%dma_start3A_54 : memref<2504x128xf32, #tpu.memory_space<vmem_shared>>) target(%dma_start3A_52 : memref<2504x128xf32, #tpu.memory_space<hbm>>) target_semaphore(%run_scoped3A : memref<!tpu.dma_semaphore, #tpu.memory_space<semaphore_mem>>)
        %dma_wait3A_55 = arith.constant 0 : i32
        %dma_wait3A_56 = tpu.memref_slice %arg5[%arg0, %mul3A_49, %dma_wait3A_55] : memref<2x5008x128xf32, #tpu.memory_space<hbm>> -> memref<1x2504x128xf32, #tpu.memory_space<hbm>>
        %dma_wait3A_57 = tpu.memref_squeeze %dma_wait3A_56 : memref<1x2504x128xf32, #tpu.memory_space<hbm>> -> memref<2504x128xf32, #tpu.memory_space<hbm>>
        %dma_wait3A_58 = arith.constant 0 : i32
        %dma_wait3A_59 = tpu.memref_slice %arg10[%mul3A_47, %dma_wait3A_58] : memref<5008x128xf32, #tpu.memory_space<vmem_shared>> -> memref<2504x128xf32, #tpu.memory_space<vmem_shared>>
        tpu.wait_dma2 semaphore(%run_scoped3A : memref<!tpu.dma_semaphore, #tpu.memory_space<semaphore_mem>>) src(%dma_wait3A_59 : memref<2504x128xf32, #tpu.memory_space<vmem_shared>>) dst(%dma_wait3A_57 : memref<2504x128xf32, #tpu.memory_space<hbm>>)
        tpu.yield
      }) : () -> ()
    } else {
    }
    return
  }
}

#map = affine_map<(d0, d1) -> (0, 0)>
#map1 = affine_map<(d0, d1) -> (0, 0, 0, 0)>
module attributes {stable_mosaic.version = 14 : i64} {
  func.func @k(%arg0: i32, %arg1: i32, %arg2: memref<10000x128xf32, #tpu.memory_space<hbm>>, %arg3: memref<32x50x2x100xi32, #tpu.memory_space<hbm>>, %arg4: memref<320000x128xf32, #tpu.memory_space<hbm>>, %arg5: memref<2x100xi32, #tpu.memory_space<vmem>>, %arg6: memref<2x100xi32, #tpu.memory_space<vmem>>, %arg7: memref<200x128xf32, #tpu.memory_space<vmem>>, %arg8: memref<200x128xf32, #tpu.memory_space<vmem>>, %arg9: memref<!tpu.dma_semaphore, #tpu.memory_space<semaphore_mem>>, %arg10: memref<!tpu.dma_semaphore, #tpu.memory_space<semaphore_mem>>, %arg11: memref<!tpu.dma_semaphore, #tpu.memory_space<semaphore_mem>>, %arg12: memref<!tpu.dma_semaphore, #tpu.memory_space<semaphore_mem>>, %arg13: memref<!tpu.dma_semaphore, #tpu.memory_space<semaphore_mem>>, %arg14: memref<!tpu.dma_semaphore, #tpu.memory_space<semaphore_mem>>) attributes {dimension_semantics = [#tpu.dimension_semantics<core_parallel>, #tpu.dimension_semantics<subcore_parallel>], iteration_bounds = array<i64: 2, 16>, scalar_prefetch = 0 : i64, scratch_operands = 10 : i64, tpu.core_type = #tpu.core_type<sc_vector_subcore>, window_params = [{transform_indices = #map}, {transform_indices = #map1}, {transform_indices = #map}]} {
    %mul3A = arith.constant 2 : i32
    %mul3A_0 = arith.muli %arg1, %mul3A : i32
    %add3A = arith.addi %mul3A_0, %arg0 : i32
    %mul3A_1 = arith.constant 10000 : i32
    %mul3A_2 = arith.muli %add3A, %mul3A_1 : i32
    %dma_start3A = arith.constant 0 : i32
    %dma_start3A_3 = arith.constant 0 : i32
    %dma_start3A_4 = arith.constant 0 : i32
    %dma_start3A_5 = tpu.memref_slice %arg3[%add3A, %dma_start3A, %dma_start3A_3, %dma_start3A_4] : memref<32x50x2x100xi32, #tpu.memory_space<hbm>> -> memref<1x1x2x100xi32, #tpu.memory_space<hbm>>
    %dma_start3A_6 = tpu.memref_squeeze %dma_start3A_5 : memref<1x1x2x100xi32, #tpu.memory_space<hbm>> -> memref<2x100xi32, #tpu.memory_space<hbm>>
    %dma_start3A_7 = arith.constant 0 : i32
    %dma_start3A_8 = arith.constant 0 : i32
    %dma_start3A_9 = tpu.memref_slice %arg3[%add3A, %dma_start3A, %dma_start3A_7, %dma_start3A_8] : memref<32x50x2x100xi32, #tpu.memory_space<hbm>> -> memref<1x1x2x100xi32, #tpu.memory_space<hbm>>
    %dma_start3A_10 = tpu.memref_squeeze %dma_start3A_9 : memref<1x1x2x100xi32, #tpu.memory_space<hbm>> -> memref<2x100xi32, #tpu.memory_space<hbm>>
    tpu.enqueue_dma source(%dma_start3A_10 : memref<2x100xi32, #tpu.memory_space<hbm>>) target(%arg5 : memref<2x100xi32, #tpu.memory_space<vmem>>) target_semaphore(%arg9 : memref<!tpu.dma_semaphore, #tpu.memory_space<semaphore_mem>>)
    %scan3A = arith.constant 0 : i32
    %scan3A_11 = arith.constant 0 : i32
    %scan3A_12 = arith.constant 25 : i32
    %scan3A_13 = arith.addi %scan3A_11, %scan3A_12 : i32
    %scan3A_14 = arith.constant 1 : i32
    scf.for %scan3A_53 = %scan3A_11 to %scan3A_13 step %scan3A_14  : i32 {
      %mul3A_54 = arith.constant 2 : i32
      %mul3A_55 = arith.muli %mul3A_54, %scan3A_53 : i32
      %ge3A = arith.constant 2 : i32
      %ge3A_56 = arith.cmpi sge, %mul3A_55, %ge3A : i32
      %convert_element_type3A = arith.extui %ge3A_56 : i1 to i32
      %cond3A = arith.constant 0 : i32
      %cond3A_57 = arith.cmpi ne, %convert_element_type3A, %cond3A : i32
      scf.if %cond3A_57 {
        %sub3A = arith.constant 2 : i32
        %sub3A_146 = arith.subi %mul3A_55, %sub3A : i32
        %mul3A_147 = arith.constant 200 : i32
        %mul3A_148 = arith.muli %sub3A_146, %mul3A_147 : i32
        %add3A_149 = arith.addi %mul3A_2, %mul3A_148 : i32
        %dma_wait3A_150 = arith.constant 0 : i32
        %dma_wait3A_151 = tpu.memref_slice %arg4[%add3A_149, %dma_wait3A_150] : memref<320000x128xf32, #tpu.memory_space<hbm>> -> memref<200x128xf32, #tpu.memory_space<hbm>>
        %dma_wait3A_152 = arith.constant 0 : i32
        %dma_wait3A_153 = tpu.memref_slice %arg4[%add3A_149, %dma_wait3A_152] : memref<320000x128xf32, #tpu.memory_space<hbm>> -> memref<200x128xf32, #tpu.memory_space<hbm>>
        tpu.wait_dma2 semaphore(%arg13 : memref<!tpu.dma_semaphore, #tpu.memory_space<semaphore_mem>>) src(%arg7 : memref<200x128xf32, #tpu.memory_space<vmem>>) dst(%dma_wait3A_153 : memref<200x128xf32, #tpu.memory_space<hbm>>)
      } else {
      }
      %dma_wait3A_58 = arith.constant 0 : i32
      %dma_wait3A_59 = arith.constant 0 : i32
      %dma_wait3A_60 = tpu.memref_slice %arg3[%add3A, %mul3A_55, %dma_wait3A_58, %dma_wait3A_59] : memref<32x50x2x100xi32, #tpu.memory_space<hbm>> -> memref<1x1x2x100xi32, #tpu.memory_space<hbm>>
      %dma_wait3A_61 = tpu.memref_squeeze %dma_wait3A_60 : memref<1x1x2x100xi32, #tpu.memory_space<hbm>> -> memref<2x100xi32, #tpu.memory_space<hbm>>
      %dma_wait3A_62 = arith.constant 0 : i32
      %dma_wait3A_63 = arith.constant 0 : i32
      %dma_wait3A_64 = tpu.memref_slice %arg3[%add3A, %mul3A_55, %dma_wait3A_62, %dma_wait3A_63] : memref<32x50x2x100xi32, #tpu.memory_space<hbm>> -> memref<1x1x2x100xi32, #tpu.memory_space<hbm>>
      %dma_wait3A_65 = tpu.memref_squeeze %dma_wait3A_64 : memref<1x1x2x100xi32, #tpu.memory_space<hbm>> -> memref<2x100xi32, #tpu.memory_space<hbm>>
      tpu.wait_dma2 semaphore(%arg9 : memref<!tpu.dma_semaphore, #tpu.memory_space<semaphore_mem>>) src(%dma_wait3A_65 : memref<2x100xi32, #tpu.memory_space<hbm>>) dst(%arg5 : memref<2x100xi32, #tpu.memory_space<vmem>>)
      %dma_start3A_66 = arith.constant 0 : i32
      %dma_start3A_67 = arith.constant 0 : i32
      %dma_start3A_68 = arith.constant 0 : i32
      %dma_start3A_69 = tpu.memref_slice %arg7[%dma_start3A_67, %dma_start3A_68] : memref<200x128xf32, #tpu.memory_space<vmem>> -> memref<100x128xf32, #tpu.memory_space<vmem>>
      %dma_start3A_70 = arith.constant 0 : i32
      %dma_start3A_71 = tpu.memref_slice %arg5[%dma_start3A_66, %dma_start3A_70] : memref<2x100xi32, #tpu.memory_space<vmem>> -> memref<1x100xi32, #tpu.memory_space<vmem>>
      %dma_start3A_72 = tpu.memref_squeeze %dma_start3A_71 : memref<1x100xi32, #tpu.memory_space<vmem>> -> memref<100xi32, #tpu.memory_space<vmem>>
      %dma_start3A_73 = arith.constant 0 : i32
      %dma_start3A_74 = arith.constant 0 : i32
      %dma_start3A_75 = tpu.memref_slice %arg2[%dma_start3A_73, %dma_start3A_74] : memref<10000x128xf32, #tpu.memory_space<hbm>> -> memref<10000x128xf32, #tpu.memory_space<hbm>>
      tpu.enqueue_indirect_dma source(%dma_start3A_75 : memref<10000x128xf32, #tpu.memory_space<hbm>>) target(%dma_start3A_69 : memref<100x128xf32, #tpu.memory_space<vmem>>) offsets(%dma_start3A_72 : memref<100xi32, #tpu.memory_space<vmem>>) semaphore(%arg11 : memref<!tpu.dma_semaphore, #tpu.memory_space<semaphore_mem>>)
      %dma_start3A_76 = arith.constant 1 : i32
      %dma_start3A_77 = arith.constant 100 : i32
      %dma_start3A_78 = arith.constant 0 : i32
      %dma_start3A_79 = tpu.memref_slice %arg7[%dma_start3A_77, %dma_start3A_78] : memref<200x128xf32, #tpu.memory_space<vmem>> -> memref<100x128xf32, #tpu.memory_space<vmem>>
      %dma_start3A_80 = arith.constant 0 : i32
      %dma_start3A_81 = tpu.memref_slice %arg5[%dma_start3A_76, %dma_start3A_80] : memref<2x100xi32, #tpu.memory_space<vmem>> -> memref<1x100xi32, #tpu.memory_space<vmem>>
      %dma_start3A_82 = tpu.memref_squeeze %dma_start3A_81 : memref<1x100xi32, #tpu.memory_space<vmem>> -> memref<100xi32, #tpu.memory_space<vmem>>
      %dma_start3A_83 = arith.constant 0 : i32
      %dma_start3A_84 = arith.constant 0 : i32
      %dma_start3A_85 = tpu.memref_slice %arg2[%dma_start3A_83, %dma_start3A_84] : memref<10000x128xf32, #tpu.memory_space<hbm>> -> memref<10000x128xf32, #tpu.memory_space<hbm>>
      tpu.enqueue_indirect_dma source(%dma_start3A_85 : memref<10000x128xf32, #tpu.memory_space<hbm>>) target(%dma_start3A_79 : memref<100x128xf32, #tpu.memory_space<vmem>>) offsets(%dma_start3A_82 : memref<100xi32, #tpu.memory_space<vmem>>) semaphore(%arg11 : memref<!tpu.dma_semaphore, #tpu.memory_space<semaphore_mem>>)
      %ge3A_86 = arith.constant 1 : i32
      %ge3A_87 = arith.cmpi sge, %mul3A_55, %ge3A_86 : i32
      %convert_element_type3A_88 = arith.extui %ge3A_87 : i1 to i32
      %cond3A_89 = arith.constant 0 : i32
      %cond3A_90 = arith.cmpi ne, %convert_element_type3A_88, %cond3A_89 : i32
      scf.if %cond3A_90 {
        %dma_wait3A_146 = arith.constant 0 : i32
        %dma_wait3A_147 = arith.constant 0 : i32
        %dma_wait3A_148 = arith.constant 0 : i32
        %dma_wait3A_149 = tpu.memref_slice %arg8[%dma_wait3A_147, %dma_wait3A_148] : memref<200x128xf32, #tpu.memory_space<vmem>> -> memref<100x128xf32, #tpu.memory_space<vmem>>
        %dma_wait3A_150 = arith.constant 0 : i32
        %dma_wait3A_151 = tpu.memref_slice %arg6[%dma_wait3A_146, %dma_wait3A_150] : memref<2x100xi32, #tpu.memory_space<vmem>> -> memref<1x100xi32, #tpu.memory_space<vmem>>
        %dma_wait3A_152 = tpu.memref_squeeze %dma_wait3A_151 : memref<1x100xi32, #tpu.memory_space<vmem>> -> memref<100xi32, #tpu.memory_space<vmem>>
        %dma_wait3A_153 = arith.constant 0 : i32
        %dma_wait3A_154 = arith.constant 0 : i32
        %dma_wait3A_155 = tpu.memref_slice %arg2[%dma_wait3A_153, %dma_wait3A_154] : memref<10000x128xf32, #tpu.memory_space<hbm>> -> memref<10000x128xf32, #tpu.memory_space<hbm>>
        tpu.wait_indirect_dma semaphore(%arg12 : memref<!tpu.dma_semaphore, #tpu.memory_space<semaphore_mem>>) src(%dma_wait3A_155 : memref<10000x128xf32, #tpu.memory_space<hbm>>) dst(%dma_wait3A_149 : memref<100x128xf32, #tpu.memory_space<vmem>>)
        %dma_wait3A_156 = arith.constant 1 : i32
        %dma_wait3A_157 = arith.constant 100 : i32
        %dma_wait3A_158 = arith.constant 0 : i32
        %dma_wait3A_159 = tpu.memref_slice %arg8[%dma_wait3A_157, %dma_wait3A_158] : memref<200x128xf32, #tpu.memory_space<vmem>> -> memref<100x128xf32, #tpu.memory_space<vmem>>
        %dma_wait3A_160 = arith.constant 0 : i32
        %dma_wait3A_161 = tpu.memref_slice %arg6[%dma_wait3A_156, %dma_wait3A_160] : memref<2x100xi32, #tpu.memory_space<vmem>> -> memref<1x100xi32, #tpu.memory_space<vmem>>
        %dma_wait3A_162 = tpu.memref_squeeze %dma_wait3A_161 : memref<1x100xi32, #tpu.memory_space<vmem>> -> memref<100xi32, #tpu.memory_space<vmem>>
        %dma_wait3A_163 = arith.constant 0 : i32
        %dma_wait3A_164 = arith.constant 0 : i32
        %dma_wait3A_165 = tpu.memref_slice %arg2[%dma_wait3A_163, %dma_wait3A_164] : memref<10000x128xf32, #tpu.memory_space<hbm>> -> memref<10000x128xf32, #tpu.memory_space<hbm>>
        tpu.wait_indirect_dma semaphore(%arg12 : memref<!tpu.dma_semaphore, #tpu.memory_space<semaphore_mem>>) src(%dma_wait3A_165 : memref<10000x128xf32, #tpu.memory_space<hbm>>) dst(%dma_wait3A_159 : memref<100x128xf32, #tpu.memory_space<vmem>>)
        %sub3A = arith.constant 1 : i32
        %sub3A_166 = arith.subi %mul3A_55, %sub3A : i32
        %mul3A_167 = arith.constant 200 : i32
        %mul3A_168 = arith.muli %sub3A_166, %mul3A_167 : i32
        %add3A_169 = arith.addi %mul3A_2, %mul3A_168 : i32
        %dma_start3A_170 = arith.constant 0 : i32
        %dma_start3A_171 = tpu.memref_slice %arg4[%add3A_169, %dma_start3A_170] : memref<320000x128xf32, #tpu.memory_space<hbm>> -> memref<200x128xf32, #tpu.memory_space<hbm>>
        %dma_start3A_172 = arith.constant 0 : i32
        %dma_start3A_173 = tpu.memref_slice %arg4[%add3A_169, %dma_start3A_172] : memref<320000x128xf32, #tpu.memory_space<hbm>> -> memref<200x128xf32, #tpu.memory_space<hbm>>
        tpu.enqueue_dma source(%arg8 : memref<200x128xf32, #tpu.memory_space<vmem>>) target(%dma_start3A_173 : memref<200x128xf32, #tpu.memory_space<hbm>>) target_semaphore(%arg14 : memref<!tpu.dma_semaphore, #tpu.memory_space<semaphore_mem>>)
      } else {
      }
      %add3A_91 = arith.constant 1 : i32
      %add3A_92 = arith.addi %mul3A_55, %add3A_91 : i32
      %lt3A = arith.constant 50 : i32
      %lt3A_93 = arith.cmpi slt, %add3A_92, %lt3A : i32
      %convert_element_type3A_94 = arith.extui %lt3A_93 : i1 to i32
      %cond3A_95 = arith.constant 0 : i32
      %cond3A_96 = arith.cmpi ne, %convert_element_type3A_94, %cond3A_95 : i32
      scf.if %cond3A_96 {
        %add3A_146 = arith.constant 1 : i32
        %add3A_147 = arith.addi %mul3A_55, %add3A_146 : i32
        %dma_start3A_148 = arith.constant 0 : i32
        %dma_start3A_149 = arith.constant 0 : i32
        %dma_start3A_150 = tpu.memref_slice %arg3[%add3A, %add3A_147, %dma_start3A_148, %dma_start3A_149] : memref<32x50x2x100xi32, #tpu.memory_space<hbm>> -> memref<1x1x2x100xi32, #tpu.memory_space<hbm>>
        %dma_start3A_151 = tpu.memref_squeeze %dma_start3A_150 : memref<1x1x2x100xi32, #tpu.memory_space<hbm>> -> memref<2x100xi32, #tpu.memory_space<hbm>>
        %dma_start3A_152 = arith.constant 0 : i32
        %dma_start3A_153 = arith.constant 0 : i32
        %dma_start3A_154 = tpu.memref_slice %arg3[%add3A, %add3A_147, %dma_start3A_152, %dma_start3A_153] : memref<32x50x2x100xi32, #tpu.memory_space<hbm>> -> memref<1x1x2x100xi32, #tpu.memory_space<hbm>>
        %dma_start3A_155 = tpu.memref_squeeze %dma_start3A_154 : memref<1x1x2x100xi32, #tpu.memory_space<hbm>> -> memref<2x100xi32, #tpu.memory_space<hbm>>
        tpu.enqueue_dma source(%dma_start3A_155 : memref<2x100xi32, #tpu.memory_space<hbm>>) target(%arg6 : memref<2x100xi32, #tpu.memory_space<vmem>>) target_semaphore(%arg10 : memref<!tpu.dma_semaphore, #tpu.memory_space<semaphore_mem>>)
      } else {
      }
      %mul3A_97 = arith.constant 2 : i32
      %mul3A_98 = arith.muli %mul3A_97, %scan3A_53 : i32
      %add3A_99 = arith.constant 1 : i32
      %add3A_100 = arith.addi %mul3A_98, %add3A_99 : i32
      %ge3A_101 = arith.constant 2 : i32
      %ge3A_102 = arith.cmpi sge, %add3A_100, %ge3A_101 : i32
      %convert_element_type3A_103 = arith.extui %ge3A_102 : i1 to i32
      %cond3A_104 = arith.constant 0 : i32
      %cond3A_105 = arith.cmpi ne, %convert_element_type3A_103, %cond3A_104 : i32
      scf.if %cond3A_105 {
        %sub3A = arith.constant 2 : i32
        %sub3A_146 = arith.subi %add3A_100, %sub3A : i32
        %mul3A_147 = arith.constant 200 : i32
        %mul3A_148 = arith.muli %sub3A_146, %mul3A_147 : i32
        %add3A_149 = arith.addi %mul3A_2, %mul3A_148 : i32
        %dma_wait3A_150 = arith.constant 0 : i32
        %dma_wait3A_151 = tpu.memref_slice %arg4[%add3A_149, %dma_wait3A_150] : memref<320000x128xf32, #tpu.memory_space<hbm>> -> memref<200x128xf32, #tpu.memory_space<hbm>>
        %dma_wait3A_152 = arith.constant 0 : i32
        %dma_wait3A_153 = tpu.memref_slice %arg4[%add3A_149, %dma_wait3A_152] : memref<320000x128xf32, #tpu.memory_space<hbm>> -> memref<200x128xf32, #tpu.memory_space<hbm>>
        tpu.wait_dma2 semaphore(%arg14 : memref<!tpu.dma_semaphore, #tpu.memory_space<semaphore_mem>>) src(%arg8 : memref<200x128xf32, #tpu.memory_space<vmem>>) dst(%dma_wait3A_153 : memref<200x128xf32, #tpu.memory_space<hbm>>)
      } else {
      }
      %dma_wait3A_106 = arith.constant 0 : i32
      %dma_wait3A_107 = arith.constant 0 : i32
      %dma_wait3A_108 = tpu.memref_slice %arg3[%add3A, %add3A_100, %dma_wait3A_106, %dma_wait3A_107] : memref<32x50x2x100xi32, #tpu.memory_space<hbm>> -> memref<1x1x2x100xi32, #tpu.memory_space<hbm>>
      %dma_wait3A_109 = tpu.memref_squeeze %dma_wait3A_108 : memref<1x1x2x100xi32, #tpu.memory_space<hbm>> -> memref<2x100xi32, #tpu.memory_space<hbm>>
      %dma_wait3A_110 = arith.constant 0 : i32
      %dma_wait3A_111 = arith.constant 0 : i32
      %dma_wait3A_112 = tpu.memref_slice %arg3[%add3A, %add3A_100, %dma_wait3A_110, %dma_wait3A_111] : memref<32x50x2x100xi32, #tpu.memory_space<hbm>> -> memref<1x1x2x100xi32, #tpu.memory_space<hbm>>
      %dma_wait3A_113 = tpu.memref_squeeze %dma_wait3A_112 : memref<1x1x2x100xi32, #tpu.memory_space<hbm>> -> memref<2x100xi32, #tpu.memory_space<hbm>>
      tpu.wait_dma2 semaphore(%arg10 : memref<!tpu.dma_semaphore, #tpu.memory_space<semaphore_mem>>) src(%dma_wait3A_113 : memref<2x100xi32, #tpu.memory_space<hbm>>) dst(%arg6 : memref<2x100xi32, #tpu.memory_space<vmem>>)
      %dma_start3A_114 = arith.constant 0 : i32
      %dma_start3A_115 = arith.constant 0 : i32
      %dma_start3A_116 = arith.constant 0 : i32
      %dma_start3A_117 = tpu.memref_slice %arg8[%dma_start3A_115, %dma_start3A_116] : memref<200x128xf32, #tpu.memory_space<vmem>> -> memref<100x128xf32, #tpu.memory_space<vmem>>
      %dma_start3A_118 = arith.constant 0 : i32
      %dma_start3A_119 = tpu.memref_slice %arg6[%dma_start3A_114, %dma_start3A_118] : memref<2x100xi32, #tpu.memory_space<vmem>> -> memref<1x100xi32, #tpu.memory_space<vmem>>
      %dma_start3A_120 = tpu.memref_squeeze %dma_start3A_119 : memref<1x100xi32, #tpu.memory_space<vmem>> -> memref<100xi32, #tpu.memory_space<vmem>>
      %dma_start3A_121 = arith.constant 0 : i32
      %dma_start3A_122 = arith.constant 0 : i32
      %dma_start3A_123 = tpu.memref_slice %arg2[%dma_start3A_121, %dma_start3A_122] : memref<10000x128xf32, #tpu.memory_space<hbm>> -> memref<10000x128xf32, #tpu.memory_space<hbm>>
      tpu.enqueue_indirect_dma source(%dma_start3A_123 : memref<10000x128xf32, #tpu.memory_space<hbm>>) target(%dma_start3A_117 : memref<100x128xf32, #tpu.memory_space<vmem>>) offsets(%dma_start3A_120 : memref<100xi32, #tpu.memory_space<vmem>>) semaphore(%arg12 : memref<!tpu.dma_semaphore, #tpu.memory_space<semaphore_mem>>)
      %dma_start3A_124 = arith.constant 1 : i32
      %dma_start3A_125 = arith.constant 100 : i32
      %dma_start3A_126 = arith.constant 0 : i32
      %dma_start3A_127 = tpu.memref_slice %arg8[%dma_start3A_125, %dma_start3A_126] : memref<200x128xf32, #tpu.memory_space<vmem>> -> memref<100x128xf32, #tpu.memory_space<vmem>>
      %dma_start3A_128 = arith.constant 0 : i32
      %dma_start3A_129 = tpu.memref_slice %arg6[%dma_start3A_124, %dma_start3A_128] : memref<2x100xi32, #tpu.memory_space<vmem>> -> memref<1x100xi32, #tpu.memory_space<vmem>>
      %dma_start3A_130 = tpu.memref_squeeze %dma_start3A_129 : memref<1x100xi32, #tpu.memory_space<vmem>> -> memref<100xi32, #tpu.memory_space<vmem>>
      %dma_start3A_131 = arith.constant 0 : i32
      %dma_start3A_132 = arith.constant 0 : i32
      %dma_start3A_133 = tpu.memref_slice %arg2[%dma_start3A_131, %dma_start3A_132] : memref<10000x128xf32, #tpu.memory_space<hbm>> -> memref<10000x128xf32, #tpu.memory_space<hbm>>
      tpu.enqueue_indirect_dma source(%dma_start3A_133 : memref<10000x128xf32, #tpu.memory_space<hbm>>) target(%dma_start3A_127 : memref<100x128xf32, #tpu.memory_space<vmem>>) offsets(%dma_start3A_130 : memref<100xi32, #tpu.memory_space<vmem>>) semaphore(%arg12 : memref<!tpu.dma_semaphore, #tpu.memory_space<semaphore_mem>>)
      %ge3A_134 = arith.constant 1 : i32
      %ge3A_135 = arith.cmpi sge, %add3A_100, %ge3A_134 : i32
      %convert_element_type3A_136 = arith.extui %ge3A_135 : i1 to i32
      %cond3A_137 = arith.constant 0 : i32
      %cond3A_138 = arith.cmpi ne, %convert_element_type3A_136, %cond3A_137 : i32
      scf.if %cond3A_138 {
        %dma_wait3A_146 = arith.constant 0 : i32
        %dma_wait3A_147 = arith.constant 0 : i32
        %dma_wait3A_148 = arith.constant 0 : i32
        %dma_wait3A_149 = tpu.memref_slice %arg7[%dma_wait3A_147, %dma_wait3A_148] : memref<200x128xf32, #tpu.memory_space<vmem>> -> memref<100x128xf32, #tpu.memory_space<vmem>>
        %dma_wait3A_150 = arith.constant 0 : i32
        %dma_wait3A_151 = tpu.memref_slice %arg5[%dma_wait3A_146, %dma_wait3A_150] : memref<2x100xi32, #tpu.memory_space<vmem>> -> memref<1x100xi32, #tpu.memory_space<vmem>>
        %dma_wait3A_152 = tpu.memref_squeeze %dma_wait3A_151 : memref<1x100xi32, #tpu.memory_space<vmem>> -> memref<100xi32, #tpu.memory_space<vmem>>
        %dma_wait3A_153 = arith.constant 0 : i32
        %dma_wait3A_154 = arith.constant 0 : i32
        %dma_wait3A_155 = tpu.memref_slice %arg2[%dma_wait3A_153, %dma_wait3A_154] : memref<10000x128xf32, #tpu.memory_space<hbm>> -> memref<10000x128xf32, #tpu.memory_space<hbm>>
        tpu.wait_indirect_dma semaphore(%arg11 : memref<!tpu.dma_semaphore, #tpu.memory_space<semaphore_mem>>) src(%dma_wait3A_155 : memref<10000x128xf32, #tpu.memory_space<hbm>>) dst(%dma_wait3A_149 : memref<100x128xf32, #tpu.memory_space<vmem>>)
        %dma_wait3A_156 = arith.constant 1 : i32
        %dma_wait3A_157 = arith.constant 100 : i32
        %dma_wait3A_158 = arith.constant 0 : i32
        %dma_wait3A_159 = tpu.memref_slice %arg7[%dma_wait3A_157, %dma_wait3A_158] : memref<200x128xf32, #tpu.memory_space<vmem>> -> memref<100x128xf32, #tpu.memory_space<vmem>>
        %dma_wait3A_160 = arith.constant 0 : i32
        %dma_wait3A_161 = tpu.memref_slice %arg5[%dma_wait3A_156, %dma_wait3A_160] : memref<2x100xi32, #tpu.memory_space<vmem>> -> memref<1x100xi32, #tpu.memory_space<vmem>>
        %dma_wait3A_162 = tpu.memref_squeeze %dma_wait3A_161 : memref<1x100xi32, #tpu.memory_space<vmem>> -> memref<100xi32, #tpu.memory_space<vmem>>
        %dma_wait3A_163 = arith.constant 0 : i32
        %dma_wait3A_164 = arith.constant 0 : i32
        %dma_wait3A_165 = tpu.memref_slice %arg2[%dma_wait3A_163, %dma_wait3A_164] : memref<10000x128xf32, #tpu.memory_space<hbm>> -> memref<10000x128xf32, #tpu.memory_space<hbm>>
        tpu.wait_indirect_dma semaphore(%arg11 : memref<!tpu.dma_semaphore, #tpu.memory_space<semaphore_mem>>) src(%dma_wait3A_165 : memref<10000x128xf32, #tpu.memory_space<hbm>>) dst(%dma_wait3A_159 : memref<100x128xf32, #tpu.memory_space<vmem>>)
        %sub3A = arith.constant 1 : i32
        %sub3A_166 = arith.subi %add3A_100, %sub3A : i32
        %mul3A_167 = arith.constant 200 : i32
        %mul3A_168 = arith.muli %sub3A_166, %mul3A_167 : i32
        %add3A_169 = arith.addi %mul3A_2, %mul3A_168 : i32
        %dma_start3A_170 = arith.constant 0 : i32
        %dma_start3A_171 = tpu.memref_slice %arg4[%add3A_169, %dma_start3A_170] : memref<320000x128xf32, #tpu.memory_space<hbm>> -> memref<200x128xf32, #tpu.memory_space<hbm>>
        %dma_start3A_172 = arith.constant 0 : i32
        %dma_start3A_173 = tpu.memref_slice %arg4[%add3A_169, %dma_start3A_172] : memref<320000x128xf32, #tpu.memory_space<hbm>> -> memref<200x128xf32, #tpu.memory_space<hbm>>
        tpu.enqueue_dma source(%arg7 : memref<200x128xf32, #tpu.memory_space<vmem>>) target(%dma_start3A_173 : memref<200x128xf32, #tpu.memory_space<hbm>>) target_semaphore(%arg13 : memref<!tpu.dma_semaphore, #tpu.memory_space<semaphore_mem>>)
      } else {
      }
      %add3A_139 = arith.constant 1 : i32
      %add3A_140 = arith.addi %add3A_100, %add3A_139 : i32
      %lt3A_141 = arith.constant 50 : i32
      %lt3A_142 = arith.cmpi slt, %add3A_140, %lt3A_141 : i32
      %convert_element_type3A_143 = arith.extui %lt3A_142 : i1 to i32
      %cond3A_144 = arith.constant 0 : i32
      %cond3A_145 = arith.cmpi ne, %convert_element_type3A_143, %cond3A_144 : i32
      scf.if %cond3A_145 {
        %add3A_146 = arith.constant 1 : i32
        %add3A_147 = arith.addi %add3A_100, %add3A_146 : i32
        %dma_start3A_148 = arith.constant 0 : i32
        %dma_start3A_149 = arith.constant 0 : i32
        %dma_start3A_150 = tpu.memref_slice %arg3[%add3A, %add3A_147, %dma_start3A_148, %dma_start3A_149] : memref<32x50x2x100xi32, #tpu.memory_space<hbm>> -> memref<1x1x2x100xi32, #tpu.memory_space<hbm>>
        %dma_start3A_151 = tpu.memref_squeeze %dma_start3A_150 : memref<1x1x2x100xi32, #tpu.memory_space<hbm>> -> memref<2x100xi32, #tpu.memory_space<hbm>>
        %dma_start3A_152 = arith.constant 0 : i32
        %dma_start3A_153 = arith.constant 0 : i32
        %dma_start3A_154 = tpu.memref_slice %arg3[%add3A, %add3A_147, %dma_start3A_152, %dma_start3A_153] : memref<32x50x2x100xi32, #tpu.memory_space<hbm>> -> memref<1x1x2x100xi32, #tpu.memory_space<hbm>>
        %dma_start3A_155 = tpu.memref_squeeze %dma_start3A_154 : memref<1x1x2x100xi32, #tpu.memory_space<hbm>> -> memref<2x100xi32, #tpu.memory_space<hbm>>
        tpu.enqueue_dma source(%dma_start3A_155 : memref<2x100xi32, #tpu.memory_space<hbm>>) target(%arg5 : memref<2x100xi32, #tpu.memory_space<vmem>>) target_semaphore(%arg9 : memref<!tpu.dma_semaphore, #tpu.memory_space<semaphore_mem>>)
      } else {
      }
    }
    %scan3A_15 = arith.constant 25 : i32
    %dma_wait3A = arith.constant 0 : i32
    %dma_wait3A_16 = arith.constant 0 : i32
    %dma_wait3A_17 = arith.constant 0 : i32
    %dma_wait3A_18 = tpu.memref_slice %arg8[%dma_wait3A_16, %dma_wait3A_17] : memref<200x128xf32, #tpu.memory_space<vmem>> -> memref<100x128xf32, #tpu.memory_space<vmem>>
    %dma_wait3A_19 = arith.constant 0 : i32
    %dma_wait3A_20 = tpu.memref_slice %arg6[%dma_wait3A, %dma_wait3A_19] : memref<2x100xi32, #tpu.memory_space<vmem>> -> memref<1x100xi32, #tpu.memory_space<vmem>>
    %dma_wait3A_21 = tpu.memref_squeeze %dma_wait3A_20 : memref<1x100xi32, #tpu.memory_space<vmem>> -> memref<100xi32, #tpu.memory_space<vmem>>
    %dma_wait3A_22 = arith.constant 0 : i32
    %dma_wait3A_23 = arith.constant 0 : i32
    %dma_wait3A_24 = tpu.memref_slice %arg2[%dma_wait3A_22, %dma_wait3A_23] : memref<10000x128xf32, #tpu.memory_space<hbm>> -> memref<10000x128xf32, #tpu.memory_space<hbm>>
    tpu.wait_indirect_dma semaphore(%arg12 : memref<!tpu.dma_semaphore, #tpu.memory_space<semaphore_mem>>) src(%dma_wait3A_24 : memref<10000x128xf32, #tpu.memory_space<hbm>>) dst(%dma_wait3A_18 : memref<100x128xf32, #tpu.memory_space<vmem>>)
    %dma_wait3A_25 = arith.constant 1 : i32
    %dma_wait3A_26 = arith.constant 100 : i32
    %dma_wait3A_27 = arith.constant 0 : i32
    %dma_wait3A_28 = tpu.memref_slice %arg8[%dma_wait3A_26, %dma_wait3A_27] : memref<200x128xf32, #tpu.memory_space<vmem>> -> memref<100x128xf32, #tpu.memory_space<vmem>>
    %dma_wait3A_29 = arith.constant 0 : i32
    %dma_wait3A_30 = tpu.memref_slice %arg6[%dma_wait3A_25, %dma_wait3A_29] : memref<2x100xi32, #tpu.memory_space<vmem>> -> memref<1x100xi32, #tpu.memory_space<vmem>>
    %dma_wait3A_31 = tpu.memref_squeeze %dma_wait3A_30 : memref<1x100xi32, #tpu.memory_space<vmem>> -> memref<100xi32, #tpu.memory_space<vmem>>
    %dma_wait3A_32 = arith.constant 0 : i32
    %dma_wait3A_33 = arith.constant 0 : i32
    %dma_wait3A_34 = tpu.memref_slice %arg2[%dma_wait3A_32, %dma_wait3A_33] : memref<10000x128xf32, #tpu.memory_space<hbm>> -> memref<10000x128xf32, #tpu.memory_space<hbm>>
    tpu.wait_indirect_dma semaphore(%arg12 : memref<!tpu.dma_semaphore, #tpu.memory_space<semaphore_mem>>) src(%dma_wait3A_34 : memref<10000x128xf32, #tpu.memory_space<hbm>>) dst(%dma_wait3A_28 : memref<100x128xf32, #tpu.memory_space<vmem>>)
    %add3A_35 = arith.constant 9800 : i32
    %add3A_36 = arith.addi %mul3A_2, %add3A_35 : i32
    %dma_start3A_37 = arith.constant 0 : i32
    %dma_start3A_38 = tpu.memref_slice %arg4[%add3A_36, %dma_start3A_37] : memref<320000x128xf32, #tpu.memory_space<hbm>> -> memref<200x128xf32, #tpu.memory_space<hbm>>
    %dma_start3A_39 = arith.constant 0 : i32
    %dma_start3A_40 = tpu.memref_slice %arg4[%add3A_36, %dma_start3A_39] : memref<320000x128xf32, #tpu.memory_space<hbm>> -> memref<200x128xf32, #tpu.memory_space<hbm>>
    tpu.enqueue_dma source(%arg8 : memref<200x128xf32, #tpu.memory_space<vmem>>) target(%dma_start3A_40 : memref<200x128xf32, #tpu.memory_space<hbm>>) target_semaphore(%arg14 : memref<!tpu.dma_semaphore, #tpu.memory_space<semaphore_mem>>)
    %add3A_41 = arith.constant 9600 : i32
    %add3A_42 = arith.addi %mul3A_2, %add3A_41 : i32
    %dma_wait3A_43 = arith.constant 0 : i32
    %dma_wait3A_44 = tpu.memref_slice %arg4[%add3A_42, %dma_wait3A_43] : memref<320000x128xf32, #tpu.memory_space<hbm>> -> memref<200x128xf32, #tpu.memory_space<hbm>>
    %dma_wait3A_45 = arith.constant 0 : i32
    %dma_wait3A_46 = tpu.memref_slice %arg4[%add3A_42, %dma_wait3A_45] : memref<320000x128xf32, #tpu.memory_space<hbm>> -> memref<200x128xf32, #tpu.memory_space<hbm>>
    tpu.wait_dma2 semaphore(%arg13 : memref<!tpu.dma_semaphore, #tpu.memory_space<semaphore_mem>>) src(%arg7 : memref<200x128xf32, #tpu.memory_space<vmem>>) dst(%dma_wait3A_46 : memref<200x128xf32, #tpu.memory_space<hbm>>)
    %add3A_47 = arith.constant 9800 : i32
    %add3A_48 = arith.addi %mul3A_2, %add3A_47 : i32
    %dma_wait3A_49 = arith.constant 0 : i32
    %dma_wait3A_50 = tpu.memref_slice %arg4[%add3A_48, %dma_wait3A_49] : memref<320000x128xf32, #tpu.memory_space<hbm>> -> memref<200x128xf32, #tpu.memory_space<hbm>>
    %dma_wait3A_51 = arith.constant 0 : i32
    %dma_wait3A_52 = tpu.memref_slice %arg4[%add3A_48, %dma_wait3A_51] : memref<320000x128xf32, #tpu.memory_space<hbm>> -> memref<200x128xf32, #tpu.memory_space<hbm>>
    tpu.wait_dma2 semaphore(%arg14 : memref<!tpu.dma_semaphore, #tpu.memory_space<semaphore_mem>>) src(%arg8 : memref<200x128xf32, #tpu.memory_space<vmem>>) dst(%dma_wait3A_52 : memref<200x128xf32, #tpu.memory_space<hbm>>)
    return
  }
}

#map = affine_map<(d0, d1) -> (0, 0)>
#map1 = affine_map<(d0, d1) -> (0, 0, 0, 0, 0)>
#map2 = affine_map<(d0, d1) -> (0, 0, 0)>
module attributes {stable_mosaic.version = 14 : i64} {
  func.func @k(%arg0: i32, %arg1: i32, %arg2: memref<320000x128xf32, #tpu.memory_space<hbm>>, %arg3: memref<2x16x100x2x100xi32, #tpu.memory_space<hbm>>, %arg4: memref<5008x128xf32, #tpu.memory_space<hbm>>, %arg5: memref<2x5008x128xf32, #tpu.memory_space<hbm>>, %arg6: memref<2x100xi32, #tpu.memory_space<vmem>>, %arg7: memref<2x100xi32, #tpu.memory_space<vmem>>, %arg8: memref<200x128xf32, #tpu.memory_space<vmem>>, %arg9: memref<200x128xf32, #tpu.memory_space<vmem>>, %arg10: memref<5008x128xf32, #tpu.memory_space<vmem_shared>>, %arg11: memref<!tpu.dma_semaphore, #tpu.memory_space<semaphore_mem>>, %arg12: memref<!tpu.dma_semaphore, #tpu.memory_space<semaphore_mem>>, %arg13: memref<!tpu.dma_semaphore, #tpu.memory_space<semaphore_mem>>, %arg14: memref<!tpu.dma_semaphore, #tpu.memory_space<semaphore_mem>>) attributes {dimension_semantics = [#tpu.dimension_semantics<core_parallel>, #tpu.dimension_semantics<subcore_parallel>], iteration_bounds = array<i64: 2, 16>, scalar_prefetch = 0 : i64, scratch_operands = 9 : i64, tpu.core_type = #tpu.core_type<sc_vector_subcore>, window_params = [{transform_indices = #map}, {transform_indices = #map1}, {transform_indices = #map}, {transform_indices = #map2}]} {
    %mul3A = arith.constant 20000 : i32
    %mul3A_0 = arith.muli %arg1, %mul3A : i32
    %lt3A = arith.constant 2 : i32
    %lt3A_1 = arith.cmpi slt, %arg1, %lt3A : i32
    %convert_element_type3A = arith.extui %lt3A_1 : i1 to i32
    %cond3A = arith.constant 0 : i32
    %cond3A_2 = arith.cmpi ne, %convert_element_type3A, %cond3A : i32
    scf.if %cond3A_2 {
      %mul3A_46 = arith.constant 2504 : i32
      %mul3A_47 = arith.muli %arg1, %mul3A_46 : i32
      %mul3A_48 = arith.constant 2504 : i32
      %mul3A_49 = arith.muli %arg1, %mul3A_48 : i32
      "tpu.region"() ({
        %run_scoped3A = tpu.sem_alloc : memref<!tpu.dma_semaphore, #tpu.memory_space<semaphore_mem>>
        %dma_start3A_50 = arith.constant 0 : i32
        %dma_start3A_51 = tpu.memref_slice %arg10[%mul3A_49, %dma_start3A_50] : memref<5008x128xf32, #tpu.memory_space<vmem_shared>> -> memref<2504x128xf32, #tpu.memory_space<vmem_shared>>
        %dma_start3A_52 = arith.constant 0 : i32
        %dma_start3A_53 = tpu.memref_slice %arg4[%mul3A_47, %dma_start3A_52] : memref<5008x128xf32, #tpu.memory_space<hbm>> -> memref<2504x128xf32, #tpu.memory_space<hbm>>
        tpu.enqueue_dma source(%dma_start3A_53 : memref<2504x128xf32, #tpu.memory_space<hbm>>) target(%dma_start3A_51 : memref<2504x128xf32, #tpu.memory_space<vmem_shared>>) target_semaphore(%run_scoped3A : memref<!tpu.dma_semaphore, #tpu.memory_space<semaphore_mem>>)
        %dma_wait3A_54 = arith.constant 0 : i32
        %dma_wait3A_55 = tpu.memref_slice %arg10[%mul3A_49, %dma_wait3A_54] : memref<5008x128xf32, #tpu.memory_space<vmem_shared>> -> memref<2504x128xf32, #tpu.memory_space<vmem_shared>>
        %dma_wait3A_56 = arith.constant 0 : i32
        %dma_wait3A_57 = tpu.memref_slice %arg4[%mul3A_47, %dma_wait3A_56] : memref<5008x128xf32, #tpu.memory_space<hbm>> -> memref<2504x128xf32, #tpu.memory_space<hbm>>
        tpu.wait_dma2 semaphore(%run_scoped3A : memref<!tpu.dma_semaphore, #tpu.memory_space<semaphore_mem>>) src(%dma_wait3A_57 : memref<2504x128xf32, #tpu.memory_space<hbm>>) dst(%dma_wait3A_55 : memref<2504x128xf32, #tpu.memory_space<vmem_shared>>)
        tpu.yield
      }) : () -> ()
    } else {
    }
    %barrier3A = arith.constant 0 : index
    tpu.barrier barrier_id(%barrier3A)
    %dma_start3A = arith.constant 0 : i32
    %dma_start3A_3 = arith.constant 0 : i32
    %dma_start3A_4 = arith.constant 0 : i32
    %dma_start3A_5 = tpu.memref_slice %arg3[%arg0, %arg1, %dma_start3A, %dma_start3A_3, %dma_start3A_4] : memref<2x16x100x2x100xi32, #tpu.memory_space<hbm>> -> memref<1x1x1x2x100xi32, #tpu.memory_space<hbm>>
    %dma_start3A_6 = tpu.memref_squeeze %dma_start3A_5 : memref<1x1x1x2x100xi32, #tpu.memory_space<hbm>> -> memref<2x100xi32, #tpu.memory_space<hbm>>
    %dma_start3A_7 = arith.constant 0 : i32
    %dma_start3A_8 = arith.constant 0 : i32
    %dma_start3A_9 = tpu.memref_slice %arg3[%arg0, %arg1, %dma_start3A, %dma_start3A_7, %dma_start3A_8] : memref<2x16x100x2x100xi32, #tpu.memory_space<hbm>> -> memref<1x1x1x2x100xi32, #tpu.memory_space<hbm>>
    %dma_start3A_10 = tpu.memref_squeeze %dma_start3A_9 : memref<1x1x1x2x100xi32, #tpu.memory_space<hbm>> -> memref<2x100xi32, #tpu.memory_space<hbm>>
    tpu.enqueue_dma source(%dma_start3A_10 : memref<2x100xi32, #tpu.memory_space<hbm>>) target(%arg6 : memref<2x100xi32, #tpu.memory_space<vmem>>) target_semaphore(%arg11 : memref<!tpu.dma_semaphore, #tpu.memory_space<semaphore_mem>>)
    %add3A = arith.constant 0 : i32
    %add3A_11 = arith.addi %mul3A_0, %add3A : i32
    %dma_start3A_12 = arith.constant 0 : i32
    %dma_start3A_13 = tpu.memref_slice %arg2[%add3A_11, %dma_start3A_12] : memref<320000x128xf32, #tpu.memory_space<hbm>> -> memref<200x128xf32, #tpu.memory_space<hbm>>
    %dma_start3A_14 = arith.constant 0 : i32
    %dma_start3A_15 = tpu.memref_slice %arg2[%add3A_11, %dma_start3A_14] : memref<320000x128xf32, #tpu.memory_space<hbm>> -> memref<200x128xf32, #tpu.memory_space<hbm>>
    tpu.enqueue_dma source(%dma_start3A_15 : memref<200x128xf32, #tpu.memory_space<hbm>>) target(%arg8 : memref<200x128xf32, #tpu.memory_space<vmem>>) target_semaphore(%arg11 : memref<!tpu.dma_semaphore, #tpu.memory_space<semaphore_mem>>)
    %scan3A = arith.constant 0 : i32
    %scan3A_16 = arith.constant 0 : i32
    %scan3A_17 = arith.constant 50 : i32
    %scan3A_18 = arith.addi %scan3A_16, %scan3A_17 : i32
    %scan3A_19 = arith.constant 1 : i32
    scf.for %scan3A_46 = %scan3A_16 to %scan3A_18 step %scan3A_19  : i32 {
      %mul3A_47 = arith.constant 2 : i32
      %mul3A_48 = arith.muli %mul3A_47, %scan3A_46 : i32
      %dma_wait3A_49 = arith.constant 0 : i32
      %dma_wait3A_50 = arith.constant 0 : i32
      %dma_wait3A_51 = tpu.memref_slice %arg3[%arg0, %arg1, %mul3A_48, %dma_wait3A_49, %dma_wait3A_50] : memref<2x16x100x2x100xi32, #tpu.memory_space<hbm>> -> memref<1x1x1x2x100xi32, #tpu.memory_space<hbm>>
      %dma_wait3A_52 = tpu.memref_squeeze %dma_wait3A_51 : memref<1x1x1x2x100xi32, #tpu.memory_space<hbm>> -> memref<2x100xi32, #tpu.memory_space<hbm>>
      %dma_wait3A_53 = arith.constant 0 : i32
      %dma_wait3A_54 = arith.constant 0 : i32
      %dma_wait3A_55 = tpu.memref_slice %arg3[%arg0, %arg1, %mul3A_48, %dma_wait3A_53, %dma_wait3A_54] : memref<2x16x100x2x100xi32, #tpu.memory_space<hbm>> -> memref<1x1x1x2x100xi32, #tpu.memory_space<hbm>>
      %dma_wait3A_56 = tpu.memref_squeeze %dma_wait3A_55 : memref<1x1x1x2x100xi32, #tpu.memory_space<hbm>> -> memref<2x100xi32, #tpu.memory_space<hbm>>
      tpu.wait_dma2 semaphore(%arg11 : memref<!tpu.dma_semaphore, #tpu.memory_space<semaphore_mem>>) src(%dma_wait3A_56 : memref<2x100xi32, #tpu.memory_space<hbm>>) dst(%arg6 : memref<2x100xi32, #tpu.memory_space<vmem>>)
      %mul3A_57 = arith.constant 200 : i32
      %mul3A_58 = arith.muli %mul3A_48, %mul3A_57 : i32
      %add3A_59 = arith.addi %mul3A_0, %mul3A_58 : i32
      %dma_wait3A_60 = arith.constant 0 : i32
      %dma_wait3A_61 = tpu.memref_slice %arg2[%add3A_59, %dma_wait3A_60] : memref<320000x128xf32, #tpu.memory_space<hbm>> -> memref<200x128xf32, #tpu.memory_space<hbm>>
      %dma_wait3A_62 = arith.constant 0 : i32
      %dma_wait3A_63 = tpu.memref_slice %arg2[%add3A_59, %dma_wait3A_62] : memref<320000x128xf32, #tpu.memory_space<hbm>> -> memref<200x128xf32, #tpu.memory_space<hbm>>
      tpu.wait_dma2 semaphore(%arg11 : memref<!tpu.dma_semaphore, #tpu.memory_space<semaphore_mem>>) src(%dma_wait3A_63 : memref<200x128xf32, #tpu.memory_space<hbm>>) dst(%arg8 : memref<200x128xf32, #tpu.memory_space<vmem>>)
      %dma_start3A_64 = arith.constant 0 : i32
      %dma_start3A_65 = arith.constant 0 : i32
      %dma_start3A_66 = arith.constant 0 : i32
      %dma_start3A_67 = tpu.memref_slice %arg8[%dma_start3A_65, %dma_start3A_66] : memref<200x128xf32, #tpu.memory_space<vmem>> -> memref<100x128xf32, #tpu.memory_space<vmem>>
      %dma_start3A_68 = arith.constant 0 : i32
      %dma_start3A_69 = tpu.memref_slice %arg6[%dma_start3A_64, %dma_start3A_68] : memref<2x100xi32, #tpu.memory_space<vmem>> -> memref<1x100xi32, #tpu.memory_space<vmem>>
      %dma_start3A_70 = tpu.memref_squeeze %dma_start3A_69 : memref<1x100xi32, #tpu.memory_space<vmem>> -> memref<100xi32, #tpu.memory_space<vmem>>
      %dma_start3A_71 = arith.constant 0 : i32
      %dma_start3A_72 = arith.constant 0 : i32
      %dma_start3A_73 = tpu.memref_slice %arg10[%dma_start3A_71, %dma_start3A_72] : memref<5008x128xf32, #tpu.memory_space<vmem_shared>> -> memref<5008x128xf32, #tpu.memory_space<vmem_shared>>
      tpu.enqueue_indirect_dma source(%dma_start3A_67 : memref<100x128xf32, #tpu.memory_space<vmem>>) target(%dma_start3A_73 : memref<5008x128xf32, #tpu.memory_space<vmem_shared>>) offsets(%dma_start3A_70 : memref<100xi32, #tpu.memory_space<vmem>>) semaphore(%arg13 : memref<!tpu.dma_semaphore, #tpu.memory_space<semaphore_mem>>) {add = true}
      %dma_start3A_74 = arith.constant 1 : i32
      %dma_start3A_75 = arith.constant 100 : i32
      %dma_start3A_76 = arith.constant 0 : i32
      %dma_start3A_77 = tpu.memref_slice %arg8[%dma_start3A_75, %dma_start3A_76] : memref<200x128xf32, #tpu.memory_space<vmem>> -> memref<100x128xf32, #tpu.memory_space<vmem>>
      %dma_start3A_78 = arith.constant 0 : i32
      %dma_start3A_79 = tpu.memref_slice %arg6[%dma_start3A_74, %dma_start3A_78] : memref<2x100xi32, #tpu.memory_space<vmem>> -> memref<1x100xi32, #tpu.memory_space<vmem>>
      %dma_start3A_80 = tpu.memref_squeeze %dma_start3A_79 : memref<1x100xi32, #tpu.memory_space<vmem>> -> memref<100xi32, #tpu.memory_space<vmem>>
      %dma_start3A_81 = arith.constant 0 : i32
      %dma_start3A_82 = arith.constant 0 : i32
      %dma_start3A_83 = tpu.memref_slice %arg10[%dma_start3A_81, %dma_start3A_82] : memref<5008x128xf32, #tpu.memory_space<vmem_shared>> -> memref<5008x128xf32, #tpu.memory_space<vmem_shared>>
      tpu.enqueue_indirect_dma source(%dma_start3A_77 : memref<100x128xf32, #tpu.memory_space<vmem>>) target(%dma_start3A_83 : memref<5008x128xf32, #tpu.memory_space<vmem_shared>>) offsets(%dma_start3A_80 : memref<100xi32, #tpu.memory_space<vmem>>) semaphore(%arg13 : memref<!tpu.dma_semaphore, #tpu.memory_space<semaphore_mem>>) {add = true}
      %ge3A = arith.constant 1 : i32
      %ge3A_84 = arith.cmpi sge, %mul3A_48, %ge3A : i32
      %convert_element_type3A_85 = arith.extui %ge3A_84 : i1 to i32
      %cond3A_86 = arith.constant 0 : i32
      %cond3A_87 = arith.cmpi ne, %convert_element_type3A_85, %cond3A_86 : i32
      scf.if %cond3A_87 {
        %dma_wait3A_146 = arith.constant 0 : i32
        %dma_wait3A_147 = arith.constant 0 : i32
        %dma_wait3A_148 = arith.constant 0 : i32
        %dma_wait3A_149 = tpu.memref_slice %arg9[%dma_wait3A_147, %dma_wait3A_148] : memref<200x128xf32, #tpu.memory_space<vmem>> -> memref<100x128xf32, #tpu.memory_space<vmem>>
        %dma_wait3A_150 = arith.constant 0 : i32
        %dma_wait3A_151 = tpu.memref_slice %arg7[%dma_wait3A_146, %dma_wait3A_150] : memref<2x100xi32, #tpu.memory_space<vmem>> -> memref<1x100xi32, #tpu.memory_space<vmem>>
        %dma_wait3A_152 = tpu.memref_squeeze %dma_wait3A_151 : memref<1x100xi32, #tpu.memory_space<vmem>> -> memref<100xi32, #tpu.memory_space<vmem>>
        %dma_wait3A_153 = arith.constant 0 : i32
        %dma_wait3A_154 = arith.constant 0 : i32
        %dma_wait3A_155 = tpu.memref_slice %arg10[%dma_wait3A_153, %dma_wait3A_154] : memref<5008x128xf32, #tpu.memory_space<vmem_shared>> -> memref<5008x128xf32, #tpu.memory_space<vmem_shared>>
        tpu.wait_indirect_dma semaphore(%arg14 : memref<!tpu.dma_semaphore, #tpu.memory_space<semaphore_mem>>) src(%dma_wait3A_149 : memref<100x128xf32, #tpu.memory_space<vmem>>) dst(%dma_wait3A_155 : memref<5008x128xf32, #tpu.memory_space<vmem_shared>>)
        %dma_wait3A_156 = arith.constant 1 : i32
        %dma_wait3A_157 = arith.constant 100 : i32
        %dma_wait3A_158 = arith.constant 0 : i32
        %dma_wait3A_159 = tpu.memref_slice %arg9[%dma_wait3A_157, %dma_wait3A_158] : memref<200x128xf32, #tpu.memory_space<vmem>> -> memref<100x128xf32, #tpu.memory_space<vmem>>
        %dma_wait3A_160 = arith.constant 0 : i32
        %dma_wait3A_161 = tpu.memref_slice %arg7[%dma_wait3A_156, %dma_wait3A_160] : memref<2x100xi32, #tpu.memory_space<vmem>> -> memref<1x100xi32, #tpu.memory_space<vmem>>
        %dma_wait3A_162 = tpu.memref_squeeze %dma_wait3A_161 : memref<1x100xi32, #tpu.memory_space<vmem>> -> memref<100xi32, #tpu.memory_space<vmem>>
        %dma_wait3A_163 = arith.constant 0 : i32
        %dma_wait3A_164 = arith.constant 0 : i32
        %dma_wait3A_165 = tpu.memref_slice %arg10[%dma_wait3A_163, %dma_wait3A_164] : memref<5008x128xf32, #tpu.memory_space<vmem_shared>> -> memref<5008x128xf32, #tpu.memory_space<vmem_shared>>
        tpu.wait_indirect_dma semaphore(%arg14 : memref<!tpu.dma_semaphore, #tpu.memory_space<semaphore_mem>>) src(%dma_wait3A_159 : memref<100x128xf32, #tpu.memory_space<vmem>>) dst(%dma_wait3A_165 : memref<5008x128xf32, #tpu.memory_space<vmem_shared>>)
      } else {
      }
      %add3A_88 = arith.constant 1 : i32
      %add3A_89 = arith.addi %mul3A_48, %add3A_88 : i32
      %lt3A_90 = arith.constant 100 : i32
      %lt3A_91 = arith.cmpi slt, %add3A_89, %lt3A_90 : i32
      %convert_element_type3A_92 = arith.extui %lt3A_91 : i1 to i32
      %cond3A_93 = arith.constant 0 : i32
      %cond3A_94 = arith.cmpi ne, %convert_element_type3A_92, %cond3A_93 : i32
      scf.if %cond3A_94 {
        %add3A_146 = arith.constant 1 : i32
        %add3A_147 = arith.addi %mul3A_48, %add3A_146 : i32
        %dma_start3A_148 = arith.constant 0 : i32
        %dma_start3A_149 = arith.constant 0 : i32
        %dma_start3A_150 = tpu.memref_slice %arg3[%arg0, %arg1, %add3A_147, %dma_start3A_148, %dma_start3A_149] : memref<2x16x100x2x100xi32, #tpu.memory_space<hbm>> -> memref<1x1x1x2x100xi32, #tpu.memory_space<hbm>>
        %dma_start3A_151 = tpu.memref_squeeze %dma_start3A_150 : memref<1x1x1x2x100xi32, #tpu.memory_space<hbm>> -> memref<2x100xi32, #tpu.memory_space<hbm>>
        %dma_start3A_152 = arith.constant 0 : i32
        %dma_start3A_153 = arith.constant 0 : i32
        %dma_start3A_154 = tpu.memref_slice %arg3[%arg0, %arg1, %add3A_147, %dma_start3A_152, %dma_start3A_153] : memref<2x16x100x2x100xi32, #tpu.memory_space<hbm>> -> memref<1x1x1x2x100xi32, #tpu.memory_space<hbm>>
        %dma_start3A_155 = tpu.memref_squeeze %dma_start3A_154 : memref<1x1x1x2x100xi32, #tpu.memory_space<hbm>> -> memref<2x100xi32, #tpu.memory_space<hbm>>
        tpu.enqueue_dma source(%dma_start3A_155 : memref<2x100xi32, #tpu.memory_space<hbm>>) target(%arg7 : memref<2x100xi32, #tpu.memory_space<vmem>>) target_semaphore(%arg12 : memref<!tpu.dma_semaphore, #tpu.memory_space<semaphore_mem>>)
        %mul3A_156 = arith.constant 200 : i32
        %mul3A_157 = arith.muli %add3A_147, %mul3A_156 : i32
        %add3A_158 = arith.addi %mul3A_0, %mul3A_157 : i32
        %dma_start3A_159 = arith.constant 0 : i32
        %dma_start3A_160 = tpu.memref_slice %arg2[%add3A_158, %dma_start3A_159] : memref<320000x128xf32, #tpu.memory_space<hbm>> -> memref<200x128xf32, #tpu.memory_space<hbm>>
        %dma_start3A_161 = arith.constant 0 : i32
        %dma_start3A_162 = tpu.memref_slice %arg2[%add3A_158, %dma_start3A_161] : memref<320000x128xf32, #tpu.memory_space<hbm>> -> memref<200x128xf32, #tpu.memory_space<hbm>>
        tpu.enqueue_dma source(%dma_start3A_162 : memref<200x128xf32, #tpu.memory_space<hbm>>) target(%arg9 : memref<200x128xf32, #tpu.memory_space<vmem>>) target_semaphore(%arg12 : memref<!tpu.dma_semaphore, #tpu.memory_space<semaphore_mem>>)
      } else {
      }
      %mul3A_95 = arith.constant 2 : i32
      %mul3A_96 = arith.muli %mul3A_95, %scan3A_46 : i32
      %add3A_97 = arith.constant 1 : i32
      %add3A_98 = arith.addi %mul3A_96, %add3A_97 : i32
      %dma_wait3A_99 = arith.constant 0 : i32
      %dma_wait3A_100 = arith.constant 0 : i32
      %dma_wait3A_101 = tpu.memref_slice %arg3[%arg0, %arg1, %add3A_98, %dma_wait3A_99, %dma_wait3A_100] : memref<2x16x100x2x100xi32, #tpu.memory_space<hbm>> -> memref<1x1x1x2x100xi32, #tpu.memory_space<hbm>>
      %dma_wait3A_102 = tpu.memref_squeeze %dma_wait3A_101 : memref<1x1x1x2x100xi32, #tpu.memory_space<hbm>> -> memref<2x100xi32, #tpu.memory_space<hbm>>
      %dma_wait3A_103 = arith.constant 0 : i32
      %dma_wait3A_104 = arith.constant 0 : i32
      %dma_wait3A_105 = tpu.memref_slice %arg3[%arg0, %arg1, %add3A_98, %dma_wait3A_103, %dma_wait3A_104] : memref<2x16x100x2x100xi32, #tpu.memory_space<hbm>> -> memref<1x1x1x2x100xi32, #tpu.memory_space<hbm>>
      %dma_wait3A_106 = tpu.memref_squeeze %dma_wait3A_105 : memref<1x1x1x2x100xi32, #tpu.memory_space<hbm>> -> memref<2x100xi32, #tpu.memory_space<hbm>>
      tpu.wait_dma2 semaphore(%arg12 : memref<!tpu.dma_semaphore, #tpu.memory_space<semaphore_mem>>) src(%dma_wait3A_106 : memref<2x100xi32, #tpu.memory_space<hbm>>) dst(%arg7 : memref<2x100xi32, #tpu.memory_space<vmem>>)
      %mul3A_107 = arith.constant 200 : i32
      %mul3A_108 = arith.muli %add3A_98, %mul3A_107 : i32
      %add3A_109 = arith.addi %mul3A_0, %mul3A_108 : i32
      %dma_wait3A_110 = arith.constant 0 : i32
      %dma_wait3A_111 = tpu.memref_slice %arg2[%add3A_109, %dma_wait3A_110] : memref<320000x128xf32, #tpu.memory_space<hbm>> -> memref<200x128xf32, #tpu.memory_space<hbm>>
      %dma_wait3A_112 = arith.constant 0 : i32
      %dma_wait3A_113 = tpu.memref_slice %arg2[%add3A_109, %dma_wait3A_112] : memref<320000x128xf32, #tpu.memory_space<hbm>> -> memref<200x128xf32, #tpu.memory_space<hbm>>
      tpu.wait_dma2 semaphore(%arg12 : memref<!tpu.dma_semaphore, #tpu.memory_space<semaphore_mem>>) src(%dma_wait3A_113 : memref<200x128xf32, #tpu.memory_space<hbm>>) dst(%arg9 : memref<200x128xf32, #tpu.memory_space<vmem>>)
      %dma_start3A_114 = arith.constant 0 : i32
      %dma_start3A_115 = arith.constant 0 : i32
      %dma_start3A_116 = arith.constant 0 : i32
      %dma_start3A_117 = tpu.memref_slice %arg9[%dma_start3A_115, %dma_start3A_116] : memref<200x128xf32, #tpu.memory_space<vmem>> -> memref<100x128xf32, #tpu.memory_space<vmem>>
      %dma_start3A_118 = arith.constant 0 : i32
      %dma_start3A_119 = tpu.memref_slice %arg7[%dma_start3A_114, %dma_start3A_118] : memref<2x100xi32, #tpu.memory_space<vmem>> -> memref<1x100xi32, #tpu.memory_space<vmem>>
      %dma_start3A_120 = tpu.memref_squeeze %dma_start3A_119 : memref<1x100xi32, #tpu.memory_space<vmem>> -> memref<100xi32, #tpu.memory_space<vmem>>
      %dma_start3A_121 = arith.constant 0 : i32
      %dma_start3A_122 = arith.constant 0 : i32
      %dma_start3A_123 = tpu.memref_slice %arg10[%dma_start3A_121, %dma_start3A_122] : memref<5008x128xf32, #tpu.memory_space<vmem_shared>> -> memref<5008x128xf32, #tpu.memory_space<vmem_shared>>
      tpu.enqueue_indirect_dma source(%dma_start3A_117 : memref<100x128xf32, #tpu.memory_space<vmem>>) target(%dma_start3A_123 : memref<5008x128xf32, #tpu.memory_space<vmem_shared>>) offsets(%dma_start3A_120 : memref<100xi32, #tpu.memory_space<vmem>>) semaphore(%arg14 : memref<!tpu.dma_semaphore, #tpu.memory_space<semaphore_mem>>) {add = true}
      %dma_start3A_124 = arith.constant 1 : i32
      %dma_start3A_125 = arith.constant 100 : i32
      %dma_start3A_126 = arith.constant 0 : i32
      %dma_start3A_127 = tpu.memref_slice %arg9[%dma_start3A_125, %dma_start3A_126] : memref<200x128xf32, #tpu.memory_space<vmem>> -> memref<100x128xf32, #tpu.memory_space<vmem>>
      %dma_start3A_128 = arith.constant 0 : i32
      %dma_start3A_129 = tpu.memref_slice %arg7[%dma_start3A_124, %dma_start3A_128] : memref<2x100xi32, #tpu.memory_space<vmem>> -> memref<1x100xi32, #tpu.memory_space<vmem>>
      %dma_start3A_130 = tpu.memref_squeeze %dma_start3A_129 : memref<1x100xi32, #tpu.memory_space<vmem>> -> memref<100xi32, #tpu.memory_space<vmem>>
      %dma_start3A_131 = arith.constant 0 : i32
      %dma_start3A_132 = arith.constant 0 : i32
      %dma_start3A_133 = tpu.memref_slice %arg10[%dma_start3A_131, %dma_start3A_132] : memref<5008x128xf32, #tpu.memory_space<vmem_shared>> -> memref<5008x128xf32, #tpu.memory_space<vmem_shared>>
      tpu.enqueue_indirect_dma source(%dma_start3A_127 : memref<100x128xf32, #tpu.memory_space<vmem>>) target(%dma_start3A_133 : memref<5008x128xf32, #tpu.memory_space<vmem_shared>>) offsets(%dma_start3A_130 : memref<100xi32, #tpu.memory_space<vmem>>) semaphore(%arg14 : memref<!tpu.dma_semaphore, #tpu.memory_space<semaphore_mem>>) {add = true}
      %ge3A_134 = arith.constant 1 : i32
      %ge3A_135 = arith.cmpi sge, %add3A_98, %ge3A_134 : i32
      %convert_element_type3A_136 = arith.extui %ge3A_135 : i1 to i32
      %cond3A_137 = arith.constant 0 : i32
      %cond3A_138 = arith.cmpi ne, %convert_element_type3A_136, %cond3A_137 : i32
      scf.if %cond3A_138 {
        %dma_wait3A_146 = arith.constant 0 : i32
        %dma_wait3A_147 = arith.constant 0 : i32
        %dma_wait3A_148 = arith.constant 0 : i32
        %dma_wait3A_149 = tpu.memref_slice %arg8[%dma_wait3A_147, %dma_wait3A_148] : memref<200x128xf32, #tpu.memory_space<vmem>> -> memref<100x128xf32, #tpu.memory_space<vmem>>
        %dma_wait3A_150 = arith.constant 0 : i32
        %dma_wait3A_151 = tpu.memref_slice %arg6[%dma_wait3A_146, %dma_wait3A_150] : memref<2x100xi32, #tpu.memory_space<vmem>> -> memref<1x100xi32, #tpu.memory_space<vmem>>
        %dma_wait3A_152 = tpu.memref_squeeze %dma_wait3A_151 : memref<1x100xi32, #tpu.memory_space<vmem>> -> memref<100xi32, #tpu.memory_space<vmem>>
        %dma_wait3A_153 = arith.constant 0 : i32
        %dma_wait3A_154 = arith.constant 0 : i32
        %dma_wait3A_155 = tpu.memref_slice %arg10[%dma_wait3A_153, %dma_wait3A_154] : memref<5008x128xf32, #tpu.memory_space<vmem_shared>> -> memref<5008x128xf32, #tpu.memory_space<vmem_shared>>
        tpu.wait_indirect_dma semaphore(%arg13 : memref<!tpu.dma_semaphore, #tpu.memory_space<semaphore_mem>>) src(%dma_wait3A_149 : memref<100x128xf32, #tpu.memory_space<vmem>>) dst(%dma_wait3A_155 : memref<5008x128xf32, #tpu.memory_space<vmem_shared>>)
        %dma_wait3A_156 = arith.constant 1 : i32
        %dma_wait3A_157 = arith.constant 100 : i32
        %dma_wait3A_158 = arith.constant 0 : i32
        %dma_wait3A_159 = tpu.memref_slice %arg8[%dma_wait3A_157, %dma_wait3A_158] : memref<200x128xf32, #tpu.memory_space<vmem>> -> memref<100x128xf32, #tpu.memory_space<vmem>>
        %dma_wait3A_160 = arith.constant 0 : i32
        %dma_wait3A_161 = tpu.memref_slice %arg6[%dma_wait3A_156, %dma_wait3A_160] : memref<2x100xi32, #tpu.memory_space<vmem>> -> memref<1x100xi32, #tpu.memory_space<vmem>>
        %dma_wait3A_162 = tpu.memref_squeeze %dma_wait3A_161 : memref<1x100xi32, #tpu.memory_space<vmem>> -> memref<100xi32, #tpu.memory_space<vmem>>
        %dma_wait3A_163 = arith.constant 0 : i32
        %dma_wait3A_164 = arith.constant 0 : i32
        %dma_wait3A_165 = tpu.memref_slice %arg10[%dma_wait3A_163, %dma_wait3A_164] : memref<5008x128xf32, #tpu.memory_space<vmem_shared>> -> memref<5008x128xf32, #tpu.memory_space<vmem_shared>>
        tpu.wait_indirect_dma semaphore(%arg13 : memref<!tpu.dma_semaphore, #tpu.memory_space<semaphore_mem>>) src(%dma_wait3A_159 : memref<100x128xf32, #tpu.memory_space<vmem>>) dst(%dma_wait3A_165 : memref<5008x128xf32, #tpu.memory_space<vmem_shared>>)
      } else {
      }
      %add3A_139 = arith.constant 1 : i32
      %add3A_140 = arith.addi %add3A_98, %add3A_139 : i32
      %lt3A_141 = arith.constant 100 : i32
      %lt3A_142 = arith.cmpi slt, %add3A_140, %lt3A_141 : i32
      %convert_element_type3A_143 = arith.extui %lt3A_142 : i1 to i32
      %cond3A_144 = arith.constant 0 : i32
      %cond3A_145 = arith.cmpi ne, %convert_element_type3A_143, %cond3A_144 : i32
      scf.if %cond3A_145 {
        %add3A_146 = arith.constant 1 : i32
        %add3A_147 = arith.addi %add3A_98, %add3A_146 : i32
        %dma_start3A_148 = arith.constant 0 : i32
        %dma_start3A_149 = arith.constant 0 : i32
        %dma_start3A_150 = tpu.memref_slice %arg3[%arg0, %arg1, %add3A_147, %dma_start3A_148, %dma_start3A_149] : memref<2x16x100x2x100xi32, #tpu.memory_space<hbm>> -> memref<1x1x1x2x100xi32, #tpu.memory_space<hbm>>
        %dma_start3A_151 = tpu.memref_squeeze %dma_start3A_150 : memref<1x1x1x2x100xi32, #tpu.memory_space<hbm>> -> memref<2x100xi32, #tpu.memory_space<hbm>>
        %dma_start3A_152 = arith.constant 0 : i32
        %dma_start3A_153 = arith.constant 0 : i32
        %dma_start3A_154 = tpu.memref_slice %arg3[%arg0, %arg1, %add3A_147, %dma_start3A_152, %dma_start3A_153] : memref<2x16x100x2x100xi32, #tpu.memory_space<hbm>> -> memref<1x1x1x2x100xi32, #tpu.memory_space<hbm>>
        %dma_start3A_155 = tpu.memref_squeeze %dma_start3A_154 : memref<1x1x1x2x100xi32, #tpu.memory_space<hbm>> -> memref<2x100xi32, #tpu.memory_space<hbm>>
        tpu.enqueue_dma source(%dma_start3A_155 : memref<2x100xi32, #tpu.memory_space<hbm>>) target(%arg6 : memref<2x100xi32, #tpu.memory_space<vmem>>) target_semaphore(%arg11 : memref<!tpu.dma_semaphore, #tpu.memory_space<semaphore_mem>>)
        %mul3A_156 = arith.constant 200 : i32
        %mul3A_157 = arith.muli %add3A_147, %mul3A_156 : i32
        %add3A_158 = arith.addi %mul3A_0, %mul3A_157 : i32
        %dma_start3A_159 = arith.constant 0 : i32
        %dma_start3A_160 = tpu.memref_slice %arg2[%add3A_158, %dma_start3A_159] : memref<320000x128xf32, #tpu.memory_space<hbm>> -> memref<200x128xf32, #tpu.memory_space<hbm>>
        %dma_start3A_161 = arith.constant 0 : i32
        %dma_start3A_162 = tpu.memref_slice %arg2[%add3A_158, %dma_start3A_161] : memref<320000x128xf32, #tpu.memory_space<hbm>> -> memref<200x128xf32, #tpu.memory_space<hbm>>
        tpu.enqueue_dma source(%dma_start3A_162 : memref<200x128xf32, #tpu.memory_space<hbm>>) target(%arg8 : memref<200x128xf32, #tpu.memory_space<vmem>>) target_semaphore(%arg11 : memref<!tpu.dma_semaphore, #tpu.memory_space<semaphore_mem>>)
      } else {
      }
    }
    %scan3A_20 = arith.constant 50 : i32
    %dma_wait3A = arith.constant 0 : i32
    %dma_wait3A_21 = arith.constant 0 : i32
    %dma_wait3A_22 = arith.constant 0 : i32
    %dma_wait3A_23 = tpu.memref_slice %arg9[%dma_wait3A_21, %dma_wait3A_22] : memref<200x128xf32, #tpu.memory_space<vmem>> -> memref<100x128xf32, #tpu.memory_space<vmem>>
    %dma_wait3A_24 = arith.constant 0 : i32
    %dma_wait3A_25 = tpu.memref_slice %arg7[%dma_wait3A, %dma_wait3A_24] : memref<2x100xi32, #tpu.memory_space<vmem>> -> memref<1x100xi32, #tpu.memory_space<vmem>>
    %dma_wait3A_26 = tpu.memref_squeeze %dma_wait3A_25 : memref<1x100xi32, #tpu.memory_space<vmem>> -> memref<100xi32, #tpu.memory_space<vmem>>
    %dma_wait3A_27 = arith.constant 0 : i32
    %dma_wait3A_28 = arith.constant 0 : i32
    %dma_wait3A_29 = tpu.memref_slice %arg10[%dma_wait3A_27, %dma_wait3A_28] : memref<5008x128xf32, #tpu.memory_space<vmem_shared>> -> memref<5008x128xf32, #tpu.memory_space<vmem_shared>>
    tpu.wait_indirect_dma semaphore(%arg14 : memref<!tpu.dma_semaphore, #tpu.memory_space<semaphore_mem>>) src(%dma_wait3A_23 : memref<100x128xf32, #tpu.memory_space<vmem>>) dst(%dma_wait3A_29 : memref<5008x128xf32, #tpu.memory_space<vmem_shared>>)
    %dma_wait3A_30 = arith.constant 1 : i32
    %dma_wait3A_31 = arith.constant 100 : i32
    %dma_wait3A_32 = arith.constant 0 : i32
    %dma_wait3A_33 = tpu.memref_slice %arg9[%dma_wait3A_31, %dma_wait3A_32] : memref<200x128xf32, #tpu.memory_space<vmem>> -> memref<100x128xf32, #tpu.memory_space<vmem>>
    %dma_wait3A_34 = arith.constant 0 : i32
    %dma_wait3A_35 = tpu.memref_slice %arg7[%dma_wait3A_30, %dma_wait3A_34] : memref<2x100xi32, #tpu.memory_space<vmem>> -> memref<1x100xi32, #tpu.memory_space<vmem>>
    %dma_wait3A_36 = tpu.memref_squeeze %dma_wait3A_35 : memref<1x100xi32, #tpu.memory_space<vmem>> -> memref<100xi32, #tpu.memory_space<vmem>>
    %dma_wait3A_37 = arith.constant 0 : i32
    %dma_wait3A_38 = arith.constant 0 : i32
    %dma_wait3A_39 = tpu.memref_slice %arg10[%dma_wait3A_37, %dma_wait3A_38] : memref<5008x128xf32, #tpu.memory_space<vmem_shared>> -> memref<5008x128xf32, #tpu.memory_space<vmem_shared>>
    tpu.wait_indirect_dma semaphore(%arg14 : memref<!tpu.dma_semaphore, #tpu.memory_space<semaphore_mem>>) src(%dma_wait3A_33 : memref<100x128xf32, #tpu.memory_space<vmem>>) dst(%dma_wait3A_39 : memref<5008x128xf32, #tpu.memory_space<vmem_shared>>)
    %barrier3A_40 = arith.constant 0 : index
    tpu.barrier barrier_id(%barrier3A_40)
    %lt3A_41 = arith.constant 2 : i32
    %lt3A_42 = arith.cmpi slt, %arg1, %lt3A_41 : i32
    %convert_element_type3A_43 = arith.extui %lt3A_42 : i1 to i32
    %cond3A_44 = arith.constant 0 : i32
    %cond3A_45 = arith.cmpi ne, %convert_element_type3A_43, %cond3A_44 : i32
    scf.if %cond3A_45 {
      %mul3A_46 = arith.constant 2504 : i32
      %mul3A_47 = arith.muli %arg1, %mul3A_46 : i32
      %mul3A_48 = arith.constant 2504 : i32
      %mul3A_49 = arith.muli %arg1, %mul3A_48 : i32
      "tpu.region"() ({
        %run_scoped3A = tpu.sem_alloc : memref<!tpu.dma_semaphore, #tpu.memory_space<semaphore_mem>>
        %dma_start3A_50 = arith.constant 0 : i32
        %dma_start3A_51 = tpu.memref_slice %arg5[%arg0, %mul3A_49, %dma_start3A_50] : memref<2x5008x128xf32, #tpu.memory_space<hbm>> -> memref<1x2504x128xf32, #tpu.memory_space<hbm>>
        %dma_start3A_52 = tpu.memref_squeeze %dma_start3A_51 : memref<1x2504x128xf32, #tpu.memory_space<hbm>> -> memref<2504x128xf32, #tpu.memory_space<hbm>>
        %dma_start3A_53 = arith.constant 0 : i32
        %dma_start3A_54 = tpu.memref_slice %arg10[%mul3A_47, %dma_start3A_53] : memref<5008x128xf32, #tpu.memory_space<vmem_shared>> -> memref<2504x128xf32, #tpu.memory_space<vmem_shared>>
        tpu.enqueue_dma source(%dma_start3A_54 : memref<2504x128xf32, #tpu.memory_space<vmem_shared>>) target(%dma_start3A_52 : memref<2504x128xf32, #tpu.memory_space<hbm>>) target_semaphore(%run_scoped3A : memref<!tpu.dma_semaphore, #tpu.memory_space<semaphore_mem>>)
        %dma_wait3A_55 = arith.constant 0 : i32
        %dma_wait3A_56 = tpu.memref_slice %arg5[%arg0, %mul3A_49, %dma_wait3A_55] : memref<2x5008x128xf32, #tpu.memory_space<hbm>> -> memref<1x2504x128xf32, #tpu.memory_space<hbm>>
        %dma_wait3A_57 = tpu.memref_squeeze %dma_wait3A_56 : memref<1x2504x128xf32, #tpu.memory_space<hbm>> -> memref<2504x128xf32, #tpu.memory_space<hbm>>
        %dma_wait3A_58 = arith.constant 0 : i32
        %dma_wait3A_59 = tpu.memref_slice %arg10[%mul3A_47, %dma_wait3A_58] : memref<5008x128xf32, #tpu.memory_space<vmem_shared>> -> memref<2504x128xf32, #tpu.memory_space<vmem_shared>>
        tpu.wait_dma2 semaphore(%run_scoped3A : memref<!tpu.dma_semaphore, #tpu.memory_space<semaphore_mem>>) src(%dma_wait3A_59 : memref<2504x128xf32, #tpu.memory_space<vmem_shared>>) dst(%dma_wait3A_57 : memref<2504x128xf32, #tpu.memory_space<hbm>>)
        tpu.yield
      }) : () -> ()
    } else {
    }
    return
  }
}

#map = affine_map<(d0, d1) -> (0, 0)>
#map1 = affine_map<(d0, d1) -> (0, 0, 0, 0)>
module attributes {stable_mosaic.version = 14 : i64} {
  func.func @k(%arg0: i32, %arg1: i32, %arg2: memref<10000x128xf32, #tpu.memory_space<hbm>>, %arg3: memref<32x50x2x100xi32, #tpu.memory_space<hbm>>, %arg4: memref<320000x128xf32, #tpu.memory_space<hbm>>, %arg5: memref<2x100xi32, #tpu.memory_space<vmem>>, %arg6: memref<2x100xi32, #tpu.memory_space<vmem>>, %arg7: memref<200x128xf32, #tpu.memory_space<vmem>>, %arg8: memref<200x128xf32, #tpu.memory_space<vmem>>, %arg9: memref<!tpu.dma_semaphore, #tpu.memory_space<semaphore_mem>>, %arg10: memref<!tpu.dma_semaphore, #tpu.memory_space<semaphore_mem>>, %arg11: memref<!tpu.dma_semaphore, #tpu.memory_space<semaphore_mem>>, %arg12: memref<!tpu.dma_semaphore, #tpu.memory_space<semaphore_mem>>, %arg13: memref<!tpu.dma_semaphore, #tpu.memory_space<semaphore_mem>>, %arg14: memref<!tpu.dma_semaphore, #tpu.memory_space<semaphore_mem>>) attributes {dimension_semantics = [#tpu.dimension_semantics<core_parallel>, #tpu.dimension_semantics<subcore_parallel>], iteration_bounds = array<i64: 2, 16>, scalar_prefetch = 0 : i64, scratch_operands = 10 : i64, tpu.core_type = #tpu.core_type<sc_vector_subcore>, window_params = [{transform_indices = #map}, {transform_indices = #map1}, {transform_indices = #map}]} {
    %mul3A = arith.constant 2 : i32
    %mul3A_0 = arith.muli %arg1, %mul3A : i32
    %add3A = arith.addi %mul3A_0, %arg0 : i32
    %mul3A_1 = arith.constant 10000 : i32
    %mul3A_2 = arith.muli %add3A, %mul3A_1 : i32
    %dma_start3A = arith.constant 0 : i32
    %dma_start3A_3 = arith.constant 0 : i32
    %dma_start3A_4 = arith.constant 0 : i32
    %dma_start3A_5 = tpu.memref_slice %arg3[%add3A, %dma_start3A, %dma_start3A_3, %dma_start3A_4] : memref<32x50x2x100xi32, #tpu.memory_space<hbm>> -> memref<1x1x2x100xi32, #tpu.memory_space<hbm>>
    %dma_start3A_6 = tpu.memref_squeeze %dma_start3A_5 : memref<1x1x2x100xi32, #tpu.memory_space<hbm>> -> memref<2x100xi32, #tpu.memory_space<hbm>>
    %dma_start3A_7 = arith.constant 0 : i32
    %dma_start3A_8 = arith.constant 0 : i32
    %dma_start3A_9 = tpu.memref_slice %arg3[%add3A, %dma_start3A, %dma_start3A_7, %dma_start3A_8] : memref<32x50x2x100xi32, #tpu.memory_space<hbm>> -> memref<1x1x2x100xi32, #tpu.memory_space<hbm>>
    %dma_start3A_10 = tpu.memref_squeeze %dma_start3A_9 : memref<1x1x2x100xi32, #tpu.memory_space<hbm>> -> memref<2x100xi32, #tpu.memory_space<hbm>>
    tpu.enqueue_dma source(%dma_start3A_10 : memref<2x100xi32, #tpu.memory_space<hbm>>) target(%arg5 : memref<2x100xi32, #tpu.memory_space<vmem>>) target_semaphore(%arg9 : memref<!tpu.dma_semaphore, #tpu.memory_space<semaphore_mem>>)
    %scan3A = arith.constant 0 : i32
    %scan3A_11 = arith.constant 0 : i32
    %scan3A_12 = arith.constant 25 : i32
    %scan3A_13 = arith.addi %scan3A_11, %scan3A_12 : i32
    %scan3A_14 = arith.constant 1 : i32
    scf.for %scan3A_53 = %scan3A_11 to %scan3A_13 step %scan3A_14  : i32 {
      %mul3A_54 = arith.constant 2 : i32
      %mul3A_55 = arith.muli %mul3A_54, %scan3A_53 : i32
      %ge3A = arith.constant 2 : i32
      %ge3A_56 = arith.cmpi sge, %mul3A_55, %ge3A : i32
      %convert_element_type3A = arith.extui %ge3A_56 : i1 to i32
      %cond3A = arith.constant 0 : i32
      %cond3A_57 = arith.cmpi ne, %convert_element_type3A, %cond3A : i32
      scf.if %cond3A_57 {
        %sub3A = arith.constant 2 : i32
        %sub3A_146 = arith.subi %mul3A_55, %sub3A : i32
        %mul3A_147 = arith.constant 200 : i32
        %mul3A_148 = arith.muli %sub3A_146, %mul3A_147 : i32
        %add3A_149 = arith.addi %mul3A_2, %mul3A_148 : i32
        %dma_wait3A_150 = arith.constant 0 : i32
        %dma_wait3A_151 = tpu.memref_slice %arg4[%add3A_149, %dma_wait3A_150] : memref<320000x128xf32, #tpu.memory_space<hbm>> -> memref<200x128xf32, #tpu.memory_space<hbm>>
        %dma_wait3A_152 = arith.constant 0 : i32
        %dma_wait3A_153 = tpu.memref_slice %arg4[%add3A_149, %dma_wait3A_152] : memref<320000x128xf32, #tpu.memory_space<hbm>> -> memref<200x128xf32, #tpu.memory_space<hbm>>
        tpu.wait_dma2 semaphore(%arg13 : memref<!tpu.dma_semaphore, #tpu.memory_space<semaphore_mem>>) src(%arg7 : memref<200x128xf32, #tpu.memory_space<vmem>>) dst(%dma_wait3A_153 : memref<200x128xf32, #tpu.memory_space<hbm>>)
      } else {
      }
      %dma_wait3A_58 = arith.constant 0 : i32
      %dma_wait3A_59 = arith.constant 0 : i32
      %dma_wait3A_60 = tpu.memref_slice %arg3[%add3A, %mul3A_55, %dma_wait3A_58, %dma_wait3A_59] : memref<32x50x2x100xi32, #tpu.memory_space<hbm>> -> memref<1x1x2x100xi32, #tpu.memory_space<hbm>>
      %dma_wait3A_61 = tpu.memref_squeeze %dma_wait3A_60 : memref<1x1x2x100xi32, #tpu.memory_space<hbm>> -> memref<2x100xi32, #tpu.memory_space<hbm>>
      %dma_wait3A_62 = arith.constant 0 : i32
      %dma_wait3A_63 = arith.constant 0 : i32
      %dma_wait3A_64 = tpu.memref_slice %arg3[%add3A, %mul3A_55, %dma_wait3A_62, %dma_wait3A_63] : memref<32x50x2x100xi32, #tpu.memory_space<hbm>> -> memref<1x1x2x100xi32, #tpu.memory_space<hbm>>
      %dma_wait3A_65 = tpu.memref_squeeze %dma_wait3A_64 : memref<1x1x2x100xi32, #tpu.memory_space<hbm>> -> memref<2x100xi32, #tpu.memory_space<hbm>>
      tpu.wait_dma2 semaphore(%arg9 : memref<!tpu.dma_semaphore, #tpu.memory_space<semaphore_mem>>) src(%dma_wait3A_65 : memref<2x100xi32, #tpu.memory_space<hbm>>) dst(%arg5 : memref<2x100xi32, #tpu.memory_space<vmem>>)
      %dma_start3A_66 = arith.constant 0 : i32
      %dma_start3A_67 = arith.constant 0 : i32
      %dma_start3A_68 = arith.constant 0 : i32
      %dma_start3A_69 = tpu.memref_slice %arg7[%dma_start3A_67, %dma_start3A_68] : memref<200x128xf32, #tpu.memory_space<vmem>> -> memref<100x128xf32, #tpu.memory_space<vmem>>
      %dma_start3A_70 = arith.constant 0 : i32
      %dma_start3A_71 = tpu.memref_slice %arg5[%dma_start3A_66, %dma_start3A_70] : memref<2x100xi32, #tpu.memory_space<vmem>> -> memref<1x100xi32, #tpu.memory_space<vmem>>
      %dma_start3A_72 = tpu.memref_squeeze %dma_start3A_71 : memref<1x100xi32, #tpu.memory_space<vmem>> -> memref<100xi32, #tpu.memory_space<vmem>>
      %dma_start3A_73 = arith.constant 0 : i32
      %dma_start3A_74 = arith.constant 0 : i32
      %dma_start3A_75 = tpu.memref_slice %arg2[%dma_start3A_73, %dma_start3A_74] : memref<10000x128xf32, #tpu.memory_space<hbm>> -> memref<10000x128xf32, #tpu.memory_space<hbm>>
      tpu.enqueue_indirect_dma source(%dma_start3A_75 : memref<10000x128xf32, #tpu.memory_space<hbm>>) target(%dma_start3A_69 : memref<100x128xf32, #tpu.memory_space<vmem>>) offsets(%dma_start3A_72 : memref<100xi32, #tpu.memory_space<vmem>>) semaphore(%arg11 : memref<!tpu.dma_semaphore, #tpu.memory_space<semaphore_mem>>)
      %dma_start3A_76 = arith.constant 1 : i32
      %dma_start3A_77 = arith.constant 100 : i32
      %dma_start3A_78 = arith.constant 0 : i32
      %dma_start3A_79 = tpu.memref_slice %arg7[%dma_start3A_77, %dma_start3A_78] : memref<200x128xf32, #tpu.memory_space<vmem>> -> memref<100x128xf32, #tpu.memory_space<vmem>>
      %dma_start3A_80 = arith.constant 0 : i32
      %dma_start3A_81 = tpu.memref_slice %arg5[%dma_start3A_76, %dma_start3A_80] : memref<2x100xi32, #tpu.memory_space<vmem>> -> memref<1x100xi32, #tpu.memory_space<vmem>>
      %dma_start3A_82 = tpu.memref_squeeze %dma_start3A_81 : memref<1x100xi32, #tpu.memory_space<vmem>> -> memref<100xi32, #tpu.memory_space<vmem>>
      %dma_start3A_83 = arith.constant 0 : i32
      %dma_start3A_84 = arith.constant 0 : i32
      %dma_start3A_85 = tpu.memref_slice %arg2[%dma_start3A_83, %dma_start3A_84] : memref<10000x128xf32, #tpu.memory_space<hbm>> -> memref<10000x128xf32, #tpu.memory_space<hbm>>
      tpu.enqueue_indirect_dma source(%dma_start3A_85 : memref<10000x128xf32, #tpu.memory_space<hbm>>) target(%dma_start3A_79 : memref<100x128xf32, #tpu.memory_space<vmem>>) offsets(%dma_start3A_82 : memref<100xi32, #tpu.memory_space<vmem>>) semaphore(%arg11 : memref<!tpu.dma_semaphore, #tpu.memory_space<semaphore_mem>>)
      %ge3A_86 = arith.constant 1 : i32
      %ge3A_87 = arith.cmpi sge, %mul3A_55, %ge3A_86 : i32
      %convert_element_type3A_88 = arith.extui %ge3A_87 : i1 to i32
      %cond3A_89 = arith.constant 0 : i32
      %cond3A_90 = arith.cmpi ne, %convert_element_type3A_88, %cond3A_89 : i32
      scf.if %cond3A_90 {
        %dma_wait3A_146 = arith.constant 0 : i32
        %dma_wait3A_147 = arith.constant 0 : i32
        %dma_wait3A_148 = arith.constant 0 : i32
        %dma_wait3A_149 = tpu.memref_slice %arg8[%dma_wait3A_147, %dma_wait3A_148] : memref<200x128xf32, #tpu.memory_space<vmem>> -> memref<100x128xf32, #tpu.memory_space<vmem>>
        %dma_wait3A_150 = arith.constant 0 : i32
        %dma_wait3A_151 = tpu.memref_slice %arg6[%dma_wait3A_146, %dma_wait3A_150] : memref<2x100xi32, #tpu.memory_space<vmem>> -> memref<1x100xi32, #tpu.memory_space<vmem>>
        %dma_wait3A_152 = tpu.memref_squeeze %dma_wait3A_151 : memref<1x100xi32, #tpu.memory_space<vmem>> -> memref<100xi32, #tpu.memory_space<vmem>>
        %dma_wait3A_153 = arith.constant 0 : i32
        %dma_wait3A_154 = arith.constant 0 : i32
        %dma_wait3A_155 = tpu.memref_slice %arg2[%dma_wait3A_153, %dma_wait3A_154] : memref<10000x128xf32, #tpu.memory_space<hbm>> -> memref<10000x128xf32, #tpu.memory_space<hbm>>
        tpu.wait_indirect_dma semaphore(%arg12 : memref<!tpu.dma_semaphore, #tpu.memory_space<semaphore_mem>>) src(%dma_wait3A_155 : memref<10000x128xf32, #tpu.memory_space<hbm>>) dst(%dma_wait3A_149 : memref<100x128xf32, #tpu.memory_space<vmem>>)
        %dma_wait3A_156 = arith.constant 1 : i32
        %dma_wait3A_157 = arith.constant 100 : i32
        %dma_wait3A_158 = arith.constant 0 : i32
        %dma_wait3A_159 = tpu.memref_slice %arg8[%dma_wait3A_157, %dma_wait3A_158] : memref<200x128xf32, #tpu.memory_space<vmem>> -> memref<100x128xf32, #tpu.memory_space<vmem>>
        %dma_wait3A_160 = arith.constant 0 : i32
        %dma_wait3A_161 = tpu.memref_slice %arg6[%dma_wait3A_156, %dma_wait3A_160] : memref<2x100xi32, #tpu.memory_space<vmem>> -> memref<1x100xi32, #tpu.memory_space<vmem>>
        %dma_wait3A_162 = tpu.memref_squeeze %dma_wait3A_161 : memref<1x100xi32, #tpu.memory_space<vmem>> -> memref<100xi32, #tpu.memory_space<vmem>>
        %dma_wait3A_163 = arith.constant 0 : i32
        %dma_wait3A_164 = arith.constant 0 : i32
        %dma_wait3A_165 = tpu.memref_slice %arg2[%dma_wait3A_163, %dma_wait3A_164] : memref<10000x128xf32, #tpu.memory_space<hbm>> -> memref<10000x128xf32, #tpu.memory_space<hbm>>
        tpu.wait_indirect_dma semaphore(%arg12 : memref<!tpu.dma_semaphore, #tpu.memory_space<semaphore_mem>>) src(%dma_wait3A_165 : memref<10000x128xf32, #tpu.memory_space<hbm>>) dst(%dma_wait3A_159 : memref<100x128xf32, #tpu.memory_space<vmem>>)
        %sub3A = arith.constant 1 : i32
        %sub3A_166 = arith.subi %mul3A_55, %sub3A : i32
        %mul3A_167 = arith.constant 200 : i32
        %mul3A_168 = arith.muli %sub3A_166, %mul3A_167 : i32
        %add3A_169 = arith.addi %mul3A_2, %mul3A_168 : i32
        %dma_start3A_170 = arith.constant 0 : i32
        %dma_start3A_171 = tpu.memref_slice %arg4[%add3A_169, %dma_start3A_170] : memref<320000x128xf32, #tpu.memory_space<hbm>> -> memref<200x128xf32, #tpu.memory_space<hbm>>
        %dma_start3A_172 = arith.constant 0 : i32
        %dma_start3A_173 = tpu.memref_slice %arg4[%add3A_169, %dma_start3A_172] : memref<320000x128xf32, #tpu.memory_space<hbm>> -> memref<200x128xf32, #tpu.memory_space<hbm>>
        tpu.enqueue_dma source(%arg8 : memref<200x128xf32, #tpu.memory_space<vmem>>) target(%dma_start3A_173 : memref<200x128xf32, #tpu.memory_space<hbm>>) target_semaphore(%arg14 : memref<!tpu.dma_semaphore, #tpu.memory_space<semaphore_mem>>)
      } else {
      }
      %add3A_91 = arith.constant 1 : i32
      %add3A_92 = arith.addi %mul3A_55, %add3A_91 : i32
      %lt3A = arith.constant 50 : i32
      %lt3A_93 = arith.cmpi slt, %add3A_92, %lt3A : i32
      %convert_element_type3A_94 = arith.extui %lt3A_93 : i1 to i32
      %cond3A_95 = arith.constant 0 : i32
      %cond3A_96 = arith.cmpi ne, %convert_element_type3A_94, %cond3A_95 : i32
      scf.if %cond3A_96 {
        %add3A_146 = arith.constant 1 : i32
        %add3A_147 = arith.addi %mul3A_55, %add3A_146 : i32
        %dma_start3A_148 = arith.constant 0 : i32
        %dma_start3A_149 = arith.constant 0 : i32
        %dma_start3A_150 = tpu.memref_slice %arg3[%add3A, %add3A_147, %dma_start3A_148, %dma_start3A_149] : memref<32x50x2x100xi32, #tpu.memory_space<hbm>> -> memref<1x1x2x100xi32, #tpu.memory_space<hbm>>
        %dma_start3A_151 = tpu.memref_squeeze %dma_start3A_150 : memref<1x1x2x100xi32, #tpu.memory_space<hbm>> -> memref<2x100xi32, #tpu.memory_space<hbm>>
        %dma_start3A_152 = arith.constant 0 : i32
        %dma_start3A_153 = arith.constant 0 : i32
        %dma_start3A_154 = tpu.memref_slice %arg3[%add3A, %add3A_147, %dma_start3A_152, %dma_start3A_153] : memref<32x50x2x100xi32, #tpu.memory_space<hbm>> -> memref<1x1x2x100xi32, #tpu.memory_space<hbm>>
        %dma_start3A_155 = tpu.memref_squeeze %dma_start3A_154 : memref<1x1x2x100xi32, #tpu.memory_space<hbm>> -> memref<2x100xi32, #tpu.memory_space<hbm>>
        tpu.enqueue_dma source(%dma_start3A_155 : memref<2x100xi32, #tpu.memory_space<hbm>>) target(%arg6 : memref<2x100xi32, #tpu.memory_space<vmem>>) target_semaphore(%arg10 : memref<!tpu.dma_semaphore, #tpu.memory_space<semaphore_mem>>)
      } else {
      }
      %mul3A_97 = arith.constant 2 : i32
      %mul3A_98 = arith.muli %mul3A_97, %scan3A_53 : i32
      %add3A_99 = arith.constant 1 : i32
      %add3A_100 = arith.addi %mul3A_98, %add3A_99 : i32
      %ge3A_101 = arith.constant 2 : i32
      %ge3A_102 = arith.cmpi sge, %add3A_100, %ge3A_101 : i32
      %convert_element_type3A_103 = arith.extui %ge3A_102 : i1 to i32
      %cond3A_104 = arith.constant 0 : i32
      %cond3A_105 = arith.cmpi ne, %convert_element_type3A_103, %cond3A_104 : i32
      scf.if %cond3A_105 {
        %sub3A = arith.constant 2 : i32
        %sub3A_146 = arith.subi %add3A_100, %sub3A : i32
        %mul3A_147 = arith.constant 200 : i32
        %mul3A_148 = arith.muli %sub3A_146, %mul3A_147 : i32
        %add3A_149 = arith.addi %mul3A_2, %mul3A_148 : i32
        %dma_wait3A_150 = arith.constant 0 : i32
        %dma_wait3A_151 = tpu.memref_slice %arg4[%add3A_149, %dma_wait3A_150] : memref<320000x128xf32, #tpu.memory_space<hbm>> -> memref<200x128xf32, #tpu.memory_space<hbm>>
        %dma_wait3A_152 = arith.constant 0 : i32
        %dma_wait3A_153 = tpu.memref_slice %arg4[%add3A_149, %dma_wait3A_152] : memref<320000x128xf32, #tpu.memory_space<hbm>> -> memref<200x128xf32, #tpu.memory_space<hbm>>
        tpu.wait_dma2 semaphore(%arg14 : memref<!tpu.dma_semaphore, #tpu.memory_space<semaphore_mem>>) src(%arg8 : memref<200x128xf32, #tpu.memory_space<vmem>>) dst(%dma_wait3A_153 : memref<200x128xf32, #tpu.memory_space<hbm>>)
      } else {
      }
      %dma_wait3A_106 = arith.constant 0 : i32
      %dma_wait3A_107 = arith.constant 0 : i32
      %dma_wait3A_108 = tpu.memref_slice %arg3[%add3A, %add3A_100, %dma_wait3A_106, %dma_wait3A_107] : memref<32x50x2x100xi32, #tpu.memory_space<hbm>> -> memref<1x1x2x100xi32, #tpu.memory_space<hbm>>
      %dma_wait3A_109 = tpu.memref_squeeze %dma_wait3A_108 : memref<1x1x2x100xi32, #tpu.memory_space<hbm>> -> memref<2x100xi32, #tpu.memory_space<hbm>>
      %dma_wait3A_110 = arith.constant 0 : i32
      %dma_wait3A_111 = arith.constant 0 : i32
      %dma_wait3A_112 = tpu.memref_slice %arg3[%add3A, %add3A_100, %dma_wait3A_110, %dma_wait3A_111] : memref<32x50x2x100xi32, #tpu.memory_space<hbm>> -> memref<1x1x2x100xi32, #tpu.memory_space<hbm>>
      %dma_wait3A_113 = tpu.memref_squeeze %dma_wait3A_112 : memref<1x1x2x100xi32, #tpu.memory_space<hbm>> -> memref<2x100xi32, #tpu.memory_space<hbm>>
      tpu.wait_dma2 semaphore(%arg10 : memref<!tpu.dma_semaphore, #tpu.memory_space<semaphore_mem>>) src(%dma_wait3A_113 : memref<2x100xi32, #tpu.memory_space<hbm>>) dst(%arg6 : memref<2x100xi32, #tpu.memory_space<vmem>>)
      %dma_start3A_114 = arith.constant 0 : i32
      %dma_start3A_115 = arith.constant 0 : i32
      %dma_start3A_116 = arith.constant 0 : i32
      %dma_start3A_117 = tpu.memref_slice %arg8[%dma_start3A_115, %dma_start3A_116] : memref<200x128xf32, #tpu.memory_space<vmem>> -> memref<100x128xf32, #tpu.memory_space<vmem>>
      %dma_start3A_118 = arith.constant 0 : i32
      %dma_start3A_119 = tpu.memref_slice %arg6[%dma_start3A_114, %dma_start3A_118] : memref<2x100xi32, #tpu.memory_space<vmem>> -> memref<1x100xi32, #tpu.memory_space<vmem>>
      %dma_start3A_120 = tpu.memref_squeeze %dma_start3A_119 : memref<1x100xi32, #tpu.memory_space<vmem>> -> memref<100xi32, #tpu.memory_space<vmem>>
      %dma_start3A_121 = arith.constant 0 : i32
      %dma_start3A_122 = arith.constant 0 : i32
      %dma_start3A_123 = tpu.memref_slice %arg2[%dma_start3A_121, %dma_start3A_122] : memref<10000x128xf32, #tpu.memory_space<hbm>> -> memref<10000x128xf32, #tpu.memory_space<hbm>>
      tpu.enqueue_indirect_dma source(%dma_start3A_123 : memref<10000x128xf32, #tpu.memory_space<hbm>>) target(%dma_start3A_117 : memref<100x128xf32, #tpu.memory_space<vmem>>) offsets(%dma_start3A_120 : memref<100xi32, #tpu.memory_space<vmem>>) semaphore(%arg12 : memref<!tpu.dma_semaphore, #tpu.memory_space<semaphore_mem>>)
      %dma_start3A_124 = arith.constant 1 : i32
      %dma_start3A_125 = arith.constant 100 : i32
      %dma_start3A_126 = arith.constant 0 : i32
      %dma_start3A_127 = tpu.memref_slice %arg8[%dma_start3A_125, %dma_start3A_126] : memref<200x128xf32, #tpu.memory_space<vmem>> -> memref<100x128xf32, #tpu.memory_space<vmem>>
      %dma_start3A_128 = arith.constant 0 : i32
      %dma_start3A_129 = tpu.memref_slice %arg6[%dma_start3A_124, %dma_start3A_128] : memref<2x100xi32, #tpu.memory_space<vmem>> -> memref<1x100xi32, #tpu.memory_space<vmem>>
      %dma_start3A_130 = tpu.memref_squeeze %dma_start3A_129 : memref<1x100xi32, #tpu.memory_space<vmem>> -> memref<100xi32, #tpu.memory_space<vmem>>
      %dma_start3A_131 = arith.constant 0 : i32
      %dma_start3A_132 = arith.constant 0 : i32
      %dma_start3A_133 = tpu.memref_slice %arg2[%dma_start3A_131, %dma_start3A_132] : memref<10000x128xf32, #tpu.memory_space<hbm>> -> memref<10000x128xf32, #tpu.memory_space<hbm>>
      tpu.enqueue_indirect_dma source(%dma_start3A_133 : memref<10000x128xf32, #tpu.memory_space<hbm>>) target(%dma_start3A_127 : memref<100x128xf32, #tpu.memory_space<vmem>>) offsets(%dma_start3A_130 : memref<100xi32, #tpu.memory_space<vmem>>) semaphore(%arg12 : memref<!tpu.dma_semaphore, #tpu.memory_space<semaphore_mem>>)
      %ge3A_134 = arith.constant 1 : i32
      %ge3A_135 = arith.cmpi sge, %add3A_100, %ge3A_134 : i32
      %convert_element_type3A_136 = arith.extui %ge3A_135 : i1 to i32
      %cond3A_137 = arith.constant 0 : i32
      %cond3A_138 = arith.cmpi ne, %convert_element_type3A_136, %cond3A_137 : i32
      scf.if %cond3A_138 {
        %dma_wait3A_146 = arith.constant 0 : i32
        %dma_wait3A_147 = arith.constant 0 : i32
        %dma_wait3A_148 = arith.constant 0 : i32
        %dma_wait3A_149 = tpu.memref_slice %arg7[%dma_wait3A_147, %dma_wait3A_148] : memref<200x128xf32, #tpu.memory_space<vmem>> -> memref<100x128xf32, #tpu.memory_space<vmem>>
        %dma_wait3A_150 = arith.constant 0 : i32
        %dma_wait3A_151 = tpu.memref_slice %arg5[%dma_wait3A_146, %dma_wait3A_150] : memref<2x100xi32, #tpu.memory_space<vmem>> -> memref<1x100xi32, #tpu.memory_space<vmem>>
        %dma_wait3A_152 = tpu.memref_squeeze %dma_wait3A_151 : memref<1x100xi32, #tpu.memory_space<vmem>> -> memref<100xi32, #tpu.memory_space<vmem>>
        %dma_wait3A_153 = arith.constant 0 : i32
        %dma_wait3A_154 = arith.constant 0 : i32
        %dma_wait3A_155 = tpu.memref_slice %arg2[%dma_wait3A_153, %dma_wait3A_154] : memref<10000x128xf32, #tpu.memory_space<hbm>> -> memref<10000x128xf32, #tpu.memory_space<hbm>>
        tpu.wait_indirect_dma semaphore(%arg11 : memref<!tpu.dma_semaphore, #tpu.memory_space<semaphore_mem>>) src(%dma_wait3A_155 : memref<10000x128xf32, #tpu.memory_space<hbm>>) dst(%dma_wait3A_149 : memref<100x128xf32, #tpu.memory_space<vmem>>)
        %dma_wait3A_156 = arith.constant 1 : i32
        %dma_wait3A_157 = arith.constant 100 : i32
        %dma_wait3A_158 = arith.constant 0 : i32
        %dma_wait3A_159 = tpu.memref_slice %arg7[%dma_wait3A_157, %dma_wait3A_158] : memref<200x128xf32, #tpu.memory_space<vmem>> -> memref<100x128xf32, #tpu.memory_space<vmem>>
        %dma_wait3A_160 = arith.constant 0 : i32
        %dma_wait3A_161 = tpu.memref_slice %arg5[%dma_wait3A_156, %dma_wait3A_160] : memref<2x100xi32, #tpu.memory_space<vmem>> -> memref<1x100xi32, #tpu.memory_space<vmem>>
        %dma_wait3A_162 = tpu.memref_squeeze %dma_wait3A_161 : memref<1x100xi32, #tpu.memory_space<vmem>> -> memref<100xi32, #tpu.memory_space<vmem>>
        %dma_wait3A_163 = arith.constant 0 : i32
        %dma_wait3A_164 = arith.constant 0 : i32
        %dma_wait3A_165 = tpu.memref_slice %arg2[%dma_wait3A_163, %dma_wait3A_164] : memref<10000x128xf32, #tpu.memory_space<hbm>> -> memref<10000x128xf32, #tpu.memory_space<hbm>>
        tpu.wait_indirect_dma semaphore(%arg11 : memref<!tpu.dma_semaphore, #tpu.memory_space<semaphore_mem>>) src(%dma_wait3A_165 : memref<10000x128xf32, #tpu.memory_space<hbm>>) dst(%dma_wait3A_159 : memref<100x128xf32, #tpu.memory_space<vmem>>)
        %sub3A = arith.constant 1 : i32
        %sub3A_166 = arith.subi %add3A_100, %sub3A : i32
        %mul3A_167 = arith.constant 200 : i32
        %mul3A_168 = arith.muli %sub3A_166, %mul3A_167 : i32
        %add3A_169 = arith.addi %mul3A_2, %mul3A_168 : i32
        %dma_start3A_170 = arith.constant 0 : i32
        %dma_start3A_171 = tpu.memref_slice %arg4[%add3A_169, %dma_start3A_170] : memref<320000x128xf32, #tpu.memory_space<hbm>> -> memref<200x128xf32, #tpu.memory_space<hbm>>
        %dma_start3A_172 = arith.constant 0 : i32
        %dma_start3A_173 = tpu.memref_slice %arg4[%add3A_169, %dma_start3A_172] : memref<320000x128xf32, #tpu.memory_space<hbm>> -> memref<200x128xf32, #tpu.memory_space<hbm>>
        tpu.enqueue_dma source(%arg7 : memref<200x128xf32, #tpu.memory_space<vmem>>) target(%dma_start3A_173 : memref<200x128xf32, #tpu.memory_space<hbm>>) target_semaphore(%arg13 : memref<!tpu.dma_semaphore, #tpu.memory_space<semaphore_mem>>)
      } else {
      }
      %add3A_139 = arith.constant 1 : i32
      %add3A_140 = arith.addi %add3A_100, %add3A_139 : i32
      %lt3A_141 = arith.constant 50 : i32
      %lt3A_142 = arith.cmpi slt, %add3A_140, %lt3A_141 : i32
      %convert_element_type3A_143 = arith.extui %lt3A_142 : i1 to i32
      %cond3A_144 = arith.constant 0 : i32
      %cond3A_145 = arith.cmpi ne, %convert_element_type3A_143, %cond3A_144 : i32
      scf.if %cond3A_145 {
        %add3A_146 = arith.constant 1 : i32
        %add3A_147 = arith.addi %add3A_100, %add3A_146 : i32
        %dma_start3A_148 = arith.constant 0 : i32
        %dma_start3A_149 = arith.constant 0 : i32
        %dma_start3A_150 = tpu.memref_slice %arg3[%add3A, %add3A_147, %dma_start3A_148, %dma_start3A_149] : memref<32x50x2x100xi32, #tpu.memory_space<hbm>> -> memref<1x1x2x100xi32, #tpu.memory_space<hbm>>
        %dma_start3A_151 = tpu.memref_squeeze %dma_start3A_150 : memref<1x1x2x100xi32, #tpu.memory_space<hbm>> -> memref<2x100xi32, #tpu.memory_space<hbm>>
        %dma_start3A_152 = arith.constant 0 : i32
        %dma_start3A_153 = arith.constant 0 : i32
        %dma_start3A_154 = tpu.memref_slice %arg3[%add3A, %add3A_147, %dma_start3A_152, %dma_start3A_153] : memref<32x50x2x100xi32, #tpu.memory_space<hbm>> -> memref<1x1x2x100xi32, #tpu.memory_space<hbm>>
        %dma_start3A_155 = tpu.memref_squeeze %dma_start3A_154 : memref<1x1x2x100xi32, #tpu.memory_space<hbm>> -> memref<2x100xi32, #tpu.memory_space<hbm>>
        tpu.enqueue_dma source(%dma_start3A_155 : memref<2x100xi32, #tpu.memory_space<hbm>>) target(%arg5 : memref<2x100xi32, #tpu.memory_space<vmem>>) target_semaphore(%arg9 : memref<!tpu.dma_semaphore, #tpu.memory_space<semaphore_mem>>)
      } else {
      }
    }
    %scan3A_15 = arith.constant 25 : i32
    %dma_wait3A = arith.constant 0 : i32
    %dma_wait3A_16 = arith.constant 0 : i32
    %dma_wait3A_17 = arith.constant 0 : i32
    %dma_wait3A_18 = tpu.memref_slice %arg8[%dma_wait3A_16, %dma_wait3A_17] : memref<200x128xf32, #tpu.memory_space<vmem>> -> memref<100x128xf32, #tpu.memory_space<vmem>>
    %dma_wait3A_19 = arith.constant 0 : i32
    %dma_wait3A_20 = tpu.memref_slice %arg6[%dma_wait3A, %dma_wait3A_19] : memref<2x100xi32, #tpu.memory_space<vmem>> -> memref<1x100xi32, #tpu.memory_space<vmem>>
    %dma_wait3A_21 = tpu.memref_squeeze %dma_wait3A_20 : memref<1x100xi32, #tpu.memory_space<vmem>> -> memref<100xi32, #tpu.memory_space<vmem>>
    %dma_wait3A_22 = arith.constant 0 : i32
    %dma_wait3A_23 = arith.constant 0 : i32
    %dma_wait3A_24 = tpu.memref_slice %arg2[%dma_wait3A_22, %dma_wait3A_23] : memref<10000x128xf32, #tpu.memory_space<hbm>> -> memref<10000x128xf32, #tpu.memory_space<hbm>>
    tpu.wait_indirect_dma semaphore(%arg12 : memref<!tpu.dma_semaphore, #tpu.memory_space<semaphore_mem>>) src(%dma_wait3A_24 : memref<10000x128xf32, #tpu.memory_space<hbm>>) dst(%dma_wait3A_18 : memref<100x128xf32, #tpu.memory_space<vmem>>)
    %dma_wait3A_25 = arith.constant 1 : i32
    %dma_wait3A_26 = arith.constant 100 : i32
    %dma_wait3A_27 = arith.constant 0 : i32
    %dma_wait3A_28 = tpu.memref_slice %arg8[%dma_wait3A_26, %dma_wait3A_27] : memref<200x128xf32, #tpu.memory_space<vmem>> -> memref<100x128xf32, #tpu.memory_space<vmem>>
    %dma_wait3A_29 = arith.constant 0 : i32
    %dma_wait3A_30 = tpu.memref_slice %arg6[%dma_wait3A_25, %dma_wait3A_29] : memref<2x100xi32, #tpu.memory_space<vmem>> -> memref<1x100xi32, #tpu.memory_space<vmem>>
    %dma_wait3A_31 = tpu.memref_squeeze %dma_wait3A_30 : memref<1x100xi32, #tpu.memory_space<vmem>> -> memref<100xi32, #tpu.memory_space<vmem>>
    %dma_wait3A_32 = arith.constant 0 : i32
    %dma_wait3A_33 = arith.constant 0 : i32
    %dma_wait3A_34 = tpu.memref_slice %arg2[%dma_wait3A_32, %dma_wait3A_33] : memref<10000x128xf32, #tpu.memory_space<hbm>> -> memref<10000x128xf32, #tpu.memory_space<hbm>>
    tpu.wait_indirect_dma semaphore(%arg12 : memref<!tpu.dma_semaphore, #tpu.memory_space<semaphore_mem>>) src(%dma_wait3A_34 : memref<10000x128xf32, #tpu.memory_space<hbm>>) dst(%dma_wait3A_28 : memref<100x128xf32, #tpu.memory_space<vmem>>)
    %add3A_35 = arith.constant 9800 : i32
    %add3A_36 = arith.addi %mul3A_2, %add3A_35 : i32
    %dma_start3A_37 = arith.constant 0 : i32
    %dma_start3A_38 = tpu.memref_slice %arg4[%add3A_36, %dma_start3A_37] : memref<320000x128xf32, #tpu.memory_space<hbm>> -> memref<200x128xf32, #tpu.memory_space<hbm>>
    %dma_start3A_39 = arith.constant 0 : i32
    %dma_start3A_40 = tpu.memref_slice %arg4[%add3A_36, %dma_start3A_39] : memref<320000x128xf32, #tpu.memory_space<hbm>> -> memref<200x128xf32, #tpu.memory_space<hbm>>
    tpu.enqueue_dma source(%arg8 : memref<200x128xf32, #tpu.memory_space<vmem>>) target(%dma_start3A_40 : memref<200x128xf32, #tpu.memory_space<hbm>>) target_semaphore(%arg14 : memref<!tpu.dma_semaphore, #tpu.memory_space<semaphore_mem>>)
    %add3A_41 = arith.constant 9600 : i32
    %add3A_42 = arith.addi %mul3A_2, %add3A_41 : i32
    %dma_wait3A_43 = arith.constant 0 : i32
    %dma_wait3A_44 = tpu.memref_slice %arg4[%add3A_42, %dma_wait3A_43] : memref<320000x128xf32, #tpu.memory_space<hbm>> -> memref<200x128xf32, #tpu.memory_space<hbm>>
    %dma_wait3A_45 = arith.constant 0 : i32
    %dma_wait3A_46 = tpu.memref_slice %arg4[%add3A_42, %dma_wait3A_45] : memref<320000x128xf32, #tpu.memory_space<hbm>> -> memref<200x128xf32, #tpu.memory_space<hbm>>
    tpu.wait_dma2 semaphore(%arg13 : memref<!tpu.dma_semaphore, #tpu.memory_space<semaphore_mem>>) src(%arg7 : memref<200x128xf32, #tpu.memory_space<vmem>>) dst(%dma_wait3A_46 : memref<200x128xf32, #tpu.memory_space<hbm>>)
    %add3A_47 = arith.constant 9800 : i32
    %add3A_48 = arith.addi %mul3A_2, %add3A_47 : i32
    %dma_wait3A_49 = arith.constant 0 : i32
    %dma_wait3A_50 = tpu.memref_slice %arg4[%add3A_48, %dma_wait3A_49] : memref<320000x128xf32, #tpu.memory_space<hbm>> -> memref<200x128xf32, #tpu.memory_space<hbm>>
    %dma_wait3A_51 = arith.constant 0 : i32
    %dma_wait3A_52 = tpu.memref_slice %arg4[%add3A_48, %dma_wait3A_51] : memref<320000x128xf32, #tpu.memory_space<hbm>> -> memref<200x128xf32, #tpu.memory_space<hbm>>
    tpu.wait_dma2 semaphore(%arg14 : memref<!tpu.dma_semaphore, #tpu.memory_space<semaphore_mem>>) src(%arg8 : memref<200x128xf32, #tpu.memory_space<vmem>>) dst(%dma_wait3A_52 : memref<200x128xf32, #tpu.memory_space<hbm>>)
    return
  }
}

#map = affine_map<(d0, d1) -> (0, 0)>
#map1 = affine_map<(d0, d1) -> (0, 0, 0, 0, 0)>
#map2 = affine_map<(d0, d1) -> (0, 0, 0)>
module attributes {stable_mosaic.version = 14 : i64} {
  func.func @k(%arg0: i32, %arg1: i32, %arg2: memref<320000x128xf32, #tpu.memory_space<hbm>>, %arg3: memref<2x16x100x2x100xi32, #tpu.memory_space<hbm>>, %arg4: memref<5008x128xf32, #tpu.memory_space<hbm>>, %arg5: memref<2x5008x128xf32, #tpu.memory_space<hbm>>, %arg6: memref<2x100xi32, #tpu.memory_space<vmem>>, %arg7: memref<2x100xi32, #tpu.memory_space<vmem>>, %arg8: memref<200x128xf32, #tpu.memory_space<vmem>>, %arg9: memref<200x128xf32, #tpu.memory_space<vmem>>, %arg10: memref<5008x128xf32, #tpu.memory_space<vmem_shared>>, %arg11: memref<!tpu.dma_semaphore, #tpu.memory_space<semaphore_mem>>, %arg12: memref<!tpu.dma_semaphore, #tpu.memory_space<semaphore_mem>>, %arg13: memref<!tpu.dma_semaphore, #tpu.memory_space<semaphore_mem>>, %arg14: memref<!tpu.dma_semaphore, #tpu.memory_space<semaphore_mem>>) attributes {dimension_semantics = [#tpu.dimension_semantics<core_parallel>, #tpu.dimension_semantics<subcore_parallel>], iteration_bounds = array<i64: 2, 16>, scalar_prefetch = 0 : i64, scratch_operands = 9 : i64, tpu.core_type = #tpu.core_type<sc_vector_subcore>, window_params = [{transform_indices = #map}, {transform_indices = #map1}, {transform_indices = #map}, {transform_indices = #map2}]} {
    %mul3A = arith.constant 20000 : i32
    %mul3A_0 = arith.muli %arg1, %mul3A : i32
    %lt3A = arith.constant 2 : i32
    %lt3A_1 = arith.cmpi slt, %arg1, %lt3A : i32
    %convert_element_type3A = arith.extui %lt3A_1 : i1 to i32
    %cond3A = arith.constant 0 : i32
    %cond3A_2 = arith.cmpi ne, %convert_element_type3A, %cond3A : i32
    scf.if %cond3A_2 {
      %mul3A_46 = arith.constant 2504 : i32
      %mul3A_47 = arith.muli %arg1, %mul3A_46 : i32
      %mul3A_48 = arith.constant 2504 : i32
      %mul3A_49 = arith.muli %arg1, %mul3A_48 : i32
      "tpu.region"() ({
        %run_scoped3A = tpu.sem_alloc : memref<!tpu.dma_semaphore, #tpu.memory_space<semaphore_mem>>
        %dma_start3A_50 = arith.constant 0 : i32
        %dma_start3A_51 = tpu.memref_slice %arg10[%mul3A_49, %dma_start3A_50] : memref<5008x128xf32, #tpu.memory_space<vmem_shared>> -> memref<2504x128xf32, #tpu.memory_space<vmem_shared>>
        %dma_start3A_52 = arith.constant 0 : i32
        %dma_start3A_53 = tpu.memref_slice %arg4[%mul3A_47, %dma_start3A_52] : memref<5008x128xf32, #tpu.memory_space<hbm>> -> memref<2504x128xf32, #tpu.memory_space<hbm>>
        tpu.enqueue_dma source(%dma_start3A_53 : memref<2504x128xf32, #tpu.memory_space<hbm>>) target(%dma_start3A_51 : memref<2504x128xf32, #tpu.memory_space<vmem_shared>>) target_semaphore(%run_scoped3A : memref<!tpu.dma_semaphore, #tpu.memory_space<semaphore_mem>>)
        %dma_wait3A_54 = arith.constant 0 : i32
        %dma_wait3A_55 = tpu.memref_slice %arg10[%mul3A_49, %dma_wait3A_54] : memref<5008x128xf32, #tpu.memory_space<vmem_shared>> -> memref<2504x128xf32, #tpu.memory_space<vmem_shared>>
        %dma_wait3A_56 = arith.constant 0 : i32
        %dma_wait3A_57 = tpu.memref_slice %arg4[%mul3A_47, %dma_wait3A_56] : memref<5008x128xf32, #tpu.memory_space<hbm>> -> memref<2504x128xf32, #tpu.memory_space<hbm>>
        tpu.wait_dma2 semaphore(%run_scoped3A : memref<!tpu.dma_semaphore, #tpu.memory_space<semaphore_mem>>) src(%dma_wait3A_57 : memref<2504x128xf32, #tpu.memory_space<hbm>>) dst(%dma_wait3A_55 : memref<2504x128xf32, #tpu.memory_space<vmem_shared>>)
        tpu.yield
      }) : () -> ()
    } else {
    }
    %barrier3A = arith.constant 0 : index
    tpu.barrier barrier_id(%barrier3A)
    %dma_start3A = arith.constant 0 : i32
    %dma_start3A_3 = arith.constant 0 : i32
    %dma_start3A_4 = arith.constant 0 : i32
    %dma_start3A_5 = tpu.memref_slice %arg3[%arg0, %arg1, %dma_start3A, %dma_start3A_3, %dma_start3A_4] : memref<2x16x100x2x100xi32, #tpu.memory_space<hbm>> -> memref<1x1x1x2x100xi32, #tpu.memory_space<hbm>>
    %dma_start3A_6 = tpu.memref_squeeze %dma_start3A_5 : memref<1x1x1x2x100xi32, #tpu.memory_space<hbm>> -> memref<2x100xi32, #tpu.memory_space<hbm>>
    %dma_start3A_7 = arith.constant 0 : i32
    %dma_start3A_8 = arith.constant 0 : i32
    %dma_start3A_9 = tpu.memref_slice %arg3[%arg0, %arg1, %dma_start3A, %dma_start3A_7, %dma_start3A_8] : memref<2x16x100x2x100xi32, #tpu.memory_space<hbm>> -> memref<1x1x1x2x100xi32, #tpu.memory_space<hbm>>
    %dma_start3A_10 = tpu.memref_squeeze %dma_start3A_9 : memref<1x1x1x2x100xi32, #tpu.memory_space<hbm>> -> memref<2x100xi32, #tpu.memory_space<hbm>>
    tpu.enqueue_dma source(%dma_start3A_10 : memref<2x100xi32, #tpu.memory_space<hbm>>) target(%arg6 : memref<2x100xi32, #tpu.memory_space<vmem>>) target_semaphore(%arg11 : memref<!tpu.dma_semaphore, #tpu.memory_space<semaphore_mem>>)
    %add3A = arith.constant 0 : i32
    %add3A_11 = arith.addi %mul3A_0, %add3A : i32
    %dma_start3A_12 = arith.constant 0 : i32
    %dma_start3A_13 = tpu.memref_slice %arg2[%add3A_11, %dma_start3A_12] : memref<320000x128xf32, #tpu.memory_space<hbm>> -> memref<200x128xf32, #tpu.memory_space<hbm>>
    %dma_start3A_14 = arith.constant 0 : i32
    %dma_start3A_15 = tpu.memref_slice %arg2[%add3A_11, %dma_start3A_14] : memref<320000x128xf32, #tpu.memory_space<hbm>> -> memref<200x128xf32, #tpu.memory_space<hbm>>
    tpu.enqueue_dma source(%dma_start3A_15 : memref<200x128xf32, #tpu.memory_space<hbm>>) target(%arg8 : memref<200x128xf32, #tpu.memory_space<vmem>>) target_semaphore(%arg11 : memref<!tpu.dma_semaphore, #tpu.memory_space<semaphore_mem>>)
    %scan3A = arith.constant 0 : i32
    %scan3A_16 = arith.constant 0 : i32
    %scan3A_17 = arith.constant 50 : i32
    %scan3A_18 = arith.addi %scan3A_16, %scan3A_17 : i32
    %scan3A_19 = arith.constant 1 : i32
    scf.for %scan3A_46 = %scan3A_16 to %scan3A_18 step %scan3A_19  : i32 {
      %mul3A_47 = arith.constant 2 : i32
      %mul3A_48 = arith.muli %mul3A_47, %scan3A_46 : i32
      %dma_wait3A_49 = arith.constant 0 : i32
      %dma_wait3A_50 = arith.constant 0 : i32
      %dma_wait3A_51 = tpu.memref_slice %arg3[%arg0, %arg1, %mul3A_48, %dma_wait3A_49, %dma_wait3A_50] : memref<2x16x100x2x100xi32, #tpu.memory_space<hbm>> -> memref<1x1x1x2x100xi32, #tpu.memory_space<hbm>>
      %dma_wait3A_52 = tpu.memref_squeeze %dma_wait3A_51 : memref<1x1x1x2x100xi32, #tpu.memory_space<hbm>> -> memref<2x100xi32, #tpu.memory_space<hbm>>
      %dma_wait3A_53 = arith.constant 0 : i32
      %dma_wait3A_54 = arith.constant 0 : i32
      %dma_wait3A_55 = tpu.memref_slice %arg3[%arg0, %arg1, %mul3A_48, %dma_wait3A_53, %dma_wait3A_54] : memref<2x16x100x2x100xi32, #tpu.memory_space<hbm>> -> memref<1x1x1x2x100xi32, #tpu.memory_space<hbm>>
      %dma_wait3A_56 = tpu.memref_squeeze %dma_wait3A_55 : memref<1x1x1x2x100xi32, #tpu.memory_space<hbm>> -> memref<2x100xi32, #tpu.memory_space<hbm>>
      tpu.wait_dma2 semaphore(%arg11 : memref<!tpu.dma_semaphore, #tpu.memory_space<semaphore_mem>>) src(%dma_wait3A_56 : memref<2x100xi32, #tpu.memory_space<hbm>>) dst(%arg6 : memref<2x100xi32, #tpu.memory_space<vmem>>)
      %mul3A_57 = arith.constant 200 : i32
      %mul3A_58 = arith.muli %mul3A_48, %mul3A_57 : i32
      %add3A_59 = arith.addi %mul3A_0, %mul3A_58 : i32
      %dma_wait3A_60 = arith.constant 0 : i32
      %dma_wait3A_61 = tpu.memref_slice %arg2[%add3A_59, %dma_wait3A_60] : memref<320000x128xf32, #tpu.memory_space<hbm>> -> memref<200x128xf32, #tpu.memory_space<hbm>>
      %dma_wait3A_62 = arith.constant 0 : i32
      %dma_wait3A_63 = tpu.memref_slice %arg2[%add3A_59, %dma_wait3A_62] : memref<320000x128xf32, #tpu.memory_space<hbm>> -> memref<200x128xf32, #tpu.memory_space<hbm>>
      tpu.wait_dma2 semaphore(%arg11 : memref<!tpu.dma_semaphore, #tpu.memory_space<semaphore_mem>>) src(%dma_wait3A_63 : memref<200x128xf32, #tpu.memory_space<hbm>>) dst(%arg8 : memref<200x128xf32, #tpu.memory_space<vmem>>)
      %dma_start3A_64 = arith.constant 0 : i32
      %dma_start3A_65 = arith.constant 0 : i32
      %dma_start3A_66 = arith.constant 0 : i32
      %dma_start3A_67 = tpu.memref_slice %arg8[%dma_start3A_65, %dma_start3A_66] : memref<200x128xf32, #tpu.memory_space<vmem>> -> memref<100x128xf32, #tpu.memory_space<vmem>>
      %dma_start3A_68 = arith.constant 0 : i32
      %dma_start3A_69 = tpu.memref_slice %arg6[%dma_start3A_64, %dma_start3A_68] : memref<2x100xi32, #tpu.memory_space<vmem>> -> memref<1x100xi32, #tpu.memory_space<vmem>>
      %dma_start3A_70 = tpu.memref_squeeze %dma_start3A_69 : memref<1x100xi32, #tpu.memory_space<vmem>> -> memref<100xi32, #tpu.memory_space<vmem>>
      %dma_start3A_71 = arith.constant 0 : i32
      %dma_start3A_72 = arith.constant 0 : i32
      %dma_start3A_73 = tpu.memref_slice %arg10[%dma_start3A_71, %dma_start3A_72] : memref<5008x128xf32, #tpu.memory_space<vmem_shared>> -> memref<5008x128xf32, #tpu.memory_space<vmem_shared>>
      tpu.enqueue_indirect_dma source(%dma_start3A_67 : memref<100x128xf32, #tpu.memory_space<vmem>>) target(%dma_start3A_73 : memref<5008x128xf32, #tpu.memory_space<vmem_shared>>) offsets(%dma_start3A_70 : memref<100xi32, #tpu.memory_space<vmem>>) semaphore(%arg13 : memref<!tpu.dma_semaphore, #tpu.memory_space<semaphore_mem>>) {add = true}
      %dma_start3A_74 = arith.constant 1 : i32
      %dma_start3A_75 = arith.constant 100 : i32
      %dma_start3A_76 = arith.constant 0 : i32
      %dma_start3A_77 = tpu.memref_slice %arg8[%dma_start3A_75, %dma_start3A_76] : memref<200x128xf32, #tpu.memory_space<vmem>> -> memref<100x128xf32, #tpu.memory_space<vmem>>
      %dma_start3A_78 = arith.constant 0 : i32
      %dma_start3A_79 = tpu.memref_slice %arg6[%dma_start3A_74, %dma_start3A_78] : memref<2x100xi32, #tpu.memory_space<vmem>> -> memref<1x100xi32, #tpu.memory_space<vmem>>
      %dma_start3A_80 = tpu.memref_squeeze %dma_start3A_79 : memref<1x100xi32, #tpu.memory_space<vmem>> -> memref<100xi32, #tpu.memory_space<vmem>>
      %dma_start3A_81 = arith.constant 0 : i32
      %dma_start3A_82 = arith.constant 0 : i32
      %dma_start3A_83 = tpu.memref_slice %arg10[%dma_start3A_81, %dma_start3A_82] : memref<5008x128xf32, #tpu.memory_space<vmem_shared>> -> memref<5008x128xf32, #tpu.memory_space<vmem_shared>>
      tpu.enqueue_indirect_dma source(%dma_start3A_77 : memref<100x128xf32, #tpu.memory_space<vmem>>) target(%dma_start3A_83 : memref<5008x128xf32, #tpu.memory_space<vmem_shared>>) offsets(%dma_start3A_80 : memref<100xi32, #tpu.memory_space<vmem>>) semaphore(%arg13 : memref<!tpu.dma_semaphore, #tpu.memory_space<semaphore_mem>>) {add = true}
      %ge3A = arith.constant 1 : i32
      %ge3A_84 = arith.cmpi sge, %mul3A_48, %ge3A : i32
      %convert_element_type3A_85 = arith.extui %ge3A_84 : i1 to i32
      %cond3A_86 = arith.constant 0 : i32
      %cond3A_87 = arith.cmpi ne, %convert_element_type3A_85, %cond3A_86 : i32
      scf.if %cond3A_87 {
        %dma_wait3A_146 = arith.constant 0 : i32
        %dma_wait3A_147 = arith.constant 0 : i32
        %dma_wait3A_148 = arith.constant 0 : i32
        %dma_wait3A_149 = tpu.memref_slice %arg9[%dma_wait3A_147, %dma_wait3A_148] : memref<200x128xf32, #tpu.memory_space<vmem>> -> memref<100x128xf32, #tpu.memory_space<vmem>>
        %dma_wait3A_150 = arith.constant 0 : i32
        %dma_wait3A_151 = tpu.memref_slice %arg7[%dma_wait3A_146, %dma_wait3A_150] : memref<2x100xi32, #tpu.memory_space<vmem>> -> memref<1x100xi32, #tpu.memory_space<vmem>>
        %dma_wait3A_152 = tpu.memref_squeeze %dma_wait3A_151 : memref<1x100xi32, #tpu.memory_space<vmem>> -> memref<100xi32, #tpu.memory_space<vmem>>
        %dma_wait3A_153 = arith.constant 0 : i32
        %dma_wait3A_154 = arith.constant 0 : i32
        %dma_wait3A_155 = tpu.memref_slice %arg10[%dma_wait3A_153, %dma_wait3A_154] : memref<5008x128xf32, #tpu.memory_space<vmem_shared>> -> memref<5008x128xf32, #tpu.memory_space<vmem_shared>>
        tpu.wait_indirect_dma semaphore(%arg14 : memref<!tpu.dma_semaphore, #tpu.memory_space<semaphore_mem>>) src(%dma_wait3A_149 : memref<100x128xf32, #tpu.memory_space<vmem>>) dst(%dma_wait3A_155 : memref<5008x128xf32, #tpu.memory_space<vmem_shared>>)
        %dma_wait3A_156 = arith.constant 1 : i32
        %dma_wait3A_157 = arith.constant 100 : i32
        %dma_wait3A_158 = arith.constant 0 : i32
        %dma_wait3A_159 = tpu.memref_slice %arg9[%dma_wait3A_157, %dma_wait3A_158] : memref<200x128xf32, #tpu.memory_space<vmem>> -> memref<100x128xf32, #tpu.memory_space<vmem>>
        %dma_wait3A_160 = arith.constant 0 : i32
        %dma_wait3A_161 = tpu.memref_slice %arg7[%dma_wait3A_156, %dma_wait3A_160] : memref<2x100xi32, #tpu.memory_space<vmem>> -> memref<1x100xi32, #tpu.memory_space<vmem>>
        %dma_wait3A_162 = tpu.memref_squeeze %dma_wait3A_161 : memref<1x100xi32, #tpu.memory_space<vmem>> -> memref<100xi32, #tpu.memory_space<vmem>>
        %dma_wait3A_163 = arith.constant 0 : i32
        %dma_wait3A_164 = arith.constant 0 : i32
        %dma_wait3A_165 = tpu.memref_slice %arg10[%dma_wait3A_163, %dma_wait3A_164] : memref<5008x128xf32, #tpu.memory_space<vmem_shared>> -> memref<5008x128xf32, #tpu.memory_space<vmem_shared>>
        tpu.wait_indirect_dma semaphore(%arg14 : memref<!tpu.dma_semaphore, #tpu.memory_space<semaphore_mem>>) src(%dma_wait3A_159 : memref<100x128xf32, #tpu.memory_space<vmem>>) dst(%dma_wait3A_165 : memref<5008x128xf32, #tpu.memory_space<vmem_shared>>)
      } else {
      }
      %add3A_88 = arith.constant 1 : i32
      %add3A_89 = arith.addi %mul3A_48, %add3A_88 : i32
      %lt3A_90 = arith.constant 100 : i32
      %lt3A_91 = arith.cmpi slt, %add3A_89, %lt3A_90 : i32
      %convert_element_type3A_92 = arith.extui %lt3A_91 : i1 to i32
      %cond3A_93 = arith.constant 0 : i32
      %cond3A_94 = arith.cmpi ne, %convert_element_type3A_92, %cond3A_93 : i32
      scf.if %cond3A_94 {
        %add3A_146 = arith.constant 1 : i32
        %add3A_147 = arith.addi %mul3A_48, %add3A_146 : i32
        %dma_start3A_148 = arith.constant 0 : i32
        %dma_start3A_149 = arith.constant 0 : i32
        %dma_start3A_150 = tpu.memref_slice %arg3[%arg0, %arg1, %add3A_147, %dma_start3A_148, %dma_start3A_149] : memref<2x16x100x2x100xi32, #tpu.memory_space<hbm>> -> memref<1x1x1x2x100xi32, #tpu.memory_space<hbm>>
        %dma_start3A_151 = tpu.memref_squeeze %dma_start3A_150 : memref<1x1x1x2x100xi32, #tpu.memory_space<hbm>> -> memref<2x100xi32, #tpu.memory_space<hbm>>
        %dma_start3A_152 = arith.constant 0 : i32
        %dma_start3A_153 = arith.constant 0 : i32
        %dma_start3A_154 = tpu.memref_slice %arg3[%arg0, %arg1, %add3A_147, %dma_start3A_152, %dma_start3A_153] : memref<2x16x100x2x100xi32, #tpu.memory_space<hbm>> -> memref<1x1x1x2x100xi32, #tpu.memory_space<hbm>>
        %dma_start3A_155 = tpu.memref_squeeze %dma_start3A_154 : memref<1x1x1x2x100xi32, #tpu.memory_space<hbm>> -> memref<2x100xi32, #tpu.memory_space<hbm>>
        tpu.enqueue_dma source(%dma_start3A_155 : memref<2x100xi32, #tpu.memory_space<hbm>>) target(%arg7 : memref<2x100xi32, #tpu.memory_space<vmem>>) target_semaphore(%arg12 : memref<!tpu.dma_semaphore, #tpu.memory_space<semaphore_mem>>)
        %mul3A_156 = arith.constant 200 : i32
        %mul3A_157 = arith.muli %add3A_147, %mul3A_156 : i32
        %add3A_158 = arith.addi %mul3A_0, %mul3A_157 : i32
        %dma_start3A_159 = arith.constant 0 : i32
        %dma_start3A_160 = tpu.memref_slice %arg2[%add3A_158, %dma_start3A_159] : memref<320000x128xf32, #tpu.memory_space<hbm>> -> memref<200x128xf32, #tpu.memory_space<hbm>>
        %dma_start3A_161 = arith.constant 0 : i32
        %dma_start3A_162 = tpu.memref_slice %arg2[%add3A_158, %dma_start3A_161] : memref<320000x128xf32, #tpu.memory_space<hbm>> -> memref<200x128xf32, #tpu.memory_space<hbm>>
        tpu.enqueue_dma source(%dma_start3A_162 : memref<200x128xf32, #tpu.memory_space<hbm>>) target(%arg9 : memref<200x128xf32, #tpu.memory_space<vmem>>) target_semaphore(%arg12 : memref<!tpu.dma_semaphore, #tpu.memory_space<semaphore_mem>>)
      } else {
      }
      %mul3A_95 = arith.constant 2 : i32
      %mul3A_96 = arith.muli %mul3A_95, %scan3A_46 : i32
      %add3A_97 = arith.constant 1 : i32
      %add3A_98 = arith.addi %mul3A_96, %add3A_97 : i32
      %dma_wait3A_99 = arith.constant 0 : i32
      %dma_wait3A_100 = arith.constant 0 : i32
      %dma_wait3A_101 = tpu.memref_slice %arg3[%arg0, %arg1, %add3A_98, %dma_wait3A_99, %dma_wait3A_100] : memref<2x16x100x2x100xi32, #tpu.memory_space<hbm>> -> memref<1x1x1x2x100xi32, #tpu.memory_space<hbm>>
      %dma_wait3A_102 = tpu.memref_squeeze %dma_wait3A_101 : memref<1x1x1x2x100xi32, #tpu.memory_space<hbm>> -> memref<2x100xi32, #tpu.memory_space<hbm>>
      %dma_wait3A_103 = arith.constant 0 : i32
      %dma_wait3A_104 = arith.constant 0 : i32
      %dma_wait3A_105 = tpu.memref_slice %arg3[%arg0, %arg1, %add3A_98, %dma_wait3A_103, %dma_wait3A_104] : memref<2x16x100x2x100xi32, #tpu.memory_space<hbm>> -> memref<1x1x1x2x100xi32, #tpu.memory_space<hbm>>
      %dma_wait3A_106 = tpu.memref_squeeze %dma_wait3A_105 : memref<1x1x1x2x100xi32, #tpu.memory_space<hbm>> -> memref<2x100xi32, #tpu.memory_space<hbm>>
      tpu.wait_dma2 semaphore(%arg12 : memref<!tpu.dma_semaphore, #tpu.memory_space<semaphore_mem>>) src(%dma_wait3A_106 : memref<2x100xi32, #tpu.memory_space<hbm>>) dst(%arg7 : memref<2x100xi32, #tpu.memory_space<vmem>>)
      %mul3A_107 = arith.constant 200 : i32
      %mul3A_108 = arith.muli %add3A_98, %mul3A_107 : i32
      %add3A_109 = arith.addi %mul3A_0, %mul3A_108 : i32
      %dma_wait3A_110 = arith.constant 0 : i32
      %dma_wait3A_111 = tpu.memref_slice %arg2[%add3A_109, %dma_wait3A_110] : memref<320000x128xf32, #tpu.memory_space<hbm>> -> memref<200x128xf32, #tpu.memory_space<hbm>>
      %dma_wait3A_112 = arith.constant 0 : i32
      %dma_wait3A_113 = tpu.memref_slice %arg2[%add3A_109, %dma_wait3A_112] : memref<320000x128xf32, #tpu.memory_space<hbm>> -> memref<200x128xf32, #tpu.memory_space<hbm>>
      tpu.wait_dma2 semaphore(%arg12 : memref<!tpu.dma_semaphore, #tpu.memory_space<semaphore_mem>>) src(%dma_wait3A_113 : memref<200x128xf32, #tpu.memory_space<hbm>>) dst(%arg9 : memref<200x128xf32, #tpu.memory_space<vmem>>)
      %dma_start3A_114 = arith.constant 0 : i32
      %dma_start3A_115 = arith.constant 0 : i32
      %dma_start3A_116 = arith.constant 0 : i32
      %dma_start3A_117 = tpu.memref_slice %arg9[%dma_start3A_115, %dma_start3A_116] : memref<200x128xf32, #tpu.memory_space<vmem>> -> memref<100x128xf32, #tpu.memory_space<vmem>>
      %dma_start3A_118 = arith.constant 0 : i32
      %dma_start3A_119 = tpu.memref_slice %arg7[%dma_start3A_114, %dma_start3A_118] : memref<2x100xi32, #tpu.memory_space<vmem>> -> memref<1x100xi32, #tpu.memory_space<vmem>>
      %dma_start3A_120 = tpu.memref_squeeze %dma_start3A_119 : memref<1x100xi32, #tpu.memory_space<vmem>> -> memref<100xi32, #tpu.memory_space<vmem>>
      %dma_start3A_121 = arith.constant 0 : i32
      %dma_start3A_122 = arith.constant 0 : i32
      %dma_start3A_123 = tpu.memref_slice %arg10[%dma_start3A_121, %dma_start3A_122] : memref<5008x128xf32, #tpu.memory_space<vmem_shared>> -> memref<5008x128xf32, #tpu.memory_space<vmem_shared>>
      tpu.enqueue_indirect_dma source(%dma_start3A_117 : memref<100x128xf32, #tpu.memory_space<vmem>>) target(%dma_start3A_123 : memref<5008x128xf32, #tpu.memory_space<vmem_shared>>) offsets(%dma_start3A_120 : memref<100xi32, #tpu.memory_space<vmem>>) semaphore(%arg14 : memref<!tpu.dma_semaphore, #tpu.memory_space<semaphore_mem>>) {add = true}
      %dma_start3A_124 = arith.constant 1 : i32
      %dma_start3A_125 = arith.constant 100 : i32
      %dma_start3A_126 = arith.constant 0 : i32
      %dma_start3A_127 = tpu.memref_slice %arg9[%dma_start3A_125, %dma_start3A_126] : memref<200x128xf32, #tpu.memory_space<vmem>> -> memref<100x128xf32, #tpu.memory_space<vmem>>
      %dma_start3A_128 = arith.constant 0 : i32
      %dma_start3A_129 = tpu.memref_slice %arg7[%dma_start3A_124, %dma_start3A_128] : memref<2x100xi32, #tpu.memory_space<vmem>> -> memref<1x100xi32, #tpu.memory_space<vmem>>
      %dma_start3A_130 = tpu.memref_squeeze %dma_start3A_129 : memref<1x100xi32, #tpu.memory_space<vmem>> -> memref<100xi32, #tpu.memory_space<vmem>>
      %dma_start3A_131 = arith.constant 0 : i32
      %dma_start3A_132 = arith.constant 0 : i32
      %dma_start3A_133 = tpu.memref_slice %arg10[%dma_start3A_131, %dma_start3A_132] : memref<5008x128xf32, #tpu.memory_space<vmem_shared>> -> memref<5008x128xf32, #tpu.memory_space<vmem_shared>>
      tpu.enqueue_indirect_dma source(%dma_start3A_127 : memref<100x128xf32, #tpu.memory_space<vmem>>) target(%dma_start3A_133 : memref<5008x128xf32, #tpu.memory_space<vmem_shared>>) offsets(%dma_start3A_130 : memref<100xi32, #tpu.memory_space<vmem>>) semaphore(%arg14 : memref<!tpu.dma_semaphore, #tpu.memory_space<semaphore_mem>>) {add = true}
      %ge3A_134 = arith.constant 1 : i32
      %ge3A_135 = arith.cmpi sge, %add3A_98, %ge3A_134 : i32
      %convert_element_type3A_136 = arith.extui %ge3A_135 : i1 to i32
      %cond3A_137 = arith.constant 0 : i32
      %cond3A_138 = arith.cmpi ne, %convert_element_type3A_136, %cond3A_137 : i32
      scf.if %cond3A_138 {
        %dma_wait3A_146 = arith.constant 0 : i32
        %dma_wait3A_147 = arith.constant 0 : i32
        %dma_wait3A_148 = arith.constant 0 : i32
        %dma_wait3A_149 = tpu.memref_slice %arg8[%dma_wait3A_147, %dma_wait3A_148] : memref<200x128xf32, #tpu.memory_space<vmem>> -> memref<100x128xf32, #tpu.memory_space<vmem>>
        %dma_wait3A_150 = arith.constant 0 : i32
        %dma_wait3A_151 = tpu.memref_slice %arg6[%dma_wait3A_146, %dma_wait3A_150] : memref<2x100xi32, #tpu.memory_space<vmem>> -> memref<1x100xi32, #tpu.memory_space<vmem>>
        %dma_wait3A_152 = tpu.memref_squeeze %dma_wait3A_151 : memref<1x100xi32, #tpu.memory_space<vmem>> -> memref<100xi32, #tpu.memory_space<vmem>>
        %dma_wait3A_153 = arith.constant 0 : i32
        %dma_wait3A_154 = arith.constant 0 : i32
        %dma_wait3A_155 = tpu.memref_slice %arg10[%dma_wait3A_153, %dma_wait3A_154] : memref<5008x128xf32, #tpu.memory_space<vmem_shared>> -> memref<5008x128xf32, #tpu.memory_space<vmem_shared>>
        tpu.wait_indirect_dma semaphore(%arg13 : memref<!tpu.dma_semaphore, #tpu.memory_space<semaphore_mem>>) src(%dma_wait3A_149 : memref<100x128xf32, #tpu.memory_space<vmem>>) dst(%dma_wait3A_155 : memref<5008x128xf32, #tpu.memory_space<vmem_shared>>)
        %dma_wait3A_156 = arith.constant 1 : i32
        %dma_wait3A_157 = arith.constant 100 : i32
        %dma_wait3A_158 = arith.constant 0 : i32
        %dma_wait3A_159 = tpu.memref_slice %arg8[%dma_wait3A_157, %dma_wait3A_158] : memref<200x128xf32, #tpu.memory_space<vmem>> -> memref<100x128xf32, #tpu.memory_space<vmem>>
        %dma_wait3A_160 = arith.constant 0 : i32
        %dma_wait3A_161 = tpu.memref_slice %arg6[%dma_wait3A_156, %dma_wait3A_160] : memref<2x100xi32, #tpu.memory_space<vmem>> -> memref<1x100xi32, #tpu.memory_space<vmem>>
        %dma_wait3A_162 = tpu.memref_squeeze %dma_wait3A_161 : memref<1x100xi32, #tpu.memory_space<vmem>> -> memref<100xi32, #tpu.memory_space<vmem>>
        %dma_wait3A_163 = arith.constant 0 : i32
        %dma_wait3A_164 = arith.constant 0 : i32
        %dma_wait3A_165 = tpu.memref_slice %arg10[%dma_wait3A_163, %dma_wait3A_164] : memref<5008x128xf32, #tpu.memory_space<vmem_shared>> -> memref<5008x128xf32, #tpu.memory_space<vmem_shared>>
        tpu.wait_indirect_dma semaphore(%arg13 : memref<!tpu.dma_semaphore, #tpu.memory_space<semaphore_mem>>) src(%dma_wait3A_159 : memref<100x128xf32, #tpu.memory_space<vmem>>) dst(%dma_wait3A_165 : memref<5008x128xf32, #tpu.memory_space<vmem_shared>>)
      } else {
      }
      %add3A_139 = arith.constant 1 : i32
      %add3A_140 = arith.addi %add3A_98, %add3A_139 : i32
      %lt3A_141 = arith.constant 100 : i32
      %lt3A_142 = arith.cmpi slt, %add3A_140, %lt3A_141 : i32
      %convert_element_type3A_143 = arith.extui %lt3A_142 : i1 to i32
      %cond3A_144 = arith.constant 0 : i32
      %cond3A_145 = arith.cmpi ne, %convert_element_type3A_143, %cond3A_144 : i32
      scf.if %cond3A_145 {
        %add3A_146 = arith.constant 1 : i32
        %add3A_147 = arith.addi %add3A_98, %add3A_146 : i32
        %dma_start3A_148 = arith.constant 0 : i32
        %dma_start3A_149 = arith.constant 0 : i32
        %dma_start3A_150 = tpu.memref_slice %arg3[%arg0, %arg1, %add3A_147, %dma_start3A_148, %dma_start3A_149] : memref<2x16x100x2x100xi32, #tpu.memory_space<hbm>> -> memref<1x1x1x2x100xi32, #tpu.memory_space<hbm>>
        %dma_start3A_151 = tpu.memref_squeeze %dma_start3A_150 : memref<1x1x1x2x100xi32, #tpu.memory_space<hbm>> -> memref<2x100xi32, #tpu.memory_space<hbm>>
        %dma_start3A_152 = arith.constant 0 : i32
        %dma_start3A_153 = arith.constant 0 : i32
        %dma_start3A_154 = tpu.memref_slice %arg3[%arg0, %arg1, %add3A_147, %dma_start3A_152, %dma_start3A_153] : memref<2x16x100x2x100xi32, #tpu.memory_space<hbm>> -> memref<1x1x1x2x100xi32, #tpu.memory_space<hbm>>
        %dma_start3A_155 = tpu.memref_squeeze %dma_start3A_154 : memref<1x1x1x2x100xi32, #tpu.memory_space<hbm>> -> memref<2x100xi32, #tpu.memory_space<hbm>>
        tpu.enqueue_dma source(%dma_start3A_155 : memref<2x100xi32, #tpu.memory_space<hbm>>) target(%arg6 : memref<2x100xi32, #tpu.memory_space<vmem>>) target_semaphore(%arg11 : memref<!tpu.dma_semaphore, #tpu.memory_space<semaphore_mem>>)
        %mul3A_156 = arith.constant 200 : i32
        %mul3A_157 = arith.muli %add3A_147, %mul3A_156 : i32
        %add3A_158 = arith.addi %mul3A_0, %mul3A_157 : i32
        %dma_start3A_159 = arith.constant 0 : i32
        %dma_start3A_160 = tpu.memref_slice %arg2[%add3A_158, %dma_start3A_159] : memref<320000x128xf32, #tpu.memory_space<hbm>> -> memref<200x128xf32, #tpu.memory_space<hbm>>
        %dma_start3A_161 = arith.constant 0 : i32
        %dma_start3A_162 = tpu.memref_slice %arg2[%add3A_158, %dma_start3A_161] : memref<320000x128xf32, #tpu.memory_space<hbm>> -> memref<200x128xf32, #tpu.memory_space<hbm>>
        tpu.enqueue_dma source(%dma_start3A_162 : memref<200x128xf32, #tpu.memory_space<hbm>>) target(%arg8 : memref<200x128xf32, #tpu.memory_space<vmem>>) target_semaphore(%arg11 : memref<!tpu.dma_semaphore, #tpu.memory_space<semaphore_mem>>)
      } else {
      }
    }
    %scan3A_20 = arith.constant 50 : i32
    %dma_wait3A = arith.constant 0 : i32
    %dma_wait3A_21 = arith.constant 0 : i32
    %dma_wait3A_22 = arith.constant 0 : i32
    %dma_wait3A_23 = tpu.memref_slice %arg9[%dma_wait3A_21, %dma_wait3A_22] : memref<200x128xf32, #tpu.memory_space<vmem>> -> memref<100x128xf32, #tpu.memory_space<vmem>>
    %dma_wait3A_24 = arith.constant 0 : i32
    %dma_wait3A_25 = tpu.memref_slice %arg7[%dma_wait3A, %dma_wait3A_24] : memref<2x100xi32, #tpu.memory_space<vmem>> -> memref<1x100xi32, #tpu.memory_space<vmem>>
    %dma_wait3A_26 = tpu.memref_squeeze %dma_wait3A_25 : memref<1x100xi32, #tpu.memory_space<vmem>> -> memref<100xi32, #tpu.memory_space<vmem>>
    %dma_wait3A_27 = arith.constant 0 : i32
    %dma_wait3A_28 = arith.constant 0 : i32
    %dma_wait3A_29 = tpu.memref_slice %arg10[%dma_wait3A_27, %dma_wait3A_28] : memref<5008x128xf32, #tpu.memory_space<vmem_shared>> -> memref<5008x128xf32, #tpu.memory_space<vmem_shared>>
    tpu.wait_indirect_dma semaphore(%arg14 : memref<!tpu.dma_semaphore, #tpu.memory_space<semaphore_mem>>) src(%dma_wait3A_23 : memref<100x128xf32, #tpu.memory_space<vmem>>) dst(%dma_wait3A_29 : memref<5008x128xf32, #tpu.memory_space<vmem_shared>>)
    %dma_wait3A_30 = arith.constant 1 : i32
    %dma_wait3A_31 = arith.constant 100 : i32
    %dma_wait3A_32 = arith.constant 0 : i32
    %dma_wait3A_33 = tpu.memref_slice %arg9[%dma_wait3A_31, %dma_wait3A_32] : memref<200x128xf32, #tpu.memory_space<vmem>> -> memref<100x128xf32, #tpu.memory_space<vmem>>
    %dma_wait3A_34 = arith.constant 0 : i32
    %dma_wait3A_35 = tpu.memref_slice %arg7[%dma_wait3A_30, %dma_wait3A_34] : memref<2x100xi32, #tpu.memory_space<vmem>> -> memref<1x100xi32, #tpu.memory_space<vmem>>
    %dma_wait3A_36 = tpu.memref_squeeze %dma_wait3A_35 : memref<1x100xi32, #tpu.memory_space<vmem>> -> memref<100xi32, #tpu.memory_space<vmem>>
    %dma_wait3A_37 = arith.constant 0 : i32
    %dma_wait3A_38 = arith.constant 0 : i32
    %dma_wait3A_39 = tpu.memref_slice %arg10[%dma_wait3A_37, %dma_wait3A_38] : memref<5008x128xf32, #tpu.memory_space<vmem_shared>> -> memref<5008x128xf32, #tpu.memory_space<vmem_shared>>
    tpu.wait_indirect_dma semaphore(%arg14 : memref<!tpu.dma_semaphore, #tpu.memory_space<semaphore_mem>>) src(%dma_wait3A_33 : memref<100x128xf32, #tpu.memory_space<vmem>>) dst(%dma_wait3A_39 : memref<5008x128xf32, #tpu.memory_space<vmem_shared>>)
    %barrier3A_40 = arith.constant 0 : index
    tpu.barrier barrier_id(%barrier3A_40)
    %lt3A_41 = arith.constant 2 : i32
    %lt3A_42 = arith.cmpi slt, %arg1, %lt3A_41 : i32
    %convert_element_type3A_43 = arith.extui %lt3A_42 : i1 to i32
    %cond3A_44 = arith.constant 0 : i32
    %cond3A_45 = arith.cmpi ne, %convert_element_type3A_43, %cond3A_44 : i32
    scf.if %cond3A_45 {
      %mul3A_46 = arith.constant 2504 : i32
      %mul3A_47 = arith.muli %arg1, %mul3A_46 : i32
      %mul3A_48 = arith.constant 2504 : i32
      %mul3A_49 = arith.muli %arg1, %mul3A_48 : i32
      "tpu.region"() ({
        %run_scoped3A = tpu.sem_alloc : memref<!tpu.dma_semaphore, #tpu.memory_space<semaphore_mem>>
        %dma_start3A_50 = arith.constant 0 : i32
        %dma_start3A_51 = tpu.memref_slice %arg5[%arg0, %mul3A_49, %dma_start3A_50] : memref<2x5008x128xf32, #tpu.memory_space<hbm>> -> memref<1x2504x128xf32, #tpu.memory_space<hbm>>
        %dma_start3A_52 = tpu.memref_squeeze %dma_start3A_51 : memref<1x2504x128xf32, #tpu.memory_space<hbm>> -> memref<2504x128xf32, #tpu.memory_space<hbm>>
        %dma_start3A_53 = arith.constant 0 : i32
        %dma_start3A_54 = tpu.memref_slice %arg10[%mul3A_47, %dma_start3A_53] : memref<5008x128xf32, #tpu.memory_space<vmem_shared>> -> memref<2504x128xf32, #tpu.memory_space<vmem_shared>>
        tpu.enqueue_dma source(%dma_start3A_54 : memref<2504x128xf32, #tpu.memory_space<vmem_shared>>) target(%dma_start3A_52 : memref<2504x128xf32, #tpu.memory_space<hbm>>) target_semaphore(%run_scoped3A : memref<!tpu.dma_semaphore, #tpu.memory_space<semaphore_mem>>)
        %dma_wait3A_55 = arith.constant 0 : i32
        %dma_wait3A_56 = tpu.memref_slice %arg5[%arg0, %mul3A_49, %dma_wait3A_55] : memref<2x5008x128xf32, #tpu.memory_space<hbm>> -> memref<1x2504x128xf32, #tpu.memory_space<hbm>>
        %dma_wait3A_57 = tpu.memref_squeeze %dma_wait3A_56 : memref<1x2504x128xf32, #tpu.memory_space<hbm>> -> memref<2504x128xf32, #tpu.memory_space<hbm>>
        %dma_wait3A_58 = arith.constant 0 : i32
        %dma_wait3A_59 = tpu.memref_slice %arg10[%mul3A_47, %dma_wait3A_58] : memref<5008x128xf32, #tpu.memory_space<vmem_shared>> -> memref<2504x128xf32, #tpu.memory_space<vmem_shared>>
        tpu.wait_dma2 semaphore(%run_scoped3A : memref<!tpu.dma_semaphore, #tpu.memory_space<semaphore_mem>>) src(%dma_wait3A_59 : memref<2504x128xf32, #tpu.memory_space<vmem_shared>>) dst(%dma_wait3A_57 : memref<2504x128xf32, #tpu.memory_space<hbm>>)
        tpu.yield
      }) : () -> ()
    } else {
    }
    return
  }
}

module attributes {stable_mosaic.version = 14 : i64} {
  func.func @body(%arg0: memref<10000x128xf32, #tpu.memory_space<vmem>>, %arg1: memref<128x128xf32, #tpu.memory_space<vmem>>, %arg2: memref<10000x128xf32, #tpu.memory_space<vmem>>) attributes {dimension_semantics = [], scalar_prefetch = 0 : i64, scratch_operands = 0 : i64, tpu.core_type = #tpu.core_type<tc>} {
    %get3A = arith.constant 0 : index
    %get3A_0 = arith.constant 0 : index
    %get3A_1 = vector.load %arg0[%get3A, %get3A_0] : memref<10000x128xf32, #tpu.memory_space<vmem>>, vector<10000x128xf32>
    %get3A_2 = arith.constant 0 : index
    %get3A_3 = arith.constant 0 : index
    %get3A_4 = vector.load %arg1[%get3A_2, %get3A_3] : memref<128x128xf32, #tpu.memory_space<vmem>>, vector<128x128xf32>
    %dot_general3A = arith.constant dense<0.000000e+00> : vector<10000x128xf32>
    %dot_general3A_5 = tpu.matmul %get3A_1, %get3A_4, %dot_general3A {dimension_numbers = #tpu.dot_dimension_numbers<[1], [0], [0], [1], [0, 0, 1, 1], [], []>, transpose_lhs_hint = false} : vector<10000x128xf32>, vector<128x128xf32>, vector<10000x128xf32> -> vector<10000x128xf32>
    %swap3A = arith.constant 0 : index
    %swap3A_6 = arith.constant 0 : index
    %swap3A_7 = vector.load %arg2[%swap3A, %swap3A_6] : memref<10000x128xf32, #tpu.memory_space<vmem>>, vector<10000x128xf32>
    tpu.vector_store %arg2[%swap3A, %swap3A_6], %dot_general3A_5 {strides = array<i32>} : memref<10000x128xf32, #tpu.memory_space<vmem>>, vector<10000x128xf32>,
    return
  }
}

module attributes {stable_mosaic.version = 14 : i64} {
  func.func @body(%arg0: i32, %arg1: memref<1280x16xf32, #tpu.memory_space<vmem>>, %arg2: memref<16x128xf32, #tpu.memory_space<vmem>>, %arg3: memref<1280x128xf32, #tpu.memory_space<vmem>>, %arg4: memref<1280x128xf32, #tpu.memory_space<vmem>>) attributes {dimension_semantics = [#tpu.dimension_semantics<arbitrary>], iteration_bounds = array<i64: 250>, scalar_prefetch = 0 : i64, scratch_operands = 0 : i64, tpu.core_type = #tpu.core_type<tc>, window_params = [{transform_indices = @transform_0, window_bounds = array<i64: 1280, 16>}, {pipeline_mode = #tpu.pipeline_mode<synchronous>, transform_indices = @transform_1, window_bounds = array<i64: 16, 128>}, {transform_indices = @transform_2, window_bounds = array<i64: 1280, 128>}, {transform_indices = @transform_3, window_bounds = array<i64: 1280, 128>}]} {
    %get3A = arith.constant 0 : index
    %get3A_0 = arith.constant 0 : index
    %get3A_1 = vector.load %arg1[%get3A, %get3A_0] : memref<1280x16xf32, #tpu.memory_space<vmem>>, vector<1280x16xf32>
    %get3A_2 = arith.constant 0 : index
    %get3A_3 = arith.constant 0 : index
    %get3A_4 = vector.load %arg2[%get3A_2, %get3A_3] : memref<16x128xf32, #tpu.memory_space<vmem>>, vector<16x128xf32>
    %dot_general3A = arith.constant dense<0.000000e+00> : vector<1280x128xf32>
    %dot_general3A_5 = tpu.matmul %get3A_1, %get3A_4, %dot_general3A {dimension_numbers = #tpu.dot_dimension_numbers<[1], [0], [0], [1], [0, 0, 1, 1], [], []>, transpose_lhs_hint = false} : vector<1280x16xf32>, vector<16x128xf32>, vector<1280x128xf32> -> vector<1280x128xf32>
    %get3A_6 = arith.constant 0 : index
    %get3A_7 = arith.constant 0 : index
    %get3A_8 = vector.load %arg3[%get3A_6, %get3A_7] : memref<1280x128xf32, #tpu.memory_space<vmem>>, vector<1280x128xf32>
    %add3A = arith.addf %dot_general3A_5, %get3A_8 : vector<1280x128xf32>
    %max3A = arith.constant 0.000000e+00 : f32
    %max3A_9 = vector.broadcast %max3A : f32 to vector<1280x128xf32>
    %max3A_10 = arith.maximumf %add3A, %max3A_9 : vector<1280x128xf32>
    %swap3A = arith.constant 0 : index
    %swap3A_11 = arith.constant 0 : index
    %swap3A_12 = vector.load %arg4[%swap3A, %swap3A_11] : memref<1280x128xf32, #tpu.memory_space<vmem>>, vector<1280x128xf32>
    tpu.vector_store %arg4[%swap3A, %swap3A_11], %max3A_10 {strides = array<i32>} : memref<1280x128xf32, #tpu.memory_space<vmem>>, vector<1280x128xf32>,
    return
  }
  func.func @transform_0(%arg0: i32) -> (i32, i32) {
    %c0_i32 = arith.constant 0 : i32
    %c0_i32_0 = arith.constant 0 : i32
    return %arg0, %c0_i32 : i32, i32
  }
  func.func @transform_1(%arg0: i32) -> (i32, i32) {
    %c0_i32 = arith.constant 0 : i32
    %c0_i32_0 = arith.constant 0 : i32
    %c0_i32_1 = arith.constant 0 : i32
    return %c0_i32, %c0_i32_0 : i32, i32
  }
  func.func @transform_2(%arg0: i32) -> (i32, i32) {
    %c0_i32 = arith.constant 0 : i32
    %c0_i32_0 = arith.constant 0 : i32
    return %arg0, %c0_i32 : i32, i32
  }
  func.func @transform_3(%arg0: i32) -> (i32, i32) {
    %c0_i32 = arith.constant 0 : i32
    %c0_i32_0 = arith.constant 0 : i32
    return %arg0, %c0_i32 : i32, i32
  }
}

module attributes {stable_mosaic.version = 14 : i64} {
  func.func @body(%arg0: i32, %arg1: memref<1280x128xf32, #tpu.memory_space<vmem>>, %arg2: memref<128x128xf32, #tpu.memory_space<vmem>>, %arg3: memref<1280x128xf32, #tpu.memory_space<vmem>>, %arg4: memref<1280x128xf32, #tpu.memory_space<vmem>>, %arg5: memref<1280x128xf32, #tpu.memory_space<vmem>>) attributes {dimension_semantics = [#tpu.dimension_semantics<arbitrary>], iteration_bounds = array<i64: 250>, scalar_prefetch = 0 : i64, scratch_operands = 0 : i64, tpu.core_type = #tpu.core_type<tc>, window_params = [{transform_indices = @transform_0, window_bounds = array<i64: 1280, 128>}, {pipeline_mode = #tpu.pipeline_mode<synchronous>, transform_indices = @transform_1, window_bounds = array<i64: 128, 128>}, {transform_indices = @transform_2, window_bounds = array<i64: 1280, 128>}, {transform_indices = @transform_3, window_bounds = array<i64: 1280, 128>}, {transform_indices = @transform_4, window_bounds = array<i64: 1280, 128>}]} {
    %get3A = arith.constant 0 : index
    %get3A_0 = arith.constant 0 : index
    %get3A_1 = vector.load %arg1[%get3A, %get3A_0] : memref<1280x128xf32, #tpu.memory_space<vmem>>, vector<1280x128xf32>
    %get3A_2 = arith.constant 0 : index
    %get3A_3 = arith.constant 0 : index
    %get3A_4 = vector.load %arg2[%get3A_2, %get3A_3] : memref<128x128xf32, #tpu.memory_space<vmem>>, vector<128x128xf32>
    %dot_general3A = arith.constant dense<0.000000e+00> : vector<1280x128xf32>
    %dot_general3A_5 = tpu.matmul %get3A_1, %get3A_4, %dot_general3A {dimension_numbers = #tpu.dot_dimension_numbers<[1], [0], [0], [1], [0, 0, 1, 1], [], []>, transpose_lhs_hint = false} : vector<1280x128xf32>, vector<128x128xf32>, vector<1280x128xf32> -> vector<1280x128xf32>
    %slice3A = vector.extract_strided_slice %dot_general3A_5 {offsets = [1, 0], sizes = [1279, 128], strides = [1, 1]} : vector<1280x128xf32> to vector<1279x128xf32>
    %slice3A_6 = vector.extract_strided_slice %dot_general3A_5 {offsets = [0, 0], sizes = [1, 128], strides = [1, 1]} : vector<1280x128xf32> to vector<1x128xf32>
    %concatenate3A = tpu.concatenate %slice3A, %slice3A_6 in 0 : vector<1279x128xf32>, vector<1x128xf32> -> vector<1280x128xf32>
    %slice3A_7 = vector.extract_strided_slice %dot_general3A_5 {offsets = [1279, 0], sizes = [1, 128], strides = [1, 1]} : vector<1280x128xf32> to vector<1x128xf32>
    %slice3A_8 = vector.extract_strided_slice %dot_general3A_5 {offsets = [0, 0], sizes = [1279, 128], strides = [1, 1]} : vector<1280x128xf32> to vector<1279x128xf32>
    %concatenate3A_9 = tpu.concatenate %slice3A_7, %slice3A_8 in 0 : vector<1x128xf32>, vector<1279x128xf32> -> vector<1280x128xf32>
    %iota3A = tpu.iota {dimensions = array<i32: 0>} : vector<1280x128xi32>
    %and3A = arith.constant 1 : i32
    %and3A_10 = vector.broadcast %and3A : i32 to vector<1280x128xi32>
    %and3A_11 = arith.andi %iota3A, %and3A_10 : vector<1280x128xi32>
    %eq3A = arith.constant 0 : i32
    %eq3A_12 = vector.broadcast %eq3A : i32 to vector<1280x128xi32>
    %eq3A_13 = arith.cmpi eq, %and3A_11, %eq3A_12 : vector<1280x128xi32>
    %select_n3A = arith.select %eq3A_13, %concatenate3A, %concatenate3A_9 : vector<1280x128xi1>, vector<1280x128xf32>
    %get3A_14 = arith.constant 0 : index
    %get3A_15 = arith.constant 0 : index
    %get3A_16 = vector.load %arg3[%get3A_14, %get3A_15] : memref<1280x128xf32, #tpu.memory_space<vmem>>, vector<1280x128xf32>
    %get3A_17 = arith.constant 0 : index
    %get3A_18 = arith.constant 0 : index
    %get3A_19 = vector.load %arg4[%get3A_17, %get3A_18] : memref<1280x128xf32, #tpu.memory_space<vmem>>, vector<1280x128xf32>
    %add3A = arith.addf %get3A_16, %get3A_19 : vector<1280x128xf32>
    %sub3A = arith.subf %add3A, %select_n3A : vector<1280x128xf32>
    %max3A = arith.constant 0.000000e+00 : f32
    %max3A_20 = vector.broadcast %max3A : f32 to vector<1280x128xf32>
    %max3A_21 = arith.maximumf %sub3A, %max3A_20 : vector<1280x128xf32>
    %swap3A = arith.constant 0 : index
    %swap3A_22 = arith.constant 0 : index
    %swap3A_23 = vector.load %arg5[%swap3A, %swap3A_22] : memref<1280x128xf32, #tpu.memory_space<vmem>>, vector<1280x128xf32>
    tpu.vector_store %arg5[%swap3A, %swap3A_22], %max3A_21 {strides = array<i32>} : memref<1280x128xf32, #tpu.memory_space<vmem>>, vector<1280x128xf32>,
    return
  }
  func.func @transform_0(%arg0: i32) -> (i32, i32) {
    %c0_i32 = arith.constant 0 : i32
    %c0_i32_0 = arith.constant 0 : i32
    return %arg0, %c0_i32 : i32, i32
  }
  func.func @transform_1(%arg0: i32) -> (i32, i32) {
    %c0_i32 = arith.constant 0 : i32
    %c0_i32_0 = arith.constant 0 : i32
    %c0_i32_1 = arith.constant 0 : i32
    return %c0_i32, %c0_i32_0 : i32, i32
  }
  func.func @transform_2(%arg0: i32) -> (i32, i32) {
    %c0_i32 = arith.constant 0 : i32
    %c0_i32_0 = arith.constant 0 : i32
    return %arg0, %c0_i32 : i32, i32
  }
  func.func @transform_3(%arg0: i32) -> (i32, i32) {
    %c0_i32 = arith.constant 0 : i32
    %c0_i32_0 = arith.constant 0 : i32
    return %arg0, %c0_i32 : i32, i32
  }
  func.func @transform_4(%arg0: i32) -> (i32, i32) {
    %c0_i32 = arith.constant 0 : i32
    %c0_i32_0 = arith.constant 0 : i32
    return %arg0, %c0_i32 : i32, i32
  }
}

module attributes {stable_mosaic.version = 14 : i64} {
  func.func @body(%arg0: memref<10000x128xf32, #tpu.memory_space<vmem>>, %arg1: memref<10000x128xf32, #tpu.memory_space<vmem>>, %arg2: memref<128x128xf32, #tpu.memory_space<vmem>>, %arg3: memref<128x128xf32, #tpu.memory_space<vmem>>, %arg4: memref<1x128xf32, #tpu.memory_space<vmem>>, %arg5: memref<1x10000xi32, #tpu.memory_space<vmem>>, %arg6: memref<200x200xf32, #tpu.memory_space<vmem>>, %arg7: memref<128x256xf32, #tpu.memory_space<vmem>>, %arg8: memref<200x256xf32, #tpu.memory_space<vmem>>, %arg9: memref<1x256xf32, #tpu.memory_space<vmem>>, %arg10: memref<1x256xf32, #tpu.memory_space<vmem>>, %arg11: memref<1x1xf32, #tpu.memory_space<vmem>>, %arg12: memref<200x1xf32, #tpu.memory_space<vmem>>) attributes {dimension_semantics = [], scalar_prefetch = 0 : i64, scratch_operands = 0 : i64, tpu.core_type = #tpu.core_type<tc>} {
    %get3A = arith.constant 0 : index
    %get3A_0 = arith.constant 0 : index
    %get3A_1 = vector.load %arg1[%get3A, %get3A_0] : memref<10000x128xf32, #tpu.memory_space<vmem>>, vector<10000x128xf32>
    %get3A_2 = arith.constant 0 : index
    %get3A_3 = arith.constant 0 : index
    %get3A_4 = vector.load %arg2[%get3A_2, %get3A_3] : memref<128x128xf32, #tpu.memory_space<vmem>>, vector<128x128xf32>
    %dot_general3A = arith.constant dense<0.000000e+00> : vector<10000x128xf32>
    %dot_general3A_5 = tpu.matmul %get3A_1, %get3A_4, %dot_general3A {dimension_numbers = #tpu.dot_dimension_numbers<[1], [0], [0], [1], [0, 0, 1, 1], [], []>, transpose_lhs_hint = false} : vector<10000x128xf32>, vector<128x128xf32>, vector<10000x128xf32> -> vector<10000x128xf32>
    %get3A_6 = arith.constant 0 : index
    %get3A_7 = arith.constant 0 : index
    %get3A_8 = vector.load %arg0[%get3A_6, %get3A_7] : memref<10000x128xf32, #tpu.memory_space<vmem>>, vector<10000x128xf32>
    %get3A_9 = arith.constant 0 : index
    %get3A_10 = arith.constant 0 : index
    %get3A_11 = vector.load %arg3[%get3A_9, %get3A_10] : memref<128x128xf32, #tpu.memory_space<vmem>>, vector<128x128xf32>
    %dot_general3A_12 = arith.constant dense<0.000000e+00> : vector<10000x128xf32>
    %dot_general3A_13 = tpu.matmul %get3A_8, %get3A_11, %dot_general3A_12 {dimension_numbers = #tpu.dot_dimension_numbers<[1], [0], [0], [1], [0, 0, 1, 1], [], []>, transpose_lhs_hint = false} : vector<10000x128xf32>, vector<128x128xf32>, vector<10000x128xf32> -> vector<10000x128xf32>
    %add3A = arith.addf %dot_general3A_5, %dot_general3A_13 : vector<10000x128xf32>
    %get3A_14 = arith.constant 0 : index
    %get3A_15 = arith.constant 0 : index
    %get3A_16 = vector.load %arg4[%get3A_14, %get3A_15] : memref<1x128xf32, #tpu.memory_space<vmem>>, vector<1x128xf32>
    %add3A_17 = vector.broadcast %get3A_16 : vector<1x128xf32> to vector<10000x128xf32>
    %add3A_18 = arith.addf %add3A, %add3A_17 : vector<10000x128xf32>
    %max3A = arith.constant 0.000000e+00 : f32
    %max3A_19 = vector.broadcast %max3A : f32 to vector<10000x128xf32>
    %max3A_20 = arith.maximumf %add3A_18, %max3A_19 : vector<10000x128xf32>
    %iota3A = tpu.iota {dimensions = array<i32: 0>} : vector<200x10000xi32>
    %get3A_21 = arith.constant 0 : index
    %get3A_22 = arith.constant 0 : index
    %get3A_23 = vector.load %arg5[%get3A_21, %get3A_22] : memref<1x10000xi32, #tpu.memory_space<vmem>>, vector<1x10000xi32>
    %eq3A = vector.broadcast %get3A_23 : vector<1x10000xi32> to vector<200x10000xi32>
    %eq3A_24 = arith.cmpi eq, %iota3A, %eq3A : vector<200x10000xi32>
    %convert_element_type3A = arith.extui %eq3A_24 : vector<200x10000xi1> to vector<200x10000xi32>
    %convert_element_type3A_25 = arith.sitofp %convert_element_type3A : vector<200x10000xi32> to vector<200x10000xf32>
    %dot_general3A_26 = arith.constant dense<0.000000e+00> : vector<200x128xf32>
    %dot_general3A_27 = tpu.matmul %convert_element_type3A_25, %max3A_20, %dot_general3A_26 {dimension_numbers = #tpu.dot_dimension_numbers<[1], [0], [0], [1], [0, 0, 1, 1], [], []>, transpose_lhs_hint = false} : vector<200x10000xf32>, vector<10000x128xf32>, vector<200x128xf32> -> vector<200x128xf32>
    %reduce_sum3A = arith.constant dense<0.000000e+00> : vector<200xf32>
    %reduce_sum3A_28 = vector.multi_reduction <add>, %convert_element_type3A_25, %reduce_sum3A [1] : vector<200x10000xf32> to vector<200xf32>
    %broadcast_in_dim3A = vector.shape_cast %reduce_sum3A_28 : vector<200xf32> to vector<200x1xf32>
    %max3A_29 = arith.constant 1.000000e+00 : f32
    %max3A_30 = vector.broadcast %max3A_29 : f32 to vector<200x1xf32>
    %max3A_31 = arith.maximumf %broadcast_in_dim3A, %max3A_30 : vector<200x1xf32>
    %div3A = vector.broadcast %max3A_31 : vector<200x1xf32> to vector<200x128xf32>
    %div3A_32 = arith.divf %dot_general3A_27, %div3A : vector<200x128xf32>
    %get3A_33 = arith.constant 0 : index
    %get3A_34 = arith.constant 0 : index
    %get3A_35 = vector.load %arg7[%get3A_33, %get3A_34] : memref<128x256xf32, #tpu.memory_space<vmem>>, vector<128x256xf32>
    %dot_general3A_36 = arith.constant dense<0.000000e+00> : vector<200x256xf32>
    %dot_general3A_37 = tpu.matmul %div3A_32, %get3A_35, %dot_general3A_36 {dimension_numbers = #tpu.dot_dimension_numbers<[1], [0], [0], [1], [0, 0, 1, 1], [], []>, transpose_lhs_hint = false} : vector<200x128xf32>, vector<128x256xf32>, vector<200x256xf32> -> vector<200x256xf32>
    %get3A_38 = arith.constant 0 : index
    %get3A_39 = arith.constant 0 : index
    %get3A_40 = vector.load %arg6[%get3A_38, %get3A_39] : memref<200x200xf32, #tpu.memory_space<vmem>>, vector<200x200xf32>
    %get3A_41 = arith.constant 0 : index
    %get3A_42 = arith.constant 0 : index
    %get3A_43 = vector.load %arg8[%get3A_41, %get3A_42] : memref<200x256xf32, #tpu.memory_space<vmem>>, vector<200x256xf32>
    %dot_general3A_44 = arith.constant dense<0.000000e+00> : vector<200x256xf32>
    %dot_general3A_45 = tpu.matmul %get3A_40, %get3A_43, %dot_general3A_44 {dimension_numbers = #tpu.dot_dimension_numbers<[1], [0], [0], [1], [0, 0, 1, 1], [], []>, transpose_lhs_hint = false} : vector<200x200xf32>, vector<200x256xf32>, vector<200x256xf32> -> vector<200x256xf32>
    %add3A_46 = arith.addf %dot_general3A_37, %dot_general3A_45 : vector<200x256xf32>
    %get3A_47 = arith.constant 0 : index
    %get3A_48 = arith.constant 0 : index
    %get3A_49 = vector.load %arg9[%get3A_47, %get3A_48] : memref<1x256xf32, #tpu.memory_space<vmem>>, vector<1x256xf32>
    %add3A_50 = vector.broadcast %get3A_49 : vector<1x256xf32> to vector<200x256xf32>
    %add3A_51 = arith.addf %add3A_46, %add3A_50 : vector<200x256xf32>
    %logistic3A = arith.negf %add3A_51 : vector<200x256xf32>
    %logistic3A_52 = math.exp %logistic3A : vector<200x256xf32>
    %logistic3A_53 = arith.constant 1.000000e+00 : f32
    %logistic3A_54 = vector.broadcast %logistic3A_53 : f32 to vector<200x256xf32>
    %logistic3A_55 = arith.addf %logistic3A_54, %logistic3A_52 : vector<200x256xf32>
    %logistic3A_56 = arith.divf %logistic3A_54, %logistic3A_55 : vector<200x256xf32>
    %get3A_57 = arith.constant 0 : index
    %get3A_58 = arith.constant 0 : index
    %get3A_59 = vector.load %arg10[%get3A_57, %get3A_58] : memref<1x256xf32, #tpu.memory_space<vmem>>, vector<1x256xf32>
    %mul3A = vector.broadcast %get3A_59 : vector<1x256xf32> to vector<200x256xf32>
    %mul3A_60 = arith.mulf %logistic3A_56, %mul3A : vector<200x256xf32>
    %reduce_sum3A_61 = arith.constant dense<0.000000e+00> : vector<200xf32>
    %reduce_sum3A_62 = vector.multi_reduction <add>, %mul3A_60, %reduce_sum3A_61 [1] : vector<200x256xf32> to vector<200xf32>
    %broadcast_in_dim3A_63 = vector.shape_cast %reduce_sum3A_62 : vector<200xf32> to vector<200x1xf32>
    %get3A_64 = arith.constant 0 : index
    %get3A_65 = arith.constant 0 : index
    %get3A_66 = vector.load %arg11[%get3A_64, %get3A_65] : memref<1x1xf32, #tpu.memory_space<vmem>>, vector<1x1xf32>
    %add3A_67 = vector.broadcast %get3A_66 : vector<1x1xf32> to vector<200x1xf32>
    %add3A_68 = arith.addf %broadcast_in_dim3A_63, %add3A_67 : vector<200x1xf32>
    %logistic3A_69 = arith.negf %add3A_68 : vector<200x1xf32>
    %logistic3A_70 = math.exp %logistic3A_69 : vector<200x1xf32>
    %logistic3A_71 = arith.constant 1.000000e+00 : f32
    %logistic3A_72 = vector.broadcast %logistic3A_71 : f32 to vector<200x1xf32>
    %logistic3A_73 = arith.addf %logistic3A_72, %logistic3A_70 : vector<200x1xf32>
    %logistic3A_74 = arith.divf %logistic3A_72, %logistic3A_73 : vector<200x1xf32>
    %swap3A = arith.constant 0 : index
    %swap3A_75 = arith.constant 0 : index
    %swap3A_76 = vector.load %arg12[%swap3A, %swap3A_75] : memref<200x1xf32, #tpu.memory_space<vmem>>, vector<200x1xf32>
    tpu.vector_store %arg12[%swap3A, %swap3A_75], %logistic3A_74 {strides = array<i32>} : memref<200x1xf32, #tpu.memory_space<vmem>>, vector<200x1xf32>,
    return
  }
}

</mosaic_0001>

<sc_bundles>
// kernel: kernel.15.cloned.1.call-start
scs
__scs_entry_jumppad:
0x0: {  	(pc) =	sbr.rel $0x88, $3  }
0x1: {  	(tag) =	ssettag $0x0;
	lr =	simm.s32 $0x1  }
0x2: {  	[smem:$0x3F94] =	sst lr;
	_ =	strace $0xD0000000  }
0x3: {  	_ = 	snop  }
0x4: {  	_ = 	snop  }
0x5: {  	_ = 	snop  }
0x6: {  	_ = 	snop  }
0x7: {  	_ = 	snop  }
__scs_overlays_trampoline_lowered:
0x8: {  	[smem:$0x3FA3] =	sst s0  }
0x9: {  	[smem:$0x3FA4] =	sst s1  }
0xa: {  	[smem:$0x3FA5] =	sst s2  }
0xb: {  	[smem:$0x3FA6] =	sst s3  }
0xc: {  	[smem:$0x3FA7] =	sst s4  }
0xd: {  	[smem:$0x3FA8] =	sst s5  }
0xe: {  	[smem:$0x3FA9] =	sst s6  }
0xf: {  	[smem:$0x3FAA] =	sst s7  }
0x10: {  	[smem:$0x3FAB] =	sst s8  }
0x11: {  	[smem:$0x3FAC] =	sst s9;
	s0 =	simm.s32 @!p0 $0x0  }
0x12: {  	s1 =	sld [smem:$0x3F92];
	s0 =	simm.s32 @p0 $0x1  }
0x13: {  	[smem:$0x3FAD] =	sst s0;
	s0 =	simm.s32 @!p1 $0x0  }
0x14: {  	s2 =	sld [smem:$0x3F91];
	s0 =	simm.s32 @p1 $0x1  }
0x15: {  	[smem:$0x3FAE] =	sst s0;
	s0 =	simm.s32 @!p2 $0x0  }
0x16: {  	s3 =	sld [smem:$0x3FDB];
	s0 =	simm.s32 @p2 $0x1  }
0x17: {  	s4 =	simm.s32 $0x1BF5;
	[smem:$0x3FB0] =	sst s0  }
0x18: {  	s0 =	sld [smem:$0x3F93];
	_ =	swait.ge [sflag:s4], $0x0  }
0x19: {  	s7 =	sld [smem:$0x3F94]  }
0x1a: {  	s8 =	sadd.s32 $0xFFFFE003, lr  }
0x1b: {  	s9 =	sadd.s32 $0xFFFFFEF7, lr;
	s5 =	simm.s32 $0xFFFFFFFF;
	p2 =	slt.u32 s8, $0xFFFFF086  }
0x1c: {  	p1 =	slt.u32 s9, $0xF7A;
	s5 =	simm.s32 @!p2 $0x0  }
0x1d: {  	s5 =	simm.s32 @p1 $0x1;
	p0 =	seq.s32 s7, s2  }
0x1e: {  	s7 =	smul.u32 @!p0 $0xF7A, s2;
	p2 =	seq.s32 @!p0 s5, $0x0  }
0x1f: {  	s9 =	smul.u32 $0xF7A, s1;
	s8 =	simm.s32 @!p0 $0x1BF5;
	p2 =	por !p2, p0  }
0x20: {  	[sflag:s8] =	ssyncset.s32 @!p0 $0xFFFFF086;
	s6 =	sadd.s32 @!p0 s3, s7;
	s7 =	simm.s32 @!p0 $0x108  }
0x21: {  	s3 =	sadd.s32 s3, s9;
	s6 =	sadd.s32 @!p0 $0x88, s6;
	s7 =	simm.s32 @p2 $0x1082  }
0x22: {  	[simem:s7], [sflag:s8] =	dma.local @!p0 [hbm:s6], $0xF7A  }
0x23: {  	s9 =	sor.u32 $0xD0000000, s2;
	s6 =	simm.s32 $0x108;
	_ =	swait.ge @!p0 [sflag:s8], $0x0  }
0x24: {  	s3 =	sadd.s32 $0x88, s3;
	s6 =	simm.s32 @!p1 $0x1082;
	[sflag:s4] =	ssyncset.s32 $0xFFFFF086  }
0x25: {  	[simem:s6], [sflag:s4] =	dma.local [hbm:s3], $0xF7A  }
0x26: {  	[smem:$0x3F94] =	sst s1;
	(tag) =	ssettag s2;
	_ =	strace s9  }
0x27: {  	s1 =	sld [smem:$0x3FA4]  }
0x28: {  	s2 =	sld [smem:$0x3FA5]  }
0x29: {  	s4 =	sld [smem:$0x3FA7]  }
0x2a: {  	p0 =	seq.s32 s5, $0x0;
	s5 =	sld [smem:$0x3FA8]  }
0x2b: {  	s6 =	sld [smem:$0x3FA9]  }
0x2c: {  	s7 =	sld [smem:$0x3FAA]  }
0x2d: {  	s3 =	simm.s32 $0x108;
	s8 =	sld [smem:$0x3FAB]  }
0x2e: {  	s3 =	simm.s32 @!p0 $0x1082;
	s9 =	sld [smem:$0x3FAC]  }
0x2f: {  	lr =	sadd.s32 s0, s3;
	s0 =	sld [smem:$0x3FA3]  }
0x30: {  	s3 =	sld [smem:$0x3FA6]  }
0x31: {  	[smem:$0x3FAF] =	sst s10  }
0x32: {  	s10 =	sld [smem:$0x3FAD];
	_ =	sdelay $0x3  }
0x33: {  	p0 =	seq.s32 s10, $0x1;
	s10 =	sld [smem:$0x3FAF];
	_ =	sdelay $0x3  }
0x34: {  	[smem:$0x3FAF] =	sst s10  }
0x35: {  	s10 =	sld [smem:$0x3FAE];
	_ =	sdelay $0x3  }
0x36: {  	p1 =	seq.s32 s10, $0x1;
	s10 =	sld [smem:$0x3FAF];
	_ =	sdelay $0x3  }
0x37: {  	[smem:$0x3FAF] =	sst s10  }
0x38: {  	s10 =	sld [smem:$0x3FB0]  }
0x39: {  	_ = 	snop;
	(pc) =	sbr.ind lr, $3  }
0x3a: {  	_ = 	snop  }
0x3b: {  	_ = 	snop  }
0x3c: {  	p2 =	seq.s32 s10, $0x1;
	s10 =	sld [smem:$0x3FAF]  }
0x3d: {  	_ =	shalt  }
0x3e: {  	_ =	shalt  }
0x3f: {  	_ =	shalt  }
0x40: {  	_ =	shalt  }
0x41: {  	_ =	shalt  }
0x42: {  	_ =	shalt  }
0x43: {  	_ =	shalt  }
0x44: {  	_ =	shalt  }
0x45: {  	_ =	shalt  }
0x46: {  	_ =	shalt  }
0x47: {  	_ =	shalt  }
0x48: {  	_ =	shalt  }
0x49: {  	_ =	shalt  }
0x4a: {  	_ =	shalt  }
0x4b: {  	_ =	shalt  }
0x4c: {  	_ =	shalt  }
0x4d: {  	_ =	shalt  }
0x4e: {  	_ =	shalt  }
0x4f: {  	_ =	shalt  }
0x50: {  	_ =	shalt  }
0x51: {  	_ =	shalt  }
0x52: {  	_ =	shalt  }
0x53: {  	_ =	shalt  }
0x54: {  	_ =	shalt  }
0x55: {  	_ =	shalt  }
0x56: {  	_ =	shalt  }
0x57: {  	_ =	shalt  }
0x58: {  	_ =	shalt  }
0x59: {  	_ =	shalt  }
0x5a: {  	_ =	shalt  }
0x5b: {  	_ =	shalt  }
0x5c: {  	_ =	shalt  }
0x5d: {  	_ =	shalt  }
0x5e: {  	_ =	shalt  }
0x5f: {  	_ =	shalt  }
0x60: {  	_ =	shalt  }
0x61: {  	_ =	shalt  }
0x62: {  	_ =	shalt  }
0x63: {  	_ =	shalt  }
0x64: {  	_ =	shalt  }
0x65: {  	_ =	shalt  }
0x66: {  	_ =	shalt  }
0x67: {  	_ =	shalt  }
0x68: {  	_ =	shalt  }
0x69: {  	_ =	shalt  }
0x6a: {  	_ =	shalt  }
0x6b: {  	_ =	shalt  }
0x6c: {  	_ =	shalt  }
0x6d: {  	_ =	shalt  }
0x6e: {  	_ =	shalt  }
0x6f: {  	_ =	shalt  }
0x70: {  	_ =	shalt  }
0x71: {  	_ =	shalt  }
0x72: {  	_ =	shalt  }
0x73: {  	_ =	shalt  }
0x74: {  	_ =	shalt  }
0x75: {  	_ =	shalt  }
0x76: {  	_ =	shalt  }
0x77: {  	_ =	shalt  }
0x78: {  	_ =	shalt  }
0x79: {  	_ =	shalt  }
0x7a: {  	_ =	shalt  }
0x7b: {  	_ =	shalt  }
0x7c: {  	_ =	shalt  }
0x7d: {  	_ =	shalt  }
0x7e: {  	_ =	shalt  }
0x7f: {  	_ =	shalt  }
0x80: {  	_ =	shalt  }
0x81: {  	_ =	shalt  }
0x82: {  	_ =	shalt  }
0x83: {  	_ =	shalt  }
0x84: {  	_ =	shalt  }
0x85: {  	_ =	shalt  }
0x86: {  	_ =	shalt  }
0x87: {  	_ =	shalt  }
.Lfunc_end0:
.L_simem_size_0:
called_computation_lowered:
.L_overlay_start_0:
0x88: {  	s2 =	sld [smem:$0x3FD9]  }
0x89: {  	s3 =	sld [smem:$0x3FFE];
	_ =	sdelay $0x1  }
0x8a: {  	s1 =	srdreg.scid  }
0x8b: {  	s0 =	sand.u32 $0x1, s1  }
0x8c: {  	s16 =	sshll.u32 s0, $0xA;
	s2 =	sadd.s32 s3, s2  }
0x8d: {  	s2 =	sadd.s32 s2, s16  }
0x8e: {  	[smem:$0x3FBB] =	sst s2  }
0x8f: {  	_ = 	snop  }
0x90: {  	(tm) =	ssettm $0x1  }
0x91: {  	s17 =	sld [smem:$0x3FFB];
	_ =	sdelay $0x3  }
0x92: {  	_ =	strace s17  }
0x93: {  	s2 =	sld [smem:$0x3FFC];
	_ =	sdelay $0x3  }
0x94: {  	_ =	strace s2  }
0x95: {  	s2 =	sld [smem:$0x3FFD];
	_ =	sdelay $0x3  }
0x96: {  	_ =	strace s2  }
0x97: {  	_ =	strace $0x8FFFFFFF  }
0x98: {  	s18 =	sld [smem:$0x3FDB];
	_ =	sdelay $0x1  }
0x99: {  	s19 =	simm.s32 $_scs_section_size  }
0x9a: {  	s4 =	simm.s32 $_size__tile_overlayer_lowered;
	s5 =	simm.s32 $_tile_overlayer_lowered  }
0x9b: {  	s22 =	simm.s32 $0x1BFF;
	s21 =	sshll.u32 s5, $0x1;
	s2 =	sadd.s32 s19, s18  }
0x9c: {  	s6 =	simm.s32 $0x0;
	s20 =	sshll.u32 s4, $0x1;
	s4 =	sadd.s32 s21, s2  }
0x9d: {  	[timem:s6], [sflag:s22] =	dma.local [hbm:s4], s20  }
0x9e: {  	_ =	swait.ge [sflag:s22], s20  }
0x9f: {  	s3 =	ssub.s32 $0x0, s20;
	[sflag:s22] =	ssyncset.done $0x0  }
0xa0: {  	[sflag:s22] =	ssyncadd.s32 s3;
	_ =	sdelay $0x1  }
0xa1: {  	s23 =	simm.s32 $0x1B8B  }
0xa2: {  	_ =	swait.ge [sflag:s23], $0x1  }
0xa3: {  	[sflag:s23] =	ssyncset.done $0x0  }
0xa4: {  	s25 =	simm.s32 $0x1B8E;
	s24 =	sld [smem:$0x3FFE];
	[sflag:s23] =	ssyncadd.s32 $0xFFFFFFFF  }
0xa5: {  	s26 =	simm.s32 $execute0_lowered;
	[smem:$0x3FD2] =	sst s25  }
0xa6: {  	s4 =	sshll.u32 s26, $0x1;
	_ =	strace $0x80000046;
	[dreg:$0x1] =	wrdreg $0xFFFFFFFF  }
0xa7: {  	s28 =	simm.s32 $_size_execute0_lowered;
	s2 =	sadd.s32 s2, s4;
	[dreg:$0x0] =	wrdreg $0x0  }
0xa8: {  	s4 =	sshll.u32 s28, $0x1;
	[dreg:$0x2] =	wrdreg s2  }
0xa9: {  	[dreg:$0x3] =	wrdreg s4  }
0xaa: {  	[dreg:$0x4] =	wrdreg $0xC0  }
0xab: {  	_ =	task [dreg:s6], $0x5FFFF  }
0xac: {  	[dreg:$0x1] =	wrdreg $0xFFFFFFFF  }
0xad: {  	[dreg:$0x0] =	wrdreg $0x60  }
0xae: {  	[dreg:$0x2] =	wrdreg s24  }
0xaf: {  	[dreg:$0x3] =	wrdreg $0x9  }
0xb0: {  	_ =	task.clear_ibuf [dreg:s6], $0x4FFFF;
	_ =	strace $0x90000046  }
0xb1: {  	s29 =	simm.s32 $0x9;
	_ =	strace $0x80000048  }
0xb2: {  	_ =	swait.ge [sflag:s29], $0x1  }
0xb3: {  	[sflag:s29] =	ssyncadd.s32 $0xFFFFFFFF  }
0xb4: {  	_ =	strace $0x90000048  }
0xb5: {  	_ =	sfence  }
0xb6: {  	s30 =	sld [smem:$0x0];
	_ =	sdelay $0x2  }
0xb7: {  	s31 =	sshll.u32 s1, $0xD;
	s1 =	sshrl.u32 s1, $0x2  }
0xb8: {  	s3 =	sand.u32 $0x4000, s31;
	s1 =	sadd.s32 s1, s30  }
0xb9: {  	s0 =	sor.u32 s3, s0;
	s1 =	sshll.u32 s1, $0x11  }
0xba: {  	s0 =	sor.u32 s1, s0  }
0xbb: {  	s0 =	sadd.s32 $0x8F2B, s0  }
0xbc: {  	[sflag:s0] =	ssyncadd.remote.s32 $0x1  }
0xbd: {  	_ =	sfence.sel $0xFFFF  }
0xbe: {  	[dreg:$0x0] =	wrdreg $0xFFFFFFFF;
	(pc) =	sbr.abs _section_cstart, $3  }
0xbf: {  	[dreg:$0x1] =	wrdreg $0xFFFFFFFF  }
0xc0: {  	_ =	task.clear_ibuf [dreg:s6], $0x2FFFF;
	_ =	strace $0x9FFFFFFF  }
0xc1: {  	(tm) =	ssettm $0x7FFFFFFF  }
tec
execute0_lowered:
.L_overlay_start_1:
0x0: {  	(tag) =	ssettag $0x1  }
0x1: {  	s4 =	rddreg [dreg:$0x0]  }
0x2: {  	s0 =	rddreg [dreg:$0x1];
	s3 =	srdreg.scid  }
0x3: {  	s1 =	stileid.u32;
	s2 =	simm.s32 $0x0;
	s16 =	simm.s32 $0x80  }
0x4: {  	s17 =	simm.s32 $0x3400;
	s18 =	simm.s32 $0x100;
	s19 =	simm.s32 $0x2  }
0x5: {  	s20 =	simm.s32 $0x6600;
	s21 =	simm.s32 $0x180;
	s22 =	simm.s32 $0x9800  }
0x6: {  	s23 =	simm.s32 $0x3;
	s28 =	simm.s32 $0x0;
	s14 =	smul.u32 $0x6400, s1  }
0x7: {  	s10 =	sand.u32 $0x1, s3;
	s24 =	sshll.u32 s1, $0x1;
	s15 =	smul.u32 $0x4E200, s1  }
0x8: {  	[smem:$0x7FF] =	sst s2;
	s3 =	sadd.s32 $0x24A00, s4;
	s30 =	smul.u32 $0x3200, s10  }
0x9: {  	s5 =	sor.u32 s10, s24;
	s7 =	ssub.s32 $0x2, s10;
	s10 =	smul.u32 $0x27100, s10  }
0xa: {  	s12 =	sadd.s32 $0x18200, s4;
	s11 =	sadd.s32 $0x4BC00, s4;
	s6 =	smul.u32 $0x3200, s5  }
0xb: {  	_ =	strace $0x80000047;
	s8 =	smul.u32 $0x138800, s5;
	s25 =	sshrl.u32 s7, $0x1  }
0xc: {  	s24 =	simm.s32 $0x5;
	s9 =	smul.u32 $0x27100, s5;
	s7 =	ssub.s32 s7, s25  }
0xd: {  	s25 =	simm.s32 $0x4;
	s26 =	sshrl.u32 s6, $0x3;
	s8 =	sshrl.u32 s8, $0x3  }
0xe: {  	s13 =	sor.u32 $0x100, s6;
	s6 =	smax.u32 s7, $0x1;
	s4 =	sadd.s32 s12, s26  }
0xf: {  	s8 =	sadd.s32 s11, s8;
	s29 =	sshrl.u32 s13, $0x3;
	s13 =	sadd.s32 s30, s14  }
0x10: {  	s26 =	simm.s32 $0x6;
	s5 =	sadd.s32 $0x26480, s8;
	s7 =	sadd.s32 s12, s29  }
.Ltmp0:
0x11: {  	s8 =	sadd.s32 s11, s9;
	s9 =	sadd.s32 $0x40, s4;
	(pc) =	sbr.rel .LBB2_1-.Ltmp0, $4  }
0x12: {  	s11 =	sadd.s32 s15, s11;
	s14 =	sadd.s32 $0x400, s13;
	s13 =	sadd.s32 $0x300, s13  }
0x13: {  	s15 =	simm.s32 $0x200;
	s10 =	sadd.s32 s10, s11;
	s31 =	sshrl.u32 s14, $0x3  }
0x14: {  	s13 =	sshrl.u32 s13, $0x3;
	s14 =	simm.s32 $0x64;
	s10 =	sadd.s32 $0x1900, s10  }
0x15: {  	s11 =	sadd.s32 s31, s12;
	s12 =	sadd.s32 s13, s12;
	s13 =	simm.s32 $0x1  }
.LBB2_4:
0x16: {  	_ =	swait.ge [sflag:s25], $0x3200  }
0x17: {  	[sflag:s25] =	ssyncset.done $0x0  }
0x18: {  	[sflag:s25] =	ssyncadd.s32 $0xFFFFCE00  }
0x19: {  	_ =	swait.ge [sflag:s25], $0x3200  }
0x1a: {  	[sflag:s25] =	ssyncset.done $0x0  }
0x1b: {  	s28 =	sadd.s32 $0x1, s28;
	[sflag:s25] =	ssyncadd.s32 $0xFFFFCE00  }
0x1c: {  	[hbm4b:s5+s2] =	stream.linear.scatter [tilespmem:s20], [sflag:$0x6], $0x6400, $0x38;
	[tilespmem:$0xCA00] =	vst v63  }
0x1d: {  	p0 =	sne.s32 s28, s6;
	_ =	swait.ge [sflag:s24], $0x6400  }
.Ltmp1:
0x1e: {  	[sflag:s24] =	ssyncset.done $0x0;
	(pc) =	sbr.rel @!p0 .LBB2_5-.Ltmp1, $4  }
0x1f: {  	[sflag:s24] =	ssyncadd.s32 $0xFFFF9C00  }
0x20: {  	_ =	swait.ge [sflag:s26], $0x6400  }
0x21: {  	[sflag:s26] =	ssyncset.done $0x0  }
0x22: {  	[sflag:s26] =	ssyncadd.s32 $0xFFFF9C00  }
.LBB2_1:
0x23: {  	[tilespmem:s2], [sflag:$0x1] =	stream.linear.gather [hbm4b:s4+s2], $0x100, $0x38;
	[tilespmem:$0xCA00] =	vst v63  }
0x24: {  	_ =	swait.ge [sflag:s13], $0x100  }
0x25: {  	[sflag:s13] =	ssyncset.done $0x0  }
0x26: {  	[sflag:s13] =	ssyncadd.s32 $0xFFFFFF00  }
0x27: {  	[tilespmem:s15], [sflag:$0x3] =	stream.indirect.gather [hbm4b:s3+s14], $0x80, s2, s14, $0xb8;
	[tilespmem:$0xCA00] =	vst v63  }
0x28: {  	_ = 	snop  }
0x29: {  	[tilespmem:s17], [sflag:$0x3] =	stream.indirect.gather [hbm4b:s3+s14], $0x80, s16, s14, $0xb8;
	[tilespmem:$0xCA00] =	vst v63  }
0x2a: {  	_ = 	snop  }
0x2b: {  	[tilespmem:s18], [sflag:$0x2] =	stream.linear.gather [hbm4b:s7+s2], $0x100, $0x38;
	[tilespmem:$0xCA00] =	vst v63  }
0x2c: {  	_ =	swait.ge [sflag:s19], $0x100  }
0x2d: {  	[sflag:s19] =	ssyncset.done $0x0  }
0x2e: {  	[sflag:s19] =	ssyncadd.s32 $0xFFFFFF00  }
0x2f: {  	[tilespmem:s20], [sflag:$0x4] =	stream.indirect.gather [hbm4b:s3+s14], $0x80, s18, s14, $0xb8;
	[tilespmem:$0xCA00] =	vst v63  }
0x30: {  	_ = 	snop  }
0x31: {  	[tilespmem:s22], [sflag:$0x4] =	stream.indirect.gather [hbm4b:s3+s14], $0x80, s21, s14, $0xb8;
	[tilespmem:$0xCA00] =	vst v63  }
0x32: {  	_ =	swait.ge [sflag:s23], $0x3200  }
0x33: {  	[sflag:s23] =	ssyncset.done $0x0  }
0x34: {  	[sflag:s23] =	ssyncadd.s32 $0xFFFFCE00  }
0x35: {  	_ =	swait.ge [sflag:s23], $0x3200  }
0x36: {  	[sflag:s23] =	ssyncset.done $0x0  }
0x37: {  	[sflag:s23] =	ssyncadd.s32 $0xFFFFCE00  }
0x38: {  	[hbm4b:s8+s2] =	stream.linear.scatter [tilespmem:s15], [sflag:$0x5], $0x6400, $0x38;
	[tilespmem:$0xCA00] =	vst v63  }
0x39: {  	s29 =	simm.s32 $0x0;
	s30 =	smov.u32 s10  }
0x3a: {  	[tilespmem:s2], [sflag:$0x1] =	stream.linear.gather [hbm4b:s9+s2], $0x100, $0x38;
	[tilespmem:$0xCA00] =	vst v63  }
.LBB2_2:
0x3b: {  	_ =	swait.ge [sflag:s24], $0x6400  }
0x3c: {  	[sflag:s24] =	ssyncset.done $0x0  }
0x3d: {  	[sflag:s24] =	ssyncadd.s32 $0xFFFF9C00  }
0x3e: {  	_ =	swait.ge [sflag:s13], $0x100  }
0x3f: {  	[sflag:s13] =	ssyncset.done $0x0  }
0x40: {  	[sflag:s13] =	ssyncadd.s32 $0xFFFFFF00  }
0x41: {  	[tilespmem:s15], [sflag:$0x3] =	stream.indirect.gather [hbm4b:s3+s14], $0x80, s2, s14, $0xb8;
	[tilespmem:$0xCA00] =	vst v63  }
0x42: {  	_ = 	snop  }
0x43: {  	[tilespmem:s17], [sflag:$0x3] =	stream.indirect.gather [hbm4b:s3+s14], $0x80, s16, s14, $0xb8;
	[tilespmem:$0xCA00] =	vst v63  }
0x44: {  	_ =	swait.ge [sflag:s25], $0x3200  }
0x45: {  	[sflag:s25] =	ssyncset.done $0x0  }
0x46: {  	[sflag:s25] =	ssyncadd.s32 $0xFFFFCE00  }
0x47: {  	_ =	swait.ge [sflag:s25], $0x3200  }
0x48: {  	[sflag:s25] =	ssyncset.done $0x0  }
0x49: {  	s31 =	sadd.s32 $0xFFFFF380, s30;
	[sflag:s25] =	ssyncadd.s32 $0xFFFFCE00  }
0x4a: {  	[hbm4b:s31+s2] =	stream.linear.scatter [tilespmem:s20], [sflag:$0x6], $0x6400, $0x38;
	[tilespmem:$0xCA00] =	vst v63  }
0x4b: {  	s31 =	sadd.s32 s29, s12  }
0x4c: {  	[tilespmem:s18], [sflag:$0x2] =	stream.linear.gather [hbm4b:s31+s2], $0x100, $0x38;
	[tilespmem:$0xCA00] =	vst v63  }
0x4d: {  	_ =	swait.ge [sflag:s26], $0x6400  }
0x4e: {  	[sflag:s26] =	ssyncset.done $0x0  }
0x4f: {  	[sflag:s26] =	ssyncadd.s32 $0xFFFF9C00  }
0x50: {  	_ =	swait.ge [sflag:s19], $0x100  }
0x51: {  	[sflag:s19] =	ssyncset.done $0x0  }
0x52: {  	[sflag:s19] =	ssyncadd.s32 $0xFFFFFF00  }
0x53: {  	[tilespmem:s20], [sflag:$0x4] =	stream.indirect.gather [hbm4b:s3+s14], $0x80, s18, s14, $0xb8;
	[tilespmem:$0xCA00] =	vst v63  }
0x54: {  	_ = 	snop  }
0x55: {  	[tilespmem:s22], [sflag:$0x4] =	stream.indirect.gather [hbm4b:s3+s14], $0x80, s21, s14, $0xb8;
	[tilespmem:$0xCA00] =	vst v63  }
0x56: {  	_ =	swait.ge [sflag:s23], $0x3200  }
0x57: {  	p0 =	seq.s32 s29, $0x5C0;
	[sflag:s23] =	ssyncset.done $0x0  }
.Ltmp2:
0x58: {  	[sflag:s23] =	ssyncadd.s32 $0xFFFFCE00;
	(pc) =	sbr.rel @p0 .LBB2_4-.Ltmp2, $4  }
0x59: {  	_ =	swait.ge [sflag:s23], $0x3200  }
0x5a: {  	[sflag:s23] =	ssyncset.done $0x0  }
0x5b: {  	[sflag:s23] =	ssyncadd.s32 $0xFFFFCE00  }
0x5c: {  	[hbm4b:s30+s2] =	stream.linear.scatter [tilespmem:s15], [sflag:$0x5], $0x6400, $0x38;
	[tilespmem:$0xCA00] =	vst v63  }
.Ltmp3:
0x5d: {  	(pc) =	sbr.rel .LBB2_2-.Ltmp3, $3  }
0x5e: {  	_ =	sdelay $0x1  }
0x5f: {  	s31 =	sadd.s32 s29, s11;
	s30 =	sadd.s32 $0x1900, s30;
	s29 =	sadd.s32 $0x40, s29  }
0x60: {  	[tilespmem:s2], [sflag:$0x1] =	stream.linear.gather [hbm4b:s31+s2], $0x100, $0x38;
	[tilespmem:$0xCA00] =	vst v63  }
.LBB2_5:
0x61: {  	_ =	sfence.sel $0x180000  }
0x62: {  	[bflag:$0x0] =	sbarrier.arrive $0xFFFF  }
0x63: {  	p0 =	sne.s32 s1, $0x0;
	_ =	strace $0x90000047  }
0x64: {  	s0 =	sadd.s32 @!p0 $0x100000, s0;
	[bflag:$0x2] =	sbarrier.arrive $0xFFFF  }
0x65: {  	[sflag:s0] =	ssyncadd.tile.s32 @!p0 $0x1;
	_ =	shalt  }
.Lfunc_end2:
_tile_overlayer_lowered:
.L_overlay_start_2:
0x66: {  	(tag) =	ssettag $0x2  }
0x67: {  	s0 =	rddreg [dreg:$0x0];
	s2 =	stileid.u32  }
0x68: {  	s1 =	rddreg [dreg:$0x1];
	p0 =	sne.s32 s2, $0x0  }
0x69: {  	s3 =	rddreg [dreg:$0x2];
	[bflag:$0x3] =	sbarrier.arrive $0xFFFF;
	s2 =	simm.s32 @!p0 $0x1C07  }
0x6a: {  	[timem:s3], [sflag:s2] =	dma.local @!p0 [hbm:s0], s1  }
0x6b: {  	s0 =	simm.s32 @!p0 $0x7  }
0x6c: {  	_ =	swait.ge @!p0 [sflag:s0], s1  }
0x6d: {  	s1 =	ssub.s32 @!p0 $0x0, s1;
	[sflag:s0] =	ssyncset.done @!p0 $0x0  }
0x6e: {  	[sflag:s0] =	ssyncadd.s32 @!p0 s1  }
0x6f: {  	[bflag:$0x3] =	sbarrier.arrive $0xFFFF  }
0x70: {  	_ =	shalt  }

// kernel: kernel.18.cloned.1.call-start
scs
__scs_entry_jumppad:
0x0: {  	(pc) =	sbr.rel $0x88, $3  }
0x1: {  	(tag) =	ssettag $0x0;
	lr =	simm.s32 $0x1  }
0x2: {  	[smem:$0x3F94] =	sst lr;
	_ =	strace $0xD0000000  }
0x3: {  	_ = 	snop  }
0x4: {  	_ = 	snop  }
0x5: {  	_ = 	snop  }
0x6: {  	_ = 	snop  }
0x7: {  	_ = 	snop  }
__scs_overlays_trampoline_lowered:
0x8: {  	[smem:$0x3FA3] =	sst s0  }
0x9: {  	[smem:$0x3FA4] =	sst s1  }
0xa: {  	[smem:$0x3FA5] =	sst s2  }
0xb: {  	[smem:$0x3FA6] =	sst s3  }
0xc: {  	[smem:$0x3FA7] =	sst s4  }
0xd: {  	[smem:$0x3FA8] =	sst s5  }
0xe: {  	[smem:$0x3FA9] =	sst s6  }
0xf: {  	[smem:$0x3FAA] =	sst s7  }
0x10: {  	[smem:$0x3FAB] =	sst s8  }
0x11: {  	[smem:$0x3FAC] =	sst s9;
	s0 =	simm.s32 @!p0 $0x0  }
0x12: {  	s1 =	sld [smem:$0x3F92];
	s0 =	simm.s32 @p0 $0x1  }
0x13: {  	[smem:$0x3FAD] =	sst s0;
	s0 =	simm.s32 @!p1 $0x0  }
0x14: {  	s2 =	sld [smem:$0x3F91];
	s0 =	simm.s32 @p1 $0x1  }
0x15: {  	[smem:$0x3FAE] =	sst s0;
	s0 =	simm.s32 @!p2 $0x0  }
0x16: {  	s3 =	sld [smem:$0x3FDB];
	s0 =	simm.s32 @p2 $0x1  }
0x17: {  	s4 =	simm.s32 $0x1BF5;
	[smem:$0x3FB0] =	sst s0  }
0x18: {  	s0 =	sld [smem:$0x3F93];
	_ =	swait.ge [sflag:s4], $0x0  }
0x19: {  	s7 =	sld [smem:$0x3F94]  }
0x1a: {  	s8 =	sadd.s32 $0xFFFFE003, lr  }
0x1b: {  	s9 =	sadd.s32 $0xFFFFFEF7, lr;
	s5 =	simm.s32 $0xFFFFFFFF;
	p2 =	slt.u32 s8, $0xFFFFF086  }
0x1c: {  	p1 =	slt.u32 s9, $0xF7A;
	s5 =	simm.s32 @!p2 $0x0  }
0x1d: {  	s5 =	simm.s32 @p1 $0x1;
	p0 =	seq.s32 s7, s2  }
0x1e: {  	s7 =	smul.u32 @!p0 $0xF7A, s2;
	p2 =	seq.s32 @!p0 s5, $0x0  }
0x1f: {  	s9 =	smul.u32 $0xF7A, s1;
	s8 =	simm.s32 @!p0 $0x1BF5;
	p2 =	por !p2, p0  }
0x20: {  	[sflag:s8] =	ssyncset.s32 @!p0 $0xFFFFF086;
	s6 =	sadd.s32 @!p0 s3, s7;
	s7 =	simm.s32 @!p0 $0x108  }
0x21: {  	s3 =	sadd.s32 s3, s9;
	s6 =	sadd.s32 @!p0 $0x88, s6;
	s7 =	simm.s32 @p2 $0x1082  }
0x22: {  	[simem:s7], [sflag:s8] =	dma.local @!p0 [hbm:s6], $0xF7A  }
0x23: {  	s9 =	sor.u32 $0xD0000000, s2;
	s6 =	simm.s32 $0x108;
	_ =	swait.ge @!p0 [sflag:s8], $0x0  }
0x24: {  	s3 =	sadd.s32 $0x88, s3;
	s6 =	simm.s32 @!p1 $0x1082;
	[sflag:s4] =	ssyncset.s32 $0xFFFFF086  }
0x25: {  	[simem:s6], [sflag:s4] =	dma.local [hbm:s3], $0xF7A  }
0x26: {  	[smem:$0x3F94] =	sst s1;
	(tag) =	ssettag s2;
	_ =	strace s9  }
0x27: {  	s1 =	sld [smem:$0x3FA4]  }
0x28: {  	s2 =	sld [smem:$0x3FA5]  }
0x29: {  	s4 =	sld [smem:$0x3FA7]  }
0x2a: {  	p0 =	seq.s32 s5, $0x0;
	s5 =	sld [smem:$0x3FA8]  }
0x2b: {  	s6 =	sld [smem:$0x3FA9]  }
0x2c: {  	s7 =	sld [smem:$0x3FAA]  }
0x2d: {  	s3 =	simm.s32 $0x108;
	s8 =	sld [smem:$0x3FAB]  }
0x2e: {  	s3 =	simm.s32 @!p0 $0x1082;
	s9 =	sld [smem:$0x3FAC]  }
0x2f: {  	lr =	sadd.s32 s0, s3;
	s0 =	sld [smem:$0x3FA3]  }
0x30: {  	s3 =	sld [smem:$0x3FA6]  }
0x31: {  	[smem:$0x3FAF] =	sst s10  }
0x32: {  	s10 =	sld [smem:$0x3FAD];
	_ =	sdelay $0x3  }
0x33: {  	p0 =	seq.s32 s10, $0x1;
	s10 =	sld [smem:$0x3FAF];
	_ =	sdelay $0x3  }
0x34: {  	[smem:$0x3FAF] =	sst s10  }
0x35: {  	s10 =	sld [smem:$0x3FAE];
	_ =	sdelay $0x3  }
0x36: {  	p1 =	seq.s32 s10, $0x1;
	s10 =	sld [smem:$0x3FAF];
	_ =	sdelay $0x3  }
0x37: {  	[smem:$0x3FAF] =	sst s10  }
0x38: {  	s10 =	sld [smem:$0x3FB0]  }
0x39: {  	_ = 	snop;
	(pc) =	sbr.ind lr, $3  }
0x3a: {  	_ = 	snop  }
0x3b: {  	_ = 	snop  }
0x3c: {  	p2 =	seq.s32 s10, $0x1;
	s10 =	sld [smem:$0x3FAF]  }
0x3d: {  	_ =	shalt  }
0x3e: {  	_ =	shalt  }
0x3f: {  	_ =	shalt  }
0x40: {  	_ =	shalt  }
0x41: {  	_ =	shalt  }
0x42: {  	_ =	shalt  }
0x43: {  	_ =	shalt  }
0x44: {  	_ =	shalt  }
0x45: {  	_ =	shalt  }
0x46: {  	_ =	shalt  }
0x47: {  	_ =	shalt  }
0x48: {  	_ =	shalt  }
0x49: {  	_ =	shalt  }
0x4a: {  	_ =	shalt  }
0x4b: {  	_ =	shalt  }
0x4c: {  	_ =	shalt  }
0x4d: {  	_ =	shalt  }
0x4e: {  	_ =	shalt  }
0x4f: {  	_ =	shalt  }
0x50: {  	_ =	shalt  }
0x51: {  	_ =	shalt  }
0x52: {  	_ =	shalt  }
0x53: {  	_ =	shalt  }
0x54: {  	_ =	shalt  }
0x55: {  	_ =	shalt  }
0x56: {  	_ =	shalt  }
0x57: {  	_ =	shalt  }
0x58: {  	_ =	shalt  }
0x59: {  	_ =	shalt  }
0x5a: {  	_ =	shalt  }
0x5b: {  	_ =	shalt  }
0x5c: {  	_ =	shalt  }
0x5d: {  	_ =	shalt  }
0x5e: {  	_ =	shalt  }
0x5f: {  	_ =	shalt  }
0x60: {  	_ =	shalt  }
0x61: {  	_ =	shalt  }
0x62: {  	_ =	shalt  }
0x63: {  	_ =	shalt  }
0x64: {  	_ =	shalt  }
0x65: {  	_ =	shalt  }
0x66: {  	_ =	shalt  }
0x67: {  	_ =	shalt  }
0x68: {  	_ =	shalt  }
0x69: {  	_ =	shalt  }
0x6a: {  	_ =	shalt  }
0x6b: {  	_ =	shalt  }
0x6c: {  	_ =	shalt  }
0x6d: {  	_ =	shalt  }
0x6e: {  	_ =	shalt  }
0x6f: {  	_ =	shalt  }
0x70: {  	_ =	shalt  }
0x71: {  	_ =	shalt  }
0x72: {  	_ =	shalt  }
0x73: {  	_ =	shalt  }
0x74: {  	_ =	shalt  }
0x75: {  	_ =	shalt  }
0x76: {  	_ =	shalt  }
0x77: {  	_ =	shalt  }
0x78: {  	_ =	shalt  }
0x79: {  	_ =	shalt  }
0x7a: {  	_ =	shalt  }
0x7b: {  	_ =	shalt  }
0x7c: {  	_ =	shalt  }
0x7d: {  	_ =	shalt  }
0x7e: {  	_ =	shalt  }
0x7f: {  	_ =	shalt  }
0x80: {  	_ =	shalt  }
0x81: {  	_ =	shalt  }
0x82: {  	_ =	shalt  }
0x83: {  	_ =	shalt  }
0x84: {  	_ =	shalt  }
0x85: {  	_ =	shalt  }
0x86: {  	_ =	shalt  }
0x87: {  	_ =	shalt  }
.Lfunc_end0:
.L_simem_size_0:
called_computation.1_lowered:
.L_overlay_start_0:
0x88: {  	s2 =	sld [smem:$0x3FD9]  }
0x89: {  	s3 =	sld [smem:$0x3FFE];
	_ =	sdelay $0x1  }
0x8a: {  	s1 =	srdreg.scid  }
0x8b: {  	s0 =	sand.u32 $0x1, s1  }
0x8c: {  	s16 =	sshll.u32 s0, $0xA;
	s2 =	sadd.s32 s3, s2  }
0x8d: {  	s2 =	sadd.s32 s2, s16  }
0x8e: {  	[smem:$0x3FBB] =	sst s2  }
0x8f: {  	_ = 	snop  }
0x90: {  	(tm) =	ssettm $0x1  }
0x91: {  	s17 =	sld [smem:$0x3FFB];
	_ =	sdelay $0x3  }
0x92: {  	_ =	strace s17  }
0x93: {  	s2 =	sld [smem:$0x3FFC];
	_ =	sdelay $0x3  }
0x94: {  	_ =	strace s2  }
0x95: {  	s2 =	sld [smem:$0x3FFD];
	_ =	sdelay $0x3  }
0x96: {  	_ =	strace s2  }
0x97: {  	_ =	strace $0x8FFFFFFF  }
0x98: {  	s18 =	sld [smem:$0x3FDB];
	_ =	sdelay $0x1  }
0x99: {  	s19 =	simm.s32 $_scs_section_size  }
0x9a: {  	s4 =	simm.s32 $_size__tile_overlayer_lowered;
	s5 =	simm.s32 $_tile_overlayer_lowered  }
0x9b: {  	s22 =	simm.s32 $0x1BFF;
	s21 =	sshll.u32 s5, $0x1;
	s2 =	sadd.s32 s19, s18  }
0x9c: {  	s6 =	simm.s32 $0x0;
	s20 =	sshll.u32 s4, $0x1;
	s4 =	sadd.s32 s21, s2  }
0x9d: {  	[timem:s6], [sflag:s22] =	dma.local [hbm:s4], s20  }
0x9e: {  	_ =	swait.ge [sflag:s22], s20  }
0x9f: {  	s3 =	ssub.s32 $0x0, s20;
	[sflag:s22] =	ssyncset.done $0x0  }
0xa0: {  	[sflag:s22] =	ssyncadd.s32 s3;
	_ =	sdelay $0x1  }
0xa1: {  	s23 =	simm.s32 $0x1B8B  }
0xa2: {  	_ =	swait.ge [sflag:s23], $0x1  }
0xa3: {  	[sflag:s23] =	ssyncset.done $0x0  }
0xa4: {  	s25 =	simm.s32 $0x1B8E;
	s24 =	sld [smem:$0x3FFE];
	[sflag:s23] =	ssyncadd.s32 $0xFFFFFFFF  }
0xa5: {  	s26 =	simm.s32 $execute0_lowered;
	[smem:$0x3FD2] =	sst s25  }
0xa6: {  	s4 =	sshll.u32 s26, $0x1;
	_ =	strace $0x80000049;
	[dreg:$0x1] =	wrdreg $0xFFFFFFFF  }
0xa7: {  	s28 =	simm.s32 $_size_execute0_lowered;
	s2 =	sadd.s32 s2, s4;
	[dreg:$0x0] =	wrdreg $0x0  }
0xa8: {  	s4 =	sshll.u32 s28, $0x1;
	[dreg:$0x2] =	wrdreg s2  }
0xa9: {  	[dreg:$0x3] =	wrdreg s4  }
0xaa: {  	[dreg:$0x4] =	wrdreg $0xC0  }
0xab: {  	_ =	task [dreg:s6], $0x5FFFF  }
0xac: {  	[dreg:$0x1] =	wrdreg $0xFFFFFFFF  }
0xad: {  	[dreg:$0x0] =	wrdreg $0x60  }
0xae: {  	[dreg:$0x2] =	wrdreg s24  }
0xaf: {  	[dreg:$0x3] =	wrdreg $0xCA000  }
0xb0: {  	[dreg:$0x4] =	wrdreg $0x9  }
0xb1: {  	_ =	task.clear_ibuf [dreg:s6], $0x5FFFF;
	_ =	strace $0x90000049  }
0xb2: {  	s29 =	simm.s32 $0x9;
	_ =	strace $0x8000004B  }
0xb3: {  	_ =	swait.ge [sflag:s29], $0x1  }
0xb4: {  	[sflag:s29] =	ssyncadd.s32 $0xFFFFFFFF  }
0xb5: {  	_ =	strace $0x9000004B  }
0xb6: {  	_ =	sfence  }
0xb7: {  	s30 =	sld [smem:$0x0];
	_ =	sdelay $0x2  }
0xb8: {  	s31 =	sshll.u32 s1, $0xD;
	s1 =	sshrl.u32 s1, $0x2  }
0xb9: {  	s3 =	sand.u32 $0x4000, s31;
	s1 =	sadd.s32 s1, s30  }
0xba: {  	s0 =	sor.u32 s3, s0;
	s1 =	sshll.u32 s1, $0x11  }
0xbb: {  	s0 =	sor.u32 s1, s0  }
0xbc: {  	s0 =	sadd.s32 $0x8F2B, s0  }
0xbd: {  	[sflag:s0] =	ssyncadd.remote.s32 $0x1  }
0xbe: {  	_ =	sfence.sel $0xFFFF  }
0xbf: {  	[dreg:$0x0] =	wrdreg $0xFFFFFFFF;
	(pc) =	sbr.abs _section_cstart, $3  }
0xc0: {  	[dreg:$0x1] =	wrdreg $0xFFFFFFFF  }
0xc1: {  	_ =	task.clear_ibuf [dreg:s6], $0x2FFFF;
	_ =	strace $0x9FFFFFFF  }
0xc2: {  	(tm) =	ssettm $0x7FFFFFFF  }
0xc3: {  	_ =	shalt  }
tec
execute0_lowered:
.L_overlay_start_1:
0x0: {  	(tag) =	ssettag $0x1  }
0x1: {  	s0 =	rddreg [dreg:$0x0]  }
0x2: {  	s16 =	stileid.u32;
	s3 =	srdreg.scid  }
0x3: {  	s2 =	rddreg [dreg:$0x1];
	s18 =	simm.s32 $0x200;
	s1 =	smul.u32 $0x4E200, s16  }
0x4: {  	s19 =	simm.s32 $0x1;
	s20 =	simm.s32 $0x64;
	s4 =	smul.u32 $0x9C80, s16  }
0x5: {  	s28 =	simm.s32 $0x9800;
	s29 =	simm.s32 $0x3;
	s7 =	smul.u32 $0x4E400, s16  }
0x6: {  	s30 =	simm.s32 $0x4;
	s31 =	simm.s32 $0x0;
	s8 =	smul.u32 $0x139000, s16  }
0x7: {  	s5 =	sand.u32 $0x1, s3;
	s3 =	simm.s32 $0x0;
	s9 =	smul.u32 $0x6400, s16  }
0x8: {  	s14 =	sadd.s32 $0xA0FC00, s0;
	p0 =	sgt.u32 s16, $0x1;
	s6 =	smul.u32 $0x9C800, s5  }
0x9: {  	[smem:$0x7FF] =	sst s3;
	s21 =	smul.u32 $0x64000, s5;
	s5 =	ssub.s32 $0x2, s5  }
0xa: {  	_ =	strace $0x8000004A;
	s1 =	sadd.s32 s1, s0;
	s4 =	sadd.s32 s4, s0  }
0xb: {  	s22 =	sshrl.u32 s5, $0x1;
	s8 =	sshrl.u32 s8, $0x2;
	s6 =	sadd.s32 s7, s6  }
0xc: {  	s13 =	sadd.s32 s9, s21;
	s23 =	ssub.s32 s5, s22;
	s4 =	sadd.s32 $0x4600, s4  }
0xd: {  	s17 =	sadd.s32 s8, s2;
	s10 =	sadd.s32 $0xA29880, s1;
	s12 =	sadd.s32 $0xA2A500, s1  }
0xe: {  	s21 =	simm.s32 $0x80;
	s22 =	simm.s32 $0x3400;
	s6 =	sshrl.u32 s6, $0x3  }
0xf: {  	s24 =	sshrl.u32 s13, $0x3;
	[dreg:$0x3] =	wrdreg s4;
	s8 =	smax.u32 s23, $0x1  }
0x10: {  	s25 =	sor.u32 $0x300, s13;
	s15 =	sadd.s32 $0x400, s13;
	s17 =	sshrl.u32 @!p0 s17, $0x3  }
0x11: {  	s23 =	simm.s32 $0x100;
	s0 =	sadd.s32 s6, s0;
	s5 =	sadd.s32 s14, s24  }
.Ltmp0:
0x12: {  	s6 =	sadd.s32 $0xA28C00, s1;
	s26 =	sshrl.u32 s15, $0x3;
	(pc) =	sbr.rel .LBB2_1-.Ltmp0, $4  }
0x13: {  	s1 =	sadd.s32 $0xA2B180, s1;
	s24 =	simm.s32 $0x6600;
	s7 =	sadd.s32 $0x24A00, s0  }
0x14: {  	s9 =	sadd.s32 $0x20, s5;
	s11 =	sadd.s32 $0x40, s5;
	s0 =	sshrl.u32 s25, $0x3  }
0x15: {  	s15 =	sadd.s32 s26, s14;
	s13 =	sadd.s32 s0, s14;
	s0 =	sshll.u32 @!p0 s16, $0x6  }
0x16: {  	s25 =	simm.s32 $0x2;
	s26 =	simm.s32 $0x180;
	s16 =	sor.u32 @!p0 $0x1C05, s0  }
.LBB2_4:
0x17: {  	_ =	swait.ge [sflag:s30], $0x3200  }
0x18: {  	[sflag:s30] =	ssyncset.done $0x0  }
0x19: {  	[sflag:s30] =	ssyncadd.s32 $0xFFFFCE00  }
0x1a: {  	_ =	swait.ge [sflag:s30], $0x3200  }
0x1b: {  	s31 =	sadd.s32 $0x1, s31;
	[sflag:s30] =	ssyncset.done $0x0  }
0x1c: {  	p1 =	sne.s32 s31, s8;
	[sflag:s30] =	ssyncadd.s32 $0xFFFFCE00  }
.Ltmp1:
0x1d: {  	s0 =	simm.s32 @!p0 $0x5;
	[bflag:$0x0] =	sbarrier.arrive $0xFFFF;
	(pc) =	sbr.rel @!p1 .LBB2_5-.Ltmp1, $4  }
0x1e: {  	[hbm:s7], [sflag:s16] =	dma.local @!p0 [spmem:s17], $0x9C80  }
0x1f: {  	_ =	swait.ge @!p0 [sflag:s0], $0x9C80  }
0x20: {  	[sflag:s0] =	ssyncset.done @!p0 $0x0  }
0x21: {  	[sflag:s0] =	ssyncadd.s32 @!p0 $0xFFFF6380  }
.LBB2_1:
0x22: {  	s0 =	rddreg [dreg:$0x3]  }
0x23: {  	[spmem:s17], [sflag:s16] =	dma.local @!p0 [hbm:s0], $0x9C80  }
0x24: {  	s0 =	simm.s32 @!p0 $0x5  }
0x25: {  	_ =	swait.ge @!p0 [sflag:s0], $0x9C80  }
0x26: {  	[sflag:s0] =	ssyncset.done @!p0 $0x0  }
0x27: {  	[sflag:s0] =	ssyncadd.s32 @!p0 $0xFFFF6380  }
0x28: {  	[bflag:$0x0] =	sbarrier.arrive $0xFFFF  }
0x29: {  	[tilespmem:s3], [sflag:$0x1] =	stream.linear.gather [hbm4b:s5+s3], $0x100, $0x38;
	[tilespmem:$0x16680] =	vst v63  }
0x2a: {  	_ = 	snop  }
0x2b: {  	[tilespmem:s18], [sflag:$0x1] =	stream.linear.gather [hbm4b:s6+s3], $0x6400, $0x38;
	[tilespmem:$0x16680] =	vst v63  }
0x2c: {  	_ =	swait.ge [sflag:s19], $0x100  }
0x2d: {  	[sflag:s19] =	ssyncset.done $0x0  }
0x2e: {  	[sflag:s19] =	ssyncadd.s32 $0xFFFFFF00  }
0x2f: {  	_ =	swait.ge [sflag:s19], $0x6400  }
0x30: {  	[sflag:s19] =	ssyncset.done $0x0  }
0x31: {  	[sflag:s19] =	ssyncadd.s32 $0xFFFF9C00  }
0x32: {  	[spmem:s2] =	stream.indirect.scatter.add.f32 [tilespmem:s18], [sflag:$0x3], $0x80, s3, s20, $0xb8;
	[tilespmem:$0x16680] =	vst v63  }
0x33: {  	_ = 	snop  }
0x34: {  	[spmem:s2] =	stream.indirect.scatter.add.f32 [tilespmem:s22], [sflag:$0x3], $0x80, s21, s20, $0xb8;
	[tilespmem:$0x16680] =	vst v63  }
0x35: {  	_ = 	snop  }
0x36: {  	[tilespmem:s23], [sflag:$0x2] =	stream.linear.gather [hbm4b:s9+s3], $0x100, $0x38;
	[tilespmem:$0x16680] =	vst v63  }
0x37: {  	_ = 	snop  }
0x38: {  	[tilespmem:s24], [sflag:$0x2] =	stream.linear.gather [hbm4b:s10+s3], $0x6400, $0x38;
	[tilespmem:$0x16680] =	vst v63  }
0x39: {  	_ =	swait.ge [sflag:s25], $0x100  }
0x3a: {  	[sflag:s25] =	ssyncset.done $0x0  }
0x3b: {  	[sflag:s25] =	ssyncadd.s32 $0xFFFFFF00  }
0x3c: {  	_ =	swait.ge [sflag:s25], $0x6400  }
0x3d: {  	[sflag:s25] =	ssyncset.done $0x0  }
0x3e: {  	[sflag:s25] =	ssyncadd.s32 $0xFFFF9C00  }
0x3f: {  	[spmem:s2] =	stream.indirect.scatter.add.f32 [tilespmem:s24], [sflag:$0x4], $0x80, s23, s20, $0xb8;
	[tilespmem:$0x16680] =	vst v63  }
0x40: {  	_ = 	snop  }
0x41: {  	[spmem:s2] =	stream.indirect.scatter.add.f32 [tilespmem:s28], [sflag:$0x4], $0x80, s26, s20, $0xb8;
	[tilespmem:$0x16680] =	vst v63  }
0x42: {  	_ =	swait.ge [sflag:s29], $0x3200  }
0x43: {  	[sflag:s29] =	ssyncset.done $0x0  }
0x44: {  	[sflag:s29] =	ssyncadd.s32 $0xFFFFCE00  }
0x45: {  	_ =	swait.ge [sflag:s29], $0x3200  }
0x46: {  	[sflag:s29] =	ssyncset.done $0x0  }
0x47: {  	[sflag:s29] =	ssyncadd.s32 $0xFFFFCE00  }
0x48: {  	[tilespmem:s3], [sflag:$0x1] =	stream.linear.gather [hbm4b:s11+s3], $0x100, $0x38;
	[tilespmem:$0x16680] =	vst v63  }
0x49: {  	s14 =	smov.u32 s1;
	s0 =	simm.s32 $0x0  }
0x4a: {  	[tilespmem:s18], [sflag:$0x1] =	stream.linear.gather [hbm4b:s12+s3], $0x6400, $0x38;
	[tilespmem:$0x16680] =	vst v63  }
.LBB2_2:
0x4b: {  	_ =	swait.ge [sflag:s19], $0x100  }
0x4c: {  	[sflag:s19] =	ssyncset.done $0x0  }
0x4d: {  	[sflag:s19] =	ssyncadd.s32 $0xFFFFFF00  }
0x4e: {  	_ =	swait.ge [sflag:s19], $0x6400  }
0x4f: {  	[sflag:s19] =	ssyncset.done $0x0  }
0x50: {  	[sflag:s19] =	ssyncadd.s32 $0xFFFF9C00  }
0x51: {  	[spmem:s2] =	stream.indirect.scatter.add.f32 [tilespmem:s18], [sflag:$0x3], $0x80, s3, s20, $0xb8;
	[tilespmem:$0x16680] =	vst v63  }
0x52: {  	_ = 	snop  }
0x53: {  	[spmem:s2] =	stream.indirect.scatter.add.f32 [tilespmem:s22], [sflag:$0x3], $0x80, s21, s20, $0xb8;
	[tilespmem:$0x16680] =	vst v63  }
0x54: {  	_ =	swait.ge [sflag:s30], $0x3200  }
0x55: {  	[sflag:s30] =	ssyncset.done $0x0  }
0x56: {  	[sflag:s30] =	ssyncadd.s32 $0xFFFFCE00  }
0x57: {  	_ =	swait.ge [sflag:s30], $0x3200  }
0x58: {  	[sflag:s30] =	ssyncset.done $0x0  }
0x59: {  	s4 =	sadd.s32 s0, s13;
	[sflag:s30] =	ssyncadd.s32 $0xFFFFCE00  }
0x5a: {  	[tilespmem:s23], [sflag:$0x2] =	stream.linear.gather [hbm4b:s4+s3], $0x100, $0x38;
	[tilespmem:$0x16680] =	vst v63  }
0x5b: {  	_ = 	snop  }
0x5c: {  	[tilespmem:s24], [sflag:$0x2] =	stream.linear.gather [hbm4b:s14+s3], $0x6400, $0x38;
	[tilespmem:$0x16680] =	vst v63  }
0x5d: {  	_ =	swait.ge [sflag:s25], $0x100  }
0x5e: {  	[sflag:s25] =	ssyncset.done $0x0  }
0x5f: {  	[sflag:s25] =	ssyncadd.s32 $0xFFFFFF00  }
0x60: {  	_ =	swait.ge [sflag:s25], $0x6400  }
0x61: {  	[sflag:s25] =	ssyncset.done $0x0  }
0x62: {  	[sflag:s25] =	ssyncadd.s32 $0xFFFF9C00  }
0x63: {  	[spmem:s2] =	stream.indirect.scatter.add.f32 [tilespmem:s24], [sflag:$0x4], $0x80, s23, s20, $0xb8;
	[tilespmem:$0x16680] =	vst v63  }
0x64: {  	_ = 	snop  }
0x65: {  	[spmem:s2] =	stream.indirect.scatter.add.f32 [tilespmem:s28], [sflag:$0x4], $0x80, s26, s20, $0xb8;
	[tilespmem:$0x16680] =	vst v63  }
0x66: {  	p1 =	seq.s32 s0, $0xC00;
	_ =	swait.ge [sflag:s29], $0x3200  }
.Ltmp2:
0x67: {  	[sflag:s29] =	ssyncset.done $0x0;
	(pc) =	sbr.rel @p1 .LBB2_4-.Ltmp2, $4  }
0x68: {  	[sflag:s29] =	ssyncadd.s32 $0xFFFFCE00  }
0x69: {  	_ =	swait.ge [sflag:s29], $0x3200  }
0x6a: {  	[sflag:s29] =	ssyncset.done $0x0  }
0x6b: {  	[sflag:s29] =	ssyncadd.s32 $0xFFFFCE00  }
.Ltmp3:
0x6c: {  	(pc) =	sbr.rel .LBB2_2-.Ltmp3, $4  }
0x6d: {  	s4 =	sadd.s32 s0, s15  }
0x6e: {  	[tilespmem:s3], [sflag:$0x1] =	stream.linear.gather [hbm4b:s4+s3], $0x100, $0x38;
	[tilespmem:$0x16680] =	vst v63  }
0x6f: {  	s0 =	sadd.s32 $0x40, s0;
	s4 =	sadd.s32 $0xC80, s14;
	s14 =	sadd.s32 $0x1900, s14  }
0x70: {  	[tilespmem:s18], [sflag:$0x1] =	stream.linear.gather [hbm4b:s4+s3], $0x6400, $0x38;
	[tilespmem:$0x16680] =	vst v63  }
.LBB2_5:
0x71: {  	_ =	sfence.sel $0x180000  }
0x72: {  	[bflag:$0x0] =	sbarrier.arrive $0xFFFF  }
0x73: {  	_ =	strace $0x9000004A  }
0x74: {  	s0 =	stileid.u32;
	[bflag:$0x2] =	sbarrier.arrive $0xFFFF  }
0x75: {  	p0 =	sne.s32 s0, $0x0;
	s0 =	rddreg [dreg:$0x2]  }
0x76: {  	s0 =	sadd.s32 @!p0 $0x100000, s0  }
0x77: {  	[sflag:s0] =	ssyncadd.tile.s32 @!p0 $0x1;
	_ =	shalt  }
.Lfunc_end2:
_tile_overlayer_lowered:
.L_overlay_start_2:
0x78: {  	(tag) =	ssettag $0x2  }
0x79: {  	s0 =	rddreg [dreg:$0x0];
	s2 =	stileid.u32  }
0x7a: {  	s1 =	rddreg [dreg:$0x1];
	p0 =	sne.s32 s2, $0x0  }
0x7b: {  	s3 =	rddreg [dreg:$0x2];
	[bflag:$0x3] =	sbarrier.arrive $0xFFFF;
	s2 =	simm.s32 @!p0 $0x1C05  }
0x7c: {  	[timem:s3], [sflag:s2] =	dma.local @!p0 [hbm:s0], s1  }
0x7d: {  	s0 =	simm.s32 @!p0 $0x5  }
0x7e: {  	_ =	swait.ge @!p0 [sflag:s0], s1  }
0x7f: {  	s1 =	ssub.s32 @!p0 $0x0, s1;
	[sflag:s0] =	ssyncset.done @!p0 $0x0  }
0x80: {  	[sflag:s0] =	ssyncadd.s32 @!p0 s1  }
0x81: {  	[bflag:$0x3] =	sbarrier.arrive $0xFFFF  }
0x82: {  	_ =	shalt  }

// kernel: kernel.21.cloned.1.call-start
scs
__scs_entry_jumppad:
0x0: {  	(pc) =	sbr.rel $0x88, $3  }
0x1: {  	(tag) =	ssettag $0x0;
	lr =	simm.s32 $0x1  }
0x2: {  	[smem:$0x3F94] =	sst lr;
	_ =	strace $0xD0000000  }
0x3: {  	_ = 	snop  }
0x4: {  	_ = 	snop  }
0x5: {  	_ = 	snop  }
0x6: {  	_ = 	snop  }
0x7: {  	_ = 	snop  }
__scs_overlays_trampoline_lowered:
0x8: {  	[smem:$0x3FA3] =	sst s0  }
0x9: {  	[smem:$0x3FA4] =	sst s1  }
0xa: {  	[smem:$0x3FA5] =	sst s2  }
0xb: {  	[smem:$0x3FA6] =	sst s3  }
0xc: {  	[smem:$0x3FA7] =	sst s4  }
0xd: {  	[smem:$0x3FA8] =	sst s5  }
0xe: {  	[smem:$0x3FA9] =	sst s6  }
0xf: {  	[smem:$0x3FAA] =	sst s7  }
0x10: {  	[smem:$0x3FAB] =	sst s8  }
0x11: {  	[smem:$0x3FAC] =	sst s9;
	s0 =	simm.s32 @!p0 $0x0  }
0x12: {  	s1 =	sld [smem:$0x3F92];
	s0 =	simm.s32 @p0 $0x1  }
0x13: {  	[smem:$0x3FAD] =	sst s0;
	s0 =	simm.s32 @!p1 $0x0  }
0x14: {  	s2 =	sld [smem:$0x3F91];
	s0 =	simm.s32 @p1 $0x1  }
0x15: {  	[smem:$0x3FAE] =	sst s0;
	s0 =	simm.s32 @!p2 $0x0  }
0x16: {  	s3 =	sld [smem:$0x3FDB];
	s0 =	simm.s32 @p2 $0x1  }
0x17: {  	s4 =	simm.s32 $0x1BF5;
	[smem:$0x3FB0] =	sst s0  }
0x18: {  	s0 =	sld [smem:$0x3F93];
	_ =	swait.ge [sflag:s4], $0x0  }
0x19: {  	s7 =	sld [smem:$0x3F94]  }
0x1a: {  	s8 =	sadd.s32 $0xFFFFE003, lr  }
0x1b: {  	s9 =	sadd.s32 $0xFFFFFEF7, lr;
	s5 =	simm.s32 $0xFFFFFFFF;
	p2 =	slt.u32 s8, $0xFFFFF086  }
0x1c: {  	p1 =	slt.u32 s9, $0xF7A;
	s5 =	simm.s32 @!p2 $0x0  }
0x1d: {  	s5 =	simm.s32 @p1 $0x1;
	p0 =	seq.s32 s7, s2  }
0x1e: {  	s7 =	smul.u32 @!p0 $0xF7A, s2;
	p2 =	seq.s32 @!p0 s5, $0x0  }
0x1f: {  	s9 =	smul.u32 $0xF7A, s1;
	s8 =	simm.s32 @!p0 $0x1BF5;
	p2 =	por !p2, p0  }
0x20: {  	[sflag:s8] =	ssyncset.s32 @!p0 $0xFFFFF086;
	s6 =	sadd.s32 @!p0 s3, s7;
	s7 =	simm.s32 @!p0 $0x108  }
0x21: {  	s3 =	sadd.s32 s3, s9;
	s6 =	sadd.s32 @!p0 $0x88, s6;
	s7 =	simm.s32 @p2 $0x1082  }
0x22: {  	[simem:s7], [sflag:s8] =	dma.local @!p0 [hbm:s6], $0xF7A  }
0x23: {  	s9 =	sor.u32 $0xD0000000, s2;
	s6 =	simm.s32 $0x108;
	_ =	swait.ge @!p0 [sflag:s8], $0x0  }
0x24: {  	s3 =	sadd.s32 $0x88, s3;
	s6 =	simm.s32 @!p1 $0x1082;
	[sflag:s4] =	ssyncset.s32 $0xFFFFF086  }
0x25: {  	[simem:s6], [sflag:s4] =	dma.local [hbm:s3], $0xF7A  }
0x26: {  	[smem:$0x3F94] =	sst s1;
	(tag) =	ssettag s2;
	_ =	strace s9  }
0x27: {  	s1 =	sld [smem:$0x3FA4]  }
0x28: {  	s2 =	sld [smem:$0x3FA5]  }
0x29: {  	s4 =	sld [smem:$0x3FA7]  }
0x2a: {  	p0 =	seq.s32 s5, $0x0;
	s5 =	sld [smem:$0x3FA8]  }
0x2b: {  	s6 =	sld [smem:$0x3FA9]  }
0x2c: {  	s7 =	sld [smem:$0x3FAA]  }
0x2d: {  	s3 =	simm.s32 $0x108;
	s8 =	sld [smem:$0x3FAB]  }
0x2e: {  	s3 =	simm.s32 @!p0 $0x1082;
	s9 =	sld [smem:$0x3FAC]  }
0x2f: {  	lr =	sadd.s32 s0, s3;
	s0 =	sld [smem:$0x3FA3]  }
0x30: {  	s3 =	sld [smem:$0x3FA6]  }
0x31: {  	[smem:$0x3FAF] =	sst s10  }
0x32: {  	s10 =	sld [smem:$0x3FAD];
	_ =	sdelay $0x3  }
0x33: {  	p0 =	seq.s32 s10, $0x1;
	s10 =	sld [smem:$0x3FAF];
	_ =	sdelay $0x3  }
0x34: {  	[smem:$0x3FAF] =	sst s10  }
0x35: {  	s10 =	sld [smem:$0x3FAE];
	_ =	sdelay $0x3  }
0x36: {  	p1 =	seq.s32 s10, $0x1;
	s10 =	sld [smem:$0x3FAF];
	_ =	sdelay $0x3  }
0x37: {  	[smem:$0x3FAF] =	sst s10  }
0x38: {  	s10 =	sld [smem:$0x3FB0]  }
0x39: {  	_ = 	snop;
	(pc) =	sbr.ind lr, $3  }
0x3a: {  	_ = 	snop  }
0x3b: {  	_ = 	snop  }
0x3c: {  	p2 =	seq.s32 s10, $0x1;
	s10 =	sld [smem:$0x3FAF]  }
0x3d: {  	_ =	shalt  }
0x3e: {  	_ =	shalt  }
0x3f: {  	_ =	shalt  }
0x40: {  	_ =	shalt  }
0x41: {  	_ =	shalt  }
0x42: {  	_ =	shalt  }
0x43: {  	_ =	shalt  }
0x44: {  	_ =	shalt  }
0x45: {  	_ =	shalt  }
0x46: {  	_ =	shalt  }
0x47: {  	_ =	shalt  }
0x48: {  	_ =	shalt  }
0x49: {  	_ =	shalt  }
0x4a: {  	_ =	shalt  }
0x4b: {  	_ =	shalt  }
0x4c: {  	_ =	shalt  }
0x4d: {  	_ =	shalt  }
0x4e: {  	_ =	shalt  }
0x4f: {  	_ =	shalt  }
0x50: {  	_ =	shalt  }
0x51: {  	_ =	shalt  }
0x52: {  	_ =	shalt  }
0x53: {  	_ =	shalt  }
0x54: {  	_ =	shalt  }
0x55: {  	_ =	shalt  }
0x56: {  	_ =	shalt  }
0x57: {  	_ =	shalt  }
0x58: {  	_ =	shalt  }
0x59: {  	_ =	shalt  }
0x5a: {  	_ =	shalt  }
0x5b: {  	_ =	shalt  }
0x5c: {  	_ =	shalt  }
0x5d: {  	_ =	shalt  }
0x5e: {  	_ =	shalt  }
0x5f: {  	_ =	shalt  }
0x60: {  	_ =	shalt  }
0x61: {  	_ =	shalt  }
0x62: {  	_ =	shalt  }
0x63: {  	_ =	shalt  }
0x64: {  	_ =	shalt  }
0x65: {  	_ =	shalt  }
0x66: {  	_ =	shalt  }
0x67: {  	_ =	shalt  }
0x68: {  	_ =	shalt  }
0x69: {  	_ =	shalt  }
0x6a: {  	_ =	shalt  }
0x6b: {  	_ =	shalt  }
0x6c: {  	_ =	shalt  }
0x6d: {  	_ =	shalt  }
0x6e: {  	_ =	shalt  }
0x6f: {  	_ =	shalt  }
0x70: {  	_ =	shalt  }
0x71: {  	_ =	shalt  }
0x72: {  	_ =	shalt  }
0x73: {  	_ =	shalt  }
0x74: {  	_ =	shalt  }
0x75: {  	_ =	shalt  }
0x76: {  	_ =	shalt  }
0x77: {  	_ =	shalt  }
0x78: {  	_ =	shalt  }
0x79: {  	_ =	shalt  }
0x7a: {  	_ =	shalt  }
0x7b: {  	_ =	shalt  }
0x7c: {  	_ =	shalt  }
0x7d: {  	_ =	shalt  }
0x7e: {  	_ =	shalt  }
0x7f: {  	_ =	shalt  }
0x80: {  	_ =	shalt  }
0x81: {  	_ =	shalt  }
0x82: {  	_ =	shalt  }
0x83: {  	_ =	shalt  }
0x84: {  	_ =	shalt  }
0x85: {  	_ =	shalt  }
0x86: {  	_ =	shalt  }
0x87: {  	_ =	shalt  }
.Lfunc_end0:
.L_simem_size_0:
called_computation.2_lowered:
.L_overlay_start_0:
0x88: {  	s2 =	sld [smem:$0x3FD9]  }
0x89: {  	s3 =	sld [smem:$0x3FFE];
	_ =	sdelay $0x1  }
0x8a: {  	s1 =	srdreg.scid  }
0x8b: {  	s0 =	sand.u32 $0x1, s1  }
0x8c: {  	s16 =	sshll.u32 s0, $0xA;
	s2 =	sadd.s32 s3, s2  }
0x8d: {  	s2 =	sadd.s32 s2, s16  }
0x8e: {  	[smem:$0x3FBB] =	sst s2  }
0x8f: {  	_ = 	snop  }
0x90: {  	(tm) =	ssettm $0x1  }
0x91: {  	s17 =	sld [smem:$0x3FFB];
	_ =	sdelay $0x3  }
0x92: {  	_ =	strace s17  }
0x93: {  	s2 =	sld [smem:$0x3FFC];
	_ =	sdelay $0x3  }
0x94: {  	_ =	strace s2  }
0x95: {  	s2 =	sld [smem:$0x3FFD];
	_ =	sdelay $0x3  }
0x96: {  	_ =	strace s2  }
0x97: {  	_ =	strace $0x8FFFFFFF  }
0x98: {  	s18 =	sld [smem:$0x3FDB];
	_ =	sdelay $0x1  }
0x99: {  	s19 =	simm.s32 $_scs_section_size  }
0x9a: {  	s4 =	simm.s32 $_size__tile_overlayer_lowered;
	s5 =	simm.s32 $_tile_overlayer_lowered  }
0x9b: {  	s22 =	simm.s32 $0x1BFF;
	s21 =	sshll.u32 s5, $0x1;
	s2 =	sadd.s32 s19, s18  }
0x9c: {  	s6 =	simm.s32 $0x0;
	s20 =	sshll.u32 s4, $0x1;
	s4 =	sadd.s32 s21, s2  }
0x9d: {  	[timem:s6], [sflag:s22] =	dma.local [hbm:s4], s20  }
0x9e: {  	_ =	swait.ge [sflag:s22], s20  }
0x9f: {  	s3 =	ssub.s32 $0x0, s20;
	[sflag:s22] =	ssyncset.done $0x0  }
0xa0: {  	[sflag:s22] =	ssyncadd.s32 s3;
	_ =	sdelay $0x1  }
0xa1: {  	s23 =	simm.s32 $0x1B8B  }
0xa2: {  	_ =	swait.ge [sflag:s23], $0x1  }
0xa3: {  	[sflag:s23] =	ssyncset.done $0x0  }
0xa4: {  	s25 =	simm.s32 $0x1B8E;
	s24 =	sld [smem:$0x3FFE];
	[sflag:s23] =	ssyncadd.s32 $0xFFFFFFFF  }
0xa5: {  	s26 =	simm.s32 $execute0_lowered;
	[smem:$0x3FD2] =	sst s25  }
0xa6: {  	s4 =	sshll.u32 s26, $0x1;
	_ =	strace $0x8000004C;
	[dreg:$0x1] =	wrdreg $0xFFFFFFFF  }
0xa7: {  	s28 =	simm.s32 $_size_execute0_lowered;
	s2 =	sadd.s32 s2, s4;
	[dreg:$0x0] =	wrdreg $0x0  }
0xa8: {  	s4 =	sshll.u32 s28, $0x1;
	[dreg:$0x2] =	wrdreg s2  }
0xa9: {  	[dreg:$0x3] =	wrdreg s4  }
0xaa: {  	[dreg:$0x4] =	wrdreg $0xC0  }
0xab: {  	_ =	task [dreg:s6], $0x5FFFF  }
0xac: {  	[dreg:$0x1] =	wrdreg $0xFFFFFFFF  }
0xad: {  	[dreg:$0x0] =	wrdreg $0x60  }
0xae: {  	[dreg:$0x2] =	wrdreg s24  }
0xaf: {  	[dreg:$0x3] =	wrdreg $0x9  }
0xb0: {  	_ =	task.clear_ibuf [dreg:s6], $0x4FFFF;
	_ =	strace $0x9000004C  }
0xb1: {  	s29 =	simm.s32 $0x9;
	_ =	strace $0x8000004E  }
0xb2: {  	_ =	swait.ge [sflag:s29], $0x1  }
0xb3: {  	[sflag:s29] =	ssyncadd.s32 $0xFFFFFFFF  }
0xb4: {  	_ =	strace $0x9000004E  }
0xb5: {  	_ =	sfence  }
0xb6: {  	s30 =	sld [smem:$0x0];
	_ =	sdelay $0x2  }
0xb7: {  	s31 =	sshll.u32 s1, $0xD;
	s1 =	sshrl.u32 s1, $0x2  }
0xb8: {  	s3 =	sand.u32 $0x4000, s31;
	s1 =	sadd.s32 s1, s30  }
0xb9: {  	s0 =	sor.u32 s3, s0;
	s1 =	sshll.u32 s1, $0x11  }
0xba: {  	s0 =	sor.u32 s1, s0  }
0xbb: {  	s0 =	sadd.s32 $0x8F2B, s0  }
0xbc: {  	[sflag:s0] =	ssyncadd.remote.s32 $0x1  }
0xbd: {  	_ =	sfence.sel $0xFFFF  }
0xbe: {  	[dreg:$0x0] =	wrdreg $0xFFFFFFFF;
	(pc) =	sbr.abs _section_cstart, $3  }
0xbf: {  	[dreg:$0x1] =	wrdreg $0xFFFFFFFF  }
0xc0: {  	_ =	task.clear_ibuf [dreg:s6], $0x2FFFF;
	_ =	strace $0x9FFFFFFF  }
0xc1: {  	(tm) =	ssettm $0x7FFFFFFF  }
tec
execute0_lowered:
.L_overlay_start_1:
0x0: {  	(tag) =	ssettag $0x1  }
0x1: {  	s4 =	rddreg [dreg:$0x0]  }
0x2: {  	s0 =	rddreg [dreg:$0x1];
	s3 =	srdreg.scid  }
0x3: {  	s1 =	stileid.u32;
	s2 =	simm.s32 $0x0;
	s16 =	simm.s32 $0x80  }
0x4: {  	s17 =	simm.s32 $0x3400;
	s18 =	simm.s32 $0x100;
	s19 =	simm.s32 $0x2  }
0x5: {  	s20 =	simm.s32 $0x6600;
	s21 =	simm.s32 $0x180;
	s22 =	simm.s32 $0x9800  }
0x6: {  	s23 =	simm.s32 $0x3;
	s28 =	simm.s32 $0x0;
	s14 =	smul.u32 $0x6400, s1  }
0x7: {  	s10 =	sand.u32 $0x1, s3;
	s24 =	sshll.u32 s1, $0x1;
	s15 =	smul.u32 $0x4E200, s1  }
0x8: {  	[smem:$0x7FF] =	sst s2;
	s3 =	sadd.s32 $0x24A00, s4;
	s30 =	smul.u32 $0x3200, s10  }
0x9: {  	s5 =	sor.u32 s10, s24;
	s7 =	ssub.s32 $0x2, s10;
	s10 =	smul.u32 $0x27100, s10  }
0xa: {  	s12 =	sadd.s32 $0x18200, s4;
	s11 =	sadd.s32 $0x4BC00, s4;
	s6 =	smul.u32 $0x3200, s5  }
0xb: {  	_ =	strace $0x8000004D;
	s8 =	smul.u32 $0x138800, s5;
	s25 =	sshrl.u32 s7, $0x1  }
0xc: {  	s24 =	simm.s32 $0x5;
	s9 =	smul.u32 $0x27100, s5;
	s7 =	ssub.s32 s7, s25  }
0xd: {  	s25 =	simm.s32 $0x4;
	s26 =	sshrl.u32 s6, $0x3;
	s8 =	sshrl.u32 s8, $0x3  }
0xe: {  	s13 =	sor.u32 $0x100, s6;
	s6 =	smax.u32 s7, $0x1;
	s4 =	sadd.s32 s12, s26  }
0xf: {  	s8 =	sadd.s32 s11, s8;
	s29 =	sshrl.u32 s13, $0x3;
	s13 =	sadd.s32 s30, s14  }
0x10: {  	s26 =	simm.s32 $0x6;
	s5 =	sadd.s32 $0x26480, s8;
	s7 =	sadd.s32 s12, s29  }
.Ltmp0:
0x11: {  	s8 =	sadd.s32 s11, s9;
	s9 =	sadd.s32 $0x40, s4;
	(pc) =	sbr.rel .LBB2_1-.Ltmp0, $4  }
0x12: {  	s11 =	sadd.s32 s15, s11;
	s14 =	sadd.s32 $0x400, s13;
	s13 =	sadd.s32 $0x300, s13  }
0x13: {  	s15 =	simm.s32 $0x200;
	s10 =	sadd.s32 s10, s11;
	s31 =	sshrl.u32 s14, $0x3  }
0x14: {  	s13 =	sshrl.u32 s13, $0x3;
	s14 =	simm.s32 $0x64;
	s10 =	sadd.s32 $0x1900, s10  }
0x15: {  	s11 =	sadd.s32 s31, s12;
	s12 =	sadd.s32 s13, s12;
	s13 =	simm.s32 $0x1  }
.LBB2_4:
0x16: {  	_ =	swait.ge [sflag:s25], $0x3200  }
0x17: {  	[sflag:s25] =	ssyncset.done $0x0  }
0x18: {  	[sflag:s25] =	ssyncadd.s32 $0xFFFFCE00  }
0x19: {  	_ =	swait.ge [sflag:s25], $0x3200  }
0x1a: {  	[sflag:s25] =	ssyncset.done $0x0  }
0x1b: {  	s28 =	sadd.s32 $0x1, s28;
	[sflag:s25] =	ssyncadd.s32 $0xFFFFCE00  }
0x1c: {  	[hbm4b:s5+s2] =	stream.linear.scatter [tilespmem:s20], [sflag:$0x6], $0x6400, $0x38;
	[tilespmem:$0xCA00] =	vst v63  }
0x1d: {  	p0 =	sne.s32 s28, s6;
	_ =	swait.ge [sflag:s24], $0x6400  }
.Ltmp1:
0x1e: {  	[sflag:s24] =	ssyncset.done $0x0;
	(pc) =	sbr.rel @!p0 .LBB2_5-.Ltmp1, $4  }
0x1f: {  	[sflag:s24] =	ssyncadd.s32 $0xFFFF9C00  }
0x20: {  	_ =	swait.ge [sflag:s26], $0x6400  }
0x21: {  	[sflag:s26] =	ssyncset.done $0x0  }
0x22: {  	[sflag:s26] =	ssyncadd.s32 $0xFFFF9C00  }
.LBB2_1:
0x23: {  	[tilespmem:s2], [sflag:$0x1] =	stream.linear.gather [hbm4b:s4+s2], $0x100, $0x38;
	[tilespmem:$0xCA00] =	vst v63  }
0x24: {  	_ =	swait.ge [sflag:s13], $0x100  }
0x25: {  	[sflag:s13] =	ssyncset.done $0x0  }
0x26: {  	[sflag:s13] =	ssyncadd.s32 $0xFFFFFF00  }
0x27: {  	[tilespmem:s15], [sflag:$0x3] =	stream.indirect.gather [hbm4b:s3+s14], $0x80, s2, s14, $0xb8;
	[tilespmem:$0xCA00] =	vst v63  }
0x28: {  	_ = 	snop  }
0x29: {  	[tilespmem:s17], [sflag:$0x3] =	stream.indirect.gather [hbm4b:s3+s14], $0x80, s16, s14, $0xb8;
	[tilespmem:$0xCA00] =	vst v63  }
0x2a: {  	_ = 	snop  }
0x2b: {  	[tilespmem:s18], [sflag:$0x2] =	stream.linear.gather [hbm4b:s7+s2], $0x100, $0x38;
	[tilespmem:$0xCA00] =	vst v63  }
0x2c: {  	_ =	swait.ge [sflag:s19], $0x100  }
0x2d: {  	[sflag:s19] =	ssyncset.done $0x0  }
0x2e: {  	[sflag:s19] =	ssyncadd.s32 $0xFFFFFF00  }
0x2f: {  	[tilespmem:s20], [sflag:$0x4] =	stream.indirect.gather [hbm4b:s3+s14], $0x80, s18, s14, $0xb8;
	[tilespmem:$0xCA00] =	vst v63  }
0x30: {  	_ = 	snop  }
0x31: {  	[tilespmem:s22], [sflag:$0x4] =	stream.indirect.gather [hbm4b:s3+s14], $0x80, s21, s14, $0xb8;
	[tilespmem:$0xCA00] =	vst v63  }
0x32: {  	_ =	swait.ge [sflag:s23], $0x3200  }
0x33: {  	[sflag:s23] =	ssyncset.done $0x0  }
0x34: {  	[sflag:s23] =	ssyncadd.s32 $0xFFFFCE00  }
0x35: {  	_ =	swait.ge [sflag:s23], $0x3200  }
0x36: {  	[sflag:s23] =	ssyncset.done $0x0  }
0x37: {  	[sflag:s23] =	ssyncadd.s32 $0xFFFFCE00  }
0x38: {  	[hbm4b:s8+s2] =	stream.linear.scatter [tilespmem:s15], [sflag:$0x5], $0x6400, $0x38;
	[tilespmem:$0xCA00] =	vst v63  }
0x39: {  	s29 =	simm.s32 $0x0;
	s30 =	smov.u32 s10  }
0x3a: {  	[tilespmem:s2], [sflag:$0x1] =	stream.linear.gather [hbm4b:s9+s2], $0x100, $0x38;
	[tilespmem:$0xCA00] =	vst v63  }
.LBB2_2:
0x3b: {  	_ =	swait.ge [sflag:s24], $0x6400  }
0x3c: {  	[sflag:s24] =	ssyncset.done $0x0  }
0x3d: {  	[sflag:s24] =	ssyncadd.s32 $0xFFFF9C00  }
0x3e: {  	_ =	swait.ge [sflag:s13], $0x100  }
0x3f: {  	[sflag:s13] =	ssyncset.done $0x0  }
0x40: {  	[sflag:s13] =	ssyncadd.s32 $0xFFFFFF00  }
0x41: {  	[tilespmem:s15], [sflag:$0x3] =	stream.indirect.gather [hbm4b:s3+s14], $0x80, s2, s14, $0xb8;
	[tilespmem:$0xCA00] =	vst v63  }
0x42: {  	_ = 	snop  }
0x43: {  	[tilespmem:s17], [sflag:$0x3] =	stream.indirect.gather [hbm4b:s3+s14], $0x80, s16, s14, $0xb8;
	[tilespmem:$0xCA00] =	vst v63  }
0x44: {  	_ =	swait.ge [sflag:s25], $0x3200  }
0x45: {  	[sflag:s25] =	ssyncset.done $0x0  }
0x46: {  	[sflag:s25] =	ssyncadd.s32 $0xFFFFCE00  }
0x47: {  	_ =	swait.ge [sflag:s25], $0x3200  }
0x48: {  	[sflag:s25] =	ssyncset.done $0x0  }
0x49: {  	s31 =	sadd.s32 $0xFFFFF380, s30;
	[sflag:s25] =	ssyncadd.s32 $0xFFFFCE00  }
0x4a: {  	[hbm4b:s31+s2] =	stream.linear.scatter [tilespmem:s20], [sflag:$0x6], $0x6400, $0x38;
	[tilespmem:$0xCA00] =	vst v63  }
0x4b: {  	s31 =	sadd.s32 s29, s12  }
0x4c: {  	[tilespmem:s18], [sflag:$0x2] =	stream.linear.gather [hbm4b:s31+s2], $0x100, $0x38;
	[tilespmem:$0xCA00] =	vst v63  }
0x4d: {  	_ =	swait.ge [sflag:s26], $0x6400  }
0x4e: {  	[sflag:s26] =	ssyncset.done $0x0  }
0x4f: {  	[sflag:s26] =	ssyncadd.s32 $0xFFFF9C00  }
0x50: {  	_ =	swait.ge [sflag:s19], $0x100  }
0x51: {  	[sflag:s19] =	ssyncset.done $0x0  }
0x52: {  	[sflag:s19] =	ssyncadd.s32 $0xFFFFFF00  }
0x53: {  	[tilespmem:s20], [sflag:$0x4] =	stream.indirect.gather [hbm4b:s3+s14], $0x80, s18, s14, $0xb8;
	[tilespmem:$0xCA00] =	vst v63  }
0x54: {  	_ = 	snop  }
0x55: {  	[tilespmem:s22], [sflag:$0x4] =	stream.indirect.gather [hbm4b:s3+s14], $0x80, s21, s14, $0xb8;
	[tilespmem:$0xCA00] =	vst v63  }
0x56: {  	_ =	swait.ge [sflag:s23], $0x3200  }
0x57: {  	p0 =	seq.s32 s29, $0x5C0;
	[sflag:s23] =	ssyncset.done $0x0  }
.Ltmp2:
0x58: {  	[sflag:s23] =	ssyncadd.s32 $0xFFFFCE00;
	(pc) =	sbr.rel @p0 .LBB2_4-.Ltmp2, $4  }
0x59: {  	_ =	swait.ge [sflag:s23], $0x3200  }
0x5a: {  	[sflag:s23] =	ssyncset.done $0x0  }
0x5b: {  	[sflag:s23] =	ssyncadd.s32 $0xFFFFCE00  }
0x5c: {  	[hbm4b:s30+s2] =	stream.linear.scatter [tilespmem:s15], [sflag:$0x5], $0x6400, $0x38;
	[tilespmem:$0xCA00] =	vst v63  }
.Ltmp3:
0x5d: {  	(pc) =	sbr.rel .LBB2_2-.Ltmp3, $3  }
0x5e: {  	_ =	sdelay $0x1  }
0x5f: {  	s31 =	sadd.s32 s29, s11;
	s30 =	sadd.s32 $0x1900, s30;
	s29 =	sadd.s32 $0x40, s29  }
0x60: {  	[tilespmem:s2], [sflag:$0x1] =	stream.linear.gather [hbm4b:s31+s2], $0x100, $0x38;
	[tilespmem:$0xCA00] =	vst v63  }
.LBB2_5:
0x61: {  	_ =	sfence.sel $0x180000  }
0x62: {  	[bflag:$0x0] =	sbarrier.arrive $0xFFFF  }
0x63: {  	p0 =	sne.s32 s1, $0x0;
	_ =	strace $0x9000004D  }
0x64: {  	s0 =	sadd.s32 @!p0 $0x100000, s0;
	[bflag:$0x2] =	sbarrier.arrive $0xFFFF  }
0x65: {  	[sflag:s0] =	ssyncadd.tile.s32 @!p0 $0x1;
	_ =	shalt  }
.Lfunc_end2:
_tile_overlayer_lowered:
.L_overlay_start_2:
0x66: {  	(tag) =	ssettag $0x2  }
0x67: {  	s0 =	rddreg [dreg:$0x0];
	s2 =	stileid.u32  }
0x68: {  	s1 =	rddreg [dreg:$0x1];
	p0 =	sne.s32 s2, $0x0  }
0x69: {  	s3 =	rddreg [dreg:$0x2];
	[bflag:$0x3] =	sbarrier.arrive $0xFFFF;
	s2 =	simm.s32 @!p0 $0x1C07  }
0x6a: {  	[timem:s3], [sflag:s2] =	dma.local @!p0 [hbm:s0], s1  }
0x6b: {  	s0 =	simm.s32 @!p0 $0x7  }
0x6c: {  	_ =	swait.ge @!p0 [sflag:s0], s1  }
0x6d: {  	s1 =	ssub.s32 @!p0 $0x0, s1;
	[sflag:s0] =	ssyncset.done @!p0 $0x0  }
0x6e: {  	[sflag:s0] =	ssyncadd.s32 @!p0 s1  }
0x6f: {  	[bflag:$0x3] =	sbarrier.arrive $0xFFFF  }
0x70: {  	_ =	shalt  }

// kernel: kernel.24.cloned.1.call-start
scs
__scs_entry_jumppad:
0x0: {  	(pc) =	sbr.rel $0x88, $3  }
0x1: {  	(tag) =	ssettag $0x0;
	lr =	simm.s32 $0x1  }
0x2: {  	[smem:$0x3F94] =	sst lr;
	_ =	strace $0xD0000000  }
0x3: {  	_ = 	snop  }
0x4: {  	_ = 	snop  }
0x5: {  	_ = 	snop  }
0x6: {  	_ = 	snop  }
0x7: {  	_ = 	snop  }
__scs_overlays_trampoline_lowered:
0x8: {  	[smem:$0x3FA3] =	sst s0  }
0x9: {  	[smem:$0x3FA4] =	sst s1  }
0xa: {  	[smem:$0x3FA5] =	sst s2  }
0xb: {  	[smem:$0x3FA6] =	sst s3  }
0xc: {  	[smem:$0x3FA7] =	sst s4  }
0xd: {  	[smem:$0x3FA8] =	sst s5  }
0xe: {  	[smem:$0x3FA9] =	sst s6  }
0xf: {  	[smem:$0x3FAA] =	sst s7  }
0x10: {  	[smem:$0x3FAB] =	sst s8  }
0x11: {  	[smem:$0x3FAC] =	sst s9;
	s0 =	simm.s32 @!p0 $0x0  }
0x12: {  	s1 =	sld [smem:$0x3F92];
	s0 =	simm.s32 @p0 $0x1  }
0x13: {  	[smem:$0x3FAD] =	sst s0;
	s0 =	simm.s32 @!p1 $0x0  }
0x14: {  	s2 =	sld [smem:$0x3F91];
	s0 =	simm.s32 @p1 $0x1  }
0x15: {  	[smem:$0x3FAE] =	sst s0;
	s0 =	simm.s32 @!p2 $0x0  }
0x16: {  	s3 =	sld [smem:$0x3FDB];
	s0 =	simm.s32 @p2 $0x1  }
0x17: {  	s4 =	simm.s32 $0x1BF5;
	[smem:$0x3FB0] =	sst s0  }
0x18: {  	s0 =	sld [smem:$0x3F93];
	_ =	swait.ge [sflag:s4], $0x0  }
0x19: {  	s7 =	sld [smem:$0x3F94]  }
0x1a: {  	s8 =	sadd.s32 $0xFFFFE003, lr  }
0x1b: {  	s9 =	sadd.s32 $0xFFFFFEF7, lr;
	s5 =	simm.s32 $0xFFFFFFFF;
	p2 =	slt.u32 s8, $0xFFFFF086  }
0x1c: {  	p1 =	slt.u32 s9, $0xF7A;
	s5 =	simm.s32 @!p2 $0x0  }
0x1d: {  	s5 =	simm.s32 @p1 $0x1;
	p0 =	seq.s32 s7, s2  }
0x1e: {  	s7 =	smul.u32 @!p0 $0xF7A, s2;
	p2 =	seq.s32 @!p0 s5, $0x0  }
0x1f: {  	s9 =	smul.u32 $0xF7A, s1;
	s8 =	simm.s32 @!p0 $0x1BF5;
	p2 =	por !p2, p0  }
0x20: {  	[sflag:s8] =	ssyncset.s32 @!p0 $0xFFFFF086;
	s6 =	sadd.s32 @!p0 s3, s7;
	s7 =	simm.s32 @!p0 $0x108  }
0x21: {  	s3 =	sadd.s32 s3, s9;
	s6 =	sadd.s32 @!p0 $0x88, s6;
	s7 =	simm.s32 @p2 $0x1082  }
0x22: {  	[simem:s7], [sflag:s8] =	dma.local @!p0 [hbm:s6], $0xF7A  }
0x23: {  	s9 =	sor.u32 $0xD0000000, s2;
	s6 =	simm.s32 $0x108;
	_ =	swait.ge @!p0 [sflag:s8], $0x0  }
0x24: {  	s3 =	sadd.s32 $0x88, s3;
	s6 =	simm.s32 @!p1 $0x1082;
	[sflag:s4] =	ssyncset.s32 $0xFFFFF086  }
0x25: {  	[simem:s6], [sflag:s4] =	dma.local [hbm:s3], $0xF7A  }
0x26: {  	[smem:$0x3F94] =	sst s1;
	(tag) =	ssettag s2;
	_ =	strace s9  }
0x27: {  	s1 =	sld [smem:$0x3FA4]  }
0x28: {  	s2 =	sld [smem:$0x3FA5]  }
0x29: {  	s4 =	sld [smem:$0x3FA7]  }
0x2a: {  	p0 =	seq.s32 s5, $0x0;
	s5 =	sld [smem:$0x3FA8]  }
0x2b: {  	s6 =	sld [smem:$0x3FA9]  }
0x2c: {  	s7 =	sld [smem:$0x3FAA]  }
0x2d: {  	s3 =	simm.s32 $0x108;
	s8 =	sld [smem:$0x3FAB]  }
0x2e: {  	s3 =	simm.s32 @!p0 $0x1082;
	s9 =	sld [smem:$0x3FAC]  }
0x2f: {  	lr =	sadd.s32 s0, s3;
	s0 =	sld [smem:$0x3FA3]  }
0x30: {  	s3 =	sld [smem:$0x3FA6]  }
0x31: {  	[smem:$0x3FAF] =	sst s10  }
0x32: {  	s10 =	sld [smem:$0x3FAD];
	_ =	sdelay $0x3  }
0x33: {  	p0 =	seq.s32 s10, $0x1;
	s10 =	sld [smem:$0x3FAF];
	_ =	sdelay $0x3  }
0x34: {  	[smem:$0x3FAF] =	sst s10  }
0x35: {  	s10 =	sld [smem:$0x3FAE];
	_ =	sdelay $0x3  }
0x36: {  	p1 =	seq.s32 s10, $0x1;
	s10 =	sld [smem:$0x3FAF];
	_ =	sdelay $0x3  }
0x37: {  	[smem:$0x3FAF] =	sst s10  }
0x38: {  	s10 =	sld [smem:$0x3FB0]  }
0x39: {  	_ = 	snop;
	(pc) =	sbr.ind lr, $3  }
0x3a: {  	_ = 	snop  }
0x3b: {  	_ = 	snop  }
0x3c: {  	p2 =	seq.s32 s10, $0x1;
	s10 =	sld [smem:$0x3FAF]  }
0x3d: {  	_ =	shalt  }
0x3e: {  	_ =	shalt  }
0x3f: {  	_ =	shalt  }
0x40: {  	_ =	shalt  }
0x41: {  	_ =	shalt  }
0x42: {  	_ =	shalt  }
0x43: {  	_ =	shalt  }
0x44: {  	_ =	shalt  }
0x45: {  	_ =	shalt  }
0x46: {  	_ =	shalt  }
0x47: {  	_ =	shalt  }
0x48: {  	_ =	shalt  }
0x49: {  	_ =	shalt  }
0x4a: {  	_ =	shalt  }
0x4b: {  	_ =	shalt  }
0x4c: {  	_ =	shalt  }
0x4d: {  	_ =	shalt  }
0x4e: {  	_ =	shalt  }
0x4f: {  	_ =	shalt  }
0x50: {  	_ =	shalt  }
0x51: {  	_ =	shalt  }
0x52: {  	_ =	shalt  }
0x53: {  	_ =	shalt  }
0x54: {  	_ =	shalt  }
0x55: {  	_ =	shalt  }
0x56: {  	_ =	shalt  }
0x57: {  	_ =	shalt  }
0x58: {  	_ =	shalt  }
0x59: {  	_ =	shalt  }
0x5a: {  	_ =	shalt  }
0x5b: {  	_ =	shalt  }
0x5c: {  	_ =	shalt  }
0x5d: {  	_ =	shalt  }
0x5e: {  	_ =	shalt  }
0x5f: {  	_ =	shalt  }
0x60: {  	_ =	shalt  }
0x61: {  	_ =	shalt  }
0x62: {  	_ =	shalt  }
0x63: {  	_ =	shalt  }
0x64: {  	_ =	shalt  }
0x65: {  	_ =	shalt  }
0x66: {  	_ =	shalt  }
0x67: {  	_ =	shalt  }
0x68: {  	_ =	shalt  }
0x69: {  	_ =	shalt  }
0x6a: {  	_ =	shalt  }
0x6b: {  	_ =	shalt  }
0x6c: {  	_ =	shalt  }
0x6d: {  	_ =	shalt  }
0x6e: {  	_ =	shalt  }
0x6f: {  	_ =	shalt  }
0x70: {  	_ =	shalt  }
0x71: {  	_ =	shalt  }
0x72: {  	_ =	shalt  }
0x73: {  	_ =	shalt  }
0x74: {  	_ =	shalt  }
0x75: {  	_ =	shalt  }
0x76: {  	_ =	shalt  }
0x77: {  	_ =	shalt  }
0x78: {  	_ =	shalt  }
0x79: {  	_ =	shalt  }
0x7a: {  	_ =	shalt  }
0x7b: {  	_ =	shalt  }
0x7c: {  	_ =	shalt  }
0x7d: {  	_ =	shalt  }
0x7e: {  	_ =	shalt  }
0x7f: {  	_ =	shalt  }
0x80: {  	_ =	shalt  }
0x81: {  	_ =	shalt  }
0x82: {  	_ =	shalt  }
0x83: {  	_ =	shalt  }
0x84: {  	_ =	shalt  }
0x85: {  	_ =	shalt  }
0x86: {  	_ =	shalt  }
0x87: {  	_ =	shalt  }
.Lfunc_end0:
.L_simem_size_0:
called_computation.3_lowered:
.L_overlay_start_0:
0x88: {  	s2 =	sld [smem:$0x3FD9]  }
0x89: {  	s3 =	sld [smem:$0x3FFE];
	_ =	sdelay $0x1  }
0x8a: {  	s1 =	srdreg.scid  }
0x8b: {  	s0 =	sand.u32 $0x1, s1  }
0x8c: {  	s16 =	sshll.u32 s0, $0xA;
	s2 =	sadd.s32 s3, s2  }
0x8d: {  	s2 =	sadd.s32 s2, s16  }
0x8e: {  	[smem:$0x3FBB] =	sst s2  }
0x8f: {  	_ = 	snop  }
0x90: {  	(tm) =	ssettm $0x1  }
0x91: {  	s17 =	sld [smem:$0x3FFB];
	_ =	sdelay $0x3  }
0x92: {  	_ =	strace s17  }
0x93: {  	s2 =	sld [smem:$0x3FFC];
	_ =	sdelay $0x3  }
0x94: {  	_ =	strace s2  }
0x95: {  	s2 =	sld [smem:$0x3FFD];
	_ =	sdelay $0x3  }
0x96: {  	_ =	strace s2  }
0x97: {  	_ =	strace $0x8FFFFFFF  }
0x98: {  	s18 =	sld [smem:$0x3FDB];
	_ =	sdelay $0x1  }
0x99: {  	s19 =	simm.s32 $_scs_section_size  }
0x9a: {  	s4 =	simm.s32 $_size__tile_overlayer_lowered;
	s5 =	simm.s32 $_tile_overlayer_lowered  }
0x9b: {  	s22 =	simm.s32 $0x1BFF;
	s21 =	sshll.u32 s5, $0x1;
	s2 =	sadd.s32 s19, s18  }
0x9c: {  	s6 =	simm.s32 $0x0;
	s20 =	sshll.u32 s4, $0x1;
	s4 =	sadd.s32 s21, s2  }
0x9d: {  	[timem:s6], [sflag:s22] =	dma.local [hbm:s4], s20  }
0x9e: {  	_ =	swait.ge [sflag:s22], s20  }
0x9f: {  	s3 =	ssub.s32 $0x0, s20;
	[sflag:s22] =	ssyncset.done $0x0  }
0xa0: {  	[sflag:s22] =	ssyncadd.s32 s3;
	_ =	sdelay $0x1  }
0xa1: {  	s23 =	simm.s32 $0x1B8B  }
0xa2: {  	_ =	swait.ge [sflag:s23], $0x1  }
0xa3: {  	[sflag:s23] =	ssyncset.done $0x0  }
0xa4: {  	s25 =	simm.s32 $0x1B8E;
	s24 =	sld [smem:$0x3FFE];
	[sflag:s23] =	ssyncadd.s32 $0xFFFFFFFF  }
0xa5: {  	s26 =	simm.s32 $execute0_lowered;
	[smem:$0x3FD2] =	sst s25  }
0xa6: {  	s4 =	sshll.u32 s26, $0x1;
	_ =	strace $0x8000004F;
	[dreg:$0x1] =	wrdreg $0xFFFFFFFF  }
0xa7: {  	s28 =	simm.s32 $_size_execute0_lowered;
	s2 =	sadd.s32 s2, s4;
	[dreg:$0x0] =	wrdreg $0x0  }
0xa8: {  	s4 =	sshll.u32 s28, $0x1;
	[dreg:$0x2] =	wrdreg s2  }
0xa9: {  	[dreg:$0x3] =	wrdreg s4  }
0xaa: {  	[dreg:$0x4] =	wrdreg $0xC0  }
0xab: {  	_ =	task [dreg:s6], $0x5FFFF  }
0xac: {  	[dreg:$0x1] =	wrdreg $0xFFFFFFFF  }
0xad: {  	[dreg:$0x0] =	wrdreg $0x60  }
0xae: {  	[dreg:$0x2] =	wrdreg s24  }
0xaf: {  	[dreg:$0x3] =	wrdreg $0xCA000  }
0xb0: {  	[dreg:$0x4] =	wrdreg $0x9  }
0xb1: {  	_ =	task.clear_ibuf [dreg:s6], $0x5FFFF;
	_ =	strace $0x9000004F  }
0xb2: {  	s29 =	simm.s32 $0x9;
	_ =	strace $0x80000051  }
0xb3: {  	_ =	swait.ge [sflag:s29], $0x1  }
0xb4: {  	[sflag:s29] =	ssyncadd.s32 $0xFFFFFFFF  }
0xb5: {  	_ =	strace $0x90000051  }
0xb6: {  	_ =	sfence  }
0xb7: {  	s30 =	sld [smem:$0x0];
	_ =	sdelay $0x2  }
0xb8: {  	s31 =	sshll.u32 s1, $0xD;
	s1 =	sshrl.u32 s1, $0x2  }
0xb9: {  	s3 =	sand.u32 $0x4000, s31;
	s1 =	sadd.s32 s1, s30  }
0xba: {  	s0 =	sor.u32 s3, s0;
	s1 =	sshll.u32 s1, $0x11  }
0xbb: {  	s0 =	sor.u32 s1, s0  }
0xbc: {  	s0 =	sadd.s32 $0x8F2B, s0  }
0xbd: {  	[sflag:s0] =	ssyncadd.remote.s32 $0x1  }
0xbe: {  	_ =	sfence.sel $0xFFFF  }
0xbf: {  	[dreg:$0x0] =	wrdreg $0xFFFFFFFF;
	(pc) =	sbr.abs _section_cstart, $3  }
0xc0: {  	[dreg:$0x1] =	wrdreg $0xFFFFFFFF  }
0xc1: {  	_ =	task.clear_ibuf [dreg:s6], $0x2FFFF;
	_ =	strace $0x9FFFFFFF  }
0xc2: {  	(tm) =	ssettm $0x7FFFFFFF  }
0xc3: {  	_ =	shalt  }
tec
execute0_lowered:
.L_overlay_start_1:
0x0: {  	(tag) =	ssettag $0x1  }
0x1: {  	s0 =	rddreg [dreg:$0x0]  }
0x2: {  	s16 =	stileid.u32;
	s3 =	srdreg.scid  }
0x3: {  	s2 =	rddreg [dreg:$0x1];
	s18 =	simm.s32 $0x200;
	s1 =	smul.u32 $0x4E200, s16  }
0x4: {  	s19 =	simm.s32 $0x1;
	s20 =	simm.s32 $0x64;
	s4 =	smul.u32 $0x9C80, s16  }
0x5: {  	s28 =	simm.s32 $0x9800;
	s29 =	simm.s32 $0x3;
	s7 =	smul.u32 $0x4E400, s16  }
0x6: {  	s30 =	simm.s32 $0x4;
	s31 =	simm.s32 $0x0;
	s8 =	smul.u32 $0x139000, s16  }
0x7: {  	s5 =	sand.u32 $0x1, s3;
	s3 =	simm.s32 $0x0;
	s9 =	smul.u32 $0x6400, s16  }
0x8: {  	s14 =	sadd.s32 $0xA0FC00, s0;
	p0 =	sgt.u32 s16, $0x1;
	s6 =	smul.u32 $0x9C800, s5  }
0x9: {  	[smem:$0x7FF] =	sst s3;
	s21 =	smul.u32 $0x64000, s5;
	s5 =	ssub.s32 $0x2, s5  }
0xa: {  	_ =	strace $0x80000050;
	s1 =	sadd.s32 s1, s0;
	s4 =	sadd.s32 s4, s0  }
0xb: {  	s22 =	sshrl.u32 s5, $0x1;
	s8 =	sshrl.u32 s8, $0x2;
	s6 =	sadd.s32 s7, s6  }
0xc: {  	s13 =	sadd.s32 s9, s21;
	s23 =	ssub.s32 s5, s22;
	s4 =	sadd.s32 $0x4600, s4  }
0xd: {  	s17 =	sadd.s32 s8, s2;
	s10 =	sadd.s32 $0x52E880, s1;
	s12 =	sadd.s32 $0x52F500, s1  }
0xe: {  	s21 =	simm.s32 $0x80;
	s22 =	simm.s32 $0x3400;
	s6 =	sshrl.u32 s6, $0x3  }
0xf: {  	s24 =	sshrl.u32 s13, $0x3;
	[dreg:$0x3] =	wrdreg s4;
	s8 =	smax.u32 s23, $0x1  }
0x10: {  	s25 =	sor.u32 $0x300, s13;
	s15 =	sadd.s32 $0x400, s13;
	s17 =	sshrl.u32 @!p0 s17, $0x3  }
0x11: {  	s23 =	simm.s32 $0x100;
	s0 =	sadd.s32 s6, s0;
	s5 =	sadd.s32 s14, s24  }
.Ltmp0:
0x12: {  	s6 =	sadd.s32 $0x52DC00, s1;
	s26 =	sshrl.u32 s15, $0x3;
	(pc) =	sbr.rel .LBB2_1-.Ltmp0, $4  }
0x13: {  	s1 =	sadd.s32 $0x530180, s1;
	s24 =	simm.s32 $0x6600;
	s7 =	sadd.s32 $0x24A00, s0  }
0x14: {  	s9 =	sadd.s32 $0x20, s5;
	s11 =	sadd.s32 $0x40, s5;
	s0 =	sshrl.u32 s25, $0x3  }
0x15: {  	s15 =	sadd.s32 s26, s14;
	s13 =	sadd.s32 s0, s14;
	s0 =	sshll.u32 @!p0 s16, $0x6  }
0x16: {  	s25 =	simm.s32 $0x2;
	s26 =	simm.s32 $0x180;
	s16 =	sor.u32 @!p0 $0x1C05, s0  }
.LBB2_4:
0x17: {  	_ =	swait.ge [sflag:s30], $0x3200  }
0x18: {  	[sflag:s30] =	ssyncset.done $0x0  }
0x19: {  	[sflag:s30] =	ssyncadd.s32 $0xFFFFCE00  }
0x1a: {  	_ =	swait.ge [sflag:s30], $0x3200  }
0x1b: {  	s31 =	sadd.s32 $0x1, s31;
	[sflag:s30] =	ssyncset.done $0x0  }
0x1c: {  	p1 =	sne.s32 s31, s8;
	[sflag:s30] =	ssyncadd.s32 $0xFFFFCE00  }
.Ltmp1:
0x1d: {  	s0 =	simm.s32 @!p0 $0x5;
	[bflag:$0x0] =	sbarrier.arrive $0xFFFF;
	(pc) =	sbr.rel @!p1 .LBB2_5-.Ltmp1, $4  }
0x1e: {  	[hbm:s7], [sflag:s16] =	dma.local @!p0 [spmem:s17], $0x9C80  }
0x1f: {  	_ =	swait.ge @!p0 [sflag:s0], $0x9C80  }
0x20: {  	[sflag:s0] =	ssyncset.done @!p0 $0x0  }
0x21: {  	[sflag:s0] =	ssyncadd.s32 @!p0 $0xFFFF6380  }
.LBB2_1:
0x22: {  	s0 =	rddreg [dreg:$0x3]  }
0x23: {  	[spmem:s17], [sflag:s16] =	dma.local @!p0 [hbm:s0], $0x9C80  }
0x24: {  	s0 =	simm.s32 @!p0 $0x5  }
0x25: {  	_ =	swait.ge @!p0 [sflag:s0], $0x9C80  }
0x26: {  	[sflag:s0] =	ssyncset.done @!p0 $0x0  }
0x27: {  	[sflag:s0] =	ssyncadd.s32 @!p0 $0xFFFF6380  }
0x28: {  	[bflag:$0x0] =	sbarrier.arrive $0xFFFF  }
0x29: {  	[tilespmem:s3], [sflag:$0x1] =	stream.linear.gather [hbm4b:s5+s3], $0x100, $0x38;
	[tilespmem:$0x16680] =	vst v63  }
0x2a: {  	_ = 	snop  }
0x2b: {  	[tilespmem:s18], [sflag:$0x1] =	stream.linear.gather [hbm4b:s6+s3], $0x6400, $0x38;
	[tilespmem:$0x16680] =	vst v63  }
0x2c: {  	_ =	swait.ge [sflag:s19], $0x100  }
0x2d: {  	[sflag:s19] =	ssyncset.done $0x0  }
0x2e: {  	[sflag:s19] =	ssyncadd.s32 $0xFFFFFF00  }
0x2f: {  	_ =	swait.ge [sflag:s19], $0x6400  }
0x30: {  	[sflag:s19] =	ssyncset.done $0x0  }
0x31: {  	[sflag:s19] =	ssyncadd.s32 $0xFFFF9C00  }
0x32: {  	[spmem:s2] =	stream.indirect.scatter.add.f32 [tilespmem:s18], [sflag:$0x3], $0x80, s3, s20, $0xb8;
	[tilespmem:$0x16680] =	vst v63  }
0x33: {  	_ = 	snop  }
0x34: {  	[spmem:s2] =	stream.indirect.scatter.add.f32 [tilespmem:s22], [sflag:$0x3], $0x80, s21, s20, $0xb8;
	[tilespmem:$0x16680] =	vst v63  }
0x35: {  	_ = 	snop  }
0x36: {  	[tilespmem:s23], [sflag:$0x2] =	stream.linear.gather [hbm4b:s9+s3], $0x100, $0x38;
	[tilespmem:$0x16680] =	vst v63  }
0x37: {  	_ = 	snop  }
0x38: {  	[tilespmem:s24], [sflag:$0x2] =	stream.linear.gather [hbm4b:s10+s3], $0x6400, $0x38;
	[tilespmem:$0x16680] =	vst v63  }
0x39: {  	_ =	swait.ge [sflag:s25], $0x100  }
0x3a: {  	[sflag:s25] =	ssyncset.done $0x0  }
0x3b: {  	[sflag:s25] =	ssyncadd.s32 $0xFFFFFF00  }
0x3c: {  	_ =	swait.ge [sflag:s25], $0x6400  }
0x3d: {  	[sflag:s25] =	ssyncset.done $0x0  }
0x3e: {  	[sflag:s25] =	ssyncadd.s32 $0xFFFF9C00  }
0x3f: {  	[spmem:s2] =	stream.indirect.scatter.add.f32 [tilespmem:s24], [sflag:$0x4], $0x80, s23, s20, $0xb8;
	[tilespmem:$0x16680] =	vst v63  }
0x40: {  	_ = 	snop  }
0x41: {  	[spmem:s2] =	stream.indirect.scatter.add.f32 [tilespmem:s28], [sflag:$0x4], $0x80, s26, s20, $0xb8;
	[tilespmem:$0x16680] =	vst v63  }
0x42: {  	_ =	swait.ge [sflag:s29], $0x3200  }
0x43: {  	[sflag:s29] =	ssyncset.done $0x0  }
0x44: {  	[sflag:s29] =	ssyncadd.s32 $0xFFFFCE00  }
0x45: {  	_ =	swait.ge [sflag:s29], $0x3200  }
0x46: {  	[sflag:s29] =	ssyncset.done $0x0  }
0x47: {  	[sflag:s29] =	ssyncadd.s32 $0xFFFFCE00  }
0x48: {  	[tilespmem:s3], [sflag:$0x1] =	stream.linear.gather [hbm4b:s11+s3], $0x100, $0x38;
	[tilespmem:$0x16680] =	vst v63  }
0x49: {  	s14 =	smov.u32 s1;
	s0 =	simm.s32 $0x0  }
0x4a: {  	[tilespmem:s18], [sflag:$0x1] =	stream.linear.gather [hbm4b:s12+s3], $0x6400, $0x38;
	[tilespmem:$0x16680] =	vst v63  }
.LBB2_2:
0x4b: {  	_ =	swait.ge [sflag:s19], $0x100  }
0x4c: {  	[sflag:s19] =	ssyncset.done $0x0  }
0x4d: {  	[sflag:s19] =	ssyncadd.s32 $0xFFFFFF00  }
0x4e: {  	_ =	swait.ge [sflag:s19], $0x6400  }
0x4f: {  	[sflag:s19] =	ssyncset.done $0x0  }
0x50: {  	[sflag:s19] =	ssyncadd.s32 $0xFFFF9C00  }
0x51: {  	[spmem:s2] =	stream.indirect.scatter.add.f32 [tilespmem:s18], [sflag:$0x3], $0x80, s3, s20, $0xb8;
	[tilespmem:$0x16680] =	vst v63  }
0x52: {  	_ = 	snop  }
0x53: {  	[spmem:s2] =	stream.indirect.scatter.add.f32 [tilespmem:s22], [sflag:$0x3], $0x80, s21, s20, $0xb8;
	[tilespmem:$0x16680] =	vst v63  }
0x54: {  	_ =	swait.ge [sflag:s30], $0x3200  }
0x55: {  	[sflag:s30] =	ssyncset.done $0x0  }
0x56: {  	[sflag:s30] =	ssyncadd.s32 $0xFFFFCE00  }
0x57: {  	_ =	swait.ge [sflag:s30], $0x3200  }
0x58: {  	[sflag:s30] =	ssyncset.done $0x0  }
0x59: {  	s4 =	sadd.s32 s0, s13;
	[sflag:s30] =	ssyncadd.s32 $0xFFFFCE00  }
0x5a: {  	[tilespmem:s23], [sflag:$0x2] =	stream.linear.gather [hbm4b:s4+s3], $0x100, $0x38;
	[tilespmem:$0x16680] =	vst v63  }
0x5b: {  	_ = 	snop  }
0x5c: {  	[tilespmem:s24], [sflag:$0x2] =	stream.linear.gather [hbm4b:s14+s3], $0x6400, $0x38;
	[tilespmem:$0x16680] =	vst v63  }
0x5d: {  	_ =	swait.ge [sflag:s25], $0x100  }
0x5e: {  	[sflag:s25] =	ssyncset.done $0x0  }
0x5f: {  	[sflag:s25] =	ssyncadd.s32 $0xFFFFFF00  }
0x60: {  	_ =	swait.ge [sflag:s25], $0x6400  }
0x61: {  	[sflag:s25] =	ssyncset.done $0x0  }
0x62: {  	[sflag:s25] =	ssyncadd.s32 $0xFFFF9C00  }
0x63: {  	[spmem:s2] =	stream.indirect.scatter.add.f32 [tilespmem:s24], [sflag:$0x4], $0x80, s23, s20, $0xb8;
	[tilespmem:$0x16680] =	vst v63  }
0x64: {  	_ = 	snop  }
0x65: {  	[spmem:s2] =	stream.indirect.scatter.add.f32 [tilespmem:s28], [sflag:$0x4], $0x80, s26, s20, $0xb8;
	[tilespmem:$0x16680] =	vst v63  }
0x66: {  	p1 =	seq.s32 s0, $0xC00;
	_ =	swait.ge [sflag:s29], $0x3200  }
.Ltmp2:
0x67: {  	[sflag:s29] =	ssyncset.done $0x0;
	(pc) =	sbr.rel @p1 .LBB2_4-.Ltmp2, $4  }
0x68: {  	[sflag:s29] =	ssyncadd.s32 $0xFFFFCE00  }
0x69: {  	_ =	swait.ge [sflag:s29], $0x3200  }
0x6a: {  	[sflag:s29] =	ssyncset.done $0x0  }
0x6b: {  	[sflag:s29] =	ssyncadd.s32 $0xFFFFCE00  }
.Ltmp3:
0x6c: {  	(pc) =	sbr.rel .LBB2_2-.Ltmp3, $4  }
0x6d: {  	s4 =	sadd.s32 s0, s15  }
0x6e: {  	[tilespmem:s3], [sflag:$0x1] =	stream.linear.gather [hbm4b:s4+s3], $0x100, $0x38;
	[tilespmem:$0x16680] =	vst v63  }
0x6f: {  	s0 =	sadd.s32 $0x40, s0;
	s4 =	sadd.s32 $0xC80, s14;
	s14 =	sadd.s32 $0x1900, s14  }
0x70: {  	[tilespmem:s18], [sflag:$0x1] =	stream.linear.gather [hbm4b:s4+s3], $0x6400, $0x38;
	[tilespmem:$0x16680] =	vst v63  }
.LBB2_5:
0x71: {  	_ =	sfence.sel $0x180000  }
0x72: {  	[bflag:$0x0] =	sbarrier.arrive $0xFFFF  }
0x73: {  	_ =	strace $0x90000050  }
0x74: {  	s0 =	stileid.u32;
	[bflag:$0x2] =	sbarrier.arrive $0xFFFF  }
0x75: {  	p0 =	sne.s32 s0, $0x0;
	s0 =	rddreg [dreg:$0x2]  }
0x76: {  	s0 =	sadd.s32 @!p0 $0x100000, s0  }
0x77: {  	[sflag:s0] =	ssyncadd.tile.s32 @!p0 $0x1;
	_ =	shalt  }
.Lfunc_end2:
_tile_overlayer_lowered:
.L_overlay_start_2:
0x78: {  	(tag) =	ssettag $0x2  }
0x79: {  	s0 =	rddreg [dreg:$0x0];
	s2 =	stileid.u32  }
0x7a: {  	s1 =	rddreg [dreg:$0x1];
	p0 =	sne.s32 s2, $0x0  }
0x7b: {  	s3 =	rddreg [dreg:$0x2];
	[bflag:$0x3] =	sbarrier.arrive $0xFFFF;
	s2 =	simm.s32 @!p0 $0x1C05  }
0x7c: {  	[timem:s3], [sflag:s2] =	dma.local @!p0 [hbm:s0], s1  }
0x7d: {  	s0 =	simm.s32 @!p0 $0x5  }
0x7e: {  	_ =	swait.ge @!p0 [sflag:s0], s1  }
0x7f: {  	s1 =	ssub.s32 @!p0 $0x0, s1;
	[sflag:s0] =	ssyncset.done @!p0 $0x0  }
0x80: {  	[sflag:s0] =	ssyncadd.s32 @!p0 s1  }
0x81: {  	[bflag:$0x3] =	sbarrier.arrive $0xFFFF  }
0x82: {  	_ =	shalt  }

// kernel: kernel.27.cloned.1.call-start
scs
__scs_entry_jumppad:
0x0: {  	(pc) =	sbr.rel $0x88, $3  }
0x1: {  	(tag) =	ssettag $0x0;
	lr =	simm.s32 $0x1  }
0x2: {  	[smem:$0x3F94] =	sst lr;
	_ =	strace $0xD0000000  }
0x3: {  	_ = 	snop  }
0x4: {  	_ = 	snop  }
0x5: {  	_ = 	snop  }
0x6: {  	_ = 	snop  }
0x7: {  	_ = 	snop  }
__scs_overlays_trampoline_lowered:
0x8: {  	[smem:$0x3FA3] =	sst s0  }
0x9: {  	[smem:$0x3FA4] =	sst s1  }
0xa: {  	[smem:$0x3FA5] =	sst s2  }
0xb: {  	[smem:$0x3FA6] =	sst s3  }
0xc: {  	[smem:$0x3FA7] =	sst s4  }
0xd: {  	[smem:$0x3FA8] =	sst s5  }
0xe: {  	[smem:$0x3FA9] =	sst s6  }
0xf: {  	[smem:$0x3FAA] =	sst s7  }
0x10: {  	[smem:$0x3FAB] =	sst s8  }
0x11: {  	[smem:$0x3FAC] =	sst s9;
	s0 =	simm.s32 @!p0 $0x0  }
0x12: {  	s1 =	sld [smem:$0x3F92];
	s0 =	simm.s32 @p0 $0x1  }
0x13: {  	[smem:$0x3FAD] =	sst s0;
	s0 =	simm.s32 @!p1 $0x0  }
0x14: {  	s2 =	sld [smem:$0x3F91];
	s0 =	simm.s32 @p1 $0x1  }
0x15: {  	[smem:$0x3FAE] =	sst s0;
	s0 =	simm.s32 @!p2 $0x0  }
0x16: {  	s3 =	sld [smem:$0x3FDB];
	s0 =	simm.s32 @p2 $0x1  }
0x17: {  	s4 =	simm.s32 $0x1BF5;
	[smem:$0x3FB0] =	sst s0  }
0x18: {  	s0 =	sld [smem:$0x3F93];
	_ =	swait.ge [sflag:s4], $0x0  }
0x19: {  	s7 =	sld [smem:$0x3F94]  }
0x1a: {  	s8 =	sadd.s32 $0xFFFFE003, lr  }
0x1b: {  	s9 =	sadd.s32 $0xFFFFFEF7, lr;
	s5 =	simm.s32 $0xFFFFFFFF;
	p2 =	slt.u32 s8, $0xFFFFF086  }
0x1c: {  	p1 =	slt.u32 s9, $0xF7A;
	s5 =	simm.s32 @!p2 $0x0  }
0x1d: {  	s5 =	simm.s32 @p1 $0x1;
	p0 =	seq.s32 s7, s2  }
0x1e: {  	s7 =	smul.u32 @!p0 $0xF7A, s2;
	p2 =	seq.s32 @!p0 s5, $0x0  }
0x1f: {  	s9 =	smul.u32 $0xF7A, s1;
	s8 =	simm.s32 @!p0 $0x1BF5;
	p2 =	por !p2, p0  }
0x20: {  	[sflag:s8] =	ssyncset.s32 @!p0 $0xFFFFF086;
	s6 =	sadd.s32 @!p0 s3, s7;
	s7 =	simm.s32 @!p0 $0x108  }
0x21: {  	s3 =	sadd.s32 s3, s9;
	s6 =	sadd.s32 @!p0 $0x88, s6;
	s7 =	simm.s32 @p2 $0x1082  }
0x22: {  	[simem:s7], [sflag:s8] =	dma.local @!p0 [hbm:s6], $0xF7A  }
0x23: {  	s9 =	sor.u32 $0xD0000000, s2;
	s6 =	simm.s32 $0x108;
	_ =	swait.ge @!p0 [sflag:s8], $0x0  }
0x24: {  	s3 =	sadd.s32 $0x88, s3;
	s6 =	simm.s32 @!p1 $0x1082;
	[sflag:s4] =	ssyncset.s32 $0xFFFFF086  }
0x25: {  	[simem:s6], [sflag:s4] =	dma.local [hbm:s3], $0xF7A  }
0x26: {  	[smem:$0x3F94] =	sst s1;
	(tag) =	ssettag s2;
	_ =	strace s9  }
0x27: {  	s1 =	sld [smem:$0x3FA4]  }
0x28: {  	s2 =	sld [smem:$0x3FA5]  }
0x29: {  	s4 =	sld [smem:$0x3FA7]  }
0x2a: {  	p0 =	seq.s32 s5, $0x0;
	s5 =	sld [smem:$0x3FA8]  }
0x2b: {  	s6 =	sld [smem:$0x3FA9]  }
0x2c: {  	s7 =	sld [smem:$0x3FAA]  }
0x2d: {  	s3 =	simm.s32 $0x108;
	s8 =	sld [smem:$0x3FAB]  }
0x2e: {  	s3 =	simm.s32 @!p0 $0x1082;
	s9 =	sld [smem:$0x3FAC]  }
0x2f: {  	lr =	sadd.s32 s0, s3;
	s0 =	sld [smem:$0x3FA3]  }
0x30: {  	s3 =	sld [smem:$0x3FA6]  }
0x31: {  	[smem:$0x3FAF] =	sst s10  }
0x32: {  	s10 =	sld [smem:$0x3FAD];
	_ =	sdelay $0x3  }
0x33: {  	p0 =	seq.s32 s10, $0x1;
	s10 =	sld [smem:$0x3FAF];
	_ =	sdelay $0x3  }
0x34: {  	[smem:$0x3FAF] =	sst s10  }
0x35: {  	s10 =	sld [smem:$0x3FAE];
	_ =	sdelay $0x3  }
0x36: {  	p1 =	seq.s32 s10, $0x1;
	s10 =	sld [smem:$0x3FAF];
	_ =	sdelay $0x3  }
0x37: {  	[smem:$0x3FAF] =	sst s10  }
0x38: {  	s10 =	sld [smem:$0x3FB0]  }
0x39: {  	_ = 	snop;
	(pc) =	sbr.ind lr, $3  }
0x3a: {  	_ = 	snop  }
0x3b: {  	_ = 	snop  }
0x3c: {  	p2 =	seq.s32 s10, $0x1;
	s10 =	sld [smem:$0x3FAF]  }
0x3d: {  	_ =	shalt  }
0x3e: {  	_ =	shalt  }
0x3f: {  	_ =	shalt  }
0x40: {  	_ =	shalt  }
0x41: {  	_ =	shalt  }
0x42: {  	_ =	shalt  }
0x43: {  	_ =	shalt  }
0x44: {  	_ =	shalt  }
0x45: {  	_ =	shalt  }
0x46: {  	_ =	shalt  }
0x47: {  	_ =	shalt  }
0x48: {  	_ =	shalt  }
0x49: {  	_ =	shalt  }
0x4a: {  	_ =	shalt  }
0x4b: {  	_ =	shalt  }
0x4c: {  	_ =	shalt  }
0x4d: {  	_ =	shalt  }
0x4e: {  	_ =	shalt  }
0x4f: {  	_ =	shalt  }
0x50: {  	_ =	shalt  }
0x51: {  	_ =	shalt  }
0x52: {  	_ =	shalt  }
0x53: {  	_ =	shalt  }
0x54: {  	_ =	shalt  }
0x55: {  	_ =	shalt  }
0x56: {  	_ =	shalt  }
0x57: {  	_ =	shalt  }
0x58: {  	_ =	shalt  }
0x59: {  	_ =	shalt  }
0x5a: {  	_ =	shalt  }
0x5b: {  	_ =	shalt  }
0x5c: {  	_ =	shalt  }
0x5d: {  	_ =	shalt  }
0x5e: {  	_ =	shalt  }
0x5f: {  	_ =	shalt  }
0x60: {  	_ =	shalt  }
0x61: {  	_ =	shalt  }
0x62: {  	_ =	shalt  }
0x63: {  	_ =	shalt  }
0x64: {  	_ =	shalt  }
0x65: {  	_ =	shalt  }
0x66: {  	_ =	shalt  }
0x67: {  	_ =	shalt  }
0x68: {  	_ =	shalt  }
0x69: {  	_ =	shalt  }
0x6a: {  	_ =	shalt  }
0x6b: {  	_ =	shalt  }
0x6c: {  	_ =	shalt  }
0x6d: {  	_ =	shalt  }
0x6e: {  	_ =	shalt  }
0x6f: {  	_ =	shalt  }
0x70: {  	_ =	shalt  }
0x71: {  	_ =	shalt  }
0x72: {  	_ =	shalt  }
0x73: {  	_ =	shalt  }
0x74: {  	_ =	shalt  }
0x75: {  	_ =	shalt  }
0x76: {  	_ =	shalt  }
0x77: {  	_ =	shalt  }
0x78: {  	_ =	shalt  }
0x79: {  	_ =	shalt  }
0x7a: {  	_ =	shalt  }
0x7b: {  	_ =	shalt  }
0x7c: {  	_ =	shalt  }
0x7d: {  	_ =	shalt  }
0x7e: {  	_ =	shalt  }
0x7f: {  	_ =	shalt  }
0x80: {  	_ =	shalt  }
0x81: {  	_ =	shalt  }
0x82: {  	_ =	shalt  }
0x83: {  	_ =	shalt  }
0x84: {  	_ =	shalt  }
0x85: {  	_ =	shalt  }
0x86: {  	_ =	shalt  }
0x87: {  	_ =	shalt  }
.Lfunc_end0:
.L_simem_size_0:
called_computation.4_lowered:
.L_overlay_start_0:
0x88: {  	s2 =	sld [smem:$0x3FD9]  }
0x89: {  	s3 =	sld [smem:$0x3FFE];
	_ =	sdelay $0x1  }
0x8a: {  	s1 =	srdreg.scid  }
0x8b: {  	s0 =	sand.u32 $0x1, s1  }
0x8c: {  	s16 =	sshll.u32 s0, $0xA;
	s2 =	sadd.s32 s3, s2  }
0x8d: {  	s2 =	sadd.s32 s2, s16  }
0x8e: {  	[smem:$0x3FBB] =	sst s2  }
0x8f: {  	_ = 	snop  }
0x90: {  	(tm) =	ssettm $0x1  }
0x91: {  	s17 =	sld [smem:$0x3FFB];
	_ =	sdelay $0x3  }
0x92: {  	_ =	strace s17  }
0x93: {  	s2 =	sld [smem:$0x3FFC];
	_ =	sdelay $0x3  }
0x94: {  	_ =	strace s2  }
0x95: {  	s2 =	sld [smem:$0x3FFD];
	_ =	sdelay $0x3  }
0x96: {  	_ =	strace s2  }
0x97: {  	_ =	strace $0x8FFFFFFF  }
0x98: {  	s18 =	sld [smem:$0x3FDB];
	_ =	sdelay $0x1  }
0x99: {  	s19 =	simm.s32 $_scs_section_size  }
0x9a: {  	s4 =	simm.s32 $_size__tile_overlayer_lowered;
	s5 =	simm.s32 $_tile_overlayer_lowered  }
0x9b: {  	s22 =	simm.s32 $0x1BFF;
	s21 =	sshll.u32 s5, $0x1;
	s2 =	sadd.s32 s19, s18  }
0x9c: {  	s6 =	simm.s32 $0x0;
	s20 =	sshll.u32 s4, $0x1;
	s4 =	sadd.s32 s21, s2  }
0x9d: {  	[timem:s6], [sflag:s22] =	dma.local [hbm:s4], s20  }
0x9e: {  	_ =	swait.ge [sflag:s22], s20  }
0x9f: {  	s3 =	ssub.s32 $0x0, s20;
	[sflag:s22] =	ssyncset.done $0x0  }
0xa0: {  	[sflag:s22] =	ssyncadd.s32 s3;
	_ =	sdelay $0x1  }
0xa1: {  	s23 =	simm.s32 $0x1B8B  }
0xa2: {  	_ =	swait.ge [sflag:s23], $0x1  }
0xa3: {  	[sflag:s23] =	ssyncset.done $0x0  }
0xa4: {  	s25 =	simm.s32 $0x1B8E;
	s24 =	sld [smem:$0x3FFE];
	[sflag:s23] =	ssyncadd.s32 $0xFFFFFFFF  }
0xa5: {  	s26 =	simm.s32 $execute0_lowered;
	[smem:$0x3FD2] =	sst s25  }
0xa6: {  	s4 =	sshll.u32 s26, $0x1;
	_ =	strace $0x80000052;
	[dreg:$0x1] =	wrdreg $0xFFFFFFFF  }
0xa7: {  	s28 =	simm.s32 $_size_execute0_lowered;
	s2 =	sadd.s32 s2, s4;
	[dreg:$0x0] =	wrdreg $0x0  }
0xa8: {  	s4 =	sshll.u32 s28, $0x1;
	[dreg:$0x2] =	wrdreg s2  }
0xa9: {  	[dreg:$0x3] =	wrdreg s4  }
0xaa: {  	[dreg:$0x4] =	wrdreg $0xC0  }
0xab: {  	_ =	task [dreg:s6], $0x5FFFF  }
0xac: {  	[dreg:$0x1] =	wrdreg $0xFFFFFFFF  }
0xad: {  	[dreg:$0x0] =	wrdreg $0x60  }
0xae: {  	[dreg:$0x2] =	wrdreg s24  }
0xaf: {  	[dreg:$0x3] =	wrdreg $0x9  }
0xb0: {  	_ =	task.clear_ibuf [dreg:s6], $0x4FFFF;
	_ =	strace $0x90000052  }
0xb1: {  	s29 =	simm.s32 $0x9;
	_ =	strace $0x80000054  }
0xb2: {  	_ =	swait.ge [sflag:s29], $0x1  }
0xb3: {  	[sflag:s29] =	ssyncadd.s32 $0xFFFFFFFF  }
0xb4: {  	_ =	strace $0x90000054  }
0xb5: {  	_ =	sfence  }
0xb6: {  	s30 =	sld [smem:$0x0];
	_ =	sdelay $0x2  }
0xb7: {  	s31 =	sshll.u32 s1, $0xD;
	s1 =	sshrl.u32 s1, $0x2  }
0xb8: {  	s3 =	sand.u32 $0x4000, s31;
	s1 =	sadd.s32 s1, s30  }
0xb9: {  	s0 =	sor.u32 s3, s0;
	s1 =	sshll.u32 s1, $0x11  }
0xba: {  	s0 =	sor.u32 s1, s0  }
0xbb: {  	s0 =	sadd.s32 $0x8F2B, s0  }
0xbc: {  	[sflag:s0] =	ssyncadd.remote.s32 $0x1  }
0xbd: {  	_ =	sfence.sel $0xFFFF  }
0xbe: {  	[dreg:$0x0] =	wrdreg $0xFFFFFFFF;
	(pc) =	sbr.abs _section_cstart, $3  }
0xbf: {  	[dreg:$0x1] =	wrdreg $0xFFFFFFFF  }
0xc0: {  	_ =	task.clear_ibuf [dreg:s6], $0x2FFFF;
	_ =	strace $0x9FFFFFFF  }
0xc1: {  	(tm) =	ssettm $0x7FFFFFFF  }
tec
execute0_lowered:
.L_overlay_start_1:
0x0: {  	(tag) =	ssettag $0x1  }
0x1: {  	s4 =	rddreg [dreg:$0x0]  }
0x2: {  	s0 =	rddreg [dreg:$0x1];
	s3 =	srdreg.scid  }
0x3: {  	s1 =	stileid.u32;
	s2 =	simm.s32 $0x0;
	s16 =	simm.s32 $0x80  }
0x4: {  	s17 =	simm.s32 $0x3400;
	s18 =	simm.s32 $0x100;
	s19 =	simm.s32 $0x2  }
0x5: {  	s20 =	simm.s32 $0x6600;
	s21 =	simm.s32 $0x180;
	s22 =	simm.s32 $0x9800  }
0x6: {  	s23 =	simm.s32 $0x3;
	s28 =	simm.s32 $0x0;
	s14 =	smul.u32 $0x6400, s1  }
0x7: {  	s10 =	sand.u32 $0x1, s3;
	s24 =	sshll.u32 s1, $0x1;
	s15 =	smul.u32 $0x4E200, s1  }
0x8: {  	[smem:$0x7FF] =	sst s2;
	s3 =	sadd.s32 $0x24A00, s4;
	s30 =	smul.u32 $0x3200, s10  }
0x9: {  	s5 =	sor.u32 s10, s24;
	s7 =	ssub.s32 $0x2, s10;
	s10 =	smul.u32 $0x27100, s10  }
0xa: {  	s12 =	sadd.s32 $0x18200, s4;
	s11 =	sadd.s32 $0x4BC00, s4;
	s6 =	smul.u32 $0x3200, s5  }
0xb: {  	_ =	strace $0x80000053;
	s8 =	smul.u32 $0x138800, s5;
	s25 =	sshrl.u32 s7, $0x1  }
0xc: {  	s24 =	simm.s32 $0x5;
	s9 =	smul.u32 $0x27100, s5;
	s7 =	ssub.s32 s7, s25  }
0xd: {  	s25 =	simm.s32 $0x4;
	s26 =	sshrl.u32 s6, $0x3;
	s8 =	sshrl.u32 s8, $0x3  }
0xe: {  	s13 =	sor.u32 $0x100, s6;
	s6 =	smax.u32 s7, $0x1;
	s4 =	sadd.s32 s12, s26  }
0xf: {  	s8 =	sadd.s32 s11, s8;
	s29 =	sshrl.u32 s13, $0x3;
	s13 =	sadd.s32 s30, s14  }
0x10: {  	s26 =	simm.s32 $0x6;
	s5 =	sadd.s32 $0x26480, s8;
	s7 =	sadd.s32 s12, s29  }
.Ltmp0:
0x11: {  	s8 =	sadd.s32 s11, s9;
	s9 =	sadd.s32 $0x40, s4;
	(pc) =	sbr.rel .LBB2_1-.Ltmp0, $4  }
0x12: {  	s11 =	sadd.s32 s15, s11;
	s14 =	sadd.s32 $0x400, s13;
	s13 =	sadd.s32 $0x300, s13  }
0x13: {  	s15 =	simm.s32 $0x200;
	s10 =	sadd.s32 s10, s11;
	s31 =	sshrl.u32 s14, $0x3  }
0x14: {  	s13 =	sshrl.u32 s13, $0x3;
	s14 =	simm.s32 $0x64;
	s10 =	sadd.s32 $0x1900, s10  }
0x15: {  	s11 =	sadd.s32 s31, s12;
	s12 =	sadd.s32 s13, s12;
	s13 =	simm.s32 $0x1  }
.LBB2_4:
0x16: {  	_ =	swait.ge [sflag:s25], $0x3200  }
0x17: {  	[sflag:s25] =	ssyncset.done $0x0  }
0x18: {  	[sflag:s25] =	ssyncadd.s32 $0xFFFFCE00  }
0x19: {  	_ =	swait.ge [sflag:s25], $0x3200  }
0x1a: {  	[sflag:s25] =	ssyncset.done $0x0  }
0x1b: {  	s28 =	sadd.s32 $0x1, s28;
	[sflag:s25] =	ssyncadd.s32 $0xFFFFCE00  }
0x1c: {  	[hbm4b:s5+s2] =	stream.linear.scatter [tilespmem:s20], [sflag:$0x6], $0x6400, $0x38;
	[tilespmem:$0xCA00] =	vst v63  }
0x1d: {  	p0 =	sne.s32 s28, s6;
	_ =	swait.ge [sflag:s24], $0x6400  }
.Ltmp1:
0x1e: {  	[sflag:s24] =	ssyncset.done $0x0;
	(pc) =	sbr.rel @!p0 .LBB2_5-.Ltmp1, $4  }
0x1f: {  	[sflag:s24] =	ssyncadd.s32 $0xFFFF9C00  }
0x20: {  	_ =	swait.ge [sflag:s26], $0x6400  }
0x21: {  	[sflag:s26] =	ssyncset.done $0x0  }
0x22: {  	[sflag:s26] =	ssyncadd.s32 $0xFFFF9C00  }
.LBB2_1:
0x23: {  	[tilespmem:s2], [sflag:$0x1] =	stream.linear.gather [hbm4b:s4+s2], $0x100, $0x38;
	[tilespmem:$0xCA00] =	vst v63  }
0x24: {  	_ =	swait.ge [sflag:s13], $0x100  }
0x25: {  	[sflag:s13] =	ssyncset.done $0x0  }
0x26: {  	[sflag:s13] =	ssyncadd.s32 $0xFFFFFF00  }
0x27: {  	[tilespmem:s15], [sflag:$0x3] =	stream.indirect.gather [hbm4b:s3+s14], $0x80, s2, s14, $0xb8;
	[tilespmem:$0xCA00] =	vst v63  }
0x28: {  	_ = 	snop  }
0x29: {  	[tilespmem:s17], [sflag:$0x3] =	stream.indirect.gather [hbm4b:s3+s14], $0x80, s16, s14, $0xb8;
	[tilespmem:$0xCA00] =	vst v63  }
0x2a: {  	_ = 	snop  }
0x2b: {  	[tilespmem:s18], [sflag:$0x2] =	stream.linear.gather [hbm4b:s7+s2], $0x100, $0x38;
	[tilespmem:$0xCA00] =	vst v63  }
0x2c: {  	_ =	swait.ge [sflag:s19], $0x100  }
0x2d: {  	[sflag:s19] =	ssyncset.done $0x0  }
0x2e: {  	[sflag:s19] =	ssyncadd.s32 $0xFFFFFF00  }
0x2f: {  	[tilespmem:s20], [sflag:$0x4] =	stream.indirect.gather [hbm4b:s3+s14], $0x80, s18, s14, $0xb8;
	[tilespmem:$0xCA00] =	vst v63  }
0x30: {  	_ = 	snop  }
0x31: {  	[tilespmem:s22], [sflag:$0x4] =	stream.indirect.gather [hbm4b:s3+s14], $0x80, s21, s14, $0xb8;
	[tilespmem:$0xCA00] =	vst v63  }
0x32: {  	_ =	swait.ge [sflag:s23], $0x3200  }
0x33: {  	[sflag:s23] =	ssyncset.done $0x0  }
0x34: {  	[sflag:s23] =	ssyncadd.s32 $0xFFFFCE00  }
0x35: {  	_ =	swait.ge [sflag:s23], $0x3200  }
0x36: {  	[sflag:s23] =	ssyncset.done $0x0  }
0x37: {  	[sflag:s23] =	ssyncadd.s32 $0xFFFFCE00  }
0x38: {  	[hbm4b:s8+s2] =	stream.linear.scatter [tilespmem:s15], [sflag:$0x5], $0x6400, $0x38;
	[tilespmem:$0xCA00] =	vst v63  }
0x39: {  	s29 =	simm.s32 $0x0;
	s30 =	smov.u32 s10  }
0x3a: {  	[tilespmem:s2], [sflag:$0x1] =	stream.linear.gather [hbm4b:s9+s2], $0x100, $0x38;
	[tilespmem:$0xCA00] =	vst v63  }
.LBB2_2:
0x3b: {  	_ =	swait.ge [sflag:s24], $0x6400  }
0x3c: {  	[sflag:s24] =	ssyncset.done $0x0  }
0x3d: {  	[sflag:s24] =	ssyncadd.s32 $0xFFFF9C00  }
0x3e: {  	_ =	swait.ge [sflag:s13], $0x100  }
0x3f: {  	[sflag:s13] =	ssyncset.done $0x0  }
0x40: {  	[sflag:s13] =	ssyncadd.s32 $0xFFFFFF00  }
0x41: {  	[tilespmem:s15], [sflag:$0x3] =	stream.indirect.gather [hbm4b:s3+s14], $0x80, s2, s14, $0xb8;
	[tilespmem:$0xCA00] =	vst v63  }
0x42: {  	_ = 	snop  }
0x43: {  	[tilespmem:s17], [sflag:$0x3] =	stream.indirect.gather [hbm4b:s3+s14], $0x80, s16, s14, $0xb8;
	[tilespmem:$0xCA00] =	vst v63  }
0x44: {  	_ =	swait.ge [sflag:s25], $0x3200  }
0x45: {  	[sflag:s25] =	ssyncset.done $0x0  }
0x46: {  	[sflag:s25] =	ssyncadd.s32 $0xFFFFCE00  }
0x47: {  	_ =	swait.ge [sflag:s25], $0x3200  }
0x48: {  	[sflag:s25] =	ssyncset.done $0x0  }
0x49: {  	s31 =	sadd.s32 $0xFFFFF380, s30;
	[sflag:s25] =	ssyncadd.s32 $0xFFFFCE00  }
0x4a: {  	[hbm4b:s31+s2] =	stream.linear.scatter [tilespmem:s20], [sflag:$0x6], $0x6400, $0x38;
	[tilespmem:$0xCA00] =	vst v63  }
0x4b: {  	s31 =	sadd.s32 s29, s12  }
0x4c: {  	[tilespmem:s18], [sflag:$0x2] =	stream.linear.gather [hbm4b:s31+s2], $0x100, $0x38;
	[tilespmem:$0xCA00] =	vst v63  }
0x4d: {  	_ =	swait.ge [sflag:s26], $0x6400  }
0x4e: {  	[sflag:s26] =	ssyncset.done $0x0  }
0x4f: {  	[sflag:s26] =	ssyncadd.s32 $0xFFFF9C00  }
0x50: {  	_ =	swait.ge [sflag:s19], $0x100  }
0x51: {  	[sflag:s19] =	ssyncset.done $0x0  }
0x52: {  	[sflag:s19] =	ssyncadd.s32 $0xFFFFFF00  }
0x53: {  	[tilespmem:s20], [sflag:$0x4] =	stream.indirect.gather [hbm4b:s3+s14], $0x80, s18, s14, $0xb8;
	[tilespmem:$0xCA00] =	vst v63  }
0x54: {  	_ = 	snop  }
0x55: {  	[tilespmem:s22], [sflag:$0x4] =	stream.indirect.gather [hbm4b:s3+s14], $0x80, s21, s14, $0xb8;
	[tilespmem:$0xCA00] =	vst v63  }
0x56: {  	_ =	swait.ge [sflag:s23], $0x3200  }
0x57: {  	p0 =	seq.s32 s29, $0x5C0;
	[sflag:s23] =	ssyncset.done $0x0  }
.Ltmp2:
0x58: {  	[sflag:s23] =	ssyncadd.s32 $0xFFFFCE00;
	(pc) =	sbr.rel @p0 .LBB2_4-.Ltmp2, $4  }
0x59: {  	_ =	swait.ge [sflag:s23], $0x3200  }
0x5a: {  	[sflag:s23] =	ssyncset.done $0x0  }
0x5b: {  	[sflag:s23] =	ssyncadd.s32 $0xFFFFCE00  }
0x5c: {  	[hbm4b:s30+s2] =	stream.linear.scatter [tilespmem:s15], [sflag:$0x5], $0x6400, $0x38;
	[tilespmem:$0xCA00] =	vst v63  }
.Ltmp3:
0x5d: {  	(pc) =	sbr.rel .LBB2_2-.Ltmp3, $3  }
0x5e: {  	_ =	sdelay $0x1  }
0x5f: {  	s31 =	sadd.s32 s29, s11;
	s30 =	sadd.s32 $0x1900, s30;
	s29 =	sadd.s32 $0x40, s29  }
0x60: {  	[tilespmem:s2], [sflag:$0x1] =	stream.linear.gather [hbm4b:s31+s2], $0x100, $0x38;
	[tilespmem:$0xCA00] =	vst v63  }
.LBB2_5:
0x61: {  	_ =	sfence.sel $0x180000  }
0x62: {  	[bflag:$0x0] =	sbarrier.arrive $0xFFFF  }
0x63: {  	p0 =	sne.s32 s1, $0x0;
	_ =	strace $0x90000053  }
0x64: {  	s0 =	sadd.s32 @!p0 $0x100000, s0;
	[bflag:$0x2] =	sbarrier.arrive $0xFFFF  }
0x65: {  	[sflag:s0] =	ssyncadd.tile.s32 @!p0 $0x1;
	_ =	shalt  }
.Lfunc_end2:
_tile_overlayer_lowered:
.L_overlay_start_2:
0x66: {  	(tag) =	ssettag $0x2  }
0x67: {  	s0 =	rddreg [dreg:$0x0];
	s2 =	stileid.u32  }
0x68: {  	s1 =	rddreg [dreg:$0x1];
	p0 =	sne.s32 s2, $0x0  }
0x69: {  	s3 =	rddreg [dreg:$0x2];
	[bflag:$0x3] =	sbarrier.arrive $0xFFFF;
	s2 =	simm.s32 @!p0 $0x1C07  }
0x6a: {  	[timem:s3], [sflag:s2] =	dma.local @!p0 [hbm:s0], s1  }
0x6b: {  	s0 =	simm.s32 @!p0 $0x7  }
0x6c: {  	_ =	swait.ge @!p0 [sflag:s0], s1  }
0x6d: {  	s1 =	ssub.s32 @!p0 $0x0, s1;
	[sflag:s0] =	ssyncset.done @!p0 $0x0  }
0x6e: {  	[sflag:s0] =	ssyncadd.s32 @!p0 s1  }
0x6f: {  	[bflag:$0x3] =	sbarrier.arrive $0xFFFF  }
0x70: {  	_ =	shalt  }

// kernel: kernel.30.cloned.1.call-start
scs
__scs_entry_jumppad:
0x0: {  	(pc) =	sbr.rel $0x88, $3  }
0x1: {  	(tag) =	ssettag $0x0;
	lr =	simm.s32 $0x1  }
0x2: {  	[smem:$0x3F94] =	sst lr;
	_ =	strace $0xD0000000  }
0x3: {  	_ = 	snop  }
0x4: {  	_ = 	snop  }
0x5: {  	_ = 	snop  }
0x6: {  	_ = 	snop  }
0x7: {  	_ = 	snop  }
__scs_overlays_trampoline_lowered:
0x8: {  	[smem:$0x3FA3] =	sst s0  }
0x9: {  	[smem:$0x3FA4] =	sst s1  }
0xa: {  	[smem:$0x3FA5] =	sst s2  }
0xb: {  	[smem:$0x3FA6] =	sst s3  }
0xc: {  	[smem:$0x3FA7] =	sst s4  }
0xd: {  	[smem:$0x3FA8] =	sst s5  }
0xe: {  	[smem:$0x3FA9] =	sst s6  }
0xf: {  	[smem:$0x3FAA] =	sst s7  }
0x10: {  	[smem:$0x3FAB] =	sst s8  }
0x11: {  	[smem:$0x3FAC] =	sst s9;
	s0 =	simm.s32 @!p0 $0x0  }
0x12: {  	s1 =	sld [smem:$0x3F92];
	s0 =	simm.s32 @p0 $0x1  }
0x13: {  	[smem:$0x3FAD] =	sst s0;
	s0 =	simm.s32 @!p1 $0x0  }
0x14: {  	s2 =	sld [smem:$0x3F91];
	s0 =	simm.s32 @p1 $0x1  }
0x15: {  	[smem:$0x3FAE] =	sst s0;
	s0 =	simm.s32 @!p2 $0x0  }
0x16: {  	s3 =	sld [smem:$0x3FDB];
	s0 =	simm.s32 @p2 $0x1  }
0x17: {  	s4 =	simm.s32 $0x1BF5;
	[smem:$0x3FB0] =	sst s0  }
0x18: {  	s0 =	sld [smem:$0x3F93];
	_ =	swait.ge [sflag:s4], $0x0  }
0x19: {  	s7 =	sld [smem:$0x3F94]  }
0x1a: {  	s8 =	sadd.s32 $0xFFFFE003, lr  }
0x1b: {  	s9 =	sadd.s32 $0xFFFFFEF7, lr;
	s5 =	simm.s32 $0xFFFFFFFF;
	p2 =	slt.u32 s8, $0xFFFFF086  }
0x1c: {  	p1 =	slt.u32 s9, $0xF7A;
	s5 =	simm.s32 @!p2 $0x0  }
0x1d: {  	s5 =	simm.s32 @p1 $0x1;
	p0 =	seq.s32 s7, s2  }
0x1e: {  	s7 =	smul.u32 @!p0 $0xF7A, s2;
	p2 =	seq.s32 @!p0 s5, $0x0  }
0x1f: {  	s9 =	smul.u32 $0xF7A, s1;
	s8 =	simm.s32 @!p0 $0x1BF5;
	p2 =	por !p2, p0  }
0x20: {  	[sflag:s8] =	ssyncset.s32 @!p0 $0xFFFFF086;
	s6 =	sadd.s32 @!p0 s3, s7;
	s7 =	simm.s32 @!p0 $0x108  }
0x21: {  	s3 =	sadd.s32 s3, s9;
	s6 =	sadd.s32 @!p0 $0x88, s6;
	s7 =	simm.s32 @p2 $0x1082  }
0x22: {  	[simem:s7], [sflag:s8] =	dma.local @!p0 [hbm:s6], $0xF7A  }
0x23: {  	s9 =	sor.u32 $0xD0000000, s2;
	s6 =	simm.s32 $0x108;
	_ =	swait.ge @!p0 [sflag:s8], $0x0  }
0x24: {  	s3 =	sadd.s32 $0x88, s3;
	s6 =	simm.s32 @!p1 $0x1082;
	[sflag:s4] =	ssyncset.s32 $0xFFFFF086  }
0x25: {  	[simem:s6], [sflag:s4] =	dma.local [hbm:s3], $0xF7A  }
0x26: {  	[smem:$0x3F94] =	sst s1;
	(tag) =	ssettag s2;
	_ =	strace s9  }
0x27: {  	s1 =	sld [smem:$0x3FA4]  }
0x28: {  	s2 =	sld [smem:$0x3FA5]  }
0x29: {  	s4 =	sld [smem:$0x3FA7]  }
0x2a: {  	p0 =	seq.s32 s5, $0x0;
	s5 =	sld [smem:$0x3FA8]  }
0x2b: {  	s6 =	sld [smem:$0x3FA9]  }
0x2c: {  	s7 =	sld [smem:$0x3FAA]  }
0x2d: {  	s3 =	simm.s32 $0x108;
	s8 =	sld [smem:$0x3FAB]  }
0x2e: {  	s3 =	simm.s32 @!p0 $0x1082;
	s9 =	sld [smem:$0x3FAC]  }
0x2f: {  	lr =	sadd.s32 s0, s3;
	s0 =	sld [smem:$0x3FA3]  }
0x30: {  	s3 =	sld [smem:$0x3FA6]  }
0x31: {  	[smem:$0x3FAF] =	sst s10  }
0x32: {  	s10 =	sld [smem:$0x3FAD];
	_ =	sdelay $0x3  }
0x33: {  	p0 =	seq.s32 s10, $0x1;
	s10 =	sld [smem:$0x3FAF];
	_ =	sdelay $0x3  }
0x34: {  	[smem:$0x3FAF] =	sst s10  }
0x35: {  	s10 =	sld [smem:$0x3FAE];
	_ =	sdelay $0x3  }
0x36: {  	p1 =	seq.s32 s10, $0x1;
	s10 =	sld [smem:$0x3FAF];
	_ =	sdelay $0x3  }
0x37: {  	[smem:$0x3FAF] =	sst s10  }
0x38: {  	s10 =	sld [smem:$0x3FB0]  }
0x39: {  	_ = 	snop;
	(pc) =	sbr.ind lr, $3  }
0x3a: {  	_ = 	snop  }
0x3b: {  	_ = 	snop  }
0x3c: {  	p2 =	seq.s32 s10, $0x1;
	s10 =	sld [smem:$0x3FAF]  }
0x3d: {  	_ =	shalt  }
0x3e: {  	_ =	shalt  }
0x3f: {  	_ =	shalt  }
0x40: {  	_ =	shalt  }
0x41: {  	_ =	shalt  }
0x42: {  	_ =	shalt  }
0x43: {  	_ =	shalt  }
0x44: {  	_ =	shalt  }
0x45: {  	_ =	shalt  }
0x46: {  	_ =	shalt  }
0x47: {  	_ =	shalt  }
0x48: {  	_ =	shalt  }
0x49: {  	_ =	shalt  }
0x4a: {  	_ =	shalt  }
0x4b: {  	_ =	shalt  }
0x4c: {  	_ =	shalt  }
0x4d: {  	_ =	shalt  }
0x4e: {  	_ =	shalt  }
0x4f: {  	_ =	shalt  }
0x50: {  	_ =	shalt  }
0x51: {  	_ =	shalt  }
0x52: {  	_ =	shalt  }
0x53: {  	_ =	shalt  }
0x54: {  	_ =	shalt  }
0x55: {  	_ =	shalt  }
0x56: {  	_ =	shalt  }
0x57: {  	_ =	shalt  }
0x58: {  	_ =	shalt  }
0x59: {  	_ =	shalt  }
0x5a: {  	_ =	shalt  }
0x5b: {  	_ =	shalt  }
0x5c: {  	_ =	shalt  }
0x5d: {  	_ =	shalt  }
0x5e: {  	_ =	shalt  }
0x5f: {  	_ =	shalt  }
0x60: {  	_ =	shalt  }
0x61: {  	_ =	shalt  }
0x62: {  	_ =	shalt  }
0x63: {  	_ =	shalt  }
0x64: {  	_ =	shalt  }
0x65: {  	_ =	shalt  }
0x66: {  	_ =	shalt  }
0x67: {  	_ =	shalt  }
0x68: {  	_ =	shalt  }
0x69: {  	_ =	shalt  }
0x6a: {  	_ =	shalt  }
0x6b: {  	_ =	shalt  }
0x6c: {  	_ =	shalt  }
0x6d: {  	_ =	shalt  }
0x6e: {  	_ =	shalt  }
0x6f: {  	_ =	shalt  }
0x70: {  	_ =	shalt  }
0x71: {  	_ =	shalt  }
0x72: {  	_ =	shalt  }
0x73: {  	_ =	shalt  }
0x74: {  	_ =	shalt  }
0x75: {  	_ =	shalt  }
0x76: {  	_ =	shalt  }
0x77: {  	_ =	shalt  }
0x78: {  	_ =	shalt  }
0x79: {  	_ =	shalt  }
0x7a: {  	_ =	shalt  }
0x7b: {  	_ =	shalt  }
0x7c: {  	_ =	shalt  }
0x7d: {  	_ =	shalt  }
0x7e: {  	_ =	shalt  }
0x7f: {  	_ =	shalt  }
0x80: {  	_ =	shalt  }
0x81: {  	_ =	shalt  }
0x82: {  	_ =	shalt  }
0x83: {  	_ =	shalt  }
0x84: {  	_ =	shalt  }
0x85: {  	_ =	shalt  }
0x86: {  	_ =	shalt  }
0x87: {  	_ =	shalt  }
.Lfunc_end0:
.L_simem_size_0:
called_computation.5_lowered:
.L_overlay_start_0:
0x88: {  	s2 =	sld [smem:$0x3FD9]  }
0x89: {  	s3 =	sld [smem:$0x3FFE];
	_ =	sdelay $0x1  }
0x8a: {  	s1 =	srdreg.scid  }
0x8b: {  	s0 =	sand.u32 $0x1, s1  }
0x8c: {  	s16 =	sshll.u32 s0, $0xA;
	s2 =	sadd.s32 s3, s2  }
0x8d: {  	s2 =	sadd.s32 s2, s16  }
0x8e: {  	[smem:$0x3FBB] =	sst s2  }
0x8f: {  	_ = 	snop  }
0x90: {  	(tm) =	ssettm $0x1  }
0x91: {  	s17 =	sld [smem:$0x3FFB];
	_ =	sdelay $0x3  }
0x92: {  	_ =	strace s17  }
0x93: {  	s2 =	sld [smem:$0x3FFC];
	_ =	sdelay $0x3  }
0x94: {  	_ =	strace s2  }
0x95: {  	s2 =	sld [smem:$0x3FFD];
	_ =	sdelay $0x3  }
0x96: {  	_ =	strace s2  }
0x97: {  	_ =	strace $0x8FFFFFFF  }
0x98: {  	s18 =	sld [smem:$0x3FDB];
	_ =	sdelay $0x1  }
0x99: {  	s19 =	simm.s32 $_scs_section_size  }
0x9a: {  	s4 =	simm.s32 $_size__tile_overlayer_lowered;
	s5 =	simm.s32 $_tile_overlayer_lowered  }
0x9b: {  	s22 =	simm.s32 $0x1BFF;
	s21 =	sshll.u32 s5, $0x1;
	s2 =	sadd.s32 s19, s18  }
0x9c: {  	s6 =	simm.s32 $0x0;
	s20 =	sshll.u32 s4, $0x1;
	s4 =	sadd.s32 s21, s2  }
0x9d: {  	[timem:s6], [sflag:s22] =	dma.local [hbm:s4], s20  }
0x9e: {  	_ =	swait.ge [sflag:s22], s20  }
0x9f: {  	s3 =	ssub.s32 $0x0, s20;
	[sflag:s22] =	ssyncset.done $0x0  }
0xa0: {  	[sflag:s22] =	ssyncadd.s32 s3;
	_ =	sdelay $0x1  }
0xa1: {  	s23 =	simm.s32 $0x1B8B  }
0xa2: {  	_ =	swait.ge [sflag:s23], $0x1  }
0xa3: {  	[sflag:s23] =	ssyncset.done $0x0  }
0xa4: {  	s25 =	simm.s32 $0x1B8E;
	s24 =	sld [smem:$0x3FFE];
	[sflag:s23] =	ssyncadd.s32 $0xFFFFFFFF  }
0xa5: {  	s26 =	simm.s32 $execute0_lowered;
	[smem:$0x3FD2] =	sst s25  }
0xa6: {  	s4 =	sshll.u32 s26, $0x1;
	_ =	strace $0x80000055;
	[dreg:$0x1] =	wrdreg $0xFFFFFFFF  }
0xa7: {  	s28 =	simm.s32 $_size_execute0_lowered;
	s2 =	sadd.s32 s2, s4;
	[dreg:$0x0] =	wrdreg $0x0  }
0xa8: {  	s4 =	sshll.u32 s28, $0x1;
	[dreg:$0x2] =	wrdreg s2  }
0xa9: {  	[dreg:$0x3] =	wrdreg s4  }
0xaa: {  	[dreg:$0x4] =	wrdreg $0xC0  }
0xab: {  	_ =	task [dreg:s6], $0x5FFFF  }
0xac: {  	[dreg:$0x1] =	wrdreg $0xFFFFFFFF  }
0xad: {  	[dreg:$0x0] =	wrdreg $0x60  }
0xae: {  	[dreg:$0x2] =	wrdreg s24  }
0xaf: {  	[dreg:$0x3] =	wrdreg $0xCA000  }
0xb0: {  	[dreg:$0x4] =	wrdreg $0x9  }
0xb1: {  	_ =	task.clear_ibuf [dreg:s6], $0x5FFFF;
	_ =	strace $0x90000055  }
0xb2: {  	s29 =	simm.s32 $0x9;
	_ =	strace $0x80000057  }
0xb3: {  	_ =	swait.ge [sflag:s29], $0x1  }
0xb4: {  	[sflag:s29] =	ssyncadd.s32 $0xFFFFFFFF  }
0xb5: {  	_ =	strace $0x90000057  }
0xb6: {  	_ =	sfence  }
0xb7: {  	s30 =	sld [smem:$0x0];
	_ =	sdelay $0x2  }
0xb8: {  	s31 =	sshll.u32 s1, $0xD;
	s1 =	sshrl.u32 s1, $0x2  }
0xb9: {  	s3 =	sand.u32 $0x4000, s31;
	s1 =	sadd.s32 s1, s30  }
0xba: {  	s0 =	sor.u32 s3, s0;
	s1 =	sshll.u32 s1, $0x11  }
0xbb: {  	s0 =	sor.u32 s1, s0  }
0xbc: {  	s0 =	sadd.s32 $0x8F2B, s0  }
0xbd: {  	[sflag:s0] =	ssyncadd.remote.s32 $0x1  }
0xbe: {  	_ =	sfence.sel $0xFFFF  }
0xbf: {  	[dreg:$0x0] =	wrdreg $0xFFFFFFFF;
	(pc) =	sbr.abs _section_cstart, $3  }
0xc0: {  	[dreg:$0x1] =	wrdreg $0xFFFFFFFF  }
0xc1: {  	_ =	task.clear_ibuf [dreg:s6], $0x2FFFF;
	_ =	strace $0x9FFFFFFF  }
0xc2: {  	(tm) =	ssettm $0x7FFFFFFF  }
0xc3: {  	_ =	shalt  }
tec
execute0_lowered:
.L_overlay_start_1:
0x0: {  	(tag) =	ssettag $0x1  }
0x1: {  	s0 =	rddreg [dreg:$0x0]  }
0x2: {  	s16 =	stileid.u32;
	s3 =	srdreg.scid  }
0x3: {  	s2 =	rddreg [dreg:$0x1];
	s18 =	simm.s32 $0x200;
	s1 =	smul.u32 $0x4E200, s16  }
0x4: {  	s19 =	simm.s32 $0x1;
	s20 =	simm.s32 $0x64;
	s4 =	smul.u32 $0x9C80, s16  }
0x5: {  	s28 =	simm.s32 $0x9800;
	s29 =	simm.s32 $0x3;
	s7 =	smul.u32 $0x4E400, s16  }
0x6: {  	s30 =	simm.s32 $0x4;
	s31 =	simm.s32 $0x0;
	s8 =	smul.u32 $0x139000, s16  }
0x7: {  	s5 =	sand.u32 $0x1, s3;
	s3 =	simm.s32 $0x0;
	s9 =	smul.u32 $0x6400, s16  }
0x8: {  	s14 =	sadd.s32 $0xA0FC00, s0;
	p0 =	sgt.u32 s16, $0x1;
	s6 =	smul.u32 $0x9C800, s5  }
0x9: {  	[smem:$0x7FF] =	sst s3;
	s21 =	smul.u32 $0x64000, s5;
	s5 =	ssub.s32 $0x2, s5  }
0xa: {  	_ =	strace $0x80000056;
	s1 =	sadd.s32 s1, s0;
	s4 =	sadd.s32 s4, s0  }
0xb: {  	s22 =	sshrl.u32 s5, $0x1;
	s8 =	sshrl.u32 s8, $0x2;
	s6 =	sadd.s32 s7, s6  }
0xc: {  	s13 =	sadd.s32 s9, s21;
	s23 =	ssub.s32 s5, s22;
	s4 =	sadd.s32 $0x4600, s4  }
0xd: {  	s17 =	sadd.s32 s8, s2;
	s10 =	sadd.s32 $0xF0B880, s1;
	s12 =	sadd.s32 $0xF0C500, s1  }
0xe: {  	s21 =	simm.s32 $0x80;
	s22 =	simm.s32 $0x3400;
	s6 =	sshrl.u32 s6, $0x3  }
0xf: {  	s24 =	sshrl.u32 s13, $0x3;
	[dreg:$0x3] =	wrdreg s4;
	s8 =	smax.u32 s23, $0x1  }
0x10: {  	s25 =	sor.u32 $0x300, s13;
	s15 =	sadd.s32 $0x400, s13;
	s17 =	sshrl.u32 @!p0 s17, $0x3  }
0x11: {  	s23 =	simm.s32 $0x100;
	s0 =	sadd.s32 s6, s0;
	s6 =	sadd.s32 $0xF0AC00, s1  }
.Ltmp0:
0x12: {  	s5 =	sadd.s32 s14, s24;
	s1 =	sadd.s32 $0xF0D180, s1;
	(pc) =	sbr.rel .LBB2_1-.Ltmp0, $4  }
0x13: {  	s26 =	sshrl.u32 s15, $0x3;
	s24 =	simm.s32 $0x6600;
	s7 =	sadd.s32 $0xA28C00, s0  }
0x14: {  	s9 =	sadd.s32 $0x20, s5;
	s11 =	sadd.s32 $0x40, s5;
	s0 =	sshrl.u32 s25, $0x3  }
0x15: {  	s15 =	sadd.s32 s26, s14;
	s13 =	sadd.s32 s0, s14;
	s0 =	sshll.u32 @!p0 s16, $0x6  }
0x16: {  	s25 =	simm.s32 $0x2;
	s26 =	simm.s32 $0x180;
	s16 =	sor.u32 @!p0 $0x1C05, s0  }
.LBB2_4:
0x17: {  	_ =	swait.ge [sflag:s30], $0x3200  }
0x18: {  	[sflag:s30] =	ssyncset.done $0x0  }
0x19: {  	[sflag:s30] =	ssyncadd.s32 $0xFFFFCE00  }
0x1a: {  	_ =	swait.ge [sflag:s30], $0x3200  }
0x1b: {  	s31 =	sadd.s32 $0x1, s31;
	[sflag:s30] =	ssyncset.done $0x0  }
0x1c: {  	p1 =	sne.s32 s31, s8;
	[sflag:s30] =	ssyncadd.s32 $0xFFFFCE00  }
.Ltmp1:
0x1d: {  	s0 =	simm.s32 @!p0 $0x5;
	[bflag:$0x0] =	sbarrier.arrive $0xFFFF;
	(pc) =	sbr.rel @!p1 .LBB2_5-.Ltmp1, $4  }
0x1e: {  	[hbm:s7], [sflag:s16] =	dma.local @!p0 [spmem:s17], $0x9C80  }
0x1f: {  	_ =	swait.ge @!p0 [sflag:s0], $0x9C80  }
0x20: {  	[sflag:s0] =	ssyncset.done @!p0 $0x0  }
0x21: {  	[sflag:s0] =	ssyncadd.s32 @!p0 $0xFFFF6380  }
.LBB2_1:
0x22: {  	s0 =	rddreg [dreg:$0x3]  }
0x23: {  	[spmem:s17], [sflag:s16] =	dma.local @!p0 [hbm:s0], $0x9C80  }
0x24: {  	s0 =	simm.s32 @!p0 $0x5  }
0x25: {  	_ =	swait.ge @!p0 [sflag:s0], $0x9C80  }
0x26: {  	[sflag:s0] =	ssyncset.done @!p0 $0x0  }
0x27: {  	[sflag:s0] =	ssyncadd.s32 @!p0 $0xFFFF6380  }
0x28: {  	[bflag:$0x0] =	sbarrier.arrive $0xFFFF  }
0x29: {  	[tilespmem:s3], [sflag:$0x1] =	stream.linear.gather [hbm4b:s5+s3], $0x100, $0x38;
	[tilespmem:$0x16680] =	vst v63  }
0x2a: {  	_ = 	snop  }
0x2b: {  	[tilespmem:s18], [sflag:$0x1] =	stream.linear.gather [hbm4b:s6+s3], $0x6400, $0x38;
	[tilespmem:$0x16680] =	vst v63  }
0x2c: {  	_ =	swait.ge [sflag:s19], $0x100  }
0x2d: {  	[sflag:s19] =	ssyncset.done $0x0  }
0x2e: {  	[sflag:s19] =	ssyncadd.s32 $0xFFFFFF00  }
0x2f: {  	_ =	swait.ge [sflag:s19], $0x6400  }
0x30: {  	[sflag:s19] =	ssyncset.done $0x0  }
0x31: {  	[sflag:s19] =	ssyncadd.s32 $0xFFFF9C00  }
0x32: {  	[spmem:s2] =	stream.indirect.scatter.add.f32 [tilespmem:s18], [sflag:$0x3], $0x80, s3, s20, $0xb8;
	[tilespmem:$0x16680] =	vst v63  }
0x33: {  	_ = 	snop  }
0x34: {  	[spmem:s2] =	stream.indirect.scatter.add.f32 [tilespmem:s22], [sflag:$0x3], $0x80, s21, s20, $0xb8;
	[tilespmem:$0x16680] =	vst v63  }
0x35: {  	_ = 	snop  }
0x36: {  	[tilespmem:s23], [sflag:$0x2] =	stream.linear.gather [hbm4b:s9+s3], $0x100, $0x38;
	[tilespmem:$0x16680] =	vst v63  }
0x37: {  	_ = 	snop  }
0x38: {  	[tilespmem:s24], [sflag:$0x2] =	stream.linear.gather [hbm4b:s10+s3], $0x6400, $0x38;
	[tilespmem:$0x16680] =	vst v63  }
0x39: {  	_ =	swait.ge [sflag:s25], $0x100  }
0x3a: {  	[sflag:s25] =	ssyncset.done $0x0  }
0x3b: {  	[sflag:s25] =	ssyncadd.s32 $0xFFFFFF00  }
0x3c: {  	_ =	swait.ge [sflag:s25], $0x6400  }
0x3d: {  	[sflag:s25] =	ssyncset.done $0x0  }
0x3e: {  	[sflag:s25] =	ssyncadd.s32 $0xFFFF9C00  }
0x3f: {  	[spmem:s2] =	stream.indirect.scatter.add.f32 [tilespmem:s24], [sflag:$0x4], $0x80, s23, s20, $0xb8;
	[tilespmem:$0x16680] =	vst v63  }
0x40: {  	_ = 	snop  }
0x41: {  	[spmem:s2] =	stream.indirect.scatter.add.f32 [tilespmem:s28], [sflag:$0x4], $0x80, s26, s20, $0xb8;
	[tilespmem:$0x16680] =	vst v63  }
0x42: {  	_ =	swait.ge [sflag:s29], $0x3200  }
0x43: {  	[sflag:s29] =	ssyncset.done $0x0  }
0x44: {  	[sflag:s29] =	ssyncadd.s32 $0xFFFFCE00  }
0x45: {  	_ =	swait.ge [sflag:s29], $0x3200  }
0x46: {  	[sflag:s29] =	ssyncset.done $0x0  }
0x47: {  	[sflag:s29] =	ssyncadd.s32 $0xFFFFCE00  }
0x48: {  	[tilespmem:s3], [sflag:$0x1] =	stream.linear.gather [hbm4b:s11+s3], $0x100, $0x38;
	[tilespmem:$0x16680] =	vst v63  }
0x49: {  	s14 =	smov.u32 s1;
	s0 =	simm.s32 $0x0  }
0x4a: {  	[tilespmem:s18], [sflag:$0x1] =	stream.linear.gather [hbm4b:s12+s3], $0x6400, $0x38;
	[tilespmem:$0x16680] =	vst v63  }
.LBB2_2:
0x4b: {  	_ =	swait.ge [sflag:s19], $0x100  }
0x4c: {  	[sflag:s19] =	ssyncset.done $0x0  }
0x4d: {  	[sflag:s19] =	ssyncadd.s32 $0xFFFFFF00  }
0x4e: {  	_ =	swait.ge [sflag:s19], $0x6400  }
0x4f: {  	[sflag:s19] =	ssyncset.done $0x0  }
0x50: {  	[sflag:s19] =	ssyncadd.s32 $0xFFFF9C00  }
0x51: {  	[spmem:s2] =	stream.indirect.scatter.add.f32 [tilespmem:s18], [sflag:$0x3], $0x80, s3, s20, $0xb8;
	[tilespmem:$0x16680] =	vst v63  }
0x52: {  	_ = 	snop  }
0x53: {  	[spmem:s2] =	stream.indirect.scatter.add.f32 [tilespmem:s22], [sflag:$0x3], $0x80, s21, s20, $0xb8;
	[tilespmem:$0x16680] =	vst v63  }
0x54: {  	_ =	swait.ge [sflag:s30], $0x3200  }
0x55: {  	[sflag:s30] =	ssyncset.done $0x0  }
0x56: {  	[sflag:s30] =	ssyncadd.s32 $0xFFFFCE00  }
0x57: {  	_ =	swait.ge [sflag:s30], $0x3200  }
0x58: {  	[sflag:s30] =	ssyncset.done $0x0  }
0x59: {  	s4 =	sadd.s32 s0, s13;
	[sflag:s30] =	ssyncadd.s32 $0xFFFFCE00  }
0x5a: {  	[tilespmem:s23], [sflag:$0x2] =	stream.linear.gather [hbm4b:s4+s3], $0x100, $0x38;
	[tilespmem:$0x16680] =	vst v63  }
0x5b: {  	_ = 	snop  }
0x5c: {  	[tilespmem:s24], [sflag:$0x2] =	stream.linear.gather [hbm4b:s14+s3], $0x6400, $0x38;
	[tilespmem:$0x16680] =	vst v63  }
0x5d: {  	_ =	swait.ge [sflag:s25], $0x100  }
0x5e: {  	[sflag:s25] =	ssyncset.done $0x0  }
0x5f: {  	[sflag:s25] =	ssyncadd.s32 $0xFFFFFF00  }
0x60: {  	_ =	swait.ge [sflag:s25], $0x6400  }
0x61: {  	[sflag:s25] =	ssyncset.done $0x0  }
0x62: {  	[sflag:s25] =	ssyncadd.s32 $0xFFFF9C00  }
0x63: {  	[spmem:s2] =	stream.indirect.scatter.add.f32 [tilespmem:s24], [sflag:$0x4], $0x80, s23, s20, $0xb8;
	[tilespmem:$0x16680] =	vst v63  }
0x64: {  	_ = 	snop  }
0x65: {  	[spmem:s2] =	stream.indirect.scatter.add.f32 [tilespmem:s28], [sflag:$0x4], $0x80, s26, s20, $0xb8;
	[tilespmem:$0x16680] =	vst v63  }
0x66: {  	p1 =	seq.s32 s0, $0xC00;
	_ =	swait.ge [sflag:s29], $0x3200  }
.Ltmp2:
0x67: {  	[sflag:s29] =	ssyncset.done $0x0;
	(pc) =	sbr.rel @p1 .LBB2_4-.Ltmp2, $4  }
0x68: {  	[sflag:s29] =	ssyncadd.s32 $0xFFFFCE00  }
0x69: {  	_ =	swait.ge [sflag:s29], $0x3200  }
0x6a: {  	[sflag:s29] =	ssyncset.done $0x0  }
0x6b: {  	[sflag:s29] =	ssyncadd.s32 $0xFFFFCE00  }
.Ltmp3:
0x6c: {  	(pc) =	sbr.rel .LBB2_2-.Ltmp3, $4  }
0x6d: {  	s4 =	sadd.s32 s0, s15  }
0x6e: {  	[tilespmem:s3], [sflag:$0x1] =	stream.linear.gather [hbm4b:s4+s3], $0x100, $0x38;
	[tilespmem:$0x16680] =	vst v63  }
0x6f: {  	s0 =	sadd.s32 $0x40, s0;
	s4 =	sadd.s32 $0xC80, s14;
	s14 =	sadd.s32 $0x1900, s14  }
0x70: {  	[tilespmem:s18], [sflag:$0x1] =	stream.linear.gather [hbm4b:s4+s3], $0x6400, $0x38;
	[tilespmem:$0x16680] =	vst v63  }
.LBB2_5:
0x71: {  	_ =	sfence.sel $0x180000  }
0x72: {  	[bflag:$0x0] =	sbarrier.arrive $0xFFFF  }
0x73: {  	_ =	strace $0x90000056  }
0x74: {  	s0 =	stileid.u32;
	[bflag:$0x2] =	sbarrier.arrive $0xFFFF  }
0x75: {  	p0 =	sne.s32 s0, $0x0;
	s0 =	rddreg [dreg:$0x2]  }
0x76: {  	s0 =	sadd.s32 @!p0 $0x100000, s0  }
0x77: {  	[sflag:s0] =	ssyncadd.tile.s32 @!p0 $0x1;
	_ =	shalt  }
.Lfunc_end2:
_tile_overlayer_lowered:
.L_overlay_start_2:
0x78: {  	(tag) =	ssettag $0x2  }
0x79: {  	s0 =	rddreg [dreg:$0x0];
	s2 =	stileid.u32  }
0x7a: {  	s1 =	rddreg [dreg:$0x1];
	p0 =	sne.s32 s2, $0x0  }
0x7b: {  	s3 =	rddreg [dreg:$0x2];
	[bflag:$0x3] =	sbarrier.arrive $0xFFFF;
	s2 =	simm.s32 @!p0 $0x1C05  }
0x7c: {  	[timem:s3], [sflag:s2] =	dma.local @!p0 [hbm:s0], s1  }
0x7d: {  	s0 =	simm.s32 @!p0 $0x5  }
0x7e: {  	_ =	swait.ge @!p0 [sflag:s0], s1  }
0x7f: {  	s1 =	ssub.s32 @!p0 $0x0, s1;
	[sflag:s0] =	ssyncset.done @!p0 $0x0  }
0x80: {  	[sflag:s0] =	ssyncadd.s32 @!p0 s1  }
0x81: {  	[bflag:$0x3] =	sbarrier.arrive $0xFFFF  }
0x82: {  	_ =	shalt  }

</sc_bundles>
